<compile_context>
chip_gen: v7x
topology: tpu7x:2x2x1
jax: 0.10.2.dev20260603
libtpu: 0.0.44.dev20260713+nightly
codegen_flags: <defaults>
</compile_context>

<pallas_src>
import functools

import jax
import jax.numpy as jnp
from jax import lax
from jax.experimental import pallas as pl
from jax.experimental.pallas import tpu as pltpu
from jax.experimental.pallas import tpu_sc as plsc

N = 10000
E = 320000
D = 128
H = 32
ACT = 8

NC = 2
NS = 16
NW = NC * NS
L = 16

CHUNK = 128
C = 79
E_PAD = NW * C * CHUNK
EPT = E_PAD // NW
VPW = EPT // L

NP = 10112
RT = NP // NS
N_PAD = 10240

QS = 2560
QROWS = QS // NS
Q4 = 3584
QCH = Q4 // CHUNK
CLAMP = Q4 - 144

_mesh = plsc.VectorSubcoreMesh(core_axis_name="c", subcore_axis_name="s")

NR = 128
NH = NR * D
BS = NH // NS


@functools.partial(
    pl.kernel,
    out_type=[
        jax.ShapeDtypeStruct((NC, NH), jnp.float32),
        jax.ShapeDtypeStruct((NW, 4 * Q4), jnp.int32),
        jax.ShapeDtypeStruct((NW, 4 * Q4), jnp.int32),
        jax.ShapeDtypeStruct((NW, 4, L), jnp.int32),
    ],
    mesh=_mesh,
    scratch_types=[
        pltpu.VMEM((C, CHUNK), jnp.int32),
        pltpu.VMEM((C, CHUNK), jnp.int32),
        pltpu.VMEM((NH,), jnp.float32),
        pltpu.VMEM((BS,), jnp.float32),
        pltpu.VMEM((BS,), jnp.float32),
        pltpu.VMEM((4 * Q4,), jnp.int32),
        pltpu.VMEM((4 * Q4,), jnp.int32),
        pltpu.VMEM((4, L), jnp.int32),
        pltpu.VMEM_SHARED((NS, NH), jnp.float32),
    ],
    compiler_params=pltpu.CompilerParams(needs_layout_passes=False),
)
def _deg_part_sc(src_hbm, dst_hbm, zslots_hbm, deg_out, slist_out, dlist_out,
                 cnt_out, src_v, dst_v, hist_v, acc_v, tmp_v, sl_v, dl_v,
                 cnt_v, deg_sh):
    c = lax.axis_index("c")
    s = lax.axis_index("s")
    wid = s * NC + c
    pltpu.sync_copy(zslots_hbm, hist_v)
    pltpu.sync_copy(src_hbm.at[wid], src_v)
    pltpu.sync_copy(dst_hbm.at[wid], dst_v)
    ones = jnp.ones((L,), jnp.float32)

    def body(j, offs):
        for k in range(CHUNK // L):
            dst = dst_v[j, pl.ds(k * L, L)]
            src = src_v[j, pl.ds(k * L, L)]
            plsc.addupdate_scatter(hist_v, [dst], ones)
            q = ((src >= QS).astype(jnp.int32)
                 + (src >= 2 * QS).astype(jnp.int32)
                 + (src >= 3 * QS).astype(jnp.int32))
            rel = src - q * QS
            new_offs = []
            for l in range(4):
                m = q == l
                off = offs[l]
                plsc.store_compressed(sl_v.at[pl.ds(l * Q4 + off, L)], rel,
                                      mask=m)
                plsc.store_compressed(dl_v.at[pl.ds(l * Q4 + off, L)], dst,
                                      mask=m)
                cnt = plsc.all_reduce_population_count(m)[0]
                new_offs.append(jnp.minimum(off + cnt, CLAMP))
            offs = tuple(new_offs)
        return offs

    offs = lax.fori_loop(0, C, body, (0, 0, 0, 0))
    zero16 = jnp.zeros((L,), jnp.int32)
    dummyd = jnp.full((L,), 10104, jnp.int32)
    for l in range(4):
        off = offs[l]
        for k in range(CHUNK // L):
            sl_v[pl.ds(l * Q4 + off + k * L, L)] = zero16
            dl_v[pl.ds(l * Q4 + off + k * L, L)] = dummyd
        n = jnp.bitwise_and(off + CHUNK - 1, -CHUNK)
        cnt_v[l, :] = jnp.full((L,), n, jnp.int32)
    pltpu.sync_copy(sl_v, slist_out.at[wid])
    pltpu.sync_copy(dl_v, dlist_out.at[wid])
    pltpu.sync_copy(cnt_v, cnt_out.at[wid])
    pltpu.sync_copy(hist_v, deg_sh.at[s])
    plsc.subcore_barrier()
    pltpu.sync_copy(deg_sh.at[0, pl.ds(s * BS, BS)], acc_v)

    def red(t, carry):
        pltpu.sync_copy(deg_sh.at[t, pl.ds(s * BS, BS)], tmp_v)

        def add16(k, carry2):
            acc_v[pl.ds(k * L, L)] = acc_v[pl.ds(k * L, L)] + tmp_v[pl.ds(k * L, L)]
            return carry2

        lax.fori_loop(0, BS // L, add16, 0)
        return carry

    lax.fori_loop(1, NS, red, 0)
    pltpu.sync_copy(acc_v, deg_out.at[c, pl.ds(s * BS, BS)])


@functools.partial(
    pl.kernel,
    out_type=jax.ShapeDtypeStruct((NC, NP, D), jnp.float32),
    mesh=_mesh,
    scratch_types=[
        pltpu.VMEM((QCH, CHUNK), jnp.int32),
        pltpu.VMEM((QCH, CHUNK), jnp.int32),
        pltpu.VMEM((L,), jnp.int32),
        pltpu.VMEM((CHUNK, D), jnp.float32),
        pltpu.VMEM_SHARED((NP, D), jnp.float32),
        pltpu.VMEM_SHARED((QS, D), jnp.float32),
    ],
    compiler_params=pltpu.CompilerParams(needs_layout_passes=False),
)
def _edge_sc(y_hbm, slist_hbm, dlist_hbm, cnt_hbm, acc_out, src_l, dst_l,
             cnt_v, rows_v, acc_sh, yq_sh):
    c = lax.axis_index("c")
    s = lax.axis_index("s")
    rs = s * RT
    pltpu.sync_copy(y_hbm.at[pl.ds(rs, RT)], acc_sh.at[pl.ds(rs, RT)])

    for p in range(2):
        q = 2 * c + p
        pltpu.sync_copy(y_hbm.at[pl.ds(q * QS + s * QROWS, QROWS)],
                        yq_sh.at[pl.ds(s * QROWS, QROWS)])
        plsc.subcore_barrier()
        for i in range(2):
            w = 2 * s + i
            pltpu.sync_copy(cnt_hbm.at[w].at[q], cnt_v)
            n = jnp.max(cnt_v[...])
            nch = lax.shift_right_logical(n, 7)
            pltpu.sync_copy(slist_hbm.at[w].at[q], src_l)
            pltpu.sync_copy(dlist_hbm.at[w].at[q], dst_l)

            def chunk(k, carry):
                pltpu.sync_copy(yq_sh.at[src_l.at[k]], rows_v)
                pltpu.sync_copy(rows_v, acc_sh.at[dst_l.at[k]], add=True)
                return carry

            lax.fori_loop(0, nch, chunk, 0)
        plsc.subcore_barrier()
    pltpu.sync_copy(acc_sh.at[pl.ds(rs, RT)], acc_out.at[c].at[pl.ds(rs, RT)])


def _scale_body(state_ref, wg_ref, degp_ref, y_ref, dinv_ref):
    deg = degp_ref[0] + degp_ref[1] + 1.0
    dinv = lax.rsqrt(deg)
    xw = jnp.dot(state_ref[...], wg_ref[...], preferred_element_type=jnp.float32)
    y_ref[...] = xw * dinv
    dinv_ref[...] = dinv


def _scale_tc(state_p, Wg, degp):
    return pl.pallas_call(
        _scale_body,
        out_shape=(
            jax.ShapeDtypeStruct((N_PAD, D), jnp.float32),
            jax.ShapeDtypeStruct((N_PAD, 1), jnp.float32),
        ),
    )(state_p, Wg, degp)


def _leaky(x):
    return jnp.where(x > 0, x, 0.01 * x)


def _final_body(acc_ref, y_ref, state_ref, dinv_ref, bg_ref, w1_ref, b1_ref,
                w2_ref, b2_ref, w3_ref, b3_ref, out_ref):
    a = acc_ref[0, 0:N, :] + acc_ref[1, 0:N, :] - y_ref[0:N, :]
    g = a * dinv_ref[0:N, :] + bg_ref[...]
    g = jnp.maximum(g, 0.0) + state_ref[0:N, :]
    h = _leaky(jnp.dot(g, w1_ref[...], preferred_element_type=jnp.float32)
               + b1_ref[...])
    h = _leaky(jnp.dot(h, w2_ref[...], preferred_element_type=jnp.float32)
               + b2_ref[...])
    z = jnp.dot(h, w3_ref[...], preferred_element_type=jnp.float32) + b3_ref[...]
    conc = jnp.maximum(z, 0.0) + jnp.log1p(jnp.exp(-jnp.abs(z)))
    out_ref[...] = conc / (jnp.sum(conc) + 1e-20)


def _final_tc(accp, y, state_p, dinv, bg2, W1, b12, W2, b22, W3, b32):
    return pl.pallas_call(
        _final_body,
        out_shape=jax.ShapeDtypeStruct((N, 1), jnp.float32),
    )(accp, y, state_p, dinv, bg2, W1, b12, W2, b22, W3, b32)


def kernel(state, edge_index, deterministic, Wg, bg, W1, b1, W2, b2, W3, b3):
    del deterministic
    src = edge_index[0]
    dst = edge_index[1]
    pad = E_PAD - E
    src_p = jnp.concatenate(
        [src, jnp.zeros((pad,), jnp.int32)]).reshape(NW, C, CHUNK)
    dst_p = jnp.concatenate(
        [dst, jnp.full((pad,), N, jnp.int32)]).reshape(NW, C, CHUNK)
    state_p = jnp.pad(state, ((0, N_PAD - N), (0, 0)))

    zslots = jnp.zeros((NH,), jnp.float32)

    degp, slist, dlist, cnts = _deg_part_sc(src_p, dst_p, zslots)
    y, dinv = _scale_tc(state_p, Wg, degp.reshape(NC, NH, 1)[:, :N_PAD])
    accp = _edge_sc(y, slist.reshape(NW, 4, QCH, CHUNK),
                    dlist.reshape(NW, 4, QCH, CHUNK), cnts)
    action = _final_tc(accp, y, state_p, dinv, bg.reshape(1, D),
                       W1, b1.reshape(1, H), W2, b2.reshape(1, H),
                       W3, b3.reshape(1, 1))
    return action.reshape(N // ACT, ACT)

# --- scband reference (transcript-rebuilt; emitter-appended) ---
"""Pipeline reference for scband-gnnactor-47605417509063 (READ-ONLY COPY).

The authoritative reference and input builder live on the scoring server;
editing this copy changes nothing except your own understanding.
"""

import jax, jax.numpy as jnp
import numpy as np

N = 10000
E = 320000
D = 128
H = 32
ACT = 8


def setup_inputs(seed: int = 0) -> dict:
    key = jax.random.key(seed)
    ks = jax.random.split(key, 12)
    state = jax.random.normal(ks[0], (N, D), dtype=jnp.float32)
    edge_index = jax.random.randint(ks[1], (2, E), 0, N, dtype=jnp.int32)
    s = 1.0 / np.sqrt(D)
    Wg = jax.random.normal(ks[2], (D, D), dtype=jnp.float32) * s
    bg = jnp.zeros((D,), dtype=jnp.float32)
    W1 = jax.random.normal(ks[3], (D, H), dtype=jnp.float32) * s
    b1 = jax.random.normal(ks[4], (H,), dtype=jnp.float32) * 0.01
    sh = 1.0 / np.sqrt(H)
    W2 = jax.random.normal(ks[5], (H, H), dtype=jnp.float32) * sh
    b2 = jax.random.normal(ks[6], (H,), dtype=jnp.float32) * 0.01
    W3 = jax.random.normal(ks[7], (H, 1), dtype=jnp.float32) * sh
    b3 = jax.random.normal(ks[8], (1,), dtype=jnp.float32) * 0.01
    return {"state": state, "edge_index": edge_index, "deterministic": 1,
            "Wg": Wg, "bg": bg, "W1": W1, "b1": b1, "W2": W2, "b2": b2,
            "W3": W3, "b3": b3}


def _gcn_conv(x, edge_index, Wg, bg):
    # PyG GCNConv: add self-loops, symmetric normalization, linear, scatter-add
    src = jnp.concatenate([edge_index[0], jnp.arange(N, dtype=edge_index.dtype)])
    dst = jnp.concatenate([edge_index[1], jnp.arange(N, dtype=edge_index.dtype)])
    deg = jnp.zeros((N,), dtype=x.dtype).at[dst].add(1.0)
    dinv = jnp.where(deg > 0, 1.0 / jnp.sqrt(deg), 0.0)
    norm = dinv[src] * dinv[dst]
    xw = x @ Wg
    msg = xw[src] * norm[:, None]
    out = jnp.zeros_like(xw).at[dst].add(msg)
    return out + bg


def reference(state, edge_index, deterministic, Wg, bg, W1, b1, W2, b2, W3, b3):
    out = jax.nn.relu(_gcn_conv(state, edge_index, Wg, bg))
    x = out + state
    x = x.reshape(-1, ACT, D)
    x = jax.nn.leaky_relu(x @ W1 + b1, negative_slope=0.01)
    x = jax.nn.leaky_relu(x @ W2 + b2, negative_slope=0.01)
    x = jax.nn.softplus(x @ W3 + b3)
    concentration = jnp.squeeze(x, axis=-1)
    # deterministic mode 0: normalized concentration (Dirichlet mean-like)
    action = concentration / (concentration.sum() + 1e-20)
    return action

if __name__ == "__main__":
    import jax
    _d = setup_inputs()
    print(jax.jit(kernel)(*tuple(_d.values())))

</pallas_src>

<mosaic_0001>
#map = affine_map<(d0, d1) -> (0, 0, 0)>
#map1 = affine_map<(d0, d1) -> (0)>
#map2 = affine_map<(d0, d1) -> (0, 0)>
module attributes {stable_mosaic.version = 14 : i64} {
  func.func @_deg_part_sc(%arg0: i32, %arg1: i32, %arg2: memref<32x79x128xi32, #tpu.memory_space<hbm>>, %arg3: memref<32x79x128xi32, #tpu.memory_space<hbm>>, %arg4: memref<16384xf32, #tpu.memory_space<hbm>>, %arg5: memref<2x16384xf32, #tpu.memory_space<hbm>>, %arg6: memref<32x14336xi32, #tpu.memory_space<hbm>>, %arg7: memref<32x14336xi32, #tpu.memory_space<hbm>>, %arg8: memref<32x4x16xi32, #tpu.memory_space<hbm>>, %arg9: memref<79x128xi32, #tpu.memory_space<vmem>>, %arg10: memref<79x128xi32, #tpu.memory_space<vmem>>, %arg11: memref<16384xf32, #tpu.memory_space<vmem>>, %arg12: memref<1024xf32, #tpu.memory_space<vmem>>, %arg13: memref<1024xf32, #tpu.memory_space<vmem>>, %arg14: memref<14336xi32, #tpu.memory_space<vmem>>, %arg15: memref<14336xi32, #tpu.memory_space<vmem>>, %arg16: memref<4x16xi32, #tpu.memory_space<vmem>>, %arg17: memref<16x16384xf32, #tpu.memory_space<vmem_shared>>) attributes {dimension_semantics = [#tpu.dimension_semantics<core_parallel>, #tpu.dimension_semantics<subcore_parallel>], iteration_bounds = array<i64: 2, 16>, scalar_prefetch = 0 : i64, scratch_operands = 9 : i64, tpu.core_type = #tpu.core_type<sc_vector_subcore>, window_params = [{transform_indices = #map}, {transform_indices = #map}, {transform_indices = #map1}, {transform_indices = #map2}, {transform_indices = #map2}, {transform_indices = #map2}, {transform_indices = #map}]} {
    %mul3A = arith.constant 2 : i32
    %mul3A_0 = arith.muli %arg1, %mul3A : i32
    %add3A = arith.addi %mul3A_0, %arg0 : i32
    "tpu.region"() ({
      %run_scoped3A_450 = tpu.sem_alloc : memref<!tpu.dma_semaphore, #tpu.memory_space<semaphore_mem>>
      tpu.enqueue_dma source(%arg4 : memref<16384xf32, #tpu.memory_space<hbm>>) target(%arg11 : memref<16384xf32, #tpu.memory_space<vmem>>) target_semaphore(%run_scoped3A_450 : memref<!tpu.dma_semaphore, #tpu.memory_space<semaphore_mem>>)
      tpu.wait_dma2 semaphore(%run_scoped3A_450 : memref<!tpu.dma_semaphore, #tpu.memory_space<semaphore_mem>>) src(%arg4 : memref<16384xf32, #tpu.memory_space<hbm>>) dst(%arg11 : memref<16384xf32, #tpu.memory_space<vmem>>)
      tpu.yield
    }) : () -> ()
    "tpu.region"() ({
      %run_scoped3A_450 = tpu.sem_alloc : memref<!tpu.dma_semaphore, #tpu.memory_space<semaphore_mem>>
      %dma_start3A = arith.constant 0 : i32
      %dma_start3A_451 = arith.constant 0 : i32
      %dma_start3A_452 = tpu.memref_slice %arg2[%add3A, %dma_start3A, %dma_start3A_451] : memref<32x79x128xi32, #tpu.memory_space<hbm>> -> memref<1x79x128xi32, #tpu.memory_space<hbm>>
      %dma_start3A_453 = tpu.memref_squeeze %dma_start3A_452 : memref<1x79x128xi32, #tpu.memory_space<hbm>> -> memref<79x128xi32, #tpu.memory_space<hbm>>
      %dma_start3A_454 = arith.constant 0 : i32
      %dma_start3A_455 = arith.constant 0 : i32
      %dma_start3A_456 = tpu.memref_slice %arg2[%add3A, %dma_start3A_454, %dma_start3A_455] : memref<32x79x128xi32, #tpu.memory_space<hbm>> -> memref<1x79x128xi32, #tpu.memory_space<hbm>>
      %dma_start3A_457 = tpu.memref_squeeze %dma_start3A_456 : memref<1x79x128xi32, #tpu.memory_space<hbm>> -> memref<79x128xi32, #tpu.memory_space<hbm>>
      tpu.enqueue_dma source(%dma_start3A_457 : memref<79x128xi32, #tpu.memory_space<hbm>>) target(%arg9 : memref<79x128xi32, #tpu.memory_space<vmem>>) target_semaphore(%run_scoped3A_450 : memref<!tpu.dma_semaphore, #tpu.memory_space<semaphore_mem>>)
      %dma_wait3A = arith.constant 0 : i32
      %dma_wait3A_458 = arith.constant 0 : i32
      %dma_wait3A_459 = tpu.memref_slice %arg2[%add3A, %dma_wait3A, %dma_wait3A_458] : memref<32x79x128xi32, #tpu.memory_space<hbm>> -> memref<1x79x128xi32, #tpu.memory_space<hbm>>
      %dma_wait3A_460 = tpu.memref_squeeze %dma_wait3A_459 : memref<1x79x128xi32, #tpu.memory_space<hbm>> -> memref<79x128xi32, #tpu.memory_space<hbm>>
      %dma_wait3A_461 = arith.constant 0 : i32
      %dma_wait3A_462 = arith.constant 0 : i32
      %dma_wait3A_463 = tpu.memref_slice %arg2[%add3A, %dma_wait3A_461, %dma_wait3A_462] : memref<32x79x128xi32, #tpu.memory_space<hbm>> -> memref<1x79x128xi32, #tpu.memory_space<hbm>>
      %dma_wait3A_464 = tpu.memref_squeeze %dma_wait3A_463 : memref<1x79x128xi32, #tpu.memory_space<hbm>> -> memref<79x128xi32, #tpu.memory_space<hbm>>
      tpu.wait_dma2 semaphore(%run_scoped3A_450 : memref<!tpu.dma_semaphore, #tpu.memory_space<semaphore_mem>>) src(%dma_wait3A_464 : memref<79x128xi32, #tpu.memory_space<hbm>>) dst(%arg9 : memref<79x128xi32, #tpu.memory_space<vmem>>)
      tpu.yield
    }) : () -> ()
    "tpu.region"() ({
      %run_scoped3A_450 = tpu.sem_alloc : memref<!tpu.dma_semaphore, #tpu.memory_space<semaphore_mem>>
      %dma_start3A = arith.constant 0 : i32
      %dma_start3A_451 = arith.constant 0 : i32
      %dma_start3A_452 = tpu.memref_slice %arg3[%add3A, %dma_start3A, %dma_start3A_451] : memref<32x79x128xi32, #tpu.memory_space<hbm>> -> memref<1x79x128xi32, #tpu.memory_space<hbm>>
      %dma_start3A_453 = tpu.memref_squeeze %dma_start3A_452 : memref<1x79x128xi32, #tpu.memory_space<hbm>> -> memref<79x128xi32, #tpu.memory_space<hbm>>
      %dma_start3A_454 = arith.constant 0 : i32
      %dma_start3A_455 = arith.constant 0 : i32
      %dma_start3A_456 = tpu.memref_slice %arg3[%add3A, %dma_start3A_454, %dma_start3A_455] : memref<32x79x128xi32, #tpu.memory_space<hbm>> -> memref<1x79x128xi32, #tpu.memory_space<hbm>>
      %dma_start3A_457 = tpu.memref_squeeze %dma_start3A_456 : memref<1x79x128xi32, #tpu.memory_space<hbm>> -> memref<79x128xi32, #tpu.memory_space<hbm>>
      tpu.enqueue_dma source(%dma_start3A_457 : memref<79x128xi32, #tpu.memory_space<hbm>>) target(%arg10 : memref<79x128xi32, #tpu.memory_space<vmem>>) target_semaphore(%run_scoped3A_450 : memref<!tpu.dma_semaphore, #tpu.memory_space<semaphore_mem>>)
      %dma_wait3A = arith.constant 0 : i32
      %dma_wait3A_458 = arith.constant 0 : i32
      %dma_wait3A_459 = tpu.memref_slice %arg3[%add3A, %dma_wait3A, %dma_wait3A_458] : memref<32x79x128xi32, #tpu.memory_space<hbm>> -> memref<1x79x128xi32, #tpu.memory_space<hbm>>
      %dma_wait3A_460 = tpu.memref_squeeze %dma_wait3A_459 : memref<1x79x128xi32, #tpu.memory_space<hbm>> -> memref<79x128xi32, #tpu.memory_space<hbm>>
      %dma_wait3A_461 = arith.constant 0 : i32
      %dma_wait3A_462 = arith.constant 0 : i32
      %dma_wait3A_463 = tpu.memref_slice %arg3[%add3A, %dma_wait3A_461, %dma_wait3A_462] : memref<32x79x128xi32, #tpu.memory_space<hbm>> -> memref<1x79x128xi32, #tpu.memory_space<hbm>>
      %dma_wait3A_464 = tpu.memref_squeeze %dma_wait3A_463 : memref<1x79x128xi32, #tpu.memory_space<hbm>> -> memref<79x128xi32, #tpu.memory_space<hbm>>
      tpu.wait_dma2 semaphore(%run_scoped3A_450 : memref<!tpu.dma_semaphore, #tpu.memory_space<semaphore_mem>>) src(%dma_wait3A_464 : memref<79x128xi32, #tpu.memory_space<hbm>>) dst(%arg10 : memref<79x128xi32, #tpu.memory_space<vmem>>)
      tpu.yield
    }) : () -> ()
    %broadcast_in_dim3A = arith.constant 1.000000e+00 : f32
    %broadcast_in_dim3A_1 = vector.broadcast %broadcast_in_dim3A : f32 to vector<16xf32>
    %scan3A = arith.constant 0 : i32
    %scan3A_2 = arith.constant 0 : i32
    %scan3A_3 = arith.constant 0 : i32
    %scan3A_4 = arith.constant 0 : i32
    %scan3A_5 = arith.constant 0 : i32
    %scan3A_6 = arith.constant 79 : i32
    %scan3A_7 = arith.addi %scan3A_5, %scan3A_6 : i32
    %scan3A_8 = arith.constant 1 : i32
    %scan3A_9:4 = scf.for %scan3A_450 = %scan3A_5 to %scan3A_7 step %scan3A_8 iter_args(%scan3A_451 = %scan3A, %scan3A_452 = %scan3A_2, %scan3A_453 = %scan3A_3, %scan3A_454 = %scan3A_4) -> (i32, i32, i32, i32)  : i32 {
      %get3A = arith.index_cast %scan3A_450 : i32 to index
      %get3A_455 = arith.constant 0 : index
      %get3A_456 = tpu.vector_load %arg10[%get3A, %get3A_455] {strides = array<i32>} : memref<79x128xi32, #tpu.memory_space<vmem>>, vector<16xi32>,
      %get3A_457 = arith.index_cast %scan3A_450 : i32 to index
      %get3A_458 = arith.constant 0 : index
      %get3A_459 = tpu.vector_load %arg9[%get3A_457, %get3A_458] {strides = array<i32>} : memref<79x128xi32, #tpu.memory_space<vmem>>, vector<16xi32>,
      tpu.vector_store_idx %arg11[%get3A_456], %broadcast_in_dim3A_1 {add = true} : memref<16384xf32, #tpu.memory_space<vmem>>[vector<16xi32>], vector<16xf32>,
      %ge3A = arith.constant 2560 : i32
      %ge3A_460 = vector.broadcast %ge3A : i32 to vector<16xi32>
      %ge3A_461 = arith.cmpi sge, %get3A_459, %ge3A_460 : vector<16xi32>
      %convert_element_type3A = arith.extui %ge3A_461 : vector<16xi1> to vector<16xi32>
      %ge3A_462 = arith.constant 5120 : i32
      %ge3A_463 = vector.broadcast %ge3A_462 : i32 to vector<16xi32>
      %ge3A_464 = arith.cmpi sge, %get3A_459, %ge3A_463 : vector<16xi32>
      %convert_element_type3A_465 = arith.extui %ge3A_464 : vector<16xi1> to vector<16xi32>
      %add3A_466 = arith.addi %convert_element_type3A, %convert_element_type3A_465 : vector<16xi32>
      %ge3A_467 = arith.constant 7680 : i32
      %ge3A_468 = vector.broadcast %ge3A_467 : i32 to vector<16xi32>
      %ge3A_469 = arith.cmpi sge, %get3A_459, %ge3A_468 : vector<16xi32>
      %convert_element_type3A_470 = arith.extui %ge3A_469 : vector<16xi1> to vector<16xi32>
      %add3A_471 = arith.addi %add3A_466, %convert_element_type3A_470 : vector<16xi32>
      %mul3A_472 = arith.constant 2560 : i32
      %mul3A_473 = vector.broadcast %mul3A_472 : i32 to vector<16xi32>
      %mul3A_474 = arith.muli %add3A_471, %mul3A_473 : vector<16xi32>
      %sub3A_475 = arith.subi %get3A_459, %mul3A_474 : vector<16xi32>
      %eq3A = arith.constant 0 : i32
      %eq3A_476 = vector.broadcast %eq3A : i32 to vector<16xi32>
      %eq3A_477 = arith.cmpi eq, %add3A_471, %eq3A_476 : vector<16xi32>
      %add3A_478 = arith.constant 0 : i32
      %add3A_479 = arith.addi %add3A_478, %scan3A_451 : i32
      %swap3A_480 = arith.index_cast %add3A_479 : i32 to index
      %swap3A_481 = tpu.vector_load %arg14[%swap3A_480] masked %eq3A_477 {strides = array<i32>} : memref<14336xi32, #tpu.memory_space<vmem>>, vector<16xi32>, vector<16xi1>
      tpu.vector_store %arg14[%swap3A_480], %sub3A_475 masked %eq3A_477 {strides = array<i32>} : memref<14336xi32, #tpu.memory_space<vmem>>, vector<16xi32>, vector<16xi1>
      %add3A_482 = arith.constant 0 : i32
      %add3A_483 = arith.addi %add3A_482, %scan3A_451 : i32
      %swap3A_484 = arith.index_cast %add3A_483 : i32 to index
      %swap3A_485 = tpu.vector_load %arg15[%swap3A_484] masked %eq3A_477 {strides = array<i32>} : memref<14336xi32, #tpu.memory_space<vmem>>, vector<16xi32>, vector<16xi1>
      tpu.vector_store %arg15[%swap3A_484], %get3A_456 masked %eq3A_477 {strides = array<i32>} : memref<14336xi32, #tpu.memory_space<vmem>>, vector<16xi32>, vector<16xi1>
      %all_reduce_population_count3A = tpu.all_reduce %eq3A_477 {dim = 0 : i64, kind = #tpu.reduction_kind<sum>} : vector<16xi1> -> vector<16xi32>
      %slice3A = vector.extract_strided_slice %all_reduce_population_count3A {offsets = [0], sizes = [1], strides = [1]} : vector<16xi32> to vector<1xi32>
      %squeeze3A = vector.extract %slice3A[0] : i32 from vector<1xi32>
      %add3A_486 = arith.addi %scan3A_451, %squeeze3A : i32
      %min3A = arith.constant 3440 : i32
      %min3A_487 = arith.minsi %add3A_486, %min3A : i32
      %eq3A_488 = arith.constant 1 : i32
      %eq3A_489 = vector.broadcast %eq3A_488 : i32 to vector<16xi32>
      %eq3A_490 = arith.cmpi eq, %add3A_471, %eq3A_489 : vector<16xi32>
      %add3A_491 = arith.constant 3584 : i32
      %add3A_492 = arith.addi %add3A_491, %scan3A_452 : i32
      %swap3A_493 = arith.index_cast %add3A_492 : i32 to index
      %swap3A_494 = tpu.vector_load %arg14[%swap3A_493] masked %eq3A_490 {strides = array<i32>} : memref<14336xi32, #tpu.memory_space<vmem>>, vector<16xi32>, vector<16xi1>
      tpu.vector_store %arg14[%swap3A_493], %sub3A_475 masked %eq3A_490 {strides = array<i32>} : memref<14336xi32, #tpu.memory_space<vmem>>, vector<16xi32>, vector<16xi1>
      %add3A_495 = arith.constant 3584 : i32
      %add3A_496 = arith.addi %add3A_495, %scan3A_452 : i32
      %swap3A_497 = arith.index_cast %add3A_496 : i32 to index
      %swap3A_498 = tpu.vector_load %arg15[%swap3A_497] masked %eq3A_490 {strides = array<i32>} : memref<14336xi32, #tpu.memory_space<vmem>>, vector<16xi32>, vector<16xi1>
      tpu.vector_store %arg15[%swap3A_497], %get3A_456 masked %eq3A_490 {strides = array<i32>} : memref<14336xi32, #tpu.memory_space<vmem>>, vector<16xi32>, vector<16xi1>
      %all_reduce_population_count3A_499 = tpu.all_reduce %eq3A_490 {dim = 0 : i64, kind = #tpu.reduction_kind<sum>} : vector<16xi1> -> vector<16xi32>
      %slice3A_500 = vector.extract_strided_slice %all_reduce_population_count3A_499 {offsets = [0], sizes = [1], strides = [1]} : vector<16xi32> to vector<1xi32>
      %squeeze3A_501 = vector.extract %slice3A_500[0] : i32 from vector<1xi32>
      %add3A_502 = arith.addi %scan3A_452, %squeeze3A_501 : i32
      %min3A_503 = arith.constant 3440 : i32
      %min3A_504 = arith.minsi %add3A_502, %min3A_503 : i32
      %eq3A_505 = arith.constant 2 : i32
      %eq3A_506 = vector.broadcast %eq3A_505 : i32 to vector<16xi32>
      %eq3A_507 = arith.cmpi eq, %add3A_471, %eq3A_506 : vector<16xi32>
      %add3A_508 = arith.constant 7168 : i32
      %add3A_509 = arith.addi %add3A_508, %scan3A_453 : i32
      %swap3A_510 = arith.index_cast %add3A_509 : i32 to index
      %swap3A_511 = tpu.vector_load %arg14[%swap3A_510] masked %eq3A_507 {strides = array<i32>} : memref<14336xi32, #tpu.memory_space<vmem>>, vector<16xi32>, vector<16xi1>
      tpu.vector_store %arg14[%swap3A_510], %sub3A_475 masked %eq3A_507 {strides = array<i32>} : memref<14336xi32, #tpu.memory_space<vmem>>, vector<16xi32>, vector<16xi1>
      %add3A_512 = arith.constant 7168 : i32
      %add3A_513 = arith.addi %add3A_512, %scan3A_453 : i32
      %swap3A_514 = arith.index_cast %add3A_513 : i32 to index
      %swap3A_515 = tpu.vector_load %arg15[%swap3A_514] masked %eq3A_507 {strides = array<i32>} : memref<14336xi32, #tpu.memory_space<vmem>>, vector<16xi32>, vector<16xi1>
      tpu.vector_store %arg15[%swap3A_514], %get3A_456 masked %eq3A_507 {strides = array<i32>} : memref<14336xi32, #tpu.memory_space<vmem>>, vector<16xi32>, vector<16xi1>
      %all_reduce_population_count3A_516 = tpu.all_reduce %eq3A_507 {dim = 0 : i64, kind = #tpu.reduction_kind<sum>} : vector<16xi1> -> vector<16xi32>
      %slice3A_517 = vector.extract_strided_slice %all_reduce_population_count3A_516 {offsets = [0], sizes = [1], strides = [1]} : vector<16xi32> to vector<1xi32>
      %squeeze3A_518 = vector.extract %slice3A_517[0] : i32 from vector<1xi32>
      %add3A_519 = arith.addi %scan3A_453, %squeeze3A_518 : i32
      %min3A_520 = arith.constant 3440 : i32
      %min3A_521 = arith.minsi %add3A_519, %min3A_520 : i32
      %eq3A_522 = arith.constant 3 : i32
      %eq3A_523 = vector.broadcast %eq3A_522 : i32 to vector<16xi32>
      %eq3A_524 = arith.cmpi eq, %add3A_471, %eq3A_523 : vector<16xi32>
      %add3A_525 = arith.constant 10752 : i32
      %add3A_526 = arith.addi %add3A_525, %scan3A_454 : i32
      %swap3A_527 = arith.index_cast %add3A_526 : i32 to index
      %swap3A_528 = tpu.vector_load %arg14[%swap3A_527] masked %eq3A_524 {strides = array<i32>} : memref<14336xi32, #tpu.memory_space<vmem>>, vector<16xi32>, vector<16xi1>
      tpu.vector_store %arg14[%swap3A_527], %sub3A_475 masked %eq3A_524 {strides = array<i32>} : memref<14336xi32, #tpu.memory_space<vmem>>, vector<16xi32>, vector<16xi1>
      %add3A_529 = arith.constant 10752 : i32
      %add3A_530 = arith.addi %add3A_529, %scan3A_454 : i32
      %swap3A_531 = arith.index_cast %add3A_530 : i32 to index
      %swap3A_532 = tpu.vector_load %arg15[%swap3A_531] masked %eq3A_524 {strides = array<i32>} : memref<14336xi32, #tpu.memory_space<vmem>>, vector<16xi32>, vector<16xi1>
      tpu.vector_store %arg15[%swap3A_531], %get3A_456 masked %eq3A_524 {strides = array<i32>} : memref<14336xi32, #tpu.memory_space<vmem>>, vector<16xi32>, vector<16xi1>
      %all_reduce_population_count3A_533 = tpu.all_reduce %eq3A_524 {dim = 0 : i64, kind = #tpu.reduction_kind<sum>} : vector<16xi1> -> vector<16xi32>
      %slice3A_534 = vector.extract_strided_slice %all_reduce_population_count3A_533 {offsets = [0], sizes = [1], strides = [1]} : vector<16xi32> to vector<1xi32>
      %squeeze3A_535 = vector.extract %slice3A_534[0] : i32 from vector<1xi32>
      %add3A_536 = arith.addi %scan3A_454, %squeeze3A_535 : i32
      %min3A_537 = arith.constant 3440 : i32
      %min3A_538 = arith.minsi %add3A_536, %min3A_537 : i32
      %get3A_539 = arith.index_cast %scan3A_450 : i32 to index
      %get3A_540 = arith.constant 16 : index
      %get3A_541 = tpu.vector_load %arg10[%get3A_539, %get3A_540] {strides = array<i32>} : memref<79x128xi32, #tpu.memory_space<vmem>>, vector<16xi32>,
      %get3A_542 = arith.index_cast %scan3A_450 : i32 to index
      %get3A_543 = arith.constant 16 : index
      %get3A_544 = tpu.vector_load %arg9[%get3A_542, %get3A_543] {strides = array<i32>} : memref<79x128xi32, #tpu.memory_space<vmem>>, vector<16xi32>,
      tpu.vector_store_idx %arg11[%get3A_541], %broadcast_in_dim3A_1 {add = true} : memref<16384xf32, #tpu.memory_space<vmem>>[vector<16xi32>], vector<16xf32>,
      %ge3A_545 = arith.constant 2560 : i32
      %ge3A_546 = vector.broadcast %ge3A_545 : i32 to vector<16xi32>
      %ge3A_547 = arith.cmpi sge, %get3A_544, %ge3A_546 : vector<16xi32>
      %convert_element_type3A_548 = arith.extui %ge3A_547 : vector<16xi1> to vector<16xi32>
      %ge3A_549 = arith.constant 5120 : i32
      %ge3A_550 = vector.broadcast %ge3A_549 : i32 to vector<16xi32>
      %ge3A_551 = arith.cmpi sge, %get3A_544, %ge3A_550 : vector<16xi32>
      %convert_element_type3A_552 = arith.extui %ge3A_551 : vector<16xi1> to vector<16xi32>
      %add3A_553 = arith.addi %convert_element_type3A_548, %convert_element_type3A_552 : vector<16xi32>
      %ge3A_554 = arith.constant 7680 : i32
      %ge3A_555 = vector.broadcast %ge3A_554 : i32 to vector<16xi32>
      %ge3A_556 = arith.cmpi sge, %get3A_544, %ge3A_555 : vector<16xi32>
      %convert_element_type3A_557 = arith.extui %ge3A_556 : vector<16xi1> to vector<16xi32>
      %add3A_558 = arith.addi %add3A_553, %convert_element_type3A_557 : vector<16xi32>
      %mul3A_559 = arith.constant 2560 : i32
      %mul3A_560 = vector.broadcast %mul3A_559 : i32 to vector<16xi32>
      %mul3A_561 = arith.muli %add3A_558, %mul3A_560 : vector<16xi32>
      %sub3A_562 = arith.subi %get3A_544, %mul3A_561 : vector<16xi32>
      %eq3A_563 = arith.constant 0 : i32
      %eq3A_564 = vector.broadcast %eq3A_563 : i32 to vector<16xi32>
      %eq3A_565 = arith.cmpi eq, %add3A_558, %eq3A_564 : vector<16xi32>
      %add3A_566 = arith.constant 0 : i32
      %add3A_567 = arith.addi %add3A_566, %min3A_487 : i32
      %swap3A_568 = arith.index_cast %add3A_567 : i32 to index
      %swap3A_569 = tpu.vector_load %arg14[%swap3A_568] masked %eq3A_565 {strides = array<i32>} : memref<14336xi32, #tpu.memory_space<vmem>>, vector<16xi32>, vector<16xi1>
      tpu.vector_store %arg14[%swap3A_568], %sub3A_562 masked %eq3A_565 {strides = array<i32>} : memref<14336xi32, #tpu.memory_space<vmem>>, vector<16xi32>, vector<16xi1>
      %add3A_570 = arith.constant 0 : i32
      %add3A_571 = arith.addi %add3A_570, %min3A_487 : i32
      %swap3A_572 = arith.index_cast %add3A_571 : i32 to index
      %swap3A_573 = tpu.vector_load %arg15[%swap3A_572] masked %eq3A_565 {strides = array<i32>} : memref<14336xi32, #tpu.memory_space<vmem>>, vector<16xi32>, vector<16xi1>
      tpu.vector_store %arg15[%swap3A_572], %get3A_541 masked %eq3A_565 {strides = array<i32>} : memref<14336xi32, #tpu.memory_space<vmem>>, vector<16xi32>, vector<16xi1>
      %all_reduce_population_count3A_574 = tpu.all_reduce %eq3A_565 {dim = 0 : i64, kind = #tpu.reduction_kind<sum>} : vector<16xi1> -> vector<16xi32>
      %slice3A_575 = vector.extract_strided_slice %all_reduce_population_count3A_574 {offsets = [0], sizes = [1], strides = [1]} : vector<16xi32> to vector<1xi32>
      %squeeze3A_576 = vector.extract %slice3A_575[0] : i32 from vector<1xi32>
      %add3A_577 = arith.addi %min3A_487, %squeeze3A_576 : i32
      %min3A_578 = arith.constant 3440 : i32
      %min3A_579 = arith.minsi %add3A_577, %min3A_578 : i32
      %eq3A_580 = arith.constant 1 : i32
      %eq3A_581 = vector.broadcast %eq3A_580 : i32 to vector<16xi32>
      %eq3A_582 = arith.cmpi eq, %add3A_558, %eq3A_581 : vector<16xi32>
      %add3A_583 = arith.constant 3584 : i32
      %add3A_584 = arith.addi %add3A_583, %min3A_504 : i32
      %swap3A_585 = arith.index_cast %add3A_584 : i32 to index
      %swap3A_586 = tpu.vector_load %arg14[%swap3A_585] masked %eq3A_582 {strides = array<i32>} : memref<14336xi32, #tpu.memory_space<vmem>>, vector<16xi32>, vector<16xi1>
      tpu.vector_store %arg14[%swap3A_585], %sub3A_562 masked %eq3A_582 {strides = array<i32>} : memref<14336xi32, #tpu.memory_space<vmem>>, vector<16xi32>, vector<16xi1>
      %add3A_587 = arith.constant 3584 : i32
      %add3A_588 = arith.addi %add3A_587, %min3A_504 : i32
      %swap3A_589 = arith.index_cast %add3A_588 : i32 to index
      %swap3A_590 = tpu.vector_load %arg15[%swap3A_589] masked %eq3A_582 {strides = array<i32>} : memref<14336xi32, #tpu.memory_space<vmem>>, vector<16xi32>, vector<16xi1>
      tpu.vector_store %arg15[%swap3A_589], %get3A_541 masked %eq3A_582 {strides = array<i32>} : memref<14336xi32, #tpu.memory_space<vmem>>, vector<16xi32>, vector<16xi1>
      %all_reduce_population_count3A_591 = tpu.all_reduce %eq3A_582 {dim = 0 : i64, kind = #tpu.reduction_kind<sum>} : vector<16xi1> -> vector<16xi32>
      %slice3A_592 = vector.extract_strided_slice %all_reduce_population_count3A_591 {offsets = [0], sizes = [1], strides = [1]} : vector<16xi32> to vector<1xi32>
      %squeeze3A_593 = vector.extract %slice3A_592[0] : i32 from vector<1xi32>
      %add3A_594 = arith.addi %min3A_504, %squeeze3A_593 : i32
      %min3A_595 = arith.constant 3440 : i32
      %min3A_596 = arith.minsi %add3A_594, %min3A_595 : i32
      %eq3A_597 = arith.constant 2 : i32
      %eq3A_598 = vector.broadcast %eq3A_597 : i32 to vector<16xi32>
      %eq3A_599 = arith.cmpi eq, %add3A_558, %eq3A_598 : vector<16xi32>
      %add3A_600 = arith.constant 7168 : i32
      %add3A_601 = arith.addi %add3A_600, %min3A_521 : i32
      %swap3A_602 = arith.index_cast %add3A_601 : i32 to index
      %swap3A_603 = tpu.vector_load %arg14[%swap3A_602] masked %eq3A_599 {strides = array<i32>} : memref<14336xi32, #tpu.memory_space<vmem>>, vector<16xi32>, vector<16xi1>
      tpu.vector_store %arg14[%swap3A_602], %sub3A_562 masked %eq3A_599 {strides = array<i32>} : memref<14336xi32, #tpu.memory_space<vmem>>, vector<16xi32>, vector<16xi1>
      %add3A_604 = arith.constant 7168 : i32
      %add3A_605 = arith.addi %add3A_604, %min3A_521 : i32
      %swap3A_606 = arith.index_cast %add3A_605 : i32 to index
      %swap3A_607 = tpu.vector_load %arg15[%swap3A_606] masked %eq3A_599 {strides = array<i32>} : memref<14336xi32, #tpu.memory_space<vmem>>, vector<16xi32>, vector<16xi1>
      tpu.vector_store %arg15[%swap3A_606], %get3A_541 masked %eq3A_599 {strides = array<i32>} : memref<14336xi32, #tpu.memory_space<vmem>>, vector<16xi32>, vector<16xi1>
      %all_reduce_population_count3A_608 = tpu.all_reduce %eq3A_599 {dim = 0 : i64, kind = #tpu.reduction_kind<sum>} : vector<16xi1> -> vector<16xi32>
      %slice3A_609 = vector.extract_strided_slice %all_reduce_population_count3A_608 {offsets = [0], sizes = [1], strides = [1]} : vector<16xi32> to vector<1xi32>
      %squeeze3A_610 = vector.extract %slice3A_609[0] : i32 from vector<1xi32>
      %add3A_611 = arith.addi %min3A_521, %squeeze3A_610 : i32
      %min3A_612 = arith.constant 3440 : i32
      %min3A_613 = arith.minsi %add3A_611, %min3A_612 : i32
      %eq3A_614 = arith.constant 3 : i32
      %eq3A_615 = vector.broadcast %eq3A_614 : i32 to vector<16xi32>
      %eq3A_616 = arith.cmpi eq, %add3A_558, %eq3A_615 : vector<16xi32>
      %add3A_617 = arith.constant 10752 : i32
      %add3A_618 = arith.addi %add3A_617, %min3A_538 : i32
      %swap3A_619 = arith.index_cast %add3A_618 : i32 to index
      %swap3A_620 = tpu.vector_load %arg14[%swap3A_619] masked %eq3A_616 {strides = array<i32>} : memref<14336xi32, #tpu.memory_space<vmem>>, vector<16xi32>, vector<16xi1>
      tpu.vector_store %arg14[%swap3A_619], %sub3A_562 masked %eq3A_616 {strides = array<i32>} : memref<14336xi32, #tpu.memory_space<vmem>>, vector<16xi32>, vector<16xi1>
      %add3A_621 = arith.constant 10752 : i32
      %add3A_622 = arith.addi %add3A_621, %min3A_538 : i32
      %swap3A_623 = arith.index_cast %add3A_622 : i32 to index
      %swap3A_624 = tpu.vector_load %arg15[%swap3A_623] masked %eq3A_616 {strides = array<i32>} : memref<14336xi32, #tpu.memory_space<vmem>>, vector<16xi32>, vector<16xi1>
      tpu.vector_store %arg15[%swap3A_623], %get3A_541 masked %eq3A_616 {strides = array<i32>} : memref<14336xi32, #tpu.memory_space<vmem>>, vector<16xi32>, vector<16xi1>
      %all_reduce_population_count3A_625 = tpu.all_reduce %eq3A_616 {dim = 0 : i64, kind = #tpu.reduction_kind<sum>} : vector<16xi1> -> vector<16xi32>
      %slice3A_626 = vector.extract_strided_slice %all_reduce_population_count3A_625 {offsets = [0], sizes = [1], strides = [1]} : vector<16xi32> to vector<1xi32>
      %squeeze3A_627 = vector.extract %slice3A_626[0] : i32 from vector<1xi32>
      %add3A_628 = arith.addi %min3A_538, %squeeze3A_627 : i32
      %min3A_629 = arith.constant 3440 : i32
      %min3A_630 = arith.minsi %add3A_628, %min3A_629 : i32
      %get3A_631 = arith.index_cast %scan3A_450 : i32 to index
      %get3A_632 = arith.constant 32 : index
      %get3A_633 = tpu.vector_load %arg10[%get3A_631, %get3A_632] {strides = array<i32>} : memref<79x128xi32, #tpu.memory_space<vmem>>, vector<16xi32>,
      %get3A_634 = arith.index_cast %scan3A_450 : i32 to index
      %get3A_635 = arith.constant 32 : index
      %get3A_636 = tpu.vector_load %arg9[%get3A_634, %get3A_635] {strides = array<i32>} : memref<79x128xi32, #tpu.memory_space<vmem>>, vector<16xi32>,
      tpu.vector_store_idx %arg11[%get3A_633], %broadcast_in_dim3A_1 {add = true} : memref<16384xf32, #tpu.memory_space<vmem>>[vector<16xi32>], vector<16xf32>,
      %ge3A_637 = arith.constant 2560 : i32
      %ge3A_638 = vector.broadcast %ge3A_637 : i32 to vector<16xi32>
      %ge3A_639 = arith.cmpi sge, %get3A_636, %ge3A_638 : vector<16xi32>
      %convert_element_type3A_640 = arith.extui %ge3A_639 : vector<16xi1> to vector<16xi32>
      %ge3A_641 = arith.constant 5120 : i32
      %ge3A_642 = vector.broadcast %ge3A_641 : i32 to vector<16xi32>
      %ge3A_643 = arith.cmpi sge, %get3A_636, %ge3A_642 : vector<16xi32>
      %convert_element_type3A_644 = arith.extui %ge3A_643 : vector<16xi1> to vector<16xi32>
      %add3A_645 = arith.addi %convert_element_type3A_640, %convert_element_type3A_644 : vector<16xi32>
      %ge3A_646 = arith.constant 7680 : i32
      %ge3A_647 = vector.broadcast %ge3A_646 : i32 to vector<16xi32>
      %ge3A_648 = arith.cmpi sge, %get3A_636, %ge3A_647 : vector<16xi32>
      %convert_element_type3A_649 = arith.extui %ge3A_648 : vector<16xi1> to vector<16xi32>
      %add3A_650 = arith.addi %add3A_645, %convert_element_type3A_649 : vector<16xi32>
      %mul3A_651 = arith.constant 2560 : i32
      %mul3A_652 = vector.broadcast %mul3A_651 : i32 to vector<16xi32>
      %mul3A_653 = arith.muli %add3A_650, %mul3A_652 : vector<16xi32>
      %sub3A_654 = arith.subi %get3A_636, %mul3A_653 : vector<16xi32>
      %eq3A_655 = arith.constant 0 : i32
      %eq3A_656 = vector.broadcast %eq3A_655 : i32 to vector<16xi32>
      %eq3A_657 = arith.cmpi eq, %add3A_650, %eq3A_656 : vector<16xi32>
      %add3A_658 = arith.constant 0 : i32
      %add3A_659 = arith.addi %add3A_658, %min3A_579 : i32
      %swap3A_660 = arith.index_cast %add3A_659 : i32 to index
      %swap3A_661 = tpu.vector_load %arg14[%swap3A_660] masked %eq3A_657 {strides = array<i32>} : memref<14336xi32, #tpu.memory_space<vmem>>, vector<16xi32>, vector<16xi1>
      tpu.vector_store %arg14[%swap3A_660], %sub3A_654 masked %eq3A_657 {strides = array<i32>} : memref<14336xi32, #tpu.memory_space<vmem>>, vector<16xi32>, vector<16xi1>
      %add3A_662 = arith.constant 0 : i32
      %add3A_663 = arith.addi %add3A_662, %min3A_579 : i32
      %swap3A_664 = arith.index_cast %add3A_663 : i32 to index
      %swap3A_665 = tpu.vector_load %arg15[%swap3A_664] masked %eq3A_657 {strides = array<i32>} : memref<14336xi32, #tpu.memory_space<vmem>>, vector<16xi32>, vector<16xi1>
      tpu.vector_store %arg15[%swap3A_664], %get3A_633 masked %eq3A_657 {strides = array<i32>} : memref<14336xi32, #tpu.memory_space<vmem>>, vector<16xi32>, vector<16xi1>
      %all_reduce_population_count3A_666 = tpu.all_reduce %eq3A_657 {dim = 0 : i64, kind = #tpu.reduction_kind<sum>} : vector<16xi1> -> vector<16xi32>
      %slice3A_667 = vector.extract_strided_slice %all_reduce_population_count3A_666 {offsets = [0], sizes = [1], strides = [1]} : vector<16xi32> to vector<1xi32>
      %squeeze3A_668 = vector.extract %slice3A_667[0] : i32 from vector<1xi32>
      %add3A_669 = arith.addi %min3A_579, %squeeze3A_668 : i32
      %min3A_670 = arith.constant 3440 : i32
      %min3A_671 = arith.minsi %add3A_669, %min3A_670 : i32
      %eq3A_672 = arith.constant 1 : i32
      %eq3A_673 = vector.broadcast %eq3A_672 : i32 to vector<16xi32>
      %eq3A_674 = arith.cmpi eq, %add3A_650, %eq3A_673 : vector<16xi32>
      %add3A_675 = arith.constant 3584 : i32
      %add3A_676 = arith.addi %add3A_675, %min3A_596 : i32
      %swap3A_677 = arith.index_cast %add3A_676 : i32 to index
      %swap3A_678 = tpu.vector_load %arg14[%swap3A_677] masked %eq3A_674 {strides = array<i32>} : memref<14336xi32, #tpu.memory_space<vmem>>, vector<16xi32>, vector<16xi1>
      tpu.vector_store %arg14[%swap3A_677], %sub3A_654 masked %eq3A_674 {strides = array<i32>} : memref<14336xi32, #tpu.memory_space<vmem>>, vector<16xi32>, vector<16xi1>
      %add3A_679 = arith.constant 3584 : i32
      %add3A_680 = arith.addi %add3A_679, %min3A_596 : i32
      %swap3A_681 = arith.index_cast %add3A_680 : i32 to index
      %swap3A_682 = tpu.vector_load %arg15[%swap3A_681] masked %eq3A_674 {strides = array<i32>} : memref<14336xi32, #tpu.memory_space<vmem>>, vector<16xi32>, vector<16xi1>
      tpu.vector_store %arg15[%swap3A_681], %get3A_633 masked %eq3A_674 {strides = array<i32>} : memref<14336xi32, #tpu.memory_space<vmem>>, vector<16xi32>, vector<16xi1>
      %all_reduce_population_count3A_683 = tpu.all_reduce %eq3A_674 {dim = 0 : i64, kind = #tpu.reduction_kind<sum>} : vector<16xi1> -> vector<16xi32>
      %slice3A_684 = vector.extract_strided_slice %all_reduce_population_count3A_683 {offsets = [0], sizes = [1], strides = [1]} : vector<16xi32> to vector<1xi32>
      %squeeze3A_685 = vector.extract %slice3A_684[0] : i32 from vector<1xi32>
      %add3A_686 = arith.addi %min3A_596, %squeeze3A_685 : i32
      %min3A_687 = arith.constant 3440 : i32
      %min3A_688 = arith.minsi %add3A_686, %min3A_687 : i32
      %eq3A_689 = arith.constant 2 : i32
      %eq3A_690 = vector.broadcast %eq3A_689 : i32 to vector<16xi32>
      %eq3A_691 = arith.cmpi eq, %add3A_650, %eq3A_690 : vector<16xi32>
      %add3A_692 = arith.constant 7168 : i32
      %add3A_693 = arith.addi %add3A_692, %min3A_613 : i32
      %swap3A_694 = arith.index_cast %add3A_693 : i32 to index
      %swap3A_695 = tpu.vector_load %arg14[%swap3A_694] masked %eq3A_691 {strides = array<i32>} : memref<14336xi32, #tpu.memory_space<vmem>>, vector<16xi32>, vector<16xi1>
      tpu.vector_store %arg14[%swap3A_694], %sub3A_654 masked %eq3A_691 {strides = array<i32>} : memref<14336xi32, #tpu.memory_space<vmem>>, vector<16xi32>, vector<16xi1>
      %add3A_696 = arith.constant 7168 : i32
      %add3A_697 = arith.addi %add3A_696, %min3A_613 : i32
      %swap3A_698 = arith.index_cast %add3A_697 : i32 to index
      %swap3A_699 = tpu.vector_load %arg15[%swap3A_698] masked %eq3A_691 {strides = array<i32>} : memref<14336xi32, #tpu.memory_space<vmem>>, vector<16xi32>, vector<16xi1>
      tpu.vector_store %arg15[%swap3A_698], %get3A_633 masked %eq3A_691 {strides = array<i32>} : memref<14336xi32, #tpu.memory_space<vmem>>, vector<16xi32>, vector<16xi1>
      %all_reduce_population_count3A_700 = tpu.all_reduce %eq3A_691 {dim = 0 : i64, kind = #tpu.reduction_kind<sum>} : vector<16xi1> -> vector<16xi32>
      %slice3A_701 = vector.extract_strided_slice %all_reduce_population_count3A_700 {offsets = [0], sizes = [1], strides = [1]} : vector<16xi32> to vector<1xi32>
      %squeeze3A_702 = vector.extract %slice3A_701[0] : i32 from vector<1xi32>
      %add3A_703 = arith.addi %min3A_613, %squeeze3A_702 : i32
      %min3A_704 = arith.constant 3440 : i32
      %min3A_705 = arith.minsi %add3A_703, %min3A_704 : i32
      %eq3A_706 = arith.constant 3 : i32
      %eq3A_707 = vector.broadcast %eq3A_706 : i32 to vector<16xi32>
      %eq3A_708 = arith.cmpi eq, %add3A_650, %eq3A_707 : vector<16xi32>
      %add3A_709 = arith.constant 10752 : i32
      %add3A_710 = arith.addi %add3A_709, %min3A_630 : i32
      %swap3A_711 = arith.index_cast %add3A_710 : i32 to index
      %swap3A_712 = tpu.vector_load %arg14[%swap3A_711] masked %eq3A_708 {strides = array<i32>} : memref<14336xi32, #tpu.memory_space<vmem>>, vector<16xi32>, vector<16xi1>
      tpu.vector_store %arg14[%swap3A_711], %sub3A_654 masked %eq3A_708 {strides = array<i32>} : memref<14336xi32, #tpu.memory_space<vmem>>, vector<16xi32>, vector<16xi1>
      %add3A_713 = arith.constant 10752 : i32
      %add3A_714 = arith.addi %add3A_713, %min3A_630 : i32
      %swap3A_715 = arith.index_cast %add3A_714 : i32 to index
      %swap3A_716 = tpu.vector_load %arg15[%swap3A_715] masked %eq3A_708 {strides = array<i32>} : memref<14336xi32, #tpu.memory_space<vmem>>, vector<16xi32>, vector<16xi1>
      tpu.vector_store %arg15[%swap3A_715], %get3A_633 masked %eq3A_708 {strides = array<i32>} : memref<14336xi32, #tpu.memory_space<vmem>>, vector<16xi32>, vector<16xi1>
      %all_reduce_population_count3A_717 = tpu.all_reduce %eq3A_708 {dim = 0 : i64, kind = #tpu.reduction_kind<sum>} : vector<16xi1> -> vector<16xi32>
      %slice3A_718 = vector.extract_strided_slice %all_reduce_population_count3A_717 {offsets = [0], sizes = [1], strides = [1]} : vector<16xi32> to vector<1xi32>
      %squeeze3A_719 = vector.extract %slice3A_718[0] : i32 from vector<1xi32>
      %add3A_720 = arith.addi %min3A_630, %squeeze3A_719 : i32
      %min3A_721 = arith.constant 3440 : i32
      %min3A_722 = arith.minsi %add3A_720, %min3A_721 : i32
      %get3A_723 = arith.index_cast %scan3A_450 : i32 to index
      %get3A_724 = arith.constant 48 : index
      %get3A_725 = tpu.vector_load %arg10[%get3A_723, %get3A_724] {strides = array<i32>} : memref<79x128xi32, #tpu.memory_space<vmem>>, vector<16xi32>,
      %get3A_726 = arith.index_cast %scan3A_450 : i32 to index
      %get3A_727 = arith.constant 48 : index
      %get3A_728 = tpu.vector_load %arg9[%get3A_726, %get3A_727] {strides = array<i32>} : memref<79x128xi32, #tpu.memory_space<vmem>>, vector<16xi32>,
      tpu.vector_store_idx %arg11[%get3A_725], %broadcast_in_dim3A_1 {add = true} : memref<16384xf32, #tpu.memory_space<vmem>>[vector<16xi32>], vector<16xf32>,
      %ge3A_729 = arith.constant 2560 : i32
      %ge3A_730 = vector.broadcast %ge3A_729 : i32 to vector<16xi32>
      %ge3A_731 = arith.cmpi sge, %get3A_728, %ge3A_730 : vector<16xi32>
      %convert_element_type3A_732 = arith.extui %ge3A_731 : vector<16xi1> to vector<16xi32>
      %ge3A_733 = arith.constant 5120 : i32
      %ge3A_734 = vector.broadcast %ge3A_733 : i32 to vector<16xi32>
      %ge3A_735 = arith.cmpi sge, %get3A_728, %ge3A_734 : vector<16xi32>
      %convert_element_type3A_736 = arith.extui %ge3A_735 : vector<16xi1> to vector<16xi32>
      %add3A_737 = arith.addi %convert_element_type3A_732, %convert_element_type3A_736 : vector<16xi32>
      %ge3A_738 = arith.constant 7680 : i32
      %ge3A_739 = vector.broadcast %ge3A_738 : i32 to vector<16xi32>
      %ge3A_740 = arith.cmpi sge, %get3A_728, %ge3A_739 : vector<16xi32>
      %convert_element_type3A_741 = arith.extui %ge3A_740 : vector<16xi1> to vector<16xi32>
      %add3A_742 = arith.addi %add3A_737, %convert_element_type3A_741 : vector<16xi32>
      %mul3A_743 = arith.constant 2560 : i32
      %mul3A_744 = vector.broadcast %mul3A_743 : i32 to vector<16xi32>
      %mul3A_745 = arith.muli %add3A_742, %mul3A_744 : vector<16xi32>
      %sub3A_746 = arith.subi %get3A_728, %mul3A_745 : vector<16xi32>
      %eq3A_747 = arith.constant 0 : i32
      %eq3A_748 = vector.broadcast %eq3A_747 : i32 to vector<16xi32>
      %eq3A_749 = arith.cmpi eq, %add3A_742, %eq3A_748 : vector<16xi32>
      %add3A_750 = arith.constant 0 : i32
      %add3A_751 = arith.addi %add3A_750, %min3A_671 : i32
      %swap3A_752 = arith.index_cast %add3A_751 : i32 to index
      %swap3A_753 = tpu.vector_load %arg14[%swap3A_752] masked %eq3A_749 {strides = array<i32>} : memref<14336xi32, #tpu.memory_space<vmem>>, vector<16xi32>, vector<16xi1>
      tpu.vector_store %arg14[%swap3A_752], %sub3A_746 masked %eq3A_749 {strides = array<i32>} : memref<14336xi32, #tpu.memory_space<vmem>>, vector<16xi32>, vector<16xi1>
      %add3A_754 = arith.constant 0 : i32
      %add3A_755 = arith.addi %add3A_754, %min3A_671 : i32
      %swap3A_756 = arith.index_cast %add3A_755 : i32 to index
      %swap3A_757 = tpu.vector_load %arg15[%swap3A_756] masked %eq3A_749 {strides = array<i32>} : memref<14336xi32, #tpu.memory_space<vmem>>, vector<16xi32>, vector<16xi1>
      tpu.vector_store %arg15[%swap3A_756], %get3A_725 masked %eq3A_749 {strides = array<i32>} : memref<14336xi32, #tpu.memory_space<vmem>>, vector<16xi32>, vector<16xi1>
      %all_reduce_population_count3A_758 = tpu.all_reduce %eq3A_749 {dim = 0 : i64, kind = #tpu.reduction_kind<sum>} : vector<16xi1> -> vector<16xi32>
      %slice3A_759 = vector.extract_strided_slice %all_reduce_population_count3A_758 {offsets = [0], sizes = [1], strides = [1]} : vector<16xi32> to vector<1xi32>
      %squeeze3A_760 = vector.extract %slice3A_759[0] : i32 from vector<1xi32>
      %add3A_761 = arith.addi %min3A_671, %squeeze3A_760 : i32
      %min3A_762 = arith.constant 3440 : i32
      %min3A_763 = arith.minsi %add3A_761, %min3A_762 : i32
      %eq3A_764 = arith.constant 1 : i32
      %eq3A_765 = vector.broadcast %eq3A_764 : i32 to vector<16xi32>
      %eq3A_766 = arith.cmpi eq, %add3A_742, %eq3A_765 : vector<16xi32>
      %add3A_767 = arith.constant 3584 : i32
      %add3A_768 = arith.addi %add3A_767, %min3A_688 : i32
      %swap3A_769 = arith.index_cast %add3A_768 : i32 to index
      %swap3A_770 = tpu.vector_load %arg14[%swap3A_769] masked %eq3A_766 {strides = array<i32>} : memref<14336xi32, #tpu.memory_space<vmem>>, vector<16xi32>, vector<16xi1>
      tpu.vector_store %arg14[%swap3A_769], %sub3A_746 masked %eq3A_766 {strides = array<i32>} : memref<14336xi32, #tpu.memory_space<vmem>>, vector<16xi32>, vector<16xi1>
      %add3A_771 = arith.constant 3584 : i32
      %add3A_772 = arith.addi %add3A_771, %min3A_688 : i32
      %swap3A_773 = arith.index_cast %add3A_772 : i32 to index
      %swap3A_774 = tpu.vector_load %arg15[%swap3A_773] masked %eq3A_766 {strides = array<i32>} : memref<14336xi32, #tpu.memory_space<vmem>>, vector<16xi32>, vector<16xi1>
      tpu.vector_store %arg15[%swap3A_773], %get3A_725 masked %eq3A_766 {strides = array<i32>} : memref<14336xi32, #tpu.memory_space<vmem>>, vector<16xi32>, vector<16xi1>
      %all_reduce_population_count3A_775 = tpu.all_reduce %eq3A_766 {dim = 0 : i64, kind = #tpu.reduction_kind<sum>} : vector<16xi1> -> vector<16xi32>
      %slice3A_776 = vector.extract_strided_slice %all_reduce_population_count3A_775 {offsets = [0], sizes = [1], strides = [1]} : vector<16xi32> to vector<1xi32>
      %squeeze3A_777 = vector.extract %slice3A_776[0] : i32 from vector<1xi32>
      %add3A_778 = arith.addi %min3A_688, %squeeze3A_777 : i32
      %min3A_779 = arith.constant 3440 : i32
      %min3A_780 = arith.minsi %add3A_778, %min3A_779 : i32
      %eq3A_781 = arith.constant 2 : i32
      %eq3A_782 = vector.broadcast %eq3A_781 : i32 to vector<16xi32>
      %eq3A_783 = arith.cmpi eq, %add3A_742, %eq3A_782 : vector<16xi32>
      %add3A_784 = arith.constant 7168 : i32
      %add3A_785 = arith.addi %add3A_784, %min3A_705 : i32
      %swap3A_786 = arith.index_cast %add3A_785 : i32 to index
      %swap3A_787 = tpu.vector_load %arg14[%swap3A_786] masked %eq3A_783 {strides = array<i32>} : memref<14336xi32, #tpu.memory_space<vmem>>, vector<16xi32>, vector<16xi1>
      tpu.vector_store %arg14[%swap3A_786], %sub3A_746 masked %eq3A_783 {strides = array<i32>} : memref<14336xi32, #tpu.memory_space<vmem>>, vector<16xi32>, vector<16xi1>
      %add3A_788 = arith.constant 7168 : i32
      %add3A_789 = arith.addi %add3A_788, %min3A_705 : i32
      %swap3A_790 = arith.index_cast %add3A_789 : i32 to index
      %swap3A_791 = tpu.vector_load %arg15[%swap3A_790] masked %eq3A_783 {strides = array<i32>} : memref<14336xi32, #tpu.memory_space<vmem>>, vector<16xi32>, vector<16xi1>
      tpu.vector_store %arg15[%swap3A_790], %get3A_725 masked %eq3A_783 {strides = array<i32>} : memref<14336xi32, #tpu.memory_space<vmem>>, vector<16xi32>, vector<16xi1>
      %all_reduce_population_count3A_792 = tpu.all_reduce %eq3A_783 {dim = 0 : i64, kind = #tpu.reduction_kind<sum>} : vector<16xi1> -> vector<16xi32>
      %slice3A_793 = vector.extract_strided_slice %all_reduce_population_count3A_792 {offsets = [0], sizes = [1], strides = [1]} : vector<16xi32> to vector<1xi32>
      %squeeze3A_794 = vector.extract %slice3A_793[0] : i32 from vector<1xi32>
      %add3A_795 = arith.addi %min3A_705, %squeeze3A_794 : i32
      %min3A_796 = arith.constant 3440 : i32
      %min3A_797 = arith.minsi %add3A_795, %min3A_796 : i32
      %eq3A_798 = arith.constant 3 : i32
      %eq3A_799 = vector.broadcast %eq3A_798 : i32 to vector<16xi32>
      %eq3A_800 = arith.cmpi eq, %add3A_742, %eq3A_799 : vector<16xi32>
      %add3A_801 = arith.constant 10752 : i32
      %add3A_802 = arith.addi %add3A_801, %min3A_722 : i32
      %swap3A_803 = arith.index_cast %add3A_802 : i32 to index
      %swap3A_804 = tpu.vector_load %arg14[%swap3A_803] masked %eq3A_800 {strides = array<i32>} : memref<14336xi32, #tpu.memory_space<vmem>>, vector<16xi32>, vector<16xi1>
      tpu.vector_store %arg14[%swap3A_803], %sub3A_746 masked %eq3A_800 {strides = array<i32>} : memref<14336xi32, #tpu.memory_space<vmem>>, vector<16xi32>, vector<16xi1>
      %add3A_805 = arith.constant 10752 : i32
      %add3A_806 = arith.addi %add3A_805, %min3A_722 : i32
      %swap3A_807 = arith.index_cast %add3A_806 : i32 to index
      %swap3A_808 = tpu.vector_load %arg15[%swap3A_807] masked %eq3A_800 {strides = array<i32>} : memref<14336xi32, #tpu.memory_space<vmem>>, vector<16xi32>, vector<16xi1>
      tpu.vector_store %arg15[%swap3A_807], %get3A_725 masked %eq3A_800 {strides = array<i32>} : memref<14336xi32, #tpu.memory_space<vmem>>, vector<16xi32>, vector<16xi1>
      %all_reduce_population_count3A_809 = tpu.all_reduce %eq3A_800 {dim = 0 : i64, kind = #tpu.reduction_kind<sum>} : vector<16xi1> -> vector<16xi32>
      %slice3A_810 = vector.extract_strided_slice %all_reduce_population_count3A_809 {offsets = [0], sizes = [1], strides = [1]} : vector<16xi32> to vector<1xi32>
      %squeeze3A_811 = vector.extract %slice3A_810[0] : i32 from vector<1xi32>
      %add3A_812 = arith.addi %min3A_722, %squeeze3A_811 : i32
      %min3A_813 = arith.constant 3440 : i32
      %min3A_814 = arith.minsi %add3A_812, %min3A_813 : i32
      %get3A_815 = arith.index_cast %scan3A_450 : i32 to index
      %get3A_816 = arith.constant 64 : index
      %get3A_817 = tpu.vector_load %arg10[%get3A_815, %get3A_816] {strides = array<i32>} : memref<79x128xi32, #tpu.memory_space<vmem>>, vector<16xi32>,
      %get3A_818 = arith.index_cast %scan3A_450 : i32 to index
      %get3A_819 = arith.constant 64 : index
      %get3A_820 = tpu.vector_load %arg9[%get3A_818, %get3A_819] {strides = array<i32>} : memref<79x128xi32, #tpu.memory_space<vmem>>, vector<16xi32>,
      tpu.vector_store_idx %arg11[%get3A_817], %broadcast_in_dim3A_1 {add = true} : memref<16384xf32, #tpu.memory_space<vmem>>[vector<16xi32>], vector<16xf32>,
      %ge3A_821 = arith.constant 2560 : i32
      %ge3A_822 = vector.broadcast %ge3A_821 : i32 to vector<16xi32>
      %ge3A_823 = arith.cmpi sge, %get3A_820, %ge3A_822 : vector<16xi32>
      %convert_element_type3A_824 = arith.extui %ge3A_823 : vector<16xi1> to vector<16xi32>
      %ge3A_825 = arith.constant 5120 : i32
      %ge3A_826 = vector.broadcast %ge3A_825 : i32 to vector<16xi32>
      %ge3A_827 = arith.cmpi sge, %get3A_820, %ge3A_826 : vector<16xi32>
      %convert_element_type3A_828 = arith.extui %ge3A_827 : vector<16xi1> to vector<16xi32>
      %add3A_829 = arith.addi %convert_element_type3A_824, %convert_element_type3A_828 : vector<16xi32>
      %ge3A_830 = arith.constant 7680 : i32
      %ge3A_831 = vector.broadcast %ge3A_830 : i32 to vector<16xi32>
      %ge3A_832 = arith.cmpi sge, %get3A_820, %ge3A_831 : vector<16xi32>
      %convert_element_type3A_833 = arith.extui %ge3A_832 : vector<16xi1> to vector<16xi32>
      %add3A_834 = arith.addi %add3A_829, %convert_element_type3A_833 : vector<16xi32>
      %mul3A_835 = arith.constant 2560 : i32
      %mul3A_836 = vector.broadcast %mul3A_835 : i32 to vector<16xi32>
      %mul3A_837 = arith.muli %add3A_834, %mul3A_836 : vector<16xi32>
      %sub3A_838 = arith.subi %get3A_820, %mul3A_837 : vector<16xi32>
      %eq3A_839 = arith.constant 0 : i32
      %eq3A_840 = vector.broadcast %eq3A_839 : i32 to vector<16xi32>
      %eq3A_841 = arith.cmpi eq, %add3A_834, %eq3A_840 : vector<16xi32>
      %add3A_842 = arith.constant 0 : i32
      %add3A_843 = arith.addi %add3A_842, %min3A_763 : i32
      %swap3A_844 = arith.index_cast %add3A_843 : i32 to index
      %swap3A_845 = tpu.vector_load %arg14[%swap3A_844] masked %eq3A_841 {strides = array<i32>} : memref<14336xi32, #tpu.memory_space<vmem>>, vector<16xi32>, vector<16xi1>
      tpu.vector_store %arg14[%swap3A_844], %sub3A_838 masked %eq3A_841 {strides = array<i32>} : memref<14336xi32, #tpu.memory_space<vmem>>, vector<16xi32>, vector<16xi1>
      %add3A_846 = arith.constant 0 : i32
      %add3A_847 = arith.addi %add3A_846, %min3A_763 : i32
      %swap3A_848 = arith.index_cast %add3A_847 : i32 to index
      %swap3A_849 = tpu.vector_load %arg15[%swap3A_848] masked %eq3A_841 {strides = array<i32>} : memref<14336xi32, #tpu.memory_space<vmem>>, vector<16xi32>, vector<16xi1>
      tpu.vector_store %arg15[%swap3A_848], %get3A_817 masked %eq3A_841 {strides = array<i32>} : memref<14336xi32, #tpu.memory_space<vmem>>, vector<16xi32>, vector<16xi1>
      %all_reduce_population_count3A_850 = tpu.all_reduce %eq3A_841 {dim = 0 : i64, kind = #tpu.reduction_kind<sum>} : vector<16xi1> -> vector<16xi32>
      %slice3A_851 = vector.extract_strided_slice %all_reduce_population_count3A_850 {offsets = [0], sizes = [1], strides = [1]} : vector<16xi32> to vector<1xi32>
      %squeeze3A_852 = vector.extract %slice3A_851[0] : i32 from vector<1xi32>
      %add3A_853 = arith.addi %min3A_763, %squeeze3A_852 : i32
      %min3A_854 = arith.constant 3440 : i32
      %min3A_855 = arith.minsi %add3A_853, %min3A_854 : i32
      %eq3A_856 = arith.constant 1 : i32
      %eq3A_857 = vector.broadcast %eq3A_856 : i32 to vector<16xi32>
      %eq3A_858 = arith.cmpi eq, %add3A_834, %eq3A_857 : vector<16xi32>
      %add3A_859 = arith.constant 3584 : i32
      %add3A_860 = arith.addi %add3A_859, %min3A_780 : i32
      %swap3A_861 = arith.index_cast %add3A_860 : i32 to index
      %swap3A_862 = tpu.vector_load %arg14[%swap3A_861] masked %eq3A_858 {strides = array<i32>} : memref<14336xi32, #tpu.memory_space<vmem>>, vector<16xi32>, vector<16xi1>
      tpu.vector_store %arg14[%swap3A_861], %sub3A_838 masked %eq3A_858 {strides = array<i32>} : memref<14336xi32, #tpu.memory_space<vmem>>, vector<16xi32>, vector<16xi1>
      %add3A_863 = arith.constant 3584 : i32
      %add3A_864 = arith.addi %add3A_863, %min3A_780 : i32
      %swap3A_865 = arith.index_cast %add3A_864 : i32 to index
      %swap3A_866 = tpu.vector_load %arg15[%swap3A_865] masked %eq3A_858 {strides = array<i32>} : memref<14336xi32, #tpu.memory_space<vmem>>, vector<16xi32>, vector<16xi1>
      tpu.vector_store %arg15[%swap3A_865], %get3A_817 masked %eq3A_858 {strides = array<i32>} : memref<14336xi32, #tpu.memory_space<vmem>>, vector<16xi32>, vector<16xi1>
      %all_reduce_population_count3A_867 = tpu.all_reduce %eq3A_858 {dim = 0 : i64, kind = #tpu.reduction_kind<sum>} : vector<16xi1> -> vector<16xi32>
      %slice3A_868 = vector.extract_strided_slice %all_reduce_population_count3A_867 {offsets = [0], sizes = [1], strides = [1]} : vector<16xi32> to vector<1xi32>
      %squeeze3A_869 = vector.extract %slice3A_868[0] : i32 from vector<1xi32>
      %add3A_870 = arith.addi %min3A_780, %squeeze3A_869 : i32
      %min3A_871 = arith.constant 3440 : i32
      %min3A_872 = arith.minsi %add3A_870, %min3A_871 : i32
      %eq3A_873 = arith.constant 2 : i32
      %eq3A_874 = vector.broadcast %eq3A_873 : i32 to vector<16xi32>
      %eq3A_875 = arith.cmpi eq, %add3A_834, %eq3A_874 : vector<16xi32>
      %add3A_876 = arith.constant 7168 : i32
      %add3A_877 = arith.addi %add3A_876, %min3A_797 : i32
      %swap3A_878 = arith.index_cast %add3A_877 : i32 to index
      %swap3A_879 = tpu.vector_load %arg14[%swap3A_878] masked %eq3A_875 {strides = array<i32>} : memref<14336xi32, #tpu.memory_space<vmem>>, vector<16xi32>, vector<16xi1>
      tpu.vector_store %arg14[%swap3A_878], %sub3A_838 masked %eq3A_875 {strides = array<i32>} : memref<14336xi32, #tpu.memory_space<vmem>>, vector<16xi32>, vector<16xi1>
      %add3A_880 = arith.constant 7168 : i32
      %add3A_881 = arith.addi %add3A_880, %min3A_797 : i32
      %swap3A_882 = arith.index_cast %add3A_881 : i32 to index
      %swap3A_883 = tpu.vector_load %arg15[%swap3A_882] masked %eq3A_875 {strides = array<i32>} : memref<14336xi32, #tpu.memory_space<vmem>>, vector<16xi32>, vector<16xi1>
      tpu.vector_store %arg15[%swap3A_882], %get3A_817 masked %eq3A_875 {strides = array<i32>} : memref<14336xi32, #tpu.memory_space<vmem>>, vector<16xi32>, vector<16xi1>
      %all_reduce_population_count3A_884 = tpu.all_reduce %eq3A_875 {dim = 0 : i64, kind = #tpu.reduction_kind<sum>} : vector<16xi1> -> vector<16xi32>
      %slice3A_885 = vector.extract_strided_slice %all_reduce_population_count3A_884 {offsets = [0], sizes = [1], strides = [1]} : vector<16xi32> to vector<1xi32>
      %squeeze3A_886 = vector.extract %slice3A_885[0] : i32 from vector<1xi32>
      %add3A_887 = arith.addi %min3A_797, %squeeze3A_886 : i32
      %min3A_888 = arith.constant 3440 : i32
      %min3A_889 = arith.minsi %add3A_887, %min3A_888 : i32
      %eq3A_890 = arith.constant 3 : i32
      %eq3A_891 = vector.broadcast %eq3A_890 : i32 to vector<16xi32>
      %eq3A_892 = arith.cmpi eq, %add3A_834, %eq3A_891 : vector<16xi32>
      %add3A_893 = arith.constant 10752 : i32
      %add3A_894 = arith.addi %add3A_893, %min3A_814 : i32
      %swap3A_895 = arith.index_cast %add3A_894 : i32 to index
      %swap3A_896 = tpu.vector_load %arg14[%swap3A_895] masked %eq3A_892 {strides = array<i32>} : memref<14336xi32, #tpu.memory_space<vmem>>, vector<16xi32>, vector<16xi1>
      tpu.vector_store %arg14[%swap3A_895], %sub3A_838 masked %eq3A_892 {strides = array<i32>} : memref<14336xi32, #tpu.memory_space<vmem>>, vector<16xi32>, vector<16xi1>
      %add3A_897 = arith.constant 10752 : i32
      %add3A_898 = arith.addi %add3A_897, %min3A_814 : i32
      %swap3A_899 = arith.index_cast %add3A_898 : i32 to index
      %swap3A_900 = tpu.vector_load %arg15[%swap3A_899] masked %eq3A_892 {strides = array<i32>} : memref<14336xi32, #tpu.memory_space<vmem>>, vector<16xi32>, vector<16xi1>
      tpu.vector_store %arg15[%swap3A_899], %get3A_817 masked %eq3A_892 {strides = array<i32>} : memref<14336xi32, #tpu.memory_space<vmem>>, vector<16xi32>, vector<16xi1>
      %all_reduce_population_count3A_901 = tpu.all_reduce %eq3A_892 {dim = 0 : i64, kind = #tpu.reduction_kind<sum>} : vector<16xi1> -> vector<16xi32>
      %slice3A_902 = vector.extract_strided_slice %all_reduce_population_count3A_901 {offsets = [0], sizes = [1], strides = [1]} : vector<16xi32> to vector<1xi32>
      %squeeze3A_903 = vector.extract %slice3A_902[0] : i32 from vector<1xi32>
      %add3A_904 = arith.addi %min3A_814, %squeeze3A_903 : i32
      %min3A_905 = arith.constant 3440 : i32
      %min3A_906 = arith.minsi %add3A_904, %min3A_905 : i32
      %get3A_907 = arith.index_cast %scan3A_450 : i32 to index
      %get3A_908 = arith.constant 80 : index
      %get3A_909 = tpu.vector_load %arg10[%get3A_907, %get3A_908] {strides = array<i32>} : memref<79x128xi32, #tpu.memory_space<vmem>>, vector<16xi32>,
      %get3A_910 = arith.index_cast %scan3A_450 : i32 to index
      %get3A_911 = arith.constant 80 : index
      %get3A_912 = tpu.vector_load %arg9[%get3A_910, %get3A_911] {strides = array<i32>} : memref<79x128xi32, #tpu.memory_space<vmem>>, vector<16xi32>,
      tpu.vector_store_idx %arg11[%get3A_909], %broadcast_in_dim3A_1 {add = true} : memref<16384xf32, #tpu.memory_space<vmem>>[vector<16xi32>], vector<16xf32>,
      %ge3A_913 = arith.constant 2560 : i32
      %ge3A_914 = vector.broadcast %ge3A_913 : i32 to vector<16xi32>
      %ge3A_915 = arith.cmpi sge, %get3A_912, %ge3A_914 : vector<16xi32>
      %convert_element_type3A_916 = arith.extui %ge3A_915 : vector<16xi1> to vector<16xi32>
      %ge3A_917 = arith.constant 5120 : i32
      %ge3A_918 = vector.broadcast %ge3A_917 : i32 to vector<16xi32>
      %ge3A_919 = arith.cmpi sge, %get3A_912, %ge3A_918 : vector<16xi32>
      %convert_element_type3A_920 = arith.extui %ge3A_919 : vector<16xi1> to vector<16xi32>
      %add3A_921 = arith.addi %convert_element_type3A_916, %convert_element_type3A_920 : vector<16xi32>
      %ge3A_922 = arith.constant 7680 : i32
      %ge3A_923 = vector.broadcast %ge3A_922 : i32 to vector<16xi32>
      %ge3A_924 = arith.cmpi sge, %get3A_912, %ge3A_923 : vector<16xi32>
      %convert_element_type3A_925 = arith.extui %ge3A_924 : vector<16xi1> to vector<16xi32>
      %add3A_926 = arith.addi %add3A_921, %convert_element_type3A_925 : vector<16xi32>
      %mul3A_927 = arith.constant 2560 : i32
      %mul3A_928 = vector.broadcast %mul3A_927 : i32 to vector<16xi32>
      %mul3A_929 = arith.muli %add3A_926, %mul3A_928 : vector<16xi32>
      %sub3A_930 = arith.subi %get3A_912, %mul3A_929 : vector<16xi32>
      %eq3A_931 = arith.constant 0 : i32
      %eq3A_932 = vector.broadcast %eq3A_931 : i32 to vector<16xi32>
      %eq3A_933 = arith.cmpi eq, %add3A_926, %eq3A_932 : vector<16xi32>
      %add3A_934 = arith.constant 0 : i32
      %add3A_935 = arith.addi %add3A_934, %min3A_855 : i32
      %swap3A_936 = arith.index_cast %add3A_935 : i32 to index
      %swap3A_937 = tpu.vector_load %arg14[%swap3A_936] masked %eq3A_933 {strides = array<i32>} : memref<14336xi32, #tpu.memory_space<vmem>>, vector<16xi32>, vector<16xi1>
      tpu.vector_store %arg14[%swap3A_936], %sub3A_930 masked %eq3A_933 {strides = array<i32>} : memref<14336xi32, #tpu.memory_space<vmem>>, vector<16xi32>, vector<16xi1>
      %add3A_938 = arith.constant 0 : i32
      %add3A_939 = arith.addi %add3A_938, %min3A_855 : i32
      %swap3A_940 = arith.index_cast %add3A_939 : i32 to index
      %swap3A_941 = tpu.vector_load %arg15[%swap3A_940] masked %eq3A_933 {strides = array<i32>} : memref<14336xi32, #tpu.memory_space<vmem>>, vector<16xi32>, vector<16xi1>
      tpu.vector_store %arg15[%swap3A_940], %get3A_909 masked %eq3A_933 {strides = array<i32>} : memref<14336xi32, #tpu.memory_space<vmem>>, vector<16xi32>, vector<16xi1>
      %all_reduce_population_count3A_942 = tpu.all_reduce %eq3A_933 {dim = 0 : i64, kind = #tpu.reduction_kind<sum>} : vector<16xi1> -> vector<16xi32>
      %slice3A_943 = vector.extract_strided_slice %all_reduce_population_count3A_942 {offsets = [0], sizes = [1], strides = [1]} : vector<16xi32> to vector<1xi32>
      %squeeze3A_944 = vector.extract %slice3A_943[0] : i32 from vector<1xi32>
      %add3A_945 = arith.addi %min3A_855, %squeeze3A_944 : i32
      %min3A_946 = arith.constant 3440 : i32
      %min3A_947 = arith.minsi %add3A_945, %min3A_946 : i32
      %eq3A_948 = arith.constant 1 : i32
      %eq3A_949 = vector.broadcast %eq3A_948 : i32 to vector<16xi32>
      %eq3A_950 = arith.cmpi eq, %add3A_926, %eq3A_949 : vector<16xi32>
      %add3A_951 = arith.constant 3584 : i32
      %add3A_952 = arith.addi %add3A_951, %min3A_872 : i32
      %swap3A_953 = arith.index_cast %add3A_952 : i32 to index
      %swap3A_954 = tpu.vector_load %arg14[%swap3A_953] masked %eq3A_950 {strides = array<i32>} : memref<14336xi32, #tpu.memory_space<vmem>>, vector<16xi32>, vector<16xi1>
      tpu.vector_store %arg14[%swap3A_953], %sub3A_930 masked %eq3A_950 {strides = array<i32>} : memref<14336xi32, #tpu.memory_space<vmem>>, vector<16xi32>, vector<16xi1>
      %add3A_955 = arith.constant 3584 : i32
      %add3A_956 = arith.addi %add3A_955, %min3A_872 : i32
      %swap3A_957 = arith.index_cast %add3A_956 : i32 to index
      %swap3A_958 = tpu.vector_load %arg15[%swap3A_957] masked %eq3A_950 {strides = array<i32>} : memref<14336xi32, #tpu.memory_space<vmem>>, vector<16xi32>, vector<16xi1>
      tpu.vector_store %arg15[%swap3A_957], %get3A_909 masked %eq3A_950 {strides = array<i32>} : memref<14336xi32, #tpu.memory_space<vmem>>, vector<16xi32>, vector<16xi1>
      %all_reduce_population_count3A_959 = tpu.all_reduce %eq3A_950 {dim = 0 : i64, kind = #tpu.reduction_kind<sum>} : vector<16xi1> -> vector<16xi32>
      %slice3A_960 = vector.extract_strided_slice %all_reduce_population_count3A_959 {offsets = [0], sizes = [1], strides = [1]} : vector<16xi32> to vector<1xi32>
      %squeeze3A_961 = vector.extract %slice3A_960[0] : i32 from vector<1xi32>
      %add3A_962 = arith.addi %min3A_872, %squeeze3A_961 : i32
      %min3A_963 = arith.constant 3440 : i32
      %min3A_964 = arith.minsi %add3A_962, %min3A_963 : i32
      %eq3A_965 = arith.constant 2 : i32
      %eq3A_966 = vector.broadcast %eq3A_965 : i32 to vector<16xi32>
      %eq3A_967 = arith.cmpi eq, %add3A_926, %eq3A_966 : vector<16xi32>
      %add3A_968 = arith.constant 7168 : i32
      %add3A_969 = arith.addi %add3A_968, %min3A_889 : i32
      %swap3A_970 = arith.index_cast %add3A_969 : i32 to index
      %swap3A_971 = tpu.vector_load %arg14[%swap3A_970] masked %eq3A_967 {strides = array<i32>} : memref<14336xi32, #tpu.memory_space<vmem>>, vector<16xi32>, vector<16xi1>
      tpu.vector_store %arg14[%swap3A_970], %sub3A_930 masked %eq3A_967 {strides = array<i32>} : memref<14336xi32, #tpu.memory_space<vmem>>, vector<16xi32>, vector<16xi1>
      %add3A_972 = arith.constant 7168 : i32
      %add3A_973 = arith.addi %add3A_972, %min3A_889 : i32
      %swap3A_974 = arith.index_cast %add3A_973 : i32 to index
      %swap3A_975 = tpu.vector_load %arg15[%swap3A_974] masked %eq3A_967 {strides = array<i32>} : memref<14336xi32, #tpu.memory_space<vmem>>, vector<16xi32>, vector<16xi1>
      tpu.vector_store %arg15[%swap3A_974], %get3A_909 masked %eq3A_967 {strides = array<i32>} : memref<14336xi32, #tpu.memory_space<vmem>>, vector<16xi32>, vector<16xi1>
      %all_reduce_population_count3A_976 = tpu.all_reduce %eq3A_967 {dim = 0 : i64, kind = #tpu.reduction_kind<sum>} : vector<16xi1> -> vector<16xi32>
      %slice3A_977 = vector.extract_strided_slice %all_reduce_population_count3A_976 {offsets = [0], sizes = [1], strides = [1]} : vector<16xi32> to vector<1xi32>
      %squeeze3A_978 = vector.extract %slice3A_977[0] : i32 from vector<1xi32>
      %add3A_979 = arith.addi %min3A_889, %squeeze3A_978 : i32
      %min3A_980 = arith.constant 3440 : i32
      %min3A_981 = arith.minsi %add3A_979, %min3A_980 : i32
      %eq3A_982 = arith.constant 3 : i32
      %eq3A_983 = vector.broadcast %eq3A_982 : i32 to vector<16xi32>
      %eq3A_984 = arith.cmpi eq, %add3A_926, %eq3A_983 : vector<16xi32>
      %add3A_985 = arith.constant 10752 : i32
      %add3A_986 = arith.addi %add3A_985, %min3A_906 : i32
      %swap3A_987 = arith.index_cast %add3A_986 : i32 to index
      %swap3A_988 = tpu.vector_load %arg14[%swap3A_987] masked %eq3A_984 {strides = array<i32>} : memref<14336xi32, #tpu.memory_space<vmem>>, vector<16xi32>, vector<16xi1>
      tpu.vector_store %arg14[%swap3A_987], %sub3A_930 masked %eq3A_984 {strides = array<i32>} : memref<14336xi32, #tpu.memory_space<vmem>>, vector<16xi32>, vector<16xi1>
      %add3A_989 = arith.constant 10752 : i32
      %add3A_990 = arith.addi %add3A_989, %min3A_906 : i32
      %swap3A_991 = arith.index_cast %add3A_990 : i32 to index
      %swap3A_992 = tpu.vector_load %arg15[%swap3A_991] masked %eq3A_984 {strides = array<i32>} : memref<14336xi32, #tpu.memory_space<vmem>>, vector<16xi32>, vector<16xi1>
      tpu.vector_store %arg15[%swap3A_991], %get3A_909 masked %eq3A_984 {strides = array<i32>} : memref<14336xi32, #tpu.memory_space<vmem>>, vector<16xi32>, vector<16xi1>
      %all_reduce_population_count3A_993 = tpu.all_reduce %eq3A_984 {dim = 0 : i64, kind = #tpu.reduction_kind<sum>} : vector<16xi1> -> vector<16xi32>
      %slice3A_994 = vector.extract_strided_slice %all_reduce_population_count3A_993 {offsets = [0], sizes = [1], strides = [1]} : vector<16xi32> to vector<1xi32>
      %squeeze3A_995 = vector.extract %slice3A_994[0] : i32 from vector<1xi32>
      %add3A_996 = arith.addi %min3A_906, %squeeze3A_995 : i32
      %min3A_997 = arith.constant 3440 : i32
      %min3A_998 = arith.minsi %add3A_996, %min3A_997 : i32
      %get3A_999 = arith.index_cast %scan3A_450 : i32 to index
      %get3A_1000 = arith.constant 96 : index
      %get3A_1001 = tpu.vector_load %arg10[%get3A_999, %get3A_1000] {strides = array<i32>} : memref<79x128xi32, #tpu.memory_space<vmem>>, vector<16xi32>,
      %get3A_1002 = arith.index_cast %scan3A_450 : i32 to index
      %get3A_1003 = arith.constant 96 : index
      %get3A_1004 = tpu.vector_load %arg9[%get3A_1002, %get3A_1003] {strides = array<i32>} : memref<79x128xi32, #tpu.memory_space<vmem>>, vector<16xi32>,
      tpu.vector_store_idx %arg11[%get3A_1001], %broadcast_in_dim3A_1 {add = true} : memref<16384xf32, #tpu.memory_space<vmem>>[vector<16xi32>], vector<16xf32>,
      %ge3A_1005 = arith.constant 2560 : i32
      %ge3A_1006 = vector.broadcast %ge3A_1005 : i32 to vector<16xi32>
      %ge3A_1007 = arith.cmpi sge, %get3A_1004, %ge3A_1006 : vector<16xi32>
      %convert_element_type3A_1008 = arith.extui %ge3A_1007 : vector<16xi1> to vector<16xi32>
      %ge3A_1009 = arith.constant 5120 : i32
      %ge3A_1010 = vector.broadcast %ge3A_1009 : i32 to vector<16xi32>
      %ge3A_1011 = arith.cmpi sge, %get3A_1004, %ge3A_1010 : vector<16xi32>
      %convert_element_type3A_1012 = arith.extui %ge3A_1011 : vector<16xi1> to vector<16xi32>
      %add3A_1013 = arith.addi %convert_element_type3A_1008, %convert_element_type3A_1012 : vector<16xi32>
      %ge3A_1014 = arith.constant 7680 : i32
      %ge3A_1015 = vector.broadcast %ge3A_1014 : i32 to vector<16xi32>
      %ge3A_1016 = arith.cmpi sge, %get3A_1004, %ge3A_1015 : vector<16xi32>
      %convert_element_type3A_1017 = arith.extui %ge3A_1016 : vector<16xi1> to vector<16xi32>
      %add3A_1018 = arith.addi %add3A_1013, %convert_element_type3A_1017 : vector<16xi32>
      %mul3A_1019 = arith.constant 2560 : i32
      %mul3A_1020 = vector.broadcast %mul3A_1019 : i32 to vector<16xi32>
      %mul3A_1021 = arith.muli %add3A_1018, %mul3A_1020 : vector<16xi32>
      %sub3A_1022 = arith.subi %get3A_1004, %mul3A_1021 : vector<16xi32>
      %eq3A_1023 = arith.constant 0 : i32
      %eq3A_1024 = vector.broadcast %eq3A_1023 : i32 to vector<16xi32>
      %eq3A_1025 = arith.cmpi eq, %add3A_1018, %eq3A_1024 : vector<16xi32>
      %add3A_1026 = arith.constant 0 : i32
      %add3A_1027 = arith.addi %add3A_1026, %min3A_947 : i32
      %swap3A_1028 = arith.index_cast %add3A_1027 : i32 to index
      %swap3A_1029 = tpu.vector_load %arg14[%swap3A_1028] masked %eq3A_1025 {strides = array<i32>} : memref<14336xi32, #tpu.memory_space<vmem>>, vector<16xi32>, vector<16xi1>
      tpu.vector_store %arg14[%swap3A_1028], %sub3A_1022 masked %eq3A_1025 {strides = array<i32>} : memref<14336xi32, #tpu.memory_space<vmem>>, vector<16xi32>, vector<16xi1>
      %add3A_1030 = arith.constant 0 : i32
      %add3A_1031 = arith.addi %add3A_1030, %min3A_947 : i32
      %swap3A_1032 = arith.index_cast %add3A_1031 : i32 to index
      %swap3A_1033 = tpu.vector_load %arg15[%swap3A_1032] masked %eq3A_1025 {strides = array<i32>} : memref<14336xi32, #tpu.memory_space<vmem>>, vector<16xi32>, vector<16xi1>
      tpu.vector_store %arg15[%swap3A_1032], %get3A_1001 masked %eq3A_1025 {strides = array<i32>} : memref<14336xi32, #tpu.memory_space<vmem>>, vector<16xi32>, vector<16xi1>
      %all_reduce_population_count3A_1034 = tpu.all_reduce %eq3A_1025 {dim = 0 : i64, kind = #tpu.reduction_kind<sum>} : vector<16xi1> -> vector<16xi32>
      %slice3A_1035 = vector.extract_strided_slice %all_reduce_population_count3A_1034 {offsets = [0], sizes = [1], strides = [1]} : vector<16xi32> to vector<1xi32>
      %squeeze3A_1036 = vector.extract %slice3A_1035[0] : i32 from vector<1xi32>
      %add3A_1037 = arith.addi %min3A_947, %squeeze3A_1036 : i32
      %min3A_1038 = arith.constant 3440 : i32
      %min3A_1039 = arith.minsi %add3A_1037, %min3A_1038 : i32
      %eq3A_1040 = arith.constant 1 : i32
      %eq3A_1041 = vector.broadcast %eq3A_1040 : i32 to vector<16xi32>
      %eq3A_1042 = arith.cmpi eq, %add3A_1018, %eq3A_1041 : vector<16xi32>
      %add3A_1043 = arith.constant 3584 : i32
      %add3A_1044 = arith.addi %add3A_1043, %min3A_964 : i32
      %swap3A_1045 = arith.index_cast %add3A_1044 : i32 to index
      %swap3A_1046 = tpu.vector_load %arg14[%swap3A_1045] masked %eq3A_1042 {strides = array<i32>} : memref<14336xi32, #tpu.memory_space<vmem>>, vector<16xi32>, vector<16xi1>
      tpu.vector_store %arg14[%swap3A_1045], %sub3A_1022 masked %eq3A_1042 {strides = array<i32>} : memref<14336xi32, #tpu.memory_space<vmem>>, vector<16xi32>, vector<16xi1>
      %add3A_1047 = arith.constant 3584 : i32
      %add3A_1048 = arith.addi %add3A_1047, %min3A_964 : i32
      %swap3A_1049 = arith.index_cast %add3A_1048 : i32 to index
      %swap3A_1050 = tpu.vector_load %arg15[%swap3A_1049] masked %eq3A_1042 {strides = array<i32>} : memref<14336xi32, #tpu.memory_space<vmem>>, vector<16xi32>, vector<16xi1>
      tpu.vector_store %arg15[%swap3A_1049], %get3A_1001 masked %eq3A_1042 {strides = array<i32>} : memref<14336xi32, #tpu.memory_space<vmem>>, vector<16xi32>, vector<16xi1>
      %all_reduce_population_count3A_1051 = tpu.all_reduce %eq3A_1042 {dim = 0 : i64, kind = #tpu.reduction_kind<sum>} : vector<16xi1> -> vector<16xi32>
      %slice3A_1052 = vector.extract_strided_slice %all_reduce_population_count3A_1051 {offsets = [0], sizes = [1], strides = [1]} : vector<16xi32> to vector<1xi32>
      %squeeze3A_1053 = vector.extract %slice3A_1052[0] : i32 from vector<1xi32>
      %add3A_1054 = arith.addi %min3A_964, %squeeze3A_1053 : i32
      %min3A_1055 = arith.constant 3440 : i32
      %min3A_1056 = arith.minsi %add3A_1054, %min3A_1055 : i32
      %eq3A_1057 = arith.constant 2 : i32
      %eq3A_1058 = vector.broadcast %eq3A_1057 : i32 to vector<16xi32>
      %eq3A_1059 = arith.cmpi eq, %add3A_1018, %eq3A_1058 : vector<16xi32>
      %add3A_1060 = arith.constant 7168 : i32
      %add3A_1061 = arith.addi %add3A_1060, %min3A_981 : i32
      %swap3A_1062 = arith.index_cast %add3A_1061 : i32 to index
      %swap3A_1063 = tpu.vector_load %arg14[%swap3A_1062] masked %eq3A_1059 {strides = array<i32>} : memref<14336xi32, #tpu.memory_space<vmem>>, vector<16xi32>, vector<16xi1>
      tpu.vector_store %arg14[%swap3A_1062], %sub3A_1022 masked %eq3A_1059 {strides = array<i32>} : memref<14336xi32, #tpu.memory_space<vmem>>, vector<16xi32>, vector<16xi1>
      %add3A_1064 = arith.constant 7168 : i32
      %add3A_1065 = arith.addi %add3A_1064, %min3A_981 : i32
      %swap3A_1066 = arith.index_cast %add3A_1065 : i32 to index
      %swap3A_1067 = tpu.vector_load %arg15[%swap3A_1066] masked %eq3A_1059 {strides = array<i32>} : memref<14336xi32, #tpu.memory_space<vmem>>, vector<16xi32>, vector<16xi1>
      tpu.vector_store %arg15[%swap3A_1066], %get3A_1001 masked %eq3A_1059 {strides = array<i32>} : memref<14336xi32, #tpu.memory_space<vmem>>, vector<16xi32>, vector<16xi1>
      %all_reduce_population_count3A_1068 = tpu.all_reduce %eq3A_1059 {dim = 0 : i64, kind = #tpu.reduction_kind<sum>} : vector<16xi1> -> vector<16xi32>
      %slice3A_1069 = vector.extract_strided_slice %all_reduce_population_count3A_1068 {offsets = [0], sizes = [1], strides = [1]} : vector<16xi32> to vector<1xi32>
      %squeeze3A_1070 = vector.extract %slice3A_1069[0] : i32 from vector<1xi32>
      %add3A_1071 = arith.addi %min3A_981, %squeeze3A_1070 : i32
      %min3A_1072 = arith.constant 3440 : i32
      %min3A_1073 = arith.minsi %add3A_1071, %min3A_1072 : i32
      %eq3A_1074 = arith.constant 3 : i32
      %eq3A_1075 = vector.broadcast %eq3A_1074 : i32 to vector<16xi32>
      %eq3A_1076 = arith.cmpi eq, %add3A_1018, %eq3A_1075 : vector<16xi32>
      %add3A_1077 = arith.constant 10752 : i32
      %add3A_1078 = arith.addi %add3A_1077, %min3A_998 : i32
      %swap3A_1079 = arith.index_cast %add3A_1078 : i32 to index
      %swap3A_1080 = tpu.vector_load %arg14[%swap3A_1079] masked %eq3A_1076 {strides = array<i32>} : memref<14336xi32, #tpu.memory_space<vmem>>, vector<16xi32>, vector<16xi1>
      tpu.vector_store %arg14[%swap3A_1079], %sub3A_1022 masked %eq3A_1076 {strides = array<i32>} : memref<14336xi32, #tpu.memory_space<vmem>>, vector<16xi32>, vector<16xi1>
      %add3A_1081 = arith.constant 10752 : i32
      %add3A_1082 = arith.addi %add3A_1081, %min3A_998 : i32
      %swap3A_1083 = arith.index_cast %add3A_1082 : i32 to index
      %swap3A_1084 = tpu.vector_load %arg15[%swap3A_1083] masked %eq3A_1076 {strides = array<i32>} : memref<14336xi32, #tpu.memory_space<vmem>>, vector<16xi32>, vector<16xi1>
      tpu.vector_store %arg15[%swap3A_1083], %get3A_1001 masked %eq3A_1076 {strides = array<i32>} : memref<14336xi32, #tpu.memory_space<vmem>>, vector<16xi32>, vector<16xi1>
      %all_reduce_population_count3A_1085 = tpu.all_reduce %eq3A_1076 {dim = 0 : i64, kind = #tpu.reduction_kind<sum>} : vector<16xi1> -> vector<16xi32>
      %slice3A_1086 = vector.extract_strided_slice %all_reduce_population_count3A_1085 {offsets = [0], sizes = [1], strides = [1]} : vector<16xi32> to vector<1xi32>
      %squeeze3A_1087 = vector.extract %slice3A_1086[0] : i32 from vector<1xi32>
      %add3A_1088 = arith.addi %min3A_998, %squeeze3A_1087 : i32
      %min3A_1089 = arith.constant 3440 : i32
      %min3A_1090 = arith.minsi %add3A_1088, %min3A_1089 : i32
      %get3A_1091 = arith.index_cast %scan3A_450 : i32 to index
      %get3A_1092 = arith.constant 112 : index
      %get3A_1093 = tpu.vector_load %arg10[%get3A_1091, %get3A_1092] {strides = array<i32>} : memref<79x128xi32, #tpu.memory_space<vmem>>, vector<16xi32>,
      %get3A_1094 = arith.index_cast %scan3A_450 : i32 to index
      %get3A_1095 = arith.constant 112 : index
      %get3A_1096 = tpu.vector_load %arg9[%get3A_1094, %get3A_1095] {strides = array<i32>} : memref<79x128xi32, #tpu.memory_space<vmem>>, vector<16xi32>,
      tpu.vector_store_idx %arg11[%get3A_1093], %broadcast_in_dim3A_1 {add = true} : memref<16384xf32, #tpu.memory_space<vmem>>[vector<16xi32>], vector<16xf32>,
      %ge3A_1097 = arith.constant 2560 : i32
      %ge3A_1098 = vector.broadcast %ge3A_1097 : i32 to vector<16xi32>
      %ge3A_1099 = arith.cmpi sge, %get3A_1096, %ge3A_1098 : vector<16xi32>
      %convert_element_type3A_1100 = arith.extui %ge3A_1099 : vector<16xi1> to vector<16xi32>
      %ge3A_1101 = arith.constant 5120 : i32
      %ge3A_1102 = vector.broadcast %ge3A_1101 : i32 to vector<16xi32>
      %ge3A_1103 = arith.cmpi sge, %get3A_1096, %ge3A_1102 : vector<16xi32>
      %convert_element_type3A_1104 = arith.extui %ge3A_1103 : vector<16xi1> to vector<16xi32>
      %add3A_1105 = arith.addi %convert_element_type3A_1100, %convert_element_type3A_1104 : vector<16xi32>
      %ge3A_1106 = arith.constant 7680 : i32
      %ge3A_1107 = vector.broadcast %ge3A_1106 : i32 to vector<16xi32>
      %ge3A_1108 = arith.cmpi sge, %get3A_1096, %ge3A_1107 : vector<16xi32>
      %convert_element_type3A_1109 = arith.extui %ge3A_1108 : vector<16xi1> to vector<16xi32>
      %add3A_1110 = arith.addi %add3A_1105, %convert_element_type3A_1109 : vector<16xi32>
      %mul3A_1111 = arith.constant 2560 : i32
      %mul3A_1112 = vector.broadcast %mul3A_1111 : i32 to vector<16xi32>
      %mul3A_1113 = arith.muli %add3A_1110, %mul3A_1112 : vector<16xi32>
      %sub3A_1114 = arith.subi %get3A_1096, %mul3A_1113 : vector<16xi32>
      %eq3A_1115 = arith.constant 0 : i32
      %eq3A_1116 = vector.broadcast %eq3A_1115 : i32 to vector<16xi32>
      %eq3A_1117 = arith.cmpi eq, %add3A_1110, %eq3A_1116 : vector<16xi32>
      %add3A_1118 = arith.constant 0 : i32
      %add3A_1119 = arith.addi %add3A_1118, %min3A_1039 : i32
      %swap3A_1120 = arith.index_cast %add3A_1119 : i32 to index
      %swap3A_1121 = tpu.vector_load %arg14[%swap3A_1120] masked %eq3A_1117 {strides = array<i32>} : memref<14336xi32, #tpu.memory_space<vmem>>, vector<16xi32>, vector<16xi1>
      tpu.vector_store %arg14[%swap3A_1120], %sub3A_1114 masked %eq3A_1117 {strides = array<i32>} : memref<14336xi32, #tpu.memory_space<vmem>>, vector<16xi32>, vector<16xi1>
      %add3A_1122 = arith.constant 0 : i32
      %add3A_1123 = arith.addi %add3A_1122, %min3A_1039 : i32
      %swap3A_1124 = arith.index_cast %add3A_1123 : i32 to index
      %swap3A_1125 = tpu.vector_load %arg15[%swap3A_1124] masked %eq3A_1117 {strides = array<i32>} : memref<14336xi32, #tpu.memory_space<vmem>>, vector<16xi32>, vector<16xi1>
      tpu.vector_store %arg15[%swap3A_1124], %get3A_1093 masked %eq3A_1117 {strides = array<i32>} : memref<14336xi32, #tpu.memory_space<vmem>>, vector<16xi32>, vector<16xi1>
      %all_reduce_population_count3A_1126 = tpu.all_reduce %eq3A_1117 {dim = 0 : i64, kind = #tpu.reduction_kind<sum>} : vector<16xi1> -> vector<16xi32>
      %slice3A_1127 = vector.extract_strided_slice %all_reduce_population_count3A_1126 {offsets = [0], sizes = [1], strides = [1]} : vector<16xi32> to vector<1xi32>
      %squeeze3A_1128 = vector.extract %slice3A_1127[0] : i32 from vector<1xi32>
      %add3A_1129 = arith.addi %min3A_1039, %squeeze3A_1128 : i32
      %min3A_1130 = arith.constant 3440 : i32
      %min3A_1131 = arith.minsi %add3A_1129, %min3A_1130 : i32
      %eq3A_1132 = arith.constant 1 : i32
      %eq3A_1133 = vector.broadcast %eq3A_1132 : i32 to vector<16xi32>
      %eq3A_1134 = arith.cmpi eq, %add3A_1110, %eq3A_1133 : vector<16xi32>
      %add3A_1135 = arith.constant 3584 : i32
      %add3A_1136 = arith.addi %add3A_1135, %min3A_1056 : i32
      %swap3A_1137 = arith.index_cast %add3A_1136 : i32 to index
      %swap3A_1138 = tpu.vector_load %arg14[%swap3A_1137] masked %eq3A_1134 {strides = array<i32>} : memref<14336xi32, #tpu.memory_space<vmem>>, vector<16xi32>, vector<16xi1>
      tpu.vector_store %arg14[%swap3A_1137], %sub3A_1114 masked %eq3A_1134 {strides = array<i32>} : memref<14336xi32, #tpu.memory_space<vmem>>, vector<16xi32>, vector<16xi1>
      %add3A_1139 = arith.constant 3584 : i32
      %add3A_1140 = arith.addi %add3A_1139, %min3A_1056 : i32
      %swap3A_1141 = arith.index_cast %add3A_1140 : i32 to index
      %swap3A_1142 = tpu.vector_load %arg15[%swap3A_1141] masked %eq3A_1134 {strides = array<i32>} : memref<14336xi32, #tpu.memory_space<vmem>>, vector<16xi32>, vector<16xi1>
      tpu.vector_store %arg15[%swap3A_1141], %get3A_1093 masked %eq3A_1134 {strides = array<i32>} : memref<14336xi32, #tpu.memory_space<vmem>>, vector<16xi32>, vector<16xi1>
      %all_reduce_population_count3A_1143 = tpu.all_reduce %eq3A_1134 {dim = 0 : i64, kind = #tpu.reduction_kind<sum>} : vector<16xi1> -> vector<16xi32>
      %slice3A_1144 = vector.extract_strided_slice %all_reduce_population_count3A_1143 {offsets = [0], sizes = [1], strides = [1]} : vector<16xi32> to vector<1xi32>
      %squeeze3A_1145 = vector.extract %slice3A_1144[0] : i32 from vector<1xi32>
      %add3A_1146 = arith.addi %min3A_1056, %squeeze3A_1145 : i32
      %min3A_1147 = arith.constant 3440 : i32
      %min3A_1148 = arith.minsi %add3A_1146, %min3A_1147 : i32
      %eq3A_1149 = arith.constant 2 : i32
      %eq3A_1150 = vector.broadcast %eq3A_1149 : i32 to vector<16xi32>
      %eq3A_1151 = arith.cmpi eq, %add3A_1110, %eq3A_1150 : vector<16xi32>
      %add3A_1152 = arith.constant 7168 : i32
      %add3A_1153 = arith.addi %add3A_1152, %min3A_1073 : i32
      %swap3A_1154 = arith.index_cast %add3A_1153 : i32 to index
      %swap3A_1155 = tpu.vector_load %arg14[%swap3A_1154] masked %eq3A_1151 {strides = array<i32>} : memref<14336xi32, #tpu.memory_space<vmem>>, vector<16xi32>, vector<16xi1>
      tpu.vector_store %arg14[%swap3A_1154], %sub3A_1114 masked %eq3A_1151 {strides = array<i32>} : memref<14336xi32, #tpu.memory_space<vmem>>, vector<16xi32>, vector<16xi1>
      %add3A_1156 = arith.constant 7168 : i32
      %add3A_1157 = arith.addi %add3A_1156, %min3A_1073 : i32
      %swap3A_1158 = arith.index_cast %add3A_1157 : i32 to index
      %swap3A_1159 = tpu.vector_load %arg15[%swap3A_1158] masked %eq3A_1151 {strides = array<i32>} : memref<14336xi32, #tpu.memory_space<vmem>>, vector<16xi32>, vector<16xi1>
      tpu.vector_store %arg15[%swap3A_1158], %get3A_1093 masked %eq3A_1151 {strides = array<i32>} : memref<14336xi32, #tpu.memory_space<vmem>>, vector<16xi32>, vector<16xi1>
      %all_reduce_population_count3A_1160 = tpu.all_reduce %eq3A_1151 {dim = 0 : i64, kind = #tpu.reduction_kind<sum>} : vector<16xi1> -> vector<16xi32>
      %slice3A_1161 = vector.extract_strided_slice %all_reduce_population_count3A_1160 {offsets = [0], sizes = [1], strides = [1]} : vector<16xi32> to vector<1xi32>
      %squeeze3A_1162 = vector.extract %slice3A_1161[0] : i32 from vector<1xi32>
      %add3A_1163 = arith.addi %min3A_1073, %squeeze3A_1162 : i32
      %min3A_1164 = arith.constant 3440 : i32
      %min3A_1165 = arith.minsi %add3A_1163, %min3A_1164 : i32
      %eq3A_1166 = arith.constant 3 : i32
      %eq3A_1167 = vector.broadcast %eq3A_1166 : i32 to vector<16xi32>
      %eq3A_1168 = arith.cmpi eq, %add3A_1110, %eq3A_1167 : vector<16xi32>
      %add3A_1169 = arith.constant 10752 : i32
      %add3A_1170 = arith.addi %add3A_1169, %min3A_1090 : i32
      %swap3A_1171 = arith.index_cast %add3A_1170 : i32 to index
      %swap3A_1172 = tpu.vector_load %arg14[%swap3A_1171] masked %eq3A_1168 {strides = array<i32>} : memref<14336xi32, #tpu.memory_space<vmem>>, vector<16xi32>, vector<16xi1>
      tpu.vector_store %arg14[%swap3A_1171], %sub3A_1114 masked %eq3A_1168 {strides = array<i32>} : memref<14336xi32, #tpu.memory_space<vmem>>, vector<16xi32>, vector<16xi1>
      %add3A_1173 = arith.constant 10752 : i32
      %add3A_1174 = arith.addi %add3A_1173, %min3A_1090 : i32
      %swap3A_1175 = arith.index_cast %add3A_1174 : i32 to index
      %swap3A_1176 = tpu.vector_load %arg15[%swap3A_1175] masked %eq3A_1168 {strides = array<i32>} : memref<14336xi32, #tpu.memory_space<vmem>>, vector<16xi32>, vector<16xi1>
      tpu.vector_store %arg15[%swap3A_1175], %get3A_1093 masked %eq3A_1168 {strides = array<i32>} : memref<14336xi32, #tpu.memory_space<vmem>>, vector<16xi32>, vector<16xi1>
      %all_reduce_population_count3A_1177 = tpu.all_reduce %eq3A_1168 {dim = 0 : i64, kind = #tpu.reduction_kind<sum>} : vector<16xi1> -> vector<16xi32>
      %slice3A_1178 = vector.extract_strided_slice %all_reduce_population_count3A_1177 {offsets = [0], sizes = [1], strides = [1]} : vector<16xi32> to vector<1xi32>
      %squeeze3A_1179 = vector.extract %slice3A_1178[0] : i32 from vector<1xi32>
      %add3A_1180 = arith.addi %min3A_1090, %squeeze3A_1179 : i32
      %min3A_1181 = arith.constant 3440 : i32
      %min3A_1182 = arith.minsi %add3A_1180, %min3A_1181 : i32
      scf.yield %min3A_1131, %min3A_1148, %min3A_1165, %min3A_1182 : i32, i32, i32, i32
    }
    %scan3A_10 = arith.constant 79 : i32
    %broadcast_in_dim3A_11 = arith.constant 0 : i32
    %broadcast_in_dim3A_12 = vector.broadcast %broadcast_in_dim3A_11 : i32 to vector<16xi32>
    %broadcast_in_dim3A_13 = arith.constant 10104 : i32
    %broadcast_in_dim3A_14 = vector.broadcast %broadcast_in_dim3A_13 : i32 to vector<16xi32>
    %add3A_15 = arith.constant 0 : i32
    %add3A_16 = arith.addi %add3A_15, %scan3A_9#0 : i32
    %add3A_17 = arith.constant 0 : i32
    %add3A_18 = arith.addi %add3A_16, %add3A_17 : i32
    %swap3A = arith.index_cast %add3A_18 : i32 to index
    %swap3A_19 = tpu.vector_load %arg14[%swap3A] {strides = array<i32>} : memref<14336xi32, #tpu.memory_space<vmem>>, vector<16xi32>,
    tpu.vector_store %arg14[%swap3A], %broadcast_in_dim3A_12 {strides = array<i32>} : memref<14336xi32, #tpu.memory_space<vmem>>, vector<16xi32>,
    %add3A_20 = arith.constant 0 : i32
    %add3A_21 = arith.addi %add3A_20, %scan3A_9#0 : i32
    %add3A_22 = arith.constant 0 : i32
    %add3A_23 = arith.addi %add3A_21, %add3A_22 : i32
    %swap3A_24 = arith.index_cast %add3A_23 : i32 to index
    %swap3A_25 = tpu.vector_load %arg15[%swap3A_24] {strides = array<i32>} : memref<14336xi32, #tpu.memory_space<vmem>>, vector<16xi32>,
    tpu.vector_store %arg15[%swap3A_24], %broadcast_in_dim3A_14 {strides = array<i32>} : memref<14336xi32, #tpu.memory_space<vmem>>, vector<16xi32>,
    %add3A_26 = arith.constant 0 : i32
    %add3A_27 = arith.addi %add3A_26, %scan3A_9#0 : i32
    %add3A_28 = arith.constant 16 : i32
    %add3A_29 = arith.addi %add3A_27, %add3A_28 : i32
    %swap3A_30 = arith.index_cast %add3A_29 : i32 to index
    %swap3A_31 = tpu.vector_load %arg14[%swap3A_30] {strides = array<i32>} : memref<14336xi32, #tpu.memory_space<vmem>>, vector<16xi32>,
    tpu.vector_store %arg14[%swap3A_30], %broadcast_in_dim3A_12 {strides = array<i32>} : memref<14336xi32, #tpu.memory_space<vmem>>, vector<16xi32>,
    %add3A_32 = arith.constant 0 : i32
    %add3A_33 = arith.addi %add3A_32, %scan3A_9#0 : i32
    %add3A_34 = arith.constant 16 : i32
    %add3A_35 = arith.addi %add3A_33, %add3A_34 : i32
    %swap3A_36 = arith.index_cast %add3A_35 : i32 to index
    %swap3A_37 = tpu.vector_load %arg15[%swap3A_36] {strides = array<i32>} : memref<14336xi32, #tpu.memory_space<vmem>>, vector<16xi32>,
    tpu.vector_store %arg15[%swap3A_36], %broadcast_in_dim3A_14 {strides = array<i32>} : memref<14336xi32, #tpu.memory_space<vmem>>, vector<16xi32>,
    %add3A_38 = arith.constant 0 : i32
    %add3A_39 = arith.addi %add3A_38, %scan3A_9#0 : i32
    %add3A_40 = arith.constant 32 : i32
    %add3A_41 = arith.addi %add3A_39, %add3A_40 : i32
    %swap3A_42 = arith.index_cast %add3A_41 : i32 to index
    %swap3A_43 = tpu.vector_load %arg14[%swap3A_42] {strides = array<i32>} : memref<14336xi32, #tpu.memory_space<vmem>>, vector<16xi32>,
    tpu.vector_store %arg14[%swap3A_42], %broadcast_in_dim3A_12 {strides = array<i32>} : memref<14336xi32, #tpu.memory_space<vmem>>, vector<16xi32>,
    %add3A_44 = arith.constant 0 : i32
    %add3A_45 = arith.addi %add3A_44, %scan3A_9#0 : i32
    %add3A_46 = arith.constant 32 : i32
    %add3A_47 = arith.addi %add3A_45, %add3A_46 : i32
    %swap3A_48 = arith.index_cast %add3A_47 : i32 to index
    %swap3A_49 = tpu.vector_load %arg15[%swap3A_48] {strides = array<i32>} : memref<14336xi32, #tpu.memory_space<vmem>>, vector<16xi32>,
    tpu.vector_store %arg15[%swap3A_48], %broadcast_in_dim3A_14 {strides = array<i32>} : memref<14336xi32, #tpu.memory_space<vmem>>, vector<16xi32>,
    %add3A_50 = arith.constant 0 : i32
    %add3A_51 = arith.addi %add3A_50, %scan3A_9#0 : i32
    %add3A_52 = arith.constant 48 : i32
    %add3A_53 = arith.addi %add3A_51, %add3A_52 : i32
    %swap3A_54 = arith.index_cast %add3A_53 : i32 to index
    %swap3A_55 = tpu.vector_load %arg14[%swap3A_54] {strides = array<i32>} : memref<14336xi32, #tpu.memory_space<vmem>>, vector<16xi32>,
    tpu.vector_store %arg14[%swap3A_54], %broadcast_in_dim3A_12 {strides = array<i32>} : memref<14336xi32, #tpu.memory_space<vmem>>, vector<16xi32>,
    %add3A_56 = arith.constant 0 : i32
    %add3A_57 = arith.addi %add3A_56, %scan3A_9#0 : i32
    %add3A_58 = arith.constant 48 : i32
    %add3A_59 = arith.addi %add3A_57, %add3A_58 : i32
    %swap3A_60 = arith.index_cast %add3A_59 : i32 to index
    %swap3A_61 = tpu.vector_load %arg15[%swap3A_60] {strides = array<i32>} : memref<14336xi32, #tpu.memory_space<vmem>>, vector<16xi32>,
    tpu.vector_store %arg15[%swap3A_60], %broadcast_in_dim3A_14 {strides = array<i32>} : memref<14336xi32, #tpu.memory_space<vmem>>, vector<16xi32>,
    %add3A_62 = arith.constant 0 : i32
    %add3A_63 = arith.addi %add3A_62, %scan3A_9#0 : i32
    %add3A_64 = arith.constant 64 : i32
    %add3A_65 = arith.addi %add3A_63, %add3A_64 : i32
    %swap3A_66 = arith.index_cast %add3A_65 : i32 to index
    %swap3A_67 = tpu.vector_load %arg14[%swap3A_66] {strides = array<i32>} : memref<14336xi32, #tpu.memory_space<vmem>>, vector<16xi32>,
    tpu.vector_store %arg14[%swap3A_66], %broadcast_in_dim3A_12 {strides = array<i32>} : memref<14336xi32, #tpu.memory_space<vmem>>, vector<16xi32>,
    %add3A_68 = arith.constant 0 : i32
    %add3A_69 = arith.addi %add3A_68, %scan3A_9#0 : i32
    %add3A_70 = arith.constant 64 : i32
    %add3A_71 = arith.addi %add3A_69, %add3A_70 : i32
    %swap3A_72 = arith.index_cast %add3A_71 : i32 to index
    %swap3A_73 = tpu.vector_load %arg15[%swap3A_72] {strides = array<i32>} : memref<14336xi32, #tpu.memory_space<vmem>>, vector<16xi32>,
    tpu.vector_store %arg15[%swap3A_72], %broadcast_in_dim3A_14 {strides = array<i32>} : memref<14336xi32, #tpu.memory_space<vmem>>, vector<16xi32>,
    %add3A_74 = arith.constant 0 : i32
    %add3A_75 = arith.addi %add3A_74, %scan3A_9#0 : i32
    %add3A_76 = arith.constant 80 : i32
    %add3A_77 = arith.addi %add3A_75, %add3A_76 : i32
    %swap3A_78 = arith.index_cast %add3A_77 : i32 to index
    %swap3A_79 = tpu.vector_load %arg14[%swap3A_78] {strides = array<i32>} : memref<14336xi32, #tpu.memory_space<vmem>>, vector<16xi32>,
    tpu.vector_store %arg14[%swap3A_78], %broadcast_in_dim3A_12 {strides = array<i32>} : memref<14336xi32, #tpu.memory_space<vmem>>, vector<16xi32>,
    %add3A_80 = arith.constant 0 : i32
    %add3A_81 = arith.addi %add3A_80, %scan3A_9#0 : i32
    %add3A_82 = arith.constant 80 : i32
    %add3A_83 = arith.addi %add3A_81, %add3A_82 : i32
    %swap3A_84 = arith.index_cast %add3A_83 : i32 to index
    %swap3A_85 = tpu.vector_load %arg15[%swap3A_84] {strides = array<i32>} : memref<14336xi32, #tpu.memory_space<vmem>>, vector<16xi32>,
    tpu.vector_store %arg15[%swap3A_84], %broadcast_in_dim3A_14 {strides = array<i32>} : memref<14336xi32, #tpu.memory_space<vmem>>, vector<16xi32>,
    %add3A_86 = arith.constant 0 : i32
    %add3A_87 = arith.addi %add3A_86, %scan3A_9#0 : i32
    %add3A_88 = arith.constant 96 : i32
    %add3A_89 = arith.addi %add3A_87, %add3A_88 : i32
    %swap3A_90 = arith.index_cast %add3A_89 : i32 to index
    %swap3A_91 = tpu.vector_load %arg14[%swap3A_90] {strides = array<i32>} : memref<14336xi32, #tpu.memory_space<vmem>>, vector<16xi32>,
    tpu.vector_store %arg14[%swap3A_90], %broadcast_in_dim3A_12 {strides = array<i32>} : memref<14336xi32, #tpu.memory_space<vmem>>, vector<16xi32>,
    %add3A_92 = arith.constant 0 : i32
    %add3A_93 = arith.addi %add3A_92, %scan3A_9#0 : i32
    %add3A_94 = arith.constant 96 : i32
    %add3A_95 = arith.addi %add3A_93, %add3A_94 : i32
    %swap3A_96 = arith.index_cast %add3A_95 : i32 to index
    %swap3A_97 = tpu.vector_load %arg15[%swap3A_96] {strides = array<i32>} : memref<14336xi32, #tpu.memory_space<vmem>>, vector<16xi32>,
    tpu.vector_store %arg15[%swap3A_96], %broadcast_in_dim3A_14 {strides = array<i32>} : memref<14336xi32, #tpu.memory_space<vmem>>, vector<16xi32>,
    %add3A_98 = arith.constant 0 : i32
    %add3A_99 = arith.addi %add3A_98, %scan3A_9#0 : i32
    %add3A_100 = arith.constant 112 : i32
    %add3A_101 = arith.addi %add3A_99, %add3A_100 : i32
    %swap3A_102 = arith.index_cast %add3A_101 : i32 to index
    %swap3A_103 = tpu.vector_load %arg14[%swap3A_102] {strides = array<i32>} : memref<14336xi32, #tpu.memory_space<vmem>>, vector<16xi32>,
    tpu.vector_store %arg14[%swap3A_102], %broadcast_in_dim3A_12 {strides = array<i32>} : memref<14336xi32, #tpu.memory_space<vmem>>, vector<16xi32>,
    %add3A_104 = arith.constant 0 : i32
    %add3A_105 = arith.addi %add3A_104, %scan3A_9#0 : i32
    %add3A_106 = arith.constant 112 : i32
    %add3A_107 = arith.addi %add3A_105, %add3A_106 : i32
    %swap3A_108 = arith.index_cast %add3A_107 : i32 to index
    %swap3A_109 = tpu.vector_load %arg15[%swap3A_108] {strides = array<i32>} : memref<14336xi32, #tpu.memory_space<vmem>>, vector<16xi32>,
    tpu.vector_store %arg15[%swap3A_108], %broadcast_in_dim3A_14 {strides = array<i32>} : memref<14336xi32, #tpu.memory_space<vmem>>, vector<16xi32>,
    %add3A_110 = arith.constant 128 : i32
    %add3A_111 = arith.addi %scan3A_9#0, %add3A_110 : i32
    %sub3A = arith.constant 1 : i32
    %sub3A_112 = arith.subi %add3A_111, %sub3A : i32
    %and3A = arith.constant -128 : i32
    %and3A_113 = arith.andi %sub3A_112, %and3A : i32
    %broadcast_in_dim3A_114 = vector.broadcast %and3A_113 : i32 to vector<16xi32>
    %swap3A_115 = arith.constant 0 : i32
    %swap3A_116 = arith.index_cast %swap3A_115 : i32 to index
    %swap3A_117 = arith.constant 0 : index
    %swap3A_118 = tpu.vector_load %arg16[%swap3A_116, %swap3A_117] {strides = array<i32>} : memref<4x16xi32, #tpu.memory_space<vmem>>, vector<16xi32>,
    tpu.vector_store %arg16[%swap3A_116, %swap3A_117], %broadcast_in_dim3A_114 {strides = array<i32>} : memref<4x16xi32, #tpu.memory_space<vmem>>, vector<16xi32>,
    %add3A_119 = arith.constant 3584 : i32
    %add3A_120 = arith.addi %add3A_119, %scan3A_9#1 : i32
    %add3A_121 = arith.constant 0 : i32
    %add3A_122 = arith.addi %add3A_120, %add3A_121 : i32
    %swap3A_123 = arith.index_cast %add3A_122 : i32 to index
    %swap3A_124 = tpu.vector_load %arg14[%swap3A_123] {strides = array<i32>} : memref<14336xi32, #tpu.memory_space<vmem>>, vector<16xi32>,
    tpu.vector_store %arg14[%swap3A_123], %broadcast_in_dim3A_12 {strides = array<i32>} : memref<14336xi32, #tpu.memory_space<vmem>>, vector<16xi32>,
    %add3A_125 = arith.constant 3584 : i32
    %add3A_126 = arith.addi %add3A_125, %scan3A_9#1 : i32
    %add3A_127 = arith.constant 0 : i32
    %add3A_128 = arith.addi %add3A_126, %add3A_127 : i32
    %swap3A_129 = arith.index_cast %add3A_128 : i32 to index
    %swap3A_130 = tpu.vector_load %arg15[%swap3A_129] {strides = array<i32>} : memref<14336xi32, #tpu.memory_space<vmem>>, vector<16xi32>,
    tpu.vector_store %arg15[%swap3A_129], %broadcast_in_dim3A_14 {strides = array<i32>} : memref<14336xi32, #tpu.memory_space<vmem>>, vector<16xi32>,
    %add3A_131 = arith.constant 3584 : i32
    %add3A_132 = arith.addi %add3A_131, %scan3A_9#1 : i32
    %add3A_133 = arith.constant 16 : i32
    %add3A_134 = arith.addi %add3A_132, %add3A_133 : i32
    %swap3A_135 = arith.index_cast %add3A_134 : i32 to index
    %swap3A_136 = tpu.vector_load %arg14[%swap3A_135] {strides = array<i32>} : memref<14336xi32, #tpu.memory_space<vmem>>, vector<16xi32>,
    tpu.vector_store %arg14[%swap3A_135], %broadcast_in_dim3A_12 {strides = array<i32>} : memref<14336xi32, #tpu.memory_space<vmem>>, vector<16xi32>,
    %add3A_137 = arith.constant 3584 : i32
    %add3A_138 = arith.addi %add3A_137, %scan3A_9#1 : i32
    %add3A_139 = arith.constant 16 : i32
    %add3A_140 = arith.addi %add3A_138, %add3A_139 : i32
    %swap3A_141 = arith.index_cast %add3A_140 : i32 to index
    %swap3A_142 = tpu.vector_load %arg15[%swap3A_141] {strides = array<i32>} : memref<14336xi32, #tpu.memory_space<vmem>>, vector<16xi32>,
    tpu.vector_store %arg15[%swap3A_141], %broadcast_in_dim3A_14 {strides = array<i32>} : memref<14336xi32, #tpu.memory_space<vmem>>, vector<16xi32>,
    %add3A_143 = arith.constant 3584 : i32
    %add3A_144 = arith.addi %add3A_143, %scan3A_9#1 : i32
    %add3A_145 = arith.constant 32 : i32
    %add3A_146 = arith.addi %add3A_144, %add3A_145 : i32
    %swap3A_147 = arith.index_cast %add3A_146 : i32 to index
    %swap3A_148 = tpu.vector_load %arg14[%swap3A_147] {strides = array<i32>} : memref<14336xi32, #tpu.memory_space<vmem>>, vector<16xi32>,
    tpu.vector_store %arg14[%swap3A_147], %broadcast_in_dim3A_12 {strides = array<i32>} : memref<14336xi32, #tpu.memory_space<vmem>>, vector<16xi32>,
    %add3A_149 = arith.constant 3584 : i32
    %add3A_150 = arith.addi %add3A_149, %scan3A_9#1 : i32
    %add3A_151 = arith.constant 32 : i32
    %add3A_152 = arith.addi %add3A_150, %add3A_151 : i32
    %swap3A_153 = arith.index_cast %add3A_152 : i32 to index
    %swap3A_154 = tpu.vector_load %arg15[%swap3A_153] {strides = array<i32>} : memref<14336xi32, #tpu.memory_space<vmem>>, vector<16xi32>,
    tpu.vector_store %arg15[%swap3A_153], %broadcast_in_dim3A_14 {strides = array<i32>} : memref<14336xi32, #tpu.memory_space<vmem>>, vector<16xi32>,
    %add3A_155 = arith.constant 3584 : i32
    %add3A_156 = arith.addi %add3A_155, %scan3A_9#1 : i32
    %add3A_157 = arith.constant 48 : i32
    %add3A_158 = arith.addi %add3A_156, %add3A_157 : i32
    %swap3A_159 = arith.index_cast %add3A_158 : i32 to index
    %swap3A_160 = tpu.vector_load %arg14[%swap3A_159] {strides = array<i32>} : memref<14336xi32, #tpu.memory_space<vmem>>, vector<16xi32>,
    tpu.vector_store %arg14[%swap3A_159], %broadcast_in_dim3A_12 {strides = array<i32>} : memref<14336xi32, #tpu.memory_space<vmem>>, vector<16xi32>,
    %add3A_161 = arith.constant 3584 : i32
    %add3A_162 = arith.addi %add3A_161, %scan3A_9#1 : i32
    %add3A_163 = arith.constant 48 : i32
    %add3A_164 = arith.addi %add3A_162, %add3A_163 : i32
    %swap3A_165 = arith.index_cast %add3A_164 : i32 to index
    %swap3A_166 = tpu.vector_load %arg15[%swap3A_165] {strides = array<i32>} : memref<14336xi32, #tpu.memory_space<vmem>>, vector<16xi32>,
    tpu.vector_store %arg15[%swap3A_165], %broadcast_in_dim3A_14 {strides = array<i32>} : memref<14336xi32, #tpu.memory_space<vmem>>, vector<16xi32>,
    %add3A_167 = arith.constant 3584 : i32
    %add3A_168 = arith.addi %add3A_167, %scan3A_9#1 : i32
    %add3A_169 = arith.constant 64 : i32
    %add3A_170 = arith.addi %add3A_168, %add3A_169 : i32
    %swap3A_171 = arith.index_cast %add3A_170 : i32 to index
    %swap3A_172 = tpu.vector_load %arg14[%swap3A_171] {strides = array<i32>} : memref<14336xi32, #tpu.memory_space<vmem>>, vector<16xi32>,
    tpu.vector_store %arg14[%swap3A_171], %broadcast_in_dim3A_12 {strides = array<i32>} : memref<14336xi32, #tpu.memory_space<vmem>>, vector<16xi32>,
    %add3A_173 = arith.constant 3584 : i32
    %add3A_174 = arith.addi %add3A_173, %scan3A_9#1 : i32
    %add3A_175 = arith.constant 64 : i32
    %add3A_176 = arith.addi %add3A_174, %add3A_175 : i32
    %swap3A_177 = arith.index_cast %add3A_176 : i32 to index
    %swap3A_178 = tpu.vector_load %arg15[%swap3A_177] {strides = array<i32>} : memref<14336xi32, #tpu.memory_space<vmem>>, vector<16xi32>,
    tpu.vector_store %arg15[%swap3A_177], %broadcast_in_dim3A_14 {strides = array<i32>} : memref<14336xi32, #tpu.memory_space<vmem>>, vector<16xi32>,
    %add3A_179 = arith.constant 3584 : i32
    %add3A_180 = arith.addi %add3A_179, %scan3A_9#1 : i32
    %add3A_181 = arith.constant 80 : i32
    %add3A_182 = arith.addi %add3A_180, %add3A_181 : i32
    %swap3A_183 = arith.index_cast %add3A_182 : i32 to index
    %swap3A_184 = tpu.vector_load %arg14[%swap3A_183] {strides = array<i32>} : memref<14336xi32, #tpu.memory_space<vmem>>, vector<16xi32>,
    tpu.vector_store %arg14[%swap3A_183], %broadcast_in_dim3A_12 {strides = array<i32>} : memref<14336xi32, #tpu.memory_space<vmem>>, vector<16xi32>,
    %add3A_185 = arith.constant 3584 : i32
    %add3A_186 = arith.addi %add3A_185, %scan3A_9#1 : i32
    %add3A_187 = arith.constant 80 : i32
    %add3A_188 = arith.addi %add3A_186, %add3A_187 : i32
    %swap3A_189 = arith.index_cast %add3A_188 : i32 to index
    %swap3A_190 = tpu.vector_load %arg15[%swap3A_189] {strides = array<i32>} : memref<14336xi32, #tpu.memory_space<vmem>>, vector<16xi32>,
    tpu.vector_store %arg15[%swap3A_189], %broadcast_in_dim3A_14 {strides = array<i32>} : memref<14336xi32, #tpu.memory_space<vmem>>, vector<16xi32>,
    %add3A_191 = arith.constant 3584 : i32
    %add3A_192 = arith.addi %add3A_191, %scan3A_9#1 : i32
    %add3A_193 = arith.constant 96 : i32
    %add3A_194 = arith.addi %add3A_192, %add3A_193 : i32
    %swap3A_195 = arith.index_cast %add3A_194 : i32 to index
    %swap3A_196 = tpu.vector_load %arg14[%swap3A_195] {strides = array<i32>} : memref<14336xi32, #tpu.memory_space<vmem>>, vector<16xi32>,
    tpu.vector_store %arg14[%swap3A_195], %broadcast_in_dim3A_12 {strides = array<i32>} : memref<14336xi32, #tpu.memory_space<vmem>>, vector<16xi32>,
    %add3A_197 = arith.constant 3584 : i32
    %add3A_198 = arith.addi %add3A_197, %scan3A_9#1 : i32
    %add3A_199 = arith.constant 96 : i32
    %add3A_200 = arith.addi %add3A_198, %add3A_199 : i32
    %swap3A_201 = arith.index_cast %add3A_200 : i32 to index
    %swap3A_202 = tpu.vector_load %arg15[%swap3A_201] {strides = array<i32>} : memref<14336xi32, #tpu.memory_space<vmem>>, vector<16xi32>,
    tpu.vector_store %arg15[%swap3A_201], %broadcast_in_dim3A_14 {strides = array<i32>} : memref<14336xi32, #tpu.memory_space<vmem>>, vector<16xi32>,
    %add3A_203 = arith.constant 3584 : i32
    %add3A_204 = arith.addi %add3A_203, %scan3A_9#1 : i32
    %add3A_205 = arith.constant 112 : i32
    %add3A_206 = arith.addi %add3A_204, %add3A_205 : i32
    %swap3A_207 = arith.index_cast %add3A_206 : i32 to index
    %swap3A_208 = tpu.vector_load %arg14[%swap3A_207] {strides = array<i32>} : memref<14336xi32, #tpu.memory_space<vmem>>, vector<16xi32>,
    tpu.vector_store %arg14[%swap3A_207], %broadcast_in_dim3A_12 {strides = array<i32>} : memref<14336xi32, #tpu.memory_space<vmem>>, vector<16xi32>,
    %add3A_209 = arith.constant 3584 : i32
    %add3A_210 = arith.addi %add3A_209, %scan3A_9#1 : i32
    %add3A_211 = arith.constant 112 : i32
    %add3A_212 = arith.addi %add3A_210, %add3A_211 : i32
    %swap3A_213 = arith.index_cast %add3A_212 : i32 to index
    %swap3A_214 = tpu.vector_load %arg15[%swap3A_213] {strides = array<i32>} : memref<14336xi32, #tpu.memory_space<vmem>>, vector<16xi32>,
    tpu.vector_store %arg15[%swap3A_213], %broadcast_in_dim3A_14 {strides = array<i32>} : memref<14336xi32, #tpu.memory_space<vmem>>, vector<16xi32>,
    %add3A_215 = arith.constant 128 : i32
    %add3A_216 = arith.addi %scan3A_9#1, %add3A_215 : i32
    %sub3A_217 = arith.constant 1 : i32
    %sub3A_218 = arith.subi %add3A_216, %sub3A_217 : i32
    %and3A_219 = arith.constant -128 : i32
    %and3A_220 = arith.andi %sub3A_218, %and3A_219 : i32
    %broadcast_in_dim3A_221 = vector.broadcast %and3A_220 : i32 to vector<16xi32>
    %swap3A_222 = arith.constant 1 : i32
    %swap3A_223 = arith.index_cast %swap3A_222 : i32 to index
    %swap3A_224 = arith.constant 0 : index
    %swap3A_225 = tpu.vector_load %arg16[%swap3A_223, %swap3A_224] {strides = array<i32>} : memref<4x16xi32, #tpu.memory_space<vmem>>, vector<16xi32>,
    tpu.vector_store %arg16[%swap3A_223, %swap3A_224], %broadcast_in_dim3A_221 {strides = array<i32>} : memref<4x16xi32, #tpu.memory_space<vmem>>, vector<16xi32>,
    %add3A_226 = arith.constant 7168 : i32
    %add3A_227 = arith.addi %add3A_226, %scan3A_9#2 : i32
    %add3A_228 = arith.constant 0 : i32
    %add3A_229 = arith.addi %add3A_227, %add3A_228 : i32
    %swap3A_230 = arith.index_cast %add3A_229 : i32 to index
    %swap3A_231 = tpu.vector_load %arg14[%swap3A_230] {strides = array<i32>} : memref<14336xi32, #tpu.memory_space<vmem>>, vector<16xi32>,
    tpu.vector_store %arg14[%swap3A_230], %broadcast_in_dim3A_12 {strides = array<i32>} : memref<14336xi32, #tpu.memory_space<vmem>>, vector<16xi32>,
    %add3A_232 = arith.constant 7168 : i32
    %add3A_233 = arith.addi %add3A_232, %scan3A_9#2 : i32
    %add3A_234 = arith.constant 0 : i32
    %add3A_235 = arith.addi %add3A_233, %add3A_234 : i32
    %swap3A_236 = arith.index_cast %add3A_235 : i32 to index
    %swap3A_237 = tpu.vector_load %arg15[%swap3A_236] {strides = array<i32>} : memref<14336xi32, #tpu.memory_space<vmem>>, vector<16xi32>,
    tpu.vector_store %arg15[%swap3A_236], %broadcast_in_dim3A_14 {strides = array<i32>} : memref<14336xi32, #tpu.memory_space<vmem>>, vector<16xi32>,
    %add3A_238 = arith.constant 7168 : i32
    %add3A_239 = arith.addi %add3A_238, %scan3A_9#2 : i32
    %add3A_240 = arith.constant 16 : i32
    %add3A_241 = arith.addi %add3A_239, %add3A_240 : i32
    %swap3A_242 = arith.index_cast %add3A_241 : i32 to index
    %swap3A_243 = tpu.vector_load %arg14[%swap3A_242] {strides = array<i32>} : memref<14336xi32, #tpu.memory_space<vmem>>, vector<16xi32>,
    tpu.vector_store %arg14[%swap3A_242], %broadcast_in_dim3A_12 {strides = array<i32>} : memref<14336xi32, #tpu.memory_space<vmem>>, vector<16xi32>,
    %add3A_244 = arith.constant 7168 : i32
    %add3A_245 = arith.addi %add3A_244, %scan3A_9#2 : i32
    %add3A_246 = arith.constant 16 : i32
    %add3A_247 = arith.addi %add3A_245, %add3A_246 : i32
    %swap3A_248 = arith.index_cast %add3A_247 : i32 to index
    %swap3A_249 = tpu.vector_load %arg15[%swap3A_248] {strides = array<i32>} : memref<14336xi32, #tpu.memory_space<vmem>>, vector<16xi32>,
    tpu.vector_store %arg15[%swap3A_248], %broadcast_in_dim3A_14 {strides = array<i32>} : memref<14336xi32, #tpu.memory_space<vmem>>, vector<16xi32>,
    %add3A_250 = arith.constant 7168 : i32
    %add3A_251 = arith.addi %add3A_250, %scan3A_9#2 : i32
    %add3A_252 = arith.constant 32 : i32
    %add3A_253 = arith.addi %add3A_251, %add3A_252 : i32
    %swap3A_254 = arith.index_cast %add3A_253 : i32 to index
    %swap3A_255 = tpu.vector_load %arg14[%swap3A_254] {strides = array<i32>} : memref<14336xi32, #tpu.memory_space<vmem>>, vector<16xi32>,
    tpu.vector_store %arg14[%swap3A_254], %broadcast_in_dim3A_12 {strides = array<i32>} : memref<14336xi32, #tpu.memory_space<vmem>>, vector<16xi32>,
    %add3A_256 = arith.constant 7168 : i32
    %add3A_257 = arith.addi %add3A_256, %scan3A_9#2 : i32
    %add3A_258 = arith.constant 32 : i32
    %add3A_259 = arith.addi %add3A_257, %add3A_258 : i32
    %swap3A_260 = arith.index_cast %add3A_259 : i32 to index
    %swap3A_261 = tpu.vector_load %arg15[%swap3A_260] {strides = array<i32>} : memref<14336xi32, #tpu.memory_space<vmem>>, vector<16xi32>,
    tpu.vector_store %arg15[%swap3A_260], %broadcast_in_dim3A_14 {strides = array<i32>} : memref<14336xi32, #tpu.memory_space<vmem>>, vector<16xi32>,
    %add3A_262 = arith.constant 7168 : i32
    %add3A_263 = arith.addi %add3A_262, %scan3A_9#2 : i32
    %add3A_264 = arith.constant 48 : i32
    %add3A_265 = arith.addi %add3A_263, %add3A_264 : i32
    %swap3A_266 = arith.index_cast %add3A_265 : i32 to index
    %swap3A_267 = tpu.vector_load %arg14[%swap3A_266] {strides = array<i32>} : memref<14336xi32, #tpu.memory_space<vmem>>, vector<16xi32>,
    tpu.vector_store %arg14[%swap3A_266], %broadcast_in_dim3A_12 {strides = array<i32>} : memref<14336xi32, #tpu.memory_space<vmem>>, vector<16xi32>,
    %add3A_268 = arith.constant 7168 : i32
    %add3A_269 = arith.addi %add3A_268, %scan3A_9#2 : i32
    %add3A_270 = arith.constant 48 : i32
    %add3A_271 = arith.addi %add3A_269, %add3A_270 : i32
    %swap3A_272 = arith.index_cast %add3A_271 : i32 to index
    %swap3A_273 = tpu.vector_load %arg15[%swap3A_272] {strides = array<i32>} : memref<14336xi32, #tpu.memory_space<vmem>>, vector<16xi32>,
    tpu.vector_store %arg15[%swap3A_272], %broadcast_in_dim3A_14 {strides = array<i32>} : memref<14336xi32, #tpu.memory_space<vmem>>, vector<16xi32>,
    %add3A_274 = arith.constant 7168 : i32
    %add3A_275 = arith.addi %add3A_274, %scan3A_9#2 : i32
    %add3A_276 = arith.constant 64 : i32
    %add3A_277 = arith.addi %add3A_275, %add3A_276 : i32
    %swap3A_278 = arith.index_cast %add3A_277 : i32 to index
    %swap3A_279 = tpu.vector_load %arg14[%swap3A_278] {strides = array<i32>} : memref<14336xi32, #tpu.memory_space<vmem>>, vector<16xi32>,
    tpu.vector_store %arg14[%swap3A_278], %broadcast_in_dim3A_12 {strides = array<i32>} : memref<14336xi32, #tpu.memory_space<vmem>>, vector<16xi32>,
    %add3A_280 = arith.constant 7168 : i32
    %add3A_281 = arith.addi %add3A_280, %scan3A_9#2 : i32
    %add3A_282 = arith.constant 64 : i32
    %add3A_283 = arith.addi %add3A_281, %add3A_282 : i32
    %swap3A_284 = arith.index_cast %add3A_283 : i32 to index
    %swap3A_285 = tpu.vector_load %arg15[%swap3A_284] {strides = array<i32>} : memref<14336xi32, #tpu.memory_space<vmem>>, vector<16xi32>,
    tpu.vector_store %arg15[%swap3A_284], %broadcast_in_dim3A_14 {strides = array<i32>} : memref<14336xi32, #tpu.memory_space<vmem>>, vector<16xi32>,
    %add3A_286 = arith.constant 7168 : i32
    %add3A_287 = arith.addi %add3A_286, %scan3A_9#2 : i32
    %add3A_288 = arith.constant 80 : i32
    %add3A_289 = arith.addi %add3A_287, %add3A_288 : i32
    %swap3A_290 = arith.index_cast %add3A_289 : i32 to index
    %swap3A_291 = tpu.vector_load %arg14[%swap3A_290] {strides = array<i32>} : memref<14336xi32, #tpu.memory_space<vmem>>, vector<16xi32>,
    tpu.vector_store %arg14[%swap3A_290], %broadcast_in_dim3A_12 {strides = array<i32>} : memref<14336xi32, #tpu.memory_space<vmem>>, vector<16xi32>,
    %add3A_292 = arith.constant 7168 : i32
    %add3A_293 = arith.addi %add3A_292, %scan3A_9#2 : i32
    %add3A_294 = arith.constant 80 : i32
    %add3A_295 = arith.addi %add3A_293, %add3A_294 : i32
    %swap3A_296 = arith.index_cast %add3A_295 : i32 to index
    %swap3A_297 = tpu.vector_load %arg15[%swap3A_296] {strides = array<i32>} : memref<14336xi32, #tpu.memory_space<vmem>>, vector<16xi32>,
    tpu.vector_store %arg15[%swap3A_296], %broadcast_in_dim3A_14 {strides = array<i32>} : memref<14336xi32, #tpu.memory_space<vmem>>, vector<16xi32>,
    %add3A_298 = arith.constant 7168 : i32
    %add3A_299 = arith.addi %add3A_298, %scan3A_9#2 : i32
    %add3A_300 = arith.constant 96 : i32
    %add3A_301 = arith.addi %add3A_299, %add3A_300 : i32
    %swap3A_302 = arith.index_cast %add3A_301 : i32 to index
    %swap3A_303 = tpu.vector_load %arg14[%swap3A_302] {strides = array<i32>} : memref<14336xi32, #tpu.memory_space<vmem>>, vector<16xi32>,
    tpu.vector_store %arg14[%swap3A_302], %broadcast_in_dim3A_12 {strides = array<i32>} : memref<14336xi32, #tpu.memory_space<vmem>>, vector<16xi32>,
    %add3A_304 = arith.constant 7168 : i32
    %add3A_305 = arith.addi %add3A_304, %scan3A_9#2 : i32
    %add3A_306 = arith.constant 96 : i32
    %add3A_307 = arith.addi %add3A_305, %add3A_306 : i32
    %swap3A_308 = arith.index_cast %add3A_307 : i32 to index
    %swap3A_309 = tpu.vector_load %arg15[%swap3A_308] {strides = array<i32>} : memref<14336xi32, #tpu.memory_space<vmem>>, vector<16xi32>,
    tpu.vector_store %arg15[%swap3A_308], %broadcast_in_dim3A_14 {strides = array<i32>} : memref<14336xi32, #tpu.memory_space<vmem>>, vector<16xi32>,
    %add3A_310 = arith.constant 7168 : i32
    %add3A_311 = arith.addi %add3A_310, %scan3A_9#2 : i32
    %add3A_312 = arith.constant 112 : i32
    %add3A_313 = arith.addi %add3A_311, %add3A_312 : i32
    %swap3A_314 = arith.index_cast %add3A_313 : i32 to index
    %swap3A_315 = tpu.vector_load %arg14[%swap3A_314] {strides = array<i32>} : memref<14336xi32, #tpu.memory_space<vmem>>, vector<16xi32>,
    tpu.vector_store %arg14[%swap3A_314], %broadcast_in_dim3A_12 {strides = array<i32>} : memref<14336xi32, #tpu.memory_space<vmem>>, vector<16xi32>,
    %add3A_316 = arith.constant 7168 : i32
    %add3A_317 = arith.addi %add3A_316, %scan3A_9#2 : i32
    %add3A_318 = arith.constant 112 : i32
    %add3A_319 = arith.addi %add3A_317, %add3A_318 : i32
    %swap3A_320 = arith.index_cast %add3A_319 : i32 to index
    %swap3A_321 = tpu.vector_load %arg15[%swap3A_320] {strides = array<i32>} : memref<14336xi32, #tpu.memory_space<vmem>>, vector<16xi32>,
    tpu.vector_store %arg15[%swap3A_320], %broadcast_in_dim3A_14 {strides = array<i32>} : memref<14336xi32, #tpu.memory_space<vmem>>, vector<16xi32>,
    %add3A_322 = arith.constant 128 : i32
    %add3A_323 = arith.addi %scan3A_9#2, %add3A_322 : i32
    %sub3A_324 = arith.constant 1 : i32
    %sub3A_325 = arith.subi %add3A_323, %sub3A_324 : i32
    %and3A_326 = arith.constant -128 : i32
    %and3A_327 = arith.andi %sub3A_325, %and3A_326 : i32
    %broadcast_in_dim3A_328 = vector.broadcast %and3A_327 : i32 to vector<16xi32>
    %swap3A_329 = arith.constant 2 : i32
    %swap3A_330 = arith.index_cast %swap3A_329 : i32 to index
    %swap3A_331 = arith.constant 0 : index
    %swap3A_332 = tpu.vector_load %arg16[%swap3A_330, %swap3A_331] {strides = array<i32>} : memref<4x16xi32, #tpu.memory_space<vmem>>, vector<16xi32>,
    tpu.vector_store %arg16[%swap3A_330, %swap3A_331], %broadcast_in_dim3A_328 {strides = array<i32>} : memref<4x16xi32, #tpu.memory_space<vmem>>, vector<16xi32>,
    %add3A_333 = arith.constant 10752 : i32
    %add3A_334 = arith.addi %add3A_333, %scan3A_9#3 : i32
    %add3A_335 = arith.constant 0 : i32
    %add3A_336 = arith.addi %add3A_334, %add3A_335 : i32
    %swap3A_337 = arith.index_cast %add3A_336 : i32 to index
    %swap3A_338 = tpu.vector_load %arg14[%swap3A_337] {strides = array<i32>} : memref<14336xi32, #tpu.memory_space<vmem>>, vector<16xi32>,
    tpu.vector_store %arg14[%swap3A_337], %broadcast_in_dim3A_12 {strides = array<i32>} : memref<14336xi32, #tpu.memory_space<vmem>>, vector<16xi32>,
    %add3A_339 = arith.constant 10752 : i32
    %add3A_340 = arith.addi %add3A_339, %scan3A_9#3 : i32
    %add3A_341 = arith.constant 0 : i32
    %add3A_342 = arith.addi %add3A_340, %add3A_341 : i32
    %swap3A_343 = arith.index_cast %add3A_342 : i32 to index
    %swap3A_344 = tpu.vector_load %arg15[%swap3A_343] {strides = array<i32>} : memref<14336xi32, #tpu.memory_space<vmem>>, vector<16xi32>,
    tpu.vector_store %arg15[%swap3A_343], %broadcast_in_dim3A_14 {strides = array<i32>} : memref<14336xi32, #tpu.memory_space<vmem>>, vector<16xi32>,
    %add3A_345 = arith.constant 10752 : i32
    %add3A_346 = arith.addi %add3A_345, %scan3A_9#3 : i32
    %add3A_347 = arith.constant 16 : i32
    %add3A_348 = arith.addi %add3A_346, %add3A_347 : i32
    %swap3A_349 = arith.index_cast %add3A_348 : i32 to index
    %swap3A_350 = tpu.vector_load %arg14[%swap3A_349] {strides = array<i32>} : memref<14336xi32, #tpu.memory_space<vmem>>, vector<16xi32>,
    tpu.vector_store %arg14[%swap3A_349], %broadcast_in_dim3A_12 {strides = array<i32>} : memref<14336xi32, #tpu.memory_space<vmem>>, vector<16xi32>,
    %add3A_351 = arith.constant 10752 : i32
    %add3A_352 = arith.addi %add3A_351, %scan3A_9#3 : i32
    %add3A_353 = arith.constant 16 : i32
    %add3A_354 = arith.addi %add3A_352, %add3A_353 : i32
    %swap3A_355 = arith.index_cast %add3A_354 : i32 to index
    %swap3A_356 = tpu.vector_load %arg15[%swap3A_355] {strides = array<i32>} : memref<14336xi32, #tpu.memory_space<vmem>>, vector<16xi32>,
    tpu.vector_store %arg15[%swap3A_355], %broadcast_in_dim3A_14 {strides = array<i32>} : memref<14336xi32, #tpu.memory_space<vmem>>, vector<16xi32>,
    %add3A_357 = arith.constant 10752 : i32
    %add3A_358 = arith.addi %add3A_357, %scan3A_9#3 : i32
    %add3A_359 = arith.constant 32 : i32
    %add3A_360 = arith.addi %add3A_358, %add3A_359 : i32
    %swap3A_361 = arith.index_cast %add3A_360 : i32 to index
    %swap3A_362 = tpu.vector_load %arg14[%swap3A_361] {strides = array<i32>} : memref<14336xi32, #tpu.memory_space<vmem>>, vector<16xi32>,
    tpu.vector_store %arg14[%swap3A_361], %broadcast_in_dim3A_12 {strides = array<i32>} : memref<14336xi32, #tpu.memory_space<vmem>>, vector<16xi32>,
    %add3A_363 = arith.constant 10752 : i32
    %add3A_364 = arith.addi %add3A_363, %scan3A_9#3 : i32
    %add3A_365 = arith.constant 32 : i32
    %add3A_366 = arith.addi %add3A_364, %add3A_365 : i32
    %swap3A_367 = arith.index_cast %add3A_366 : i32 to index
    %swap3A_368 = tpu.vector_load %arg15[%swap3A_367] {strides = array<i32>} : memref<14336xi32, #tpu.memory_space<vmem>>, vector<16xi32>,
    tpu.vector_store %arg15[%swap3A_367], %broadcast_in_dim3A_14 {strides = array<i32>} : memref<14336xi32, #tpu.memory_space<vmem>>, vector<16xi32>,
    %add3A_369 = arith.constant 10752 : i32
    %add3A_370 = arith.addi %add3A_369, %scan3A_9#3 : i32
    %add3A_371 = arith.constant 48 : i32
    %add3A_372 = arith.addi %add3A_370, %add3A_371 : i32
    %swap3A_373 = arith.index_cast %add3A_372 : i32 to index
    %swap3A_374 = tpu.vector_load %arg14[%swap3A_373] {strides = array<i32>} : memref<14336xi32, #tpu.memory_space<vmem>>, vector<16xi32>,
    tpu.vector_store %arg14[%swap3A_373], %broadcast_in_dim3A_12 {strides = array<i32>} : memref<14336xi32, #tpu.memory_space<vmem>>, vector<16xi32>,
    %add3A_375 = arith.constant 10752 : i32
    %add3A_376 = arith.addi %add3A_375, %scan3A_9#3 : i32
    %add3A_377 = arith.constant 48 : i32
    %add3A_378 = arith.addi %add3A_376, %add3A_377 : i32
    %swap3A_379 = arith.index_cast %add3A_378 : i32 to index
    %swap3A_380 = tpu.vector_load %arg15[%swap3A_379] {strides = array<i32>} : memref<14336xi32, #tpu.memory_space<vmem>>, vector<16xi32>,
    tpu.vector_store %arg15[%swap3A_379], %broadcast_in_dim3A_14 {strides = array<i32>} : memref<14336xi32, #tpu.memory_space<vmem>>, vector<16xi32>,
    %add3A_381 = arith.constant 10752 : i32
    %add3A_382 = arith.addi %add3A_381, %scan3A_9#3 : i32
    %add3A_383 = arith.constant 64 : i32
    %add3A_384 = arith.addi %add3A_382, %add3A_383 : i32
    %swap3A_385 = arith.index_cast %add3A_384 : i32 to index
    %swap3A_386 = tpu.vector_load %arg14[%swap3A_385] {strides = array<i32>} : memref<14336xi32, #tpu.memory_space<vmem>>, vector<16xi32>,
    tpu.vector_store %arg14[%swap3A_385], %broadcast_in_dim3A_12 {strides = array<i32>} : memref<14336xi32, #tpu.memory_space<vmem>>, vector<16xi32>,
    %add3A_387 = arith.constant 10752 : i32
    %add3A_388 = arith.addi %add3A_387, %scan3A_9#3 : i32
    %add3A_389 = arith.constant 64 : i32
    %add3A_390 = arith.addi %add3A_388, %add3A_389 : i32
    %swap3A_391 = arith.index_cast %add3A_390 : i32 to index
    %swap3A_392 = tpu.vector_load %arg15[%swap3A_391] {strides = array<i32>} : memref<14336xi32, #tpu.memory_space<vmem>>, vector<16xi32>,
    tpu.vector_store %arg15[%swap3A_391], %broadcast_in_dim3A_14 {strides = array<i32>} : memref<14336xi32, #tpu.memory_space<vmem>>, vector<16xi32>,
    %add3A_393 = arith.constant 10752 : i32
    %add3A_394 = arith.addi %add3A_393, %scan3A_9#3 : i32
    %add3A_395 = arith.constant 80 : i32
    %add3A_396 = arith.addi %add3A_394, %add3A_395 : i32
    %swap3A_397 = arith.index_cast %add3A_396 : i32 to index
    %swap3A_398 = tpu.vector_load %arg14[%swap3A_397] {strides = array<i32>} : memref<14336xi32, #tpu.memory_space<vmem>>, vector<16xi32>,
    tpu.vector_store %arg14[%swap3A_397], %broadcast_in_dim3A_12 {strides = array<i32>} : memref<14336xi32, #tpu.memory_space<vmem>>, vector<16xi32>,
    %add3A_399 = arith.constant 10752 : i32
    %add3A_400 = arith.addi %add3A_399, %scan3A_9#3 : i32
    %add3A_401 = arith.constant 80 : i32
    %add3A_402 = arith.addi %add3A_400, %add3A_401 : i32
    %swap3A_403 = arith.index_cast %add3A_402 : i32 to index
    %swap3A_404 = tpu.vector_load %arg15[%swap3A_403] {strides = array<i32>} : memref<14336xi32, #tpu.memory_space<vmem>>, vector<16xi32>,
    tpu.vector_store %arg15[%swap3A_403], %broadcast_in_dim3A_14 {strides = array<i32>} : memref<14336xi32, #tpu.memory_space<vmem>>, vector<16xi32>,
    %add3A_405 = arith.constant 10752 : i32
    %add3A_406 = arith.addi %add3A_405, %scan3A_9#3 : i32
    %add3A_407 = arith.constant 96 : i32
    %add3A_408 = arith.addi %add3A_406, %add3A_407 : i32
    %swap3A_409 = arith.index_cast %add3A_408 : i32 to index
    %swap3A_410 = tpu.vector_load %arg14[%swap3A_409] {strides = array<i32>} : memref<14336xi32, #tpu.memory_space<vmem>>, vector<16xi32>,
    tpu.vector_store %arg14[%swap3A_409], %broadcast_in_dim3A_12 {strides = array<i32>} : memref<14336xi32, #tpu.memory_space<vmem>>, vector<16xi32>,
    %add3A_411 = arith.constant 10752 : i32
    %add3A_412 = arith.addi %add3A_411, %scan3A_9#3 : i32
    %add3A_413 = arith.constant 96 : i32
    %add3A_414 = arith.addi %add3A_412, %add3A_413 : i32
    %swap3A_415 = arith.index_cast %add3A_414 : i32 to index
    %swap3A_416 = tpu.vector_load %arg15[%swap3A_415] {strides = array<i32>} : memref<14336xi32, #tpu.memory_space<vmem>>, vector<16xi32>,
    tpu.vector_store %arg15[%swap3A_415], %broadcast_in_dim3A_14 {strides = array<i32>} : memref<14336xi32, #tpu.memory_space<vmem>>, vector<16xi32>,
    %add3A_417 = arith.constant 10752 : i32
    %add3A_418 = arith.addi %add3A_417, %scan3A_9#3 : i32
    %add3A_419 = arith.constant 112 : i32
    %add3A_420 = arith.addi %add3A_418, %add3A_419 : i32
    %swap3A_421 = arith.index_cast %add3A_420 : i32 to index
    %swap3A_422 = tpu.vector_load %arg14[%swap3A_421] {strides = array<i32>} : memref<14336xi32, #tpu.memory_space<vmem>>, vector<16xi32>,
    tpu.vector_store %arg14[%swap3A_421], %broadcast_in_dim3A_12 {strides = array<i32>} : memref<14336xi32, #tpu.memory_space<vmem>>, vector<16xi32>,
    %add3A_423 = arith.constant 10752 : i32
    %add3A_424 = arith.addi %add3A_423, %scan3A_9#3 : i32
    %add3A_425 = arith.constant 112 : i32
    %add3A_426 = arith.addi %add3A_424, %add3A_425 : i32
    %swap3A_427 = arith.index_cast %add3A_426 : i32 to index
    %swap3A_428 = tpu.vector_load %arg15[%swap3A_427] {strides = array<i32>} : memref<14336xi32, #tpu.memory_space<vmem>>, vector<16xi32>,
    tpu.vector_store %arg15[%swap3A_427], %broadcast_in_dim3A_14 {strides = array<i32>} : memref<14336xi32, #tpu.memory_space<vmem>>, vector<16xi32>,
    %add3A_429 = arith.constant 128 : i32
    %add3A_430 = arith.addi %scan3A_9#3, %add3A_429 : i32
    %sub3A_431 = arith.constant 1 : i32
    %sub3A_432 = arith.subi %add3A_430, %sub3A_431 : i32
    %and3A_433 = arith.constant -128 : i32
    %and3A_434 = arith.andi %sub3A_432, %and3A_433 : i32
    %broadcast_in_dim3A_435 = vector.broadcast %and3A_434 : i32 to vector<16xi32>
    %swap3A_436 = arith.constant 3 : i32
    %swap3A_437 = arith.index_cast %swap3A_436 : i32 to index
    %swap3A_438 = arith.constant 0 : index
    %swap3A_439 = tpu.vector_load %arg16[%swap3A_437, %swap3A_438] {strides = array<i32>} : memref<4x16xi32, #tpu.memory_space<vmem>>, vector<16xi32>,
    tpu.vector_store %arg16[%swap3A_437, %swap3A_438], %broadcast_in_dim3A_435 {strides = array<i32>} : memref<4x16xi32, #tpu.memory_space<vmem>>, vector<16xi32>,
    "tpu.region"() ({
      %run_scoped3A_450 = tpu.sem_alloc : memref<!tpu.dma_semaphore, #tpu.memory_space<semaphore_mem>>
      %dma_start3A = arith.constant 0 : i32
      %dma_start3A_451 = tpu.memref_slice %arg6[%add3A, %dma_start3A] : memref<32x14336xi32, #tpu.memory_space<hbm>> -> memref<1x14336xi32, #tpu.memory_space<hbm>>
      %dma_start3A_452 = tpu.memref_squeeze %dma_start3A_451 : memref<1x14336xi32, #tpu.memory_space<hbm>> -> memref<14336xi32, #tpu.memory_space<hbm>>
      %dma_start3A_453 = arith.constant 0 : i32
      %dma_start3A_454 = tpu.memref_slice %arg6[%add3A, %dma_start3A_453] : memref<32x14336xi32, #tpu.memory_space<hbm>> -> memref<1x14336xi32, #tpu.memory_space<hbm>>
      %dma_start3A_455 = tpu.memref_squeeze %dma_start3A_454 : memref<1x14336xi32, #tpu.memory_space<hbm>> -> memref<14336xi32, #tpu.memory_space<hbm>>
      tpu.enqueue_dma source(%arg14 : memref<14336xi32, #tpu.memory_space<vmem>>) target(%dma_start3A_455 : memref<14336xi32, #tpu.memory_space<hbm>>) target_semaphore(%run_scoped3A_450 : memref<!tpu.dma_semaphore, #tpu.memory_space<semaphore_mem>>)
      %dma_wait3A = arith.constant 0 : i32
      %dma_wait3A_456 = tpu.memref_slice %arg6[%add3A, %dma_wait3A] : memref<32x14336xi32, #tpu.memory_space<hbm>> -> memref<1x14336xi32, #tpu.memory_space<hbm>>
      %dma_wait3A_457 = tpu.memref_squeeze %dma_wait3A_456 : memref<1x14336xi32, #tpu.memory_space<hbm>> -> memref<14336xi32, #tpu.memory_space<hbm>>
      %dma_wait3A_458 = arith.constant 0 : i32
      %dma_wait3A_459 = tpu.memref_slice %arg6[%add3A, %dma_wait3A_458] : memref<32x14336xi32, #tpu.memory_space<hbm>> -> memref<1x14336xi32, #tpu.memory_space<hbm>>
      %dma_wait3A_460 = tpu.memref_squeeze %dma_wait3A_459 : memref<1x14336xi32, #tpu.memory_space<hbm>> -> memref<14336xi32, #tpu.memory_space<hbm>>
      tpu.wait_dma2 semaphore(%run_scoped3A_450 : memref<!tpu.dma_semaphore, #tpu.memory_space<semaphore_mem>>) src(%arg14 : memref<14336xi32, #tpu.memory_space<vmem>>) dst(%dma_wait3A_460 : memref<14336xi32, #tpu.memory_space<hbm>>)
      tpu.yield
    }) : () -> ()
    "tpu.region"() ({
      %run_scoped3A_450 = tpu.sem_alloc : memref<!tpu.dma_semaphore, #tpu.memory_space<semaphore_mem>>
      %dma_start3A = arith.constant 0 : i32
      %dma_start3A_451 = tpu.memref_slice %arg7[%add3A, %dma_start3A] : memref<32x14336xi32, #tpu.memory_space<hbm>> -> memref<1x14336xi32, #tpu.memory_space<hbm>>
      %dma_start3A_452 = tpu.memref_squeeze %dma_start3A_451 : memref<1x14336xi32, #tpu.memory_space<hbm>> -> memref<14336xi32, #tpu.memory_space<hbm>>
      %dma_start3A_453 = arith.constant 0 : i32
      %dma_start3A_454 = tpu.memref_slice %arg7[%add3A, %dma_start3A_453] : memref<32x14336xi32, #tpu.memory_space<hbm>> -> memref<1x14336xi32, #tpu.memory_space<hbm>>
      %dma_start3A_455 = tpu.memref_squeeze %dma_start3A_454 : memref<1x14336xi32, #tpu.memory_space<hbm>> -> memref<14336xi32, #tpu.memory_space<hbm>>
      tpu.enqueue_dma source(%arg15 : memref<14336xi32, #tpu.memory_space<vmem>>) target(%dma_start3A_455 : memref<14336xi32, #tpu.memory_space<hbm>>) target_semaphore(%run_scoped3A_450 : memref<!tpu.dma_semaphore, #tpu.memory_space<semaphore_mem>>)
      %dma_wait3A = arith.constant 0 : i32
      %dma_wait3A_456 = tpu.memref_slice %arg7[%add3A, %dma_wait3A] : memref<32x14336xi32, #tpu.memory_space<hbm>> -> memref<1x14336xi32, #tpu.memory_space<hbm>>
      %dma_wait3A_457 = tpu.memref_squeeze %dma_wait3A_456 : memref<1x14336xi32, #tpu.memory_space<hbm>> -> memref<14336xi32, #tpu.memory_space<hbm>>
      %dma_wait3A_458 = arith.constant 0 : i32
      %dma_wait3A_459 = tpu.memref_slice %arg7[%add3A, %dma_wait3A_458] : memref<32x14336xi32, #tpu.memory_space<hbm>> -> memref<1x14336xi32, #tpu.memory_space<hbm>>
      %dma_wait3A_460 = tpu.memref_squeeze %dma_wait3A_459 : memref<1x14336xi32, #tpu.memory_space<hbm>> -> memref<14336xi32, #tpu.memory_space<hbm>>
      tpu.wait_dma2 semaphore(%run_scoped3A_450 : memref<!tpu.dma_semaphore, #tpu.memory_space<semaphore_mem>>) src(%arg15 : memref<14336xi32, #tpu.memory_space<vmem>>) dst(%dma_wait3A_460 : memref<14336xi32, #tpu.memory_space<hbm>>)
      tpu.yield
    }) : () -> ()
    "tpu.region"() ({
      %run_scoped3A_450 = tpu.sem_alloc : memref<!tpu.dma_semaphore, #tpu.memory_space<semaphore_mem>>
      %dma_start3A = arith.constant 0 : i32
      %dma_start3A_451 = arith.constant 0 : i32
      %dma_start3A_452 = tpu.memref_slice %arg8[%add3A, %dma_start3A, %dma_start3A_451] : memref<32x4x16xi32, #tpu.memory_space<hbm>> -> memref<1x4x16xi32, #tpu.memory_space<hbm>>
      %dma_start3A_453 = tpu.memref_squeeze %dma_start3A_452 : memref<1x4x16xi32, #tpu.memory_space<hbm>> -> memref<4x16xi32, #tpu.memory_space<hbm>>
      %dma_start3A_454 = arith.constant 0 : i32
      %dma_start3A_455 = arith.constant 0 : i32
      %dma_start3A_456 = tpu.memref_slice %arg8[%add3A, %dma_start3A_454, %dma_start3A_455] : memref<32x4x16xi32, #tpu.memory_space<hbm>> -> memref<1x4x16xi32, #tpu.memory_space<hbm>>
      %dma_start3A_457 = tpu.memref_squeeze %dma_start3A_456 : memref<1x4x16xi32, #tpu.memory_space<hbm>> -> memref<4x16xi32, #tpu.memory_space<hbm>>
      tpu.enqueue_dma source(%arg16 : memref<4x16xi32, #tpu.memory_space<vmem>>) target(%dma_start3A_457 : memref<4x16xi32, #tpu.memory_space<hbm>>) target_semaphore(%run_scoped3A_450 : memref<!tpu.dma_semaphore, #tpu.memory_space<semaphore_mem>>)
      %dma_wait3A = arith.constant 0 : i32
      %dma_wait3A_458 = arith.constant 0 : i32
      %dma_wait3A_459 = tpu.memref_slice %arg8[%add3A, %dma_wait3A, %dma_wait3A_458] : memref<32x4x16xi32, #tpu.memory_space<hbm>> -> memref<1x4x16xi32, #tpu.memory_space<hbm>>
      %dma_wait3A_460 = tpu.memref_squeeze %dma_wait3A_459 : memref<1x4x16xi32, #tpu.memory_space<hbm>> -> memref<4x16xi32, #tpu.memory_space<hbm>>
      %dma_wait3A_461 = arith.constant 0 : i32
      %dma_wait3A_462 = arith.constant 0 : i32
      %dma_wait3A_463 = tpu.memref_slice %arg8[%add3A, %dma_wait3A_461, %dma_wait3A_462] : memref<32x4x16xi32, #tpu.memory_space<hbm>> -> memref<1x4x16xi32, #tpu.memory_space<hbm>>
      %dma_wait3A_464 = tpu.memref_squeeze %dma_wait3A_463 : memref<1x4x16xi32, #tpu.memory_space<hbm>> -> memref<4x16xi32, #tpu.memory_space<hbm>>
      tpu.wait_dma2 semaphore(%run_scoped3A_450 : memref<!tpu.dma_semaphore, #tpu.memory_space<semaphore_mem>>) src(%arg16 : memref<4x16xi32, #tpu.memory_space<vmem>>) dst(%dma_wait3A_464 : memref<4x16xi32, #tpu.memory_space<hbm>>)
      tpu.yield
    }) : () -> ()
    "tpu.region"() ({
      %run_scoped3A_450 = tpu.sem_alloc : memref<!tpu.dma_semaphore, #tpu.memory_space<semaphore_mem>>
      %dma_start3A = arith.constant 0 : i32
      %dma_start3A_451 = tpu.memref_slice %arg17[%arg1, %dma_start3A] : memref<16x16384xf32, #tpu.memory_space<vmem_shared>> -> memref<1x16384xf32, #tpu.memory_space<vmem_shared>>
      %dma_start3A_452 = tpu.memref_squeeze %dma_start3A_451 : memref<1x16384xf32, #tpu.memory_space<vmem_shared>> -> memref<16384xf32, #tpu.memory_space<vmem_shared>>
      %dma_start3A_453 = arith.constant 0 : i32
      %dma_start3A_454 = tpu.memref_slice %arg17[%arg1, %dma_start3A_453] : memref<16x16384xf32, #tpu.memory_space<vmem_shared>> -> memref<1x16384xf32, #tpu.memory_space<vmem_shared>>
      %dma_start3A_455 = tpu.memref_squeeze %dma_start3A_454 : memref<1x16384xf32, #tpu.memory_space<vmem_shared>> -> memref<16384xf32, #tpu.memory_space<vmem_shared>>
      tpu.enqueue_dma source(%arg11 : memref<16384xf32, #tpu.memory_space<vmem>>) target(%dma_start3A_455 : memref<16384xf32, #tpu.memory_space<vmem_shared>>) target_semaphore(%run_scoped3A_450 : memref<!tpu.dma_semaphore, #tpu.memory_space<semaphore_mem>>)
      %dma_wait3A = arith.constant 0 : i32
      %dma_wait3A_456 = tpu.memref_slice %arg17[%arg1, %dma_wait3A] : memref<16x16384xf32, #tpu.memory_space<vmem_shared>> -> memref<1x16384xf32, #tpu.memory_space<vmem_shared>>
      %dma_wait3A_457 = tpu.memref_squeeze %dma_wait3A_456 : memref<1x16384xf32, #tpu.memory_space<vmem_shared>> -> memref<16384xf32, #tpu.memory_space<vmem_shared>>
      %dma_wait3A_458 = arith.constant 0 : i32
      %dma_wait3A_459 = tpu.memref_slice %arg17[%arg1, %dma_wait3A_458] : memref<16x16384xf32, #tpu.memory_space<vmem_shared>> -> memref<1x16384xf32, #tpu.memory_space<vmem_shared>>
      %dma_wait3A_460 = tpu.memref_squeeze %dma_wait3A_459 : memref<1x16384xf32, #tpu.memory_space<vmem_shared>> -> memref<16384xf32, #tpu.memory_space<vmem_shared>>
      tpu.wait_dma2 semaphore(%run_scoped3A_450 : memref<!tpu.dma_semaphore, #tpu.memory_space<semaphore_mem>>) src(%arg11 : memref<16384xf32, #tpu.memory_space<vmem>>) dst(%dma_wait3A_460 : memref<16384xf32, #tpu.memory_space<vmem_shared>>)
      tpu.yield
    }) : () -> ()
    %barrier3A = arith.constant 0 : index
    tpu.barrier barrier_id(%barrier3A)
    %mul3A_440 = arith.constant 1024 : i32
    %mul3A_441 = arith.muli %arg1, %mul3A_440 : i32
    %run_scoped3A = arith.constant 0 : i32
    "tpu.region"() ({
      %run_scoped3A_450 = tpu.sem_alloc : memref<!tpu.dma_semaphore, #tpu.memory_space<semaphore_mem>>
      %dma_start3A = tpu.memref_slice %arg17[%run_scoped3A, %mul3A_441] : memref<16x16384xf32, #tpu.memory_space<vmem_shared>> -> memref<1x1024xf32, #tpu.memory_space<vmem_shared>>
      %dma_start3A_451 = tpu.memref_squeeze %dma_start3A : memref<1x1024xf32, #tpu.memory_space<vmem_shared>> -> memref<1024xf32, #tpu.memory_space<vmem_shared>>
      %dma_start3A_452 = tpu.memref_slice %arg17[%run_scoped3A, %mul3A_441] : memref<16x16384xf32, #tpu.memory_space<vmem_shared>> -> memref<1x1024xf32, #tpu.memory_space<vmem_shared>>
      %dma_start3A_453 = tpu.memref_squeeze %dma_start3A_452 : memref<1x1024xf32, #tpu.memory_space<vmem_shared>> -> memref<1024xf32, #tpu.memory_space<vmem_shared>>
      tpu.enqueue_dma source(%dma_start3A_453 : memref<1024xf32, #tpu.memory_space<vmem_shared>>) target(%arg12 : memref<1024xf32, #tpu.memory_space<vmem>>) target_semaphore(%run_scoped3A_450 : memref<!tpu.dma_semaphore, #tpu.memory_space<semaphore_mem>>)
      %dma_wait3A = tpu.memref_slice %arg17[%run_scoped3A, %mul3A_441] : memref<16x16384xf32, #tpu.memory_space<vmem_shared>> -> memref<1x1024xf32, #tpu.memory_space<vmem_shared>>
      %dma_wait3A_454 = tpu.memref_squeeze %dma_wait3A : memref<1x1024xf32, #tpu.memory_space<vmem_shared>> -> memref<1024xf32, #tpu.memory_space<vmem_shared>>
      %dma_wait3A_455 = tpu.memref_slice %arg17[%run_scoped3A, %mul3A_441] : memref<16x16384xf32, #tpu.memory_space<vmem_shared>> -> memref<1x1024xf32, #tpu.memory_space<vmem_shared>>
      %dma_wait3A_456 = tpu.memref_squeeze %dma_wait3A_455 : memref<1x1024xf32, #tpu.memory_space<vmem_shared>> -> memref<1024xf32, #tpu.memory_space<vmem_shared>>
      tpu.wait_dma2 semaphore(%run_scoped3A_450 : memref<!tpu.dma_semaphore, #tpu.memory_space<semaphore_mem>>) src(%dma_wait3A_456 : memref<1024xf32, #tpu.memory_space<vmem_shared>>) dst(%arg12 : memref<1024xf32, #tpu.memory_space<vmem>>)
      tpu.yield
    }) : () -> ()
    %scan3A_442 = arith.constant 0 : i32
    %scan3A_443 = arith.constant 1 : i32
    %scan3A_444 = arith.constant 15 : i32
    %scan3A_445 = arith.addi %scan3A_443, %scan3A_444 : i32
    %scan3A_446 = arith.constant 1 : i32
    scf.for %scan3A_450 = %scan3A_443 to %scan3A_445 step %scan3A_446  : i32 {
      %mul3A_451 = arith.constant 1024 : i32
      %mul3A_452 = arith.muli %arg1, %mul3A_451 : i32
      "tpu.region"() ({
        %run_scoped3A_459 = tpu.sem_alloc : memref<!tpu.dma_semaphore, #tpu.memory_space<semaphore_mem>>
        %dma_start3A = tpu.memref_slice %arg17[%scan3A_450, %mul3A_452] : memref<16x16384xf32, #tpu.memory_space<vmem_shared>> -> memref<1x1024xf32, #tpu.memory_space<vmem_shared>>
        %dma_start3A_460 = tpu.memref_squeeze %dma_start3A : memref<1x1024xf32, #tpu.memory_space<vmem_shared>> -> memref<1024xf32, #tpu.memory_space<vmem_shared>>
        %dma_start3A_461 = tpu.memref_slice %arg17[%scan3A_450, %mul3A_452] : memref<16x16384xf32, #tpu.memory_space<vmem_shared>> -> memref<1x1024xf32, #tpu.memory_space<vmem_shared>>
        %dma_start3A_462 = tpu.memref_squeeze %dma_start3A_461 : memref<1x1024xf32, #tpu.memory_space<vmem_shared>> -> memref<1024xf32, #tpu.memory_space<vmem_shared>>
        tpu.enqueue_dma source(%dma_start3A_462 : memref<1024xf32, #tpu.memory_space<vmem_shared>>) target(%arg13 : memref<1024xf32, #tpu.memory_space<vmem>>) target_semaphore(%run_scoped3A_459 : memref<!tpu.dma_semaphore, #tpu.memory_space<semaphore_mem>>)
        %dma_wait3A = tpu.memref_slice %arg17[%scan3A_450, %mul3A_452] : memref<16x16384xf32, #tpu.memory_space<vmem_shared>> -> memref<1x1024xf32, #tpu.memory_space<vmem_shared>>
        %dma_wait3A_463 = tpu.memref_squeeze %dma_wait3A : memref<1x1024xf32, #tpu.memory_space<vmem_shared>> -> memref<1024xf32, #tpu.memory_space<vmem_shared>>
        %dma_wait3A_464 = tpu.memref_slice %arg17[%scan3A_450, %mul3A_452] : memref<16x16384xf32, #tpu.memory_space<vmem_shared>> -> memref<1x1024xf32, #tpu.memory_space<vmem_shared>>
        %dma_wait3A_465 = tpu.memref_squeeze %dma_wait3A_464 : memref<1x1024xf32, #tpu.memory_space<vmem_shared>> -> memref<1024xf32, #tpu.memory_space<vmem_shared>>
        tpu.wait_dma2 semaphore(%run_scoped3A_459 : memref<!tpu.dma_semaphore, #tpu.memory_space<semaphore_mem>>) src(%dma_wait3A_465 : memref<1024xf32, #tpu.memory_space<vmem_shared>>) dst(%arg13 : memref<1024xf32, #tpu.memory_space<vmem>>)
        tpu.yield
      }) : () -> ()
      %scan3A_453 = arith.constant 0 : i32
      %scan3A_454 = arith.constant 0 : i32
      %scan3A_455 = arith.constant 64 : i32
      %scan3A_456 = arith.addi %scan3A_454, %scan3A_455 : i32
      %scan3A_457 = arith.constant 1 : i32
      scf.for %scan3A_459 = %scan3A_454 to %scan3A_456 step %scan3A_457  : i32 {
        %mul3A_460 = arith.constant 16 : i32
        %mul3A_461 = arith.muli %scan3A_459, %mul3A_460 : i32
        %get3A = arith.index_cast %mul3A_461 : i32 to index
        %get3A_462 = tpu.vector_load %arg12[%get3A] {strides = array<i32>} : memref<1024xf32, #tpu.memory_space<vmem>>, vector<16xf32>,
        %mul3A_463 = arith.constant 16 : i32
        %mul3A_464 = arith.muli %scan3A_459, %mul3A_463 : i32
        %get3A_465 = arith.index_cast %mul3A_464 : i32 to index
        %get3A_466 = tpu.vector_load %arg13[%get3A_465] {strides = array<i32>} : memref<1024xf32, #tpu.memory_space<vmem>>, vector<16xf32>,
        %add3A_467 = arith.addf %get3A_462, %get3A_466 : vector<16xf32>
        %mul3A_468 = arith.constant 16 : i32
        %mul3A_469 = arith.muli %scan3A_459, %mul3A_468 : i32
        %swap3A_470 = arith.index_cast %mul3A_469 : i32 to index
        %swap3A_471 = tpu.vector_load %arg12[%swap3A_470] {strides = array<i32>} : memref<1024xf32, #tpu.memory_space<vmem>>, vector<16xf32>,
        tpu.vector_store %arg12[%swap3A_470], %add3A_467 {strides = array<i32>} : memref<1024xf32, #tpu.memory_space<vmem>>, vector<16xf32>,
      }
      %scan3A_458 = arith.constant 64 : i32
    }
    %scan3A_447 = arith.constant 15 : i32
    %mul3A_448 = arith.constant 1024 : i32
    %mul3A_449 = arith.muli %arg1, %mul3A_448 : i32
    "tpu.region"() ({
      %run_scoped3A_450 = tpu.sem_alloc : memref<!tpu.dma_semaphore, #tpu.memory_space<semaphore_mem>>
      %dma_start3A = tpu.memref_slice %arg5[%arg0, %mul3A_449] : memref<2x16384xf32, #tpu.memory_space<hbm>> -> memref<1x1024xf32, #tpu.memory_space<hbm>>
      %dma_start3A_451 = tpu.memref_squeeze %dma_start3A : memref<1x1024xf32, #tpu.memory_space<hbm>> -> memref<1024xf32, #tpu.memory_space<hbm>>
      %dma_start3A_452 = tpu.memref_slice %arg5[%arg0, %mul3A_449] : memref<2x16384xf32, #tpu.memory_space<hbm>> -> memref<1x1024xf32, #tpu.memory_space<hbm>>
      %dma_start3A_453 = tpu.memref_squeeze %dma_start3A_452 : memref<1x1024xf32, #tpu.memory_space<hbm>> -> memref<1024xf32, #tpu.memory_space<hbm>>
      tpu.enqueue_dma source(%arg12 : memref<1024xf32, #tpu.memory_space<vmem>>) target(%dma_start3A_453 : memref<1024xf32, #tpu.memory_space<hbm>>) target_semaphore(%run_scoped3A_450 : memref<!tpu.dma_semaphore, #tpu.memory_space<semaphore_mem>>)
      %dma_wait3A = tpu.memref_slice %arg5[%arg0, %mul3A_449] : memref<2x16384xf32, #tpu.memory_space<hbm>> -> memref<1x1024xf32, #tpu.memory_space<hbm>>
      %dma_wait3A_454 = tpu.memref_squeeze %dma_wait3A : memref<1x1024xf32, #tpu.memory_space<hbm>> -> memref<1024xf32, #tpu.memory_space<hbm>>
      %dma_wait3A_455 = tpu.memref_slice %arg5[%arg0, %mul3A_449] : memref<2x16384xf32, #tpu.memory_space<hbm>> -> memref<1x1024xf32, #tpu.memory_space<hbm>>
      %dma_wait3A_456 = tpu.memref_squeeze %dma_wait3A_455 : memref<1x1024xf32, #tpu.memory_space<hbm>> -> memref<1024xf32, #tpu.memory_space<hbm>>
      tpu.wait_dma2 semaphore(%run_scoped3A_450 : memref<!tpu.dma_semaphore, #tpu.memory_space<semaphore_mem>>) src(%arg12 : memref<1024xf32, #tpu.memory_space<vmem>>) dst(%dma_wait3A_456 : memref<1024xf32, #tpu.memory_space<hbm>>)
      tpu.yield
    }) : () -> ()
    return
  }
}

#map = affine_map<(d0, d1) -> (0, 0)>
#map1 = affine_map<(d0, d1) -> (0, 0, 0, 0)>
#map2 = affine_map<(d0, d1) -> (0, 0, 0)>
module attributes {stable_mosaic.version = 14 : i64} {
  func.func @_edge_sc(%arg0: i32, %arg1: i32, %arg2: memref<10240x128xf32, #tpu.memory_space<hbm>>, %arg3: memref<32x4x28x128xi32, #tpu.memory_space<hbm>>, %arg4: memref<32x4x28x128xi32, #tpu.memory_space<hbm>>, %arg5: memref<32x4x16xi32, #tpu.memory_space<hbm>>, %arg6: memref<2x10112x128xf32, #tpu.memory_space<hbm>>, %arg7: memref<28x128xi32, #tpu.memory_space<vmem>>, %arg8: memref<28x128xi32, #tpu.memory_space<vmem>>, %arg9: memref<16xi32, #tpu.memory_space<vmem>>, %arg10: memref<128x128xf32, #tpu.memory_space<vmem>>, %arg11: memref<10112x128xf32, #tpu.memory_space<vmem_shared>>, %arg12: memref<2560x128xf32, #tpu.memory_space<vmem_shared>>) attributes {dimension_semantics = [#tpu.dimension_semantics<core_parallel>, #tpu.dimension_semantics<subcore_parallel>], iteration_bounds = array<i64: 2, 16>, scalar_prefetch = 0 : i64, scratch_operands = 6 : i64, tpu.core_type = #tpu.core_type<sc_vector_subcore>, window_params = [{transform_indices = #map}, {transform_indices = #map1}, {transform_indices = #map1}, {transform_indices = #map2}, {transform_indices = #map2}]} {
    %mul3A = arith.constant 632 : i32
    %mul3A_0 = arith.muli %arg1, %mul3A : i32
    "tpu.region"() ({
      %run_scoped3A = tpu.sem_alloc : memref<!tpu.dma_semaphore, #tpu.memory_space<semaphore_mem>>
      %dma_start3A = arith.constant 0 : i32
      %dma_start3A_125 = tpu.memref_slice %arg11[%mul3A_0, %dma_start3A] : memref<10112x128xf32, #tpu.memory_space<vmem_shared>> -> memref<632x128xf32, #tpu.memory_space<vmem_shared>>
      %dma_start3A_126 = arith.constant 0 : i32
      %dma_start3A_127 = tpu.memref_slice %arg2[%mul3A_0, %dma_start3A_126] : memref<10240x128xf32, #tpu.memory_space<hbm>> -> memref<632x128xf32, #tpu.memory_space<hbm>>
      tpu.enqueue_dma source(%dma_start3A_127 : memref<632x128xf32, #tpu.memory_space<hbm>>) target(%dma_start3A_125 : memref<632x128xf32, #tpu.memory_space<vmem_shared>>) target_semaphore(%run_scoped3A : memref<!tpu.dma_semaphore, #tpu.memory_space<semaphore_mem>>)
      %dma_wait3A = arith.constant 0 : i32
      %dma_wait3A_128 = tpu.memref_slice %arg11[%mul3A_0, %dma_wait3A] : memref<10112x128xf32, #tpu.memory_space<vmem_shared>> -> memref<632x128xf32, #tpu.memory_space<vmem_shared>>
      %dma_wait3A_129 = arith.constant 0 : i32
      %dma_wait3A_130 = tpu.memref_slice %arg2[%mul3A_0, %dma_wait3A_129] : memref<10240x128xf32, #tpu.memory_space<hbm>> -> memref<632x128xf32, #tpu.memory_space<hbm>>
      tpu.wait_dma2 semaphore(%run_scoped3A : memref<!tpu.dma_semaphore, #tpu.memory_space<semaphore_mem>>) src(%dma_wait3A_130 : memref<632x128xf32, #tpu.memory_space<hbm>>) dst(%dma_wait3A_128 : memref<632x128xf32, #tpu.memory_space<vmem_shared>>)
      tpu.yield
    }) : () -> ()
    %mul3A_1 = arith.constant 2 : i32
    %mul3A_2 = arith.muli %mul3A_1, %arg0 : i32
    %add3A = arith.constant 0 : i32
    %add3A_3 = arith.addi %mul3A_2, %add3A : i32
    %mul3A_4 = arith.constant 2560 : i32
    %mul3A_5 = arith.muli %add3A_3, %mul3A_4 : i32
    %mul3A_6 = arith.constant 160 : i32
    %mul3A_7 = arith.muli %arg1, %mul3A_6 : i32
    %add3A_8 = arith.addi %mul3A_5, %mul3A_7 : i32
    %mul3A_9 = arith.constant 160 : i32
    %mul3A_10 = arith.muli %arg1, %mul3A_9 : i32
    "tpu.region"() ({
      %run_scoped3A = tpu.sem_alloc : memref<!tpu.dma_semaphore, #tpu.memory_space<semaphore_mem>>
      %dma_start3A = arith.constant 0 : i32
      %dma_start3A_125 = tpu.memref_slice %arg12[%mul3A_10, %dma_start3A] : memref<2560x128xf32, #tpu.memory_space<vmem_shared>> -> memref<160x128xf32, #tpu.memory_space<vmem_shared>>
      %dma_start3A_126 = arith.constant 0 : i32
      %dma_start3A_127 = tpu.memref_slice %arg2[%add3A_8, %dma_start3A_126] : memref<10240x128xf32, #tpu.memory_space<hbm>> -> memref<160x128xf32, #tpu.memory_space<hbm>>
      tpu.enqueue_dma source(%dma_start3A_127 : memref<160x128xf32, #tpu.memory_space<hbm>>) target(%dma_start3A_125 : memref<160x128xf32, #tpu.memory_space<vmem_shared>>) target_semaphore(%run_scoped3A : memref<!tpu.dma_semaphore, #tpu.memory_space<semaphore_mem>>)
      %dma_wait3A = arith.constant 0 : i32
      %dma_wait3A_128 = tpu.memref_slice %arg12[%mul3A_10, %dma_wait3A] : memref<2560x128xf32, #tpu.memory_space<vmem_shared>> -> memref<160x128xf32, #tpu.memory_space<vmem_shared>>
      %dma_wait3A_129 = arith.constant 0 : i32
      %dma_wait3A_130 = tpu.memref_slice %arg2[%add3A_8, %dma_wait3A_129] : memref<10240x128xf32, #tpu.memory_space<hbm>> -> memref<160x128xf32, #tpu.memory_space<hbm>>
      tpu.wait_dma2 semaphore(%run_scoped3A : memref<!tpu.dma_semaphore, #tpu.memory_space<semaphore_mem>>) src(%dma_wait3A_130 : memref<160x128xf32, #tpu.memory_space<hbm>>) dst(%dma_wait3A_128 : memref<160x128xf32, #tpu.memory_space<vmem_shared>>)
      tpu.yield
    }) : () -> ()
    %barrier3A = arith.constant 0 : index
    tpu.barrier barrier_id(%barrier3A)
    %mul3A_11 = arith.constant 2 : i32
    %mul3A_12 = arith.muli %mul3A_11, %arg1 : i32
    %add3A_13 = arith.constant 0 : i32
    %add3A_14 = arith.addi %mul3A_12, %add3A_13 : i32
    "tpu.region"() ({
      %run_scoped3A = tpu.sem_alloc : memref<!tpu.dma_semaphore, #tpu.memory_space<semaphore_mem>>
      %dma_start3A = arith.constant 0 : i32
      %dma_start3A_125 = arith.constant 0 : i32
      %dma_start3A_126 = tpu.memref_slice %arg5[%add3A_14, %dma_start3A, %dma_start3A_125] : memref<32x4x16xi32, #tpu.memory_space<hbm>> -> memref<1x4x16xi32, #tpu.memory_space<hbm>>
      %dma_start3A_127 = tpu.memref_squeeze %dma_start3A_126 : memref<1x4x16xi32, #tpu.memory_space<hbm>> -> memref<4x16xi32, #tpu.memory_space<hbm>>
      %dma_start3A_128 = arith.constant 0 : i32
      %dma_start3A_129 = tpu.memref_slice %dma_start3A_127[%add3A_3, %dma_start3A_128] : memref<4x16xi32, #tpu.memory_space<hbm>> -> memref<1x16xi32, #tpu.memory_space<hbm>>
      %dma_start3A_130 = tpu.memref_squeeze %dma_start3A_129 : memref<1x16xi32, #tpu.memory_space<hbm>> -> memref<16xi32, #tpu.memory_space<hbm>>
      %dma_start3A_131 = arith.constant 0 : i32
      %dma_start3A_132 = arith.constant 0 : i32
      %dma_start3A_133 = tpu.memref_slice %arg5[%add3A_14, %dma_start3A_131, %dma_start3A_132] : memref<32x4x16xi32, #tpu.memory_space<hbm>> -> memref<1x4x16xi32, #tpu.memory_space<hbm>>
      %dma_start3A_134 = tpu.memref_squeeze %dma_start3A_133 : memref<1x4x16xi32, #tpu.memory_space<hbm>> -> memref<4x16xi32, #tpu.memory_space<hbm>>
      %dma_start3A_135 = arith.constant 0 : i32
      %dma_start3A_136 = tpu.memref_slice %dma_start3A_134[%add3A_3, %dma_start3A_135] : memref<4x16xi32, #tpu.memory_space<hbm>> -> memref<1x16xi32, #tpu.memory_space<hbm>>
      %dma_start3A_137 = tpu.memref_squeeze %dma_start3A_136 : memref<1x16xi32, #tpu.memory_space<hbm>> -> memref<16xi32, #tpu.memory_space<hbm>>
      tpu.enqueue_dma source(%dma_start3A_137 : memref<16xi32, #tpu.memory_space<hbm>>) target(%arg9 : memref<16xi32, #tpu.memory_space<vmem>>) target_semaphore(%run_scoped3A : memref<!tpu.dma_semaphore, #tpu.memory_space<semaphore_mem>>)
      %dma_wait3A = arith.constant 0 : i32
      %dma_wait3A_138 = arith.constant 0 : i32
      %dma_wait3A_139 = tpu.memref_slice %arg5[%add3A_14, %dma_wait3A, %dma_wait3A_138] : memref<32x4x16xi32, #tpu.memory_space<hbm>> -> memref<1x4x16xi32, #tpu.memory_space<hbm>>
      %dma_wait3A_140 = tpu.memref_squeeze %dma_wait3A_139 : memref<1x4x16xi32, #tpu.memory_space<hbm>> -> memref<4x16xi32, #tpu.memory_space<hbm>>
      %dma_wait3A_141 = arith.constant 0 : i32
      %dma_wait3A_142 = tpu.memref_slice %dma_wait3A_140[%add3A_3, %dma_wait3A_141] : memref<4x16xi32, #tpu.memory_space<hbm>> -> memref<1x16xi32, #tpu.memory_space<hbm>>
      %dma_wait3A_143 = tpu.memref_squeeze %dma_wait3A_142 : memref<1x16xi32, #tpu.memory_space<hbm>> -> memref<16xi32, #tpu.memory_space<hbm>>
      %dma_wait3A_144 = arith.constant 0 : i32
      %dma_wait3A_145 = arith.constant 0 : i32
      %dma_wait3A_146 = tpu.memref_slice %arg5[%add3A_14, %dma_wait3A_144, %dma_wait3A_145] : memref<32x4x16xi32, #tpu.memory_space<hbm>> -> memref<1x4x16xi32, #tpu.memory_space<hbm>>
      %dma_wait3A_147 = tpu.memref_squeeze %dma_wait3A_146 : memref<1x4x16xi32, #tpu.memory_space<hbm>> -> memref<4x16xi32, #tpu.memory_space<hbm>>
      %dma_wait3A_148 = arith.constant 0 : i32
      %dma_wait3A_149 = tpu.memref_slice %dma_wait3A_147[%add3A_3, %dma_wait3A_148] : memref<4x16xi32, #tpu.memory_space<hbm>> -> memref<1x16xi32, #tpu.memory_space<hbm>>
      %dma_wait3A_150 = tpu.memref_squeeze %dma_wait3A_149 : memref<1x16xi32, #tpu.memory_space<hbm>> -> memref<16xi32, #tpu.memory_space<hbm>>
      tpu.wait_dma2 semaphore(%run_scoped3A : memref<!tpu.dma_semaphore, #tpu.memory_space<semaphore_mem>>) src(%dma_wait3A_150 : memref<16xi32, #tpu.memory_space<hbm>>) dst(%arg9 : memref<16xi32, #tpu.memory_space<vmem>>)
      tpu.yield
    }) : () -> ()
    %get3A = arith.constant 0 : index
    %get3A_15 = tpu.vector_load %arg9[%get3A] {strides = array<i32>} : memref<16xi32, #tpu.memory_space<vmem>>, vector<16xi32>,
    %reduce_max3A = arith.constant true
    %reduce_max3A_16 = vector.broadcast %reduce_max3A : i1 to vector<16xi1>
    %reduce_max3A_17 = arith.constant -2147483648 : i32
    %reduce_max3A_18 = vector.broadcast %reduce_max3A_17 : i32 to vector<16xi32>
    %reduce_max3A_19 = arith.xori %get3A_15, %reduce_max3A_18 : vector<16xi32>
    %reduce_max3A_20 = tpu.scan <max>, %reduce_max3A_19 masked %reduce_max3A_16 : vector<16xi32>, vector<16xi1> -> vector<16xi32>
    %reduce_max3A_21 = arith.xori %reduce_max3A_20, %reduce_max3A_18 : vector<16xi32>
    %reduce_max3A_22 = vector.extract %reduce_max3A_21[15] : i32 from vector<16xi32>
    %shift_right_logical3A = arith.constant 7 : i32
    %shift_right_logical3A_23 = arith.shrui %reduce_max3A_22, %shift_right_logical3A : i32
    "tpu.region"() ({
      %run_scoped3A = tpu.sem_alloc : memref<!tpu.dma_semaphore, #tpu.memory_space<semaphore_mem>>
      %dma_start3A = arith.constant 0 : i32
      %dma_start3A_125 = arith.constant 0 : i32
      %dma_start3A_126 = arith.constant 0 : i32
      %dma_start3A_127 = tpu.memref_slice %arg3[%add3A_14, %dma_start3A, %dma_start3A_125, %dma_start3A_126] : memref<32x4x28x128xi32, #tpu.memory_space<hbm>> -> memref<1x4x28x128xi32, #tpu.memory_space<hbm>>
      %dma_start3A_128 = tpu.memref_squeeze %dma_start3A_127 : memref<1x4x28x128xi32, #tpu.memory_space<hbm>> -> memref<4x28x128xi32, #tpu.memory_space<hbm>>
      %dma_start3A_129 = arith.constant 0 : i32
      %dma_start3A_130 = arith.constant 0 : i32
      %dma_start3A_131 = tpu.memref_slice %dma_start3A_128[%add3A_3, %dma_start3A_129, %dma_start3A_130] : memref<4x28x128xi32, #tpu.memory_space<hbm>> -> memref<1x28x128xi32, #tpu.memory_space<hbm>>
      %dma_start3A_132 = tpu.memref_squeeze %dma_start3A_131 : memref<1x28x128xi32, #tpu.memory_space<hbm>> -> memref<28x128xi32, #tpu.memory_space<hbm>>
      %dma_start3A_133 = arith.constant 0 : i32
      %dma_start3A_134 = arith.constant 0 : i32
      %dma_start3A_135 = arith.constant 0 : i32
      %dma_start3A_136 = tpu.memref_slice %arg3[%add3A_14, %dma_start3A_133, %dma_start3A_134, %dma_start3A_135] : memref<32x4x28x128xi32, #tpu.memory_space<hbm>> -> memref<1x4x28x128xi32, #tpu.memory_space<hbm>>
      %dma_start3A_137 = tpu.memref_squeeze %dma_start3A_136 : memref<1x4x28x128xi32, #tpu.memory_space<hbm>> -> memref<4x28x128xi32, #tpu.memory_space<hbm>>
      %dma_start3A_138 = arith.constant 0 : i32
      %dma_start3A_139 = arith.constant 0 : i32
      %dma_start3A_140 = tpu.memref_slice %dma_start3A_137[%add3A_3, %dma_start3A_138, %dma_start3A_139] : memref<4x28x128xi32, #tpu.memory_space<hbm>> -> memref<1x28x128xi32, #tpu.memory_space<hbm>>
      %dma_start3A_141 = tpu.memref_squeeze %dma_start3A_140 : memref<1x28x128xi32, #tpu.memory_space<hbm>> -> memref<28x128xi32, #tpu.memory_space<hbm>>
      tpu.enqueue_dma source(%dma_start3A_141 : memref<28x128xi32, #tpu.memory_space<hbm>>) target(%arg7 : memref<28x128xi32, #tpu.memory_space<vmem>>) target_semaphore(%run_scoped3A : memref<!tpu.dma_semaphore, #tpu.memory_space<semaphore_mem>>)
      %dma_wait3A = arith.constant 0 : i32
      %dma_wait3A_142 = arith.constant 0 : i32
      %dma_wait3A_143 = arith.constant 0 : i32
      %dma_wait3A_144 = tpu.memref_slice %arg3[%add3A_14, %dma_wait3A, %dma_wait3A_142, %dma_wait3A_143] : memref<32x4x28x128xi32, #tpu.memory_space<hbm>> -> memref<1x4x28x128xi32, #tpu.memory_space<hbm>>
      %dma_wait3A_145 = tpu.memref_squeeze %dma_wait3A_144 : memref<1x4x28x128xi32, #tpu.memory_space<hbm>> -> memref<4x28x128xi32, #tpu.memory_space<hbm>>
      %dma_wait3A_146 = arith.constant 0 : i32
      %dma_wait3A_147 = arith.constant 0 : i32
      %dma_wait3A_148 = tpu.memref_slice %dma_wait3A_145[%add3A_3, %dma_wait3A_146, %dma_wait3A_147] : memref<4x28x128xi32, #tpu.memory_space<hbm>> -> memref<1x28x128xi32, #tpu.memory_space<hbm>>
      %dma_wait3A_149 = tpu.memref_squeeze %dma_wait3A_148 : memref<1x28x128xi32, #tpu.memory_space<hbm>> -> memref<28x128xi32, #tpu.memory_space<hbm>>
      %dma_wait3A_150 = arith.constant 0 : i32
      %dma_wait3A_151 = arith.constant 0 : i32
      %dma_wait3A_152 = arith.constant 0 : i32
      %dma_wait3A_153 = tpu.memref_slice %arg3[%add3A_14, %dma_wait3A_150, %dma_wait3A_151, %dma_wait3A_152] : memref<32x4x28x128xi32, #tpu.memory_space<hbm>> -> memref<1x4x28x128xi32, #tpu.memory_space<hbm>>
      %dma_wait3A_154 = tpu.memref_squeeze %dma_wait3A_153 : memref<1x4x28x128xi32, #tpu.memory_space<hbm>> -> memref<4x28x128xi32, #tpu.memory_space<hbm>>
      %dma_wait3A_155 = arith.constant 0 : i32
      %dma_wait3A_156 = arith.constant 0 : i32
      %dma_wait3A_157 = tpu.memref_slice %dma_wait3A_154[%add3A_3, %dma_wait3A_155, %dma_wait3A_156] : memref<4x28x128xi32, #tpu.memory_space<hbm>> -> memref<1x28x128xi32, #tpu.memory_space<hbm>>
      %dma_wait3A_158 = tpu.memref_squeeze %dma_wait3A_157 : memref<1x28x128xi32, #tpu.memory_space<hbm>> -> memref<28x128xi32, #tpu.memory_space<hbm>>
      tpu.wait_dma2 semaphore(%run_scoped3A : memref<!tpu.dma_semaphore, #tpu.memory_space<semaphore_mem>>) src(%dma_wait3A_158 : memref<28x128xi32, #tpu.memory_space<hbm>>) dst(%arg7 : memref<28x128xi32, #tpu.memory_space<vmem>>)
      tpu.yield
    }) : () -> ()
    "tpu.region"() ({
      %run_scoped3A = tpu.sem_alloc : memref<!tpu.dma_semaphore, #tpu.memory_space<semaphore_mem>>
      %dma_start3A = arith.constant 0 : i32
      %dma_start3A_125 = arith.constant 0 : i32
      %dma_start3A_126 = arith.constant 0 : i32
      %dma_start3A_127 = tpu.memref_slice %arg4[%add3A_14, %dma_start3A, %dma_start3A_125, %dma_start3A_126] : memref<32x4x28x128xi32, #tpu.memory_space<hbm>> -> memref<1x4x28x128xi32, #tpu.memory_space<hbm>>
      %dma_start3A_128 = tpu.memref_squeeze %dma_start3A_127 : memref<1x4x28x128xi32, #tpu.memory_space<hbm>> -> memref<4x28x128xi32, #tpu.memory_space<hbm>>
      %dma_start3A_129 = arith.constant 0 : i32
      %dma_start3A_130 = arith.constant 0 : i32
      %dma_start3A_131 = tpu.memref_slice %dma_start3A_128[%add3A_3, %dma_start3A_129, %dma_start3A_130] : memref<4x28x128xi32, #tpu.memory_space<hbm>> -> memref<1x28x128xi32, #tpu.memory_space<hbm>>
      %dma_start3A_132 = tpu.memref_squeeze %dma_start3A_131 : memref<1x28x128xi32, #tpu.memory_space<hbm>> -> memref<28x128xi32, #tpu.memory_space<hbm>>
      %dma_start3A_133 = arith.constant 0 : i32
      %dma_start3A_134 = arith.constant 0 : i32
      %dma_start3A_135 = arith.constant 0 : i32
      %dma_start3A_136 = tpu.memref_slice %arg4[%add3A_14, %dma_start3A_133, %dma_start3A_134, %dma_start3A_135] : memref<32x4x28x128xi32, #tpu.memory_space<hbm>> -> memref<1x4x28x128xi32, #tpu.memory_space<hbm>>
      %dma_start3A_137 = tpu.memref_squeeze %dma_start3A_136 : memref<1x4x28x128xi32, #tpu.memory_space<hbm>> -> memref<4x28x128xi32, #tpu.memory_space<hbm>>
      %dma_start3A_138 = arith.constant 0 : i32
      %dma_start3A_139 = arith.constant 0 : i32
      %dma_start3A_140 = tpu.memref_slice %dma_start3A_137[%add3A_3, %dma_start3A_138, %dma_start3A_139] : memref<4x28x128xi32, #tpu.memory_space<hbm>> -> memref<1x28x128xi32, #tpu.memory_space<hbm>>
      %dma_start3A_141 = tpu.memref_squeeze %dma_start3A_140 : memref<1x28x128xi32, #tpu.memory_space<hbm>> -> memref<28x128xi32, #tpu.memory_space<hbm>>
      tpu.enqueue_dma source(%dma_start3A_141 : memref<28x128xi32, #tpu.memory_space<hbm>>) target(%arg8 : memref<28x128xi32, #tpu.memory_space<vmem>>) target_semaphore(%run_scoped3A : memref<!tpu.dma_semaphore, #tpu.memory_space<semaphore_mem>>)
      %dma_wait3A = arith.constant 0 : i32
      %dma_wait3A_142 = arith.constant 0 : i32
      %dma_wait3A_143 = arith.constant 0 : i32
      %dma_wait3A_144 = tpu.memref_slice %arg4[%add3A_14, %dma_wait3A, %dma_wait3A_142, %dma_wait3A_143] : memref<32x4x28x128xi32, #tpu.memory_space<hbm>> -> memref<1x4x28x128xi32, #tpu.memory_space<hbm>>
      %dma_wait3A_145 = tpu.memref_squeeze %dma_wait3A_144 : memref<1x4x28x128xi32, #tpu.memory_space<hbm>> -> memref<4x28x128xi32, #tpu.memory_space<hbm>>
      %dma_wait3A_146 = arith.constant 0 : i32
      %dma_wait3A_147 = arith.constant 0 : i32
      %dma_wait3A_148 = tpu.memref_slice %dma_wait3A_145[%add3A_3, %dma_wait3A_146, %dma_wait3A_147] : memref<4x28x128xi32, #tpu.memory_space<hbm>> -> memref<1x28x128xi32, #tpu.memory_space<hbm>>
      %dma_wait3A_149 = tpu.memref_squeeze %dma_wait3A_148 : memref<1x28x128xi32, #tpu.memory_space<hbm>> -> memref<28x128xi32, #tpu.memory_space<hbm>>
      %dma_wait3A_150 = arith.constant 0 : i32
      %dma_wait3A_151 = arith.constant 0 : i32
      %dma_wait3A_152 = arith.constant 0 : i32
      %dma_wait3A_153 = tpu.memref_slice %arg4[%add3A_14, %dma_wait3A_150, %dma_wait3A_151, %dma_wait3A_152] : memref<32x4x28x128xi32, #tpu.memory_space<hbm>> -> memref<1x4x28x128xi32, #tpu.memory_space<hbm>>
      %dma_wait3A_154 = tpu.memref_squeeze %dma_wait3A_153 : memref<1x4x28x128xi32, #tpu.memory_space<hbm>> -> memref<4x28x128xi32, #tpu.memory_space<hbm>>
      %dma_wait3A_155 = arith.constant 0 : i32
      %dma_wait3A_156 = arith.constant 0 : i32
      %dma_wait3A_157 = tpu.memref_slice %dma_wait3A_154[%add3A_3, %dma_wait3A_155, %dma_wait3A_156] : memref<4x28x128xi32, #tpu.memory_space<hbm>> -> memref<1x28x128xi32, #tpu.memory_space<hbm>>
      %dma_wait3A_158 = tpu.memref_squeeze %dma_wait3A_157 : memref<1x28x128xi32, #tpu.memory_space<hbm>> -> memref<28x128xi32, #tpu.memory_space<hbm>>
      tpu.wait_dma2 semaphore(%run_scoped3A : memref<!tpu.dma_semaphore, #tpu.memory_space<semaphore_mem>>) src(%dma_wait3A_158 : memref<28x128xi32, #tpu.memory_space<hbm>>) dst(%arg8 : memref<28x128xi32, #tpu.memory_space<vmem>>)
      tpu.yield
    }) : () -> ()
    %while3A = arith.constant 0 : i32
    %while3A_24 = arith.constant 0 : i32
    %while3A_25 = arith.subi %shift_right_logical3A_23, %while3A_24 : i32
    %while3A_26 = arith.addi %while3A_24, %while3A_25 : i32
    %while3A_27 = arith.constant 1 : i32
    %while3A_28 = arith.divsi %while3A_25, %while3A_27 : i32
    %while3A_29 = arith.muli %while3A_28, %while3A_27 : i32
    %while3A_30 = arith.addi %while3A_24, %while3A_29 : i32
    %while3A_31 = arith.constant 1 : i32
    scf.for %while3A_125 = %while3A_24 to %while3A_30 step %while3A_31  : i32 {
      "tpu.region"() ({
        %run_scoped3A = tpu.sem_alloc : memref<!tpu.dma_semaphore, #tpu.memory_space<semaphore_mem>>
        %dma_start3A = arith.constant 0 : i32
        %dma_start3A_126 = tpu.memref_slice %arg7[%while3A_125, %dma_start3A] : memref<28x128xi32, #tpu.memory_space<vmem>> -> memref<1x128xi32, #tpu.memory_space<vmem>>
        %dma_start3A_127 = tpu.memref_squeeze %dma_start3A_126 : memref<1x128xi32, #tpu.memory_space<vmem>> -> memref<128xi32, #tpu.memory_space<vmem>>
        %dma_start3A_128 = arith.constant 0 : i32
        %dma_start3A_129 = arith.constant 0 : i32
        %dma_start3A_130 = tpu.memref_slice %arg12[%dma_start3A_128, %dma_start3A_129] : memref<2560x128xf32, #tpu.memory_space<vmem_shared>> -> memref<2560x128xf32, #tpu.memory_space<vmem_shared>>
        tpu.enqueue_indirect_dma source(%dma_start3A_130 : memref<2560x128xf32, #tpu.memory_space<vmem_shared>>) target(%arg10 : memref<128x128xf32, #tpu.memory_space<vmem>>) offsets(%dma_start3A_127 : memref<128xi32, #tpu.memory_space<vmem>>) semaphore(%run_scoped3A : memref<!tpu.dma_semaphore, #tpu.memory_space<semaphore_mem>>)
        %dma_wait3A = arith.constant 0 : i32
        %dma_wait3A_131 = tpu.memref_slice %arg7[%while3A_125, %dma_wait3A] : memref<28x128xi32, #tpu.memory_space<vmem>> -> memref<1x128xi32, #tpu.memory_space<vmem>>
        %dma_wait3A_132 = tpu.memref_squeeze %dma_wait3A_131 : memref<1x128xi32, #tpu.memory_space<vmem>> -> memref<128xi32, #tpu.memory_space<vmem>>
        %dma_wait3A_133 = arith.constant 0 : i32
        %dma_wait3A_134 = arith.constant 0 : i32
        %dma_wait3A_135 = tpu.memref_slice %arg12[%dma_wait3A_133, %dma_wait3A_134] : memref<2560x128xf32, #tpu.memory_space<vmem_shared>> -> memref<2560x128xf32, #tpu.memory_space<vmem_shared>>
        tpu.wait_indirect_dma semaphore(%run_scoped3A : memref<!tpu.dma_semaphore, #tpu.memory_space<semaphore_mem>>) src(%dma_wait3A_135 : memref<2560x128xf32, #tpu.memory_space<vmem_shared>>) dst(%arg10 : memref<128x128xf32, #tpu.memory_space<vmem>>)
        tpu.yield
      }) : () -> ()
      "tpu.region"() ({
        %run_scoped3A = tpu.sem_alloc : memref<!tpu.dma_semaphore, #tpu.memory_space<semaphore_mem>>
        %dma_start3A = arith.constant 0 : i32
        %dma_start3A_126 = tpu.memref_slice %arg8[%while3A_125, %dma_start3A] : memref<28x128xi32, #tpu.memory_space<vmem>> -> memref<1x128xi32, #tpu.memory_space<vmem>>
        %dma_start3A_127 = tpu.memref_squeeze %dma_start3A_126 : memref<1x128xi32, #tpu.memory_space<vmem>> -> memref<128xi32, #tpu.memory_space<vmem>>
        %dma_start3A_128 = arith.constant 0 : i32
        %dma_start3A_129 = arith.constant 0 : i32
        %dma_start3A_130 = tpu.memref_slice %arg11[%dma_start3A_128, %dma_start3A_129] : memref<10112x128xf32, #tpu.memory_space<vmem_shared>> -> memref<10112x128xf32, #tpu.memory_space<vmem_shared>>
        tpu.enqueue_indirect_dma source(%arg10 : memref<128x128xf32, #tpu.memory_space<vmem>>) target(%dma_start3A_130 : memref<10112x128xf32, #tpu.memory_space<vmem_shared>>) offsets(%dma_start3A_127 : memref<128xi32, #tpu.memory_space<vmem>>) semaphore(%run_scoped3A : memref<!tpu.dma_semaphore, #tpu.memory_space<semaphore_mem>>) {add = true}
        %dma_wait3A = arith.constant 0 : i32
        %dma_wait3A_131 = tpu.memref_slice %arg8[%while3A_125, %dma_wait3A] : memref<28x128xi32, #tpu.memory_space<vmem>> -> memref<1x128xi32, #tpu.memory_space<vmem>>
        %dma_wait3A_132 = tpu.memref_squeeze %dma_wait3A_131 : memref<1x128xi32, #tpu.memory_space<vmem>> -> memref<128xi32, #tpu.memory_space<vmem>>
        %dma_wait3A_133 = arith.constant 0 : i32
        %dma_wait3A_134 = arith.constant 0 : i32
        %dma_wait3A_135 = tpu.memref_slice %arg11[%dma_wait3A_133, %dma_wait3A_134] : memref<10112x128xf32, #tpu.memory_space<vmem_shared>> -> memref<10112x128xf32, #tpu.memory_space<vmem_shared>>
        tpu.wait_indirect_dma semaphore(%run_scoped3A : memref<!tpu.dma_semaphore, #tpu.memory_space<semaphore_mem>>) src(%arg10 : memref<128x128xf32, #tpu.memory_space<vmem>>) dst(%dma_wait3A_135 : memref<10112x128xf32, #tpu.memory_space<vmem_shared>>)
        tpu.yield
      }) : () -> ()
    }
    %while3A_32 = arith.constant 1 : i32
    scf.for %while3A_125 = %while3A_30 to %while3A_26 step %while3A_32  : i32 {
      "tpu.region"() ({
        %run_scoped3A = tpu.sem_alloc : memref<!tpu.dma_semaphore, #tpu.memory_space<semaphore_mem>>
        %dma_start3A = arith.constant 0 : i32
        %dma_start3A_126 = tpu.memref_slice %arg7[%while3A_125, %dma_start3A] : memref<28x128xi32, #tpu.memory_space<vmem>> -> memref<1x128xi32, #tpu.memory_space<vmem>>
        %dma_start3A_127 = tpu.memref_squeeze %dma_start3A_126 : memref<1x128xi32, #tpu.memory_space<vmem>> -> memref<128xi32, #tpu.memory_space<vmem>>
        %dma_start3A_128 = arith.constant 0 : i32
        %dma_start3A_129 = arith.constant 0 : i32
        %dma_start3A_130 = tpu.memref_slice %arg12[%dma_start3A_128, %dma_start3A_129] : memref<2560x128xf32, #tpu.memory_space<vmem_shared>> -> memref<2560x128xf32, #tpu.memory_space<vmem_shared>>
        tpu.enqueue_indirect_dma source(%dma_start3A_130 : memref<2560x128xf32, #tpu.memory_space<vmem_shared>>) target(%arg10 : memref<128x128xf32, #tpu.memory_space<vmem>>) offsets(%dma_start3A_127 : memref<128xi32, #tpu.memory_space<vmem>>) semaphore(%run_scoped3A : memref<!tpu.dma_semaphore, #tpu.memory_space<semaphore_mem>>)
        %dma_wait3A = arith.constant 0 : i32
        %dma_wait3A_131 = tpu.memref_slice %arg7[%while3A_125, %dma_wait3A] : memref<28x128xi32, #tpu.memory_space<vmem>> -> memref<1x128xi32, #tpu.memory_space<vmem>>
        %dma_wait3A_132 = tpu.memref_squeeze %dma_wait3A_131 : memref<1x128xi32, #tpu.memory_space<vmem>> -> memref<128xi32, #tpu.memory_space<vmem>>
        %dma_wait3A_133 = arith.constant 0 : i32
        %dma_wait3A_134 = arith.constant 0 : i32
        %dma_wait3A_135 = tpu.memref_slice %arg12[%dma_wait3A_133, %dma_wait3A_134] : memref<2560x128xf32, #tpu.memory_space<vmem_shared>> -> memref<2560x128xf32, #tpu.memory_space<vmem_shared>>
        tpu.wait_indirect_dma semaphore(%run_scoped3A : memref<!tpu.dma_semaphore, #tpu.memory_space<semaphore_mem>>) src(%dma_wait3A_135 : memref<2560x128xf32, #tpu.memory_space<vmem_shared>>) dst(%arg10 : memref<128x128xf32, #tpu.memory_space<vmem>>)
        tpu.yield
      }) : () -> ()
      "tpu.region"() ({
        %run_scoped3A = tpu.sem_alloc : memref<!tpu.dma_semaphore, #tpu.memory_space<semaphore_mem>>
        %dma_start3A = arith.constant 0 : i32
        %dma_start3A_126 = tpu.memref_slice %arg8[%while3A_125, %dma_start3A] : memref<28x128xi32, #tpu.memory_space<vmem>> -> memref<1x128xi32, #tpu.memory_space<vmem>>
        %dma_start3A_127 = tpu.memref_squeeze %dma_start3A_126 : memref<1x128xi32, #tpu.memory_space<vmem>> -> memref<128xi32, #tpu.memory_space<vmem>>
        %dma_start3A_128 = arith.constant 0 : i32
        %dma_start3A_129 = arith.constant 0 : i32
        %dma_start3A_130 = tpu.memref_slice %arg11[%dma_start3A_128, %dma_start3A_129] : memref<10112x128xf32, #tpu.memory_space<vmem_shared>> -> memref<10112x128xf32, #tpu.memory_space<vmem_shared>>
        tpu.enqueue_indirect_dma source(%arg10 : memref<128x128xf32, #tpu.memory_space<vmem>>) target(%dma_start3A_130 : memref<10112x128xf32, #tpu.memory_space<vmem_shared>>) offsets(%dma_start3A_127 : memref<128xi32, #tpu.memory_space<vmem>>) semaphore(%run_scoped3A : memref<!tpu.dma_semaphore, #tpu.memory_space<semaphore_mem>>) {add = true}
        %dma_wait3A = arith.constant 0 : i32
        %dma_wait3A_131 = tpu.memref_slice %arg8[%while3A_125, %dma_wait3A] : memref<28x128xi32, #tpu.memory_space<vmem>> -> memref<1x128xi32, #tpu.memory_space<vmem>>
        %dma_wait3A_132 = tpu.memref_squeeze %dma_wait3A_131 : memref<1x128xi32, #tpu.memory_space<vmem>> -> memref<128xi32, #tpu.memory_space<vmem>>
        %dma_wait3A_133 = arith.constant 0 : i32
        %dma_wait3A_134 = arith.constant 0 : i32
        %dma_wait3A_135 = tpu.memref_slice %arg11[%dma_wait3A_133, %dma_wait3A_134] : memref<10112x128xf32, #tpu.memory_space<vmem_shared>> -> memref<10112x128xf32, #tpu.memory_space<vmem_shared>>
        tpu.wait_indirect_dma semaphore(%run_scoped3A : memref<!tpu.dma_semaphore, #tpu.memory_space<semaphore_mem>>) src(%arg10 : memref<128x128xf32, #tpu.memory_space<vmem>>) dst(%dma_wait3A_135 : memref<10112x128xf32, #tpu.memory_space<vmem_shared>>)
        tpu.yield
      }) : () -> ()
    }
    %mul3A_33 = arith.constant 2 : i32
    %mul3A_34 = arith.muli %mul3A_33, %arg1 : i32
    %add3A_35 = arith.constant 1 : i32
    %add3A_36 = arith.addi %mul3A_34, %add3A_35 : i32
    "tpu.region"() ({
      %run_scoped3A = tpu.sem_alloc : memref<!tpu.dma_semaphore, #tpu.memory_space<semaphore_mem>>
      %dma_start3A = arith.constant 0 : i32
      %dma_start3A_125 = arith.constant 0 : i32
      %dma_start3A_126 = tpu.memref_slice %arg5[%add3A_36, %dma_start3A, %dma_start3A_125] : memref<32x4x16xi32, #tpu.memory_space<hbm>> -> memref<1x4x16xi32, #tpu.memory_space<hbm>>
      %dma_start3A_127 = tpu.memref_squeeze %dma_start3A_126 : memref<1x4x16xi32, #tpu.memory_space<hbm>> -> memref<4x16xi32, #tpu.memory_space<hbm>>
      %dma_start3A_128 = arith.constant 0 : i32
      %dma_start3A_129 = tpu.memref_slice %dma_start3A_127[%add3A_3, %dma_start3A_128] : memref<4x16xi32, #tpu.memory_space<hbm>> -> memref<1x16xi32, #tpu.memory_space<hbm>>
      %dma_start3A_130 = tpu.memref_squeeze %dma_start3A_129 : memref<1x16xi32, #tpu.memory_space<hbm>> -> memref<16xi32, #tpu.memory_space<hbm>>
      %dma_start3A_131 = arith.constant 0 : i32
      %dma_start3A_132 = arith.constant 0 : i32
      %dma_start3A_133 = tpu.memref_slice %arg5[%add3A_36, %dma_start3A_131, %dma_start3A_132] : memref<32x4x16xi32, #tpu.memory_space<hbm>> -> memref<1x4x16xi32, #tpu.memory_space<hbm>>
      %dma_start3A_134 = tpu.memref_squeeze %dma_start3A_133 : memref<1x4x16xi32, #tpu.memory_space<hbm>> -> memref<4x16xi32, #tpu.memory_space<hbm>>
      %dma_start3A_135 = arith.constant 0 : i32
      %dma_start3A_136 = tpu.memref_slice %dma_start3A_134[%add3A_3, %dma_start3A_135] : memref<4x16xi32, #tpu.memory_space<hbm>> -> memref<1x16xi32, #tpu.memory_space<hbm>>
      %dma_start3A_137 = tpu.memref_squeeze %dma_start3A_136 : memref<1x16xi32, #tpu.memory_space<hbm>> -> memref<16xi32, #tpu.memory_space<hbm>>
      tpu.enqueue_dma source(%dma_start3A_137 : memref<16xi32, #tpu.memory_space<hbm>>) target(%arg9 : memref<16xi32, #tpu.memory_space<vmem>>) target_semaphore(%run_scoped3A : memref<!tpu.dma_semaphore, #tpu.memory_space<semaphore_mem>>)
      %dma_wait3A = arith.constant 0 : i32
      %dma_wait3A_138 = arith.constant 0 : i32
      %dma_wait3A_139 = tpu.memref_slice %arg5[%add3A_36, %dma_wait3A, %dma_wait3A_138] : memref<32x4x16xi32, #tpu.memory_space<hbm>> -> memref<1x4x16xi32, #tpu.memory_space<hbm>>
      %dma_wait3A_140 = tpu.memref_squeeze %dma_wait3A_139 : memref<1x4x16xi32, #tpu.memory_space<hbm>> -> memref<4x16xi32, #tpu.memory_space<hbm>>
      %dma_wait3A_141 = arith.constant 0 : i32
      %dma_wait3A_142 = tpu.memref_slice %dma_wait3A_140[%add3A_3, %dma_wait3A_141] : memref<4x16xi32, #tpu.memory_space<hbm>> -> memref<1x16xi32, #tpu.memory_space<hbm>>
      %dma_wait3A_143 = tpu.memref_squeeze %dma_wait3A_142 : memref<1x16xi32, #tpu.memory_space<hbm>> -> memref<16xi32, #tpu.memory_space<hbm>>
      %dma_wait3A_144 = arith.constant 0 : i32
      %dma_wait3A_145 = arith.constant 0 : i32
      %dma_wait3A_146 = tpu.memref_slice %arg5[%add3A_36, %dma_wait3A_144, %dma_wait3A_145] : memref<32x4x16xi32, #tpu.memory_space<hbm>> -> memref<1x4x16xi32, #tpu.memory_space<hbm>>
      %dma_wait3A_147 = tpu.memref_squeeze %dma_wait3A_146 : memref<1x4x16xi32, #tpu.memory_space<hbm>> -> memref<4x16xi32, #tpu.memory_space<hbm>>
      %dma_wait3A_148 = arith.constant 0 : i32
      %dma_wait3A_149 = tpu.memref_slice %dma_wait3A_147[%add3A_3, %dma_wait3A_148] : memref<4x16xi32, #tpu.memory_space<hbm>> -> memref<1x16xi32, #tpu.memory_space<hbm>>
      %dma_wait3A_150 = tpu.memref_squeeze %dma_wait3A_149 : memref<1x16xi32, #tpu.memory_space<hbm>> -> memref<16xi32, #tpu.memory_space<hbm>>
      tpu.wait_dma2 semaphore(%run_scoped3A : memref<!tpu.dma_semaphore, #tpu.memory_space<semaphore_mem>>) src(%dma_wait3A_150 : memref<16xi32, #tpu.memory_space<hbm>>) dst(%arg9 : memref<16xi32, #tpu.memory_space<vmem>>)
      tpu.yield
    }) : () -> ()
    %get3A_37 = arith.constant 0 : index
    %get3A_38 = tpu.vector_load %arg9[%get3A_37] {strides = array<i32>} : memref<16xi32, #tpu.memory_space<vmem>>, vector<16xi32>,
    %reduce_max3A_39 = arith.constant true
    %reduce_max3A_40 = vector.broadcast %reduce_max3A_39 : i1 to vector<16xi1>
    %reduce_max3A_41 = arith.constant -2147483648 : i32
    %reduce_max3A_42 = vector.broadcast %reduce_max3A_41 : i32 to vector<16xi32>
    %reduce_max3A_43 = arith.xori %get3A_38, %reduce_max3A_42 : vector<16xi32>
    %reduce_max3A_44 = tpu.scan <max>, %reduce_max3A_43 masked %reduce_max3A_40 : vector<16xi32>, vector<16xi1> -> vector<16xi32>
    %reduce_max3A_45 = arith.xori %reduce_max3A_44, %reduce_max3A_42 : vector<16xi32>
    %reduce_max3A_46 = vector.extract %reduce_max3A_45[15] : i32 from vector<16xi32>
    %shift_right_logical3A_47 = arith.constant 7 : i32
    %shift_right_logical3A_48 = arith.shrui %reduce_max3A_46, %shift_right_logical3A_47 : i32
    "tpu.region"() ({
      %run_scoped3A = tpu.sem_alloc : memref<!tpu.dma_semaphore, #tpu.memory_space<semaphore_mem>>
      %dma_start3A = arith.constant 0 : i32
      %dma_start3A_125 = arith.constant 0 : i32
      %dma_start3A_126 = arith.constant 0 : i32
      %dma_start3A_127 = tpu.memref_slice %arg3[%add3A_36, %dma_start3A, %dma_start3A_125, %dma_start3A_126] : memref<32x4x28x128xi32, #tpu.memory_space<hbm>> -> memref<1x4x28x128xi32, #tpu.memory_space<hbm>>
      %dma_start3A_128 = tpu.memref_squeeze %dma_start3A_127 : memref<1x4x28x128xi32, #tpu.memory_space<hbm>> -> memref<4x28x128xi32, #tpu.memory_space<hbm>>
      %dma_start3A_129 = arith.constant 0 : i32
      %dma_start3A_130 = arith.constant 0 : i32
      %dma_start3A_131 = tpu.memref_slice %dma_start3A_128[%add3A_3, %dma_start3A_129, %dma_start3A_130] : memref<4x28x128xi32, #tpu.memory_space<hbm>> -> memref<1x28x128xi32, #tpu.memory_space<hbm>>
      %dma_start3A_132 = tpu.memref_squeeze %dma_start3A_131 : memref<1x28x128xi32, #tpu.memory_space<hbm>> -> memref<28x128xi32, #tpu.memory_space<hbm>>
      %dma_start3A_133 = arith.constant 0 : i32
      %dma_start3A_134 = arith.constant 0 : i32
      %dma_start3A_135 = arith.constant 0 : i32
      %dma_start3A_136 = tpu.memref_slice %arg3[%add3A_36, %dma_start3A_133, %dma_start3A_134, %dma_start3A_135] : memref<32x4x28x128xi32, #tpu.memory_space<hbm>> -> memref<1x4x28x128xi32, #tpu.memory_space<hbm>>
      %dma_start3A_137 = tpu.memref_squeeze %dma_start3A_136 : memref<1x4x28x128xi32, #tpu.memory_space<hbm>> -> memref<4x28x128xi32, #tpu.memory_space<hbm>>
      %dma_start3A_138 = arith.constant 0 : i32
      %dma_start3A_139 = arith.constant 0 : i32
      %dma_start3A_140 = tpu.memref_slice %dma_start3A_137[%add3A_3, %dma_start3A_138, %dma_start3A_139] : memref<4x28x128xi32, #tpu.memory_space<hbm>> -> memref<1x28x128xi32, #tpu.memory_space<hbm>>
      %dma_start3A_141 = tpu.memref_squeeze %dma_start3A_140 : memref<1x28x128xi32, #tpu.memory_space<hbm>> -> memref<28x128xi32, #tpu.memory_space<hbm>>
      tpu.enqueue_dma source(%dma_start3A_141 : memref<28x128xi32, #tpu.memory_space<hbm>>) target(%arg7 : memref<28x128xi32, #tpu.memory_space<vmem>>) target_semaphore(%run_scoped3A : memref<!tpu.dma_semaphore, #tpu.memory_space<semaphore_mem>>)
      %dma_wait3A = arith.constant 0 : i32
      %dma_wait3A_142 = arith.constant 0 : i32
      %dma_wait3A_143 = arith.constant 0 : i32
      %dma_wait3A_144 = tpu.memref_slice %arg3[%add3A_36, %dma_wait3A, %dma_wait3A_142, %dma_wait3A_143] : memref<32x4x28x128xi32, #tpu.memory_space<hbm>> -> memref<1x4x28x128xi32, #tpu.memory_space<hbm>>
      %dma_wait3A_145 = tpu.memref_squeeze %dma_wait3A_144 : memref<1x4x28x128xi32, #tpu.memory_space<hbm>> -> memref<4x28x128xi32, #tpu.memory_space<hbm>>
      %dma_wait3A_146 = arith.constant 0 : i32
      %dma_wait3A_147 = arith.constant 0 : i32
      %dma_wait3A_148 = tpu.memref_slice %dma_wait3A_145[%add3A_3, %dma_wait3A_146, %dma_wait3A_147] : memref<4x28x128xi32, #tpu.memory_space<hbm>> -> memref<1x28x128xi32, #tpu.memory_space<hbm>>
      %dma_wait3A_149 = tpu.memref_squeeze %dma_wait3A_148 : memref<1x28x128xi32, #tpu.memory_space<hbm>> -> memref<28x128xi32, #tpu.memory_space<hbm>>
      %dma_wait3A_150 = arith.constant 0 : i32
      %dma_wait3A_151 = arith.constant 0 : i32
      %dma_wait3A_152 = arith.constant 0 : i32
      %dma_wait3A_153 = tpu.memref_slice %arg3[%add3A_36, %dma_wait3A_150, %dma_wait3A_151, %dma_wait3A_152] : memref<32x4x28x128xi32, #tpu.memory_space<hbm>> -> memref<1x4x28x128xi32, #tpu.memory_space<hbm>>
      %dma_wait3A_154 = tpu.memref_squeeze %dma_wait3A_153 : memref<1x4x28x128xi32, #tpu.memory_space<hbm>> -> memref<4x28x128xi32, #tpu.memory_space<hbm>>
      %dma_wait3A_155 = arith.constant 0 : i32
      %dma_wait3A_156 = arith.constant 0 : i32
      %dma_wait3A_157 = tpu.memref_slice %dma_wait3A_154[%add3A_3, %dma_wait3A_155, %dma_wait3A_156] : memref<4x28x128xi32, #tpu.memory_space<hbm>> -> memref<1x28x128xi32, #tpu.memory_space<hbm>>
      %dma_wait3A_158 = tpu.memref_squeeze %dma_wait3A_157 : memref<1x28x128xi32, #tpu.memory_space<hbm>> -> memref<28x128xi32, #tpu.memory_space<hbm>>
      tpu.wait_dma2 semaphore(%run_scoped3A : memref<!tpu.dma_semaphore, #tpu.memory_space<semaphore_mem>>) src(%dma_wait3A_158 : memref<28x128xi32, #tpu.memory_space<hbm>>) dst(%arg7 : memref<28x128xi32, #tpu.memory_space<vmem>>)
      tpu.yield
    }) : () -> ()
    "tpu.region"() ({
      %run_scoped3A = tpu.sem_alloc : memref<!tpu.dma_semaphore, #tpu.memory_space<semaphore_mem>>
      %dma_start3A = arith.constant 0 : i32
      %dma_start3A_125 = arith.constant 0 : i32
      %dma_start3A_126 = arith.constant 0 : i32
      %dma_start3A_127 = tpu.memref_slice %arg4[%add3A_36, %dma_start3A, %dma_start3A_125, %dma_start3A_126] : memref<32x4x28x128xi32, #tpu.memory_space<hbm>> -> memref<1x4x28x128xi32, #tpu.memory_space<hbm>>
      %dma_start3A_128 = tpu.memref_squeeze %dma_start3A_127 : memref<1x4x28x128xi32, #tpu.memory_space<hbm>> -> memref<4x28x128xi32, #tpu.memory_space<hbm>>
      %dma_start3A_129 = arith.constant 0 : i32
      %dma_start3A_130 = arith.constant 0 : i32
      %dma_start3A_131 = tpu.memref_slice %dma_start3A_128[%add3A_3, %dma_start3A_129, %dma_start3A_130] : memref<4x28x128xi32, #tpu.memory_space<hbm>> -> memref<1x28x128xi32, #tpu.memory_space<hbm>>
      %dma_start3A_132 = tpu.memref_squeeze %dma_start3A_131 : memref<1x28x128xi32, #tpu.memory_space<hbm>> -> memref<28x128xi32, #tpu.memory_space<hbm>>
      %dma_start3A_133 = arith.constant 0 : i32
      %dma_start3A_134 = arith.constant 0 : i32
      %dma_start3A_135 = arith.constant 0 : i32
      %dma_start3A_136 = tpu.memref_slice %arg4[%add3A_36, %dma_start3A_133, %dma_start3A_134, %dma_start3A_135] : memref<32x4x28x128xi32, #tpu.memory_space<hbm>> -> memref<1x4x28x128xi32, #tpu.memory_space<hbm>>
      %dma_start3A_137 = tpu.memref_squeeze %dma_start3A_136 : memref<1x4x28x128xi32, #tpu.memory_space<hbm>> -> memref<4x28x128xi32, #tpu.memory_space<hbm>>
      %dma_start3A_138 = arith.constant 0 : i32
      %dma_start3A_139 = arith.constant 0 : i32
      %dma_start3A_140 = tpu.memref_slice %dma_start3A_137[%add3A_3, %dma_start3A_138, %dma_start3A_139] : memref<4x28x128xi32, #tpu.memory_space<hbm>> -> memref<1x28x128xi32, #tpu.memory_space<hbm>>
      %dma_start3A_141 = tpu.memref_squeeze %dma_start3A_140 : memref<1x28x128xi32, #tpu.memory_space<hbm>> -> memref<28x128xi32, #tpu.memory_space<hbm>>
      tpu.enqueue_dma source(%dma_start3A_141 : memref<28x128xi32, #tpu.memory_space<hbm>>) target(%arg8 : memref<28x128xi32, #tpu.memory_space<vmem>>) target_semaphore(%run_scoped3A : memref<!tpu.dma_semaphore, #tpu.memory_space<semaphore_mem>>)
      %dma_wait3A = arith.constant 0 : i32
      %dma_wait3A_142 = arith.constant 0 : i32
      %dma_wait3A_143 = arith.constant 0 : i32
      %dma_wait3A_144 = tpu.memref_slice %arg4[%add3A_36, %dma_wait3A, %dma_wait3A_142, %dma_wait3A_143] : memref<32x4x28x128xi32, #tpu.memory_space<hbm>> -> memref<1x4x28x128xi32, #tpu.memory_space<hbm>>
      %dma_wait3A_145 = tpu.memref_squeeze %dma_wait3A_144 : memref<1x4x28x128xi32, #tpu.memory_space<hbm>> -> memref<4x28x128xi32, #tpu.memory_space<hbm>>
      %dma_wait3A_146 = arith.constant 0 : i32
      %dma_wait3A_147 = arith.constant 0 : i32
      %dma_wait3A_148 = tpu.memref_slice %dma_wait3A_145[%add3A_3, %dma_wait3A_146, %dma_wait3A_147] : memref<4x28x128xi32, #tpu.memory_space<hbm>> -> memref<1x28x128xi32, #tpu.memory_space<hbm>>
      %dma_wait3A_149 = tpu.memref_squeeze %dma_wait3A_148 : memref<1x28x128xi32, #tpu.memory_space<hbm>> -> memref<28x128xi32, #tpu.memory_space<hbm>>
      %dma_wait3A_150 = arith.constant 0 : i32
      %dma_wait3A_151 = arith.constant 0 : i32
      %dma_wait3A_152 = arith.constant 0 : i32
      %dma_wait3A_153 = tpu.memref_slice %arg4[%add3A_36, %dma_wait3A_150, %dma_wait3A_151, %dma_wait3A_152] : memref<32x4x28x128xi32, #tpu.memory_space<hbm>> -> memref<1x4x28x128xi32, #tpu.memory_space<hbm>>
      %dma_wait3A_154 = tpu.memref_squeeze %dma_wait3A_153 : memref<1x4x28x128xi32, #tpu.memory_space<hbm>> -> memref<4x28x128xi32, #tpu.memory_space<hbm>>
      %dma_wait3A_155 = arith.constant 0 : i32
      %dma_wait3A_156 = arith.constant 0 : i32
      %dma_wait3A_157 = tpu.memref_slice %dma_wait3A_154[%add3A_3, %dma_wait3A_155, %dma_wait3A_156] : memref<4x28x128xi32, #tpu.memory_space<hbm>> -> memref<1x28x128xi32, #tpu.memory_space<hbm>>
      %dma_wait3A_158 = tpu.memref_squeeze %dma_wait3A_157 : memref<1x28x128xi32, #tpu.memory_space<hbm>> -> memref<28x128xi32, #tpu.memory_space<hbm>>
      tpu.wait_dma2 semaphore(%run_scoped3A : memref<!tpu.dma_semaphore, #tpu.memory_space<semaphore_mem>>) src(%dma_wait3A_158 : memref<28x128xi32, #tpu.memory_space<hbm>>) dst(%arg8 : memref<28x128xi32, #tpu.memory_space<vmem>>)
      tpu.yield
    }) : () -> ()
    %while3A_49 = arith.constant 0 : i32
    %while3A_50 = arith.constant 0 : i32
    %while3A_51 = arith.subi %shift_right_logical3A_48, %while3A_50 : i32
    %while3A_52 = arith.addi %while3A_50, %while3A_51 : i32
    %while3A_53 = arith.constant 1 : i32
    %while3A_54 = arith.divsi %while3A_51, %while3A_53 : i32
    %while3A_55 = arith.muli %while3A_54, %while3A_53 : i32
    %while3A_56 = arith.addi %while3A_50, %while3A_55 : i32
    %while3A_57 = arith.constant 1 : i32
    scf.for %while3A_125 = %while3A_50 to %while3A_56 step %while3A_57  : i32 {
      "tpu.region"() ({
        %run_scoped3A = tpu.sem_alloc : memref<!tpu.dma_semaphore, #tpu.memory_space<semaphore_mem>>
        %dma_start3A = arith.constant 0 : i32
        %dma_start3A_126 = tpu.memref_slice %arg7[%while3A_125, %dma_start3A] : memref<28x128xi32, #tpu.memory_space<vmem>> -> memref<1x128xi32, #tpu.memory_space<vmem>>
        %dma_start3A_127 = tpu.memref_squeeze %dma_start3A_126 : memref<1x128xi32, #tpu.memory_space<vmem>> -> memref<128xi32, #tpu.memory_space<vmem>>
        %dma_start3A_128 = arith.constant 0 : i32
        %dma_start3A_129 = arith.constant 0 : i32
        %dma_start3A_130 = tpu.memref_slice %arg12[%dma_start3A_128, %dma_start3A_129] : memref<2560x128xf32, #tpu.memory_space<vmem_shared>> -> memref<2560x128xf32, #tpu.memory_space<vmem_shared>>
        tpu.enqueue_indirect_dma source(%dma_start3A_130 : memref<2560x128xf32, #tpu.memory_space<vmem_shared>>) target(%arg10 : memref<128x128xf32, #tpu.memory_space<vmem>>) offsets(%dma_start3A_127 : memref<128xi32, #tpu.memory_space<vmem>>) semaphore(%run_scoped3A : memref<!tpu.dma_semaphore, #tpu.memory_space<semaphore_mem>>)
        %dma_wait3A = arith.constant 0 : i32
        %dma_wait3A_131 = tpu.memref_slice %arg7[%while3A_125, %dma_wait3A] : memref<28x128xi32, #tpu.memory_space<vmem>> -> memref<1x128xi32, #tpu.memory_space<vmem>>
        %dma_wait3A_132 = tpu.memref_squeeze %dma_wait3A_131 : memref<1x128xi32, #tpu.memory_space<vmem>> -> memref<128xi32, #tpu.memory_space<vmem>>
        %dma_wait3A_133 = arith.constant 0 : i32
        %dma_wait3A_134 = arith.constant 0 : i32
        %dma_wait3A_135 = tpu.memref_slice %arg12[%dma_wait3A_133, %dma_wait3A_134] : memref<2560x128xf32, #tpu.memory_space<vmem_shared>> -> memref<2560x128xf32, #tpu.memory_space<vmem_shared>>
        tpu.wait_indirect_dma semaphore(%run_scoped3A : memref<!tpu.dma_semaphore, #tpu.memory_space<semaphore_mem>>) src(%dma_wait3A_135 : memref<2560x128xf32, #tpu.memory_space<vmem_shared>>) dst(%arg10 : memref<128x128xf32, #tpu.memory_space<vmem>>)
        tpu.yield
      }) : () -> ()
      "tpu.region"() ({
        %run_scoped3A = tpu.sem_alloc : memref<!tpu.dma_semaphore, #tpu.memory_space<semaphore_mem>>
        %dma_start3A = arith.constant 0 : i32
        %dma_start3A_126 = tpu.memref_slice %arg8[%while3A_125, %dma_start3A] : memref<28x128xi32, #tpu.memory_space<vmem>> -> memref<1x128xi32, #tpu.memory_space<vmem>>
        %dma_start3A_127 = tpu.memref_squeeze %dma_start3A_126 : memref<1x128xi32, #tpu.memory_space<vmem>> -> memref<128xi32, #tpu.memory_space<vmem>>
        %dma_start3A_128 = arith.constant 0 : i32
        %dma_start3A_129 = arith.constant 0 : i32
        %dma_start3A_130 = tpu.memref_slice %arg11[%dma_start3A_128, %dma_start3A_129] : memref<10112x128xf32, #tpu.memory_space<vmem_shared>> -> memref<10112x128xf32, #tpu.memory_space<vmem_shared>>
        tpu.enqueue_indirect_dma source(%arg10 : memref<128x128xf32, #tpu.memory_space<vmem>>) target(%dma_start3A_130 : memref<10112x128xf32, #tpu.memory_space<vmem_shared>>) offsets(%dma_start3A_127 : memref<128xi32, #tpu.memory_space<vmem>>) semaphore(%run_scoped3A : memref<!tpu.dma_semaphore, #tpu.memory_space<semaphore_mem>>) {add = true}
        %dma_wait3A = arith.constant 0 : i32
        %dma_wait3A_131 = tpu.memref_slice %arg8[%while3A_125, %dma_wait3A] : memref<28x128xi32, #tpu.memory_space<vmem>> -> memref<1x128xi32, #tpu.memory_space<vmem>>
        %dma_wait3A_132 = tpu.memref_squeeze %dma_wait3A_131 : memref<1x128xi32, #tpu.memory_space<vmem>> -> memref<128xi32, #tpu.memory_space<vmem>>
        %dma_wait3A_133 = arith.constant 0 : i32
        %dma_wait3A_134 = arith.constant 0 : i32
        %dma_wait3A_135 = tpu.memref_slice %arg11[%dma_wait3A_133, %dma_wait3A_134] : memref<10112x128xf32, #tpu.memory_space<vmem_shared>> -> memref<10112x128xf32, #tpu.memory_space<vmem_shared>>
        tpu.wait_indirect_dma semaphore(%run_scoped3A : memref<!tpu.dma_semaphore, #tpu.memory_space<semaphore_mem>>) src(%arg10 : memref<128x128xf32, #tpu.memory_space<vmem>>) dst(%dma_wait3A_135 : memref<10112x128xf32, #tpu.memory_space<vmem_shared>>)
        tpu.yield
      }) : () -> ()
    }
    %while3A_58 = arith.constant 1 : i32
    scf.for %while3A_125 = %while3A_56 to %while3A_52 step %while3A_58  : i32 {
      "tpu.region"() ({
        %run_scoped3A = tpu.sem_alloc : memref<!tpu.dma_semaphore, #tpu.memory_space<semaphore_mem>>
        %dma_start3A = arith.constant 0 : i32
        %dma_start3A_126 = tpu.memref_slice %arg7[%while3A_125, %dma_start3A] : memref<28x128xi32, #tpu.memory_space<vmem>> -> memref<1x128xi32, #tpu.memory_space<vmem>>
        %dma_start3A_127 = tpu.memref_squeeze %dma_start3A_126 : memref<1x128xi32, #tpu.memory_space<vmem>> -> memref<128xi32, #tpu.memory_space<vmem>>
        %dma_start3A_128 = arith.constant 0 : i32
        %dma_start3A_129 = arith.constant 0 : i32
        %dma_start3A_130 = tpu.memref_slice %arg12[%dma_start3A_128, %dma_start3A_129] : memref<2560x128xf32, #tpu.memory_space<vmem_shared>> -> memref<2560x128xf32, #tpu.memory_space<vmem_shared>>
        tpu.enqueue_indirect_dma source(%dma_start3A_130 : memref<2560x128xf32, #tpu.memory_space<vmem_shared>>) target(%arg10 : memref<128x128xf32, #tpu.memory_space<vmem>>) offsets(%dma_start3A_127 : memref<128xi32, #tpu.memory_space<vmem>>) semaphore(%run_scoped3A : memref<!tpu.dma_semaphore, #tpu.memory_space<semaphore_mem>>)
        %dma_wait3A = arith.constant 0 : i32
        %dma_wait3A_131 = tpu.memref_slice %arg7[%while3A_125, %dma_wait3A] : memref<28x128xi32, #tpu.memory_space<vmem>> -> memref<1x128xi32, #tpu.memory_space<vmem>>
        %dma_wait3A_132 = tpu.memref_squeeze %dma_wait3A_131 : memref<1x128xi32, #tpu.memory_space<vmem>> -> memref<128xi32, #tpu.memory_space<vmem>>
        %dma_wait3A_133 = arith.constant 0 : i32
        %dma_wait3A_134 = arith.constant 0 : i32
        %dma_wait3A_135 = tpu.memref_slice %arg12[%dma_wait3A_133, %dma_wait3A_134] : memref<2560x128xf32, #tpu.memory_space<vmem_shared>> -> memref<2560x128xf32, #tpu.memory_space<vmem_shared>>
        tpu.wait_indirect_dma semaphore(%run_scoped3A : memref<!tpu.dma_semaphore, #tpu.memory_space<semaphore_mem>>) src(%dma_wait3A_135 : memref<2560x128xf32, #tpu.memory_space<vmem_shared>>) dst(%arg10 : memref<128x128xf32, #tpu.memory_space<vmem>>)
        tpu.yield
      }) : () -> ()
      "tpu.region"() ({
        %run_scoped3A = tpu.sem_alloc : memref<!tpu.dma_semaphore, #tpu.memory_space<semaphore_mem>>
        %dma_start3A = arith.constant 0 : i32
        %dma_start3A_126 = tpu.memref_slice %arg8[%while3A_125, %dma_start3A] : memref<28x128xi32, #tpu.memory_space<vmem>> -> memref<1x128xi32, #tpu.memory_space<vmem>>
        %dma_start3A_127 = tpu.memref_squeeze %dma_start3A_126 : memref<1x128xi32, #tpu.memory_space<vmem>> -> memref<128xi32, #tpu.memory_space<vmem>>
        %dma_start3A_128 = arith.constant 0 : i32
        %dma_start3A_129 = arith.constant 0 : i32
        %dma_start3A_130 = tpu.memref_slice %arg11[%dma_start3A_128, %dma_start3A_129] : memref<10112x128xf32, #tpu.memory_space<vmem_shared>> -> memref<10112x128xf32, #tpu.memory_space<vmem_shared>>
        tpu.enqueue_indirect_dma source(%arg10 : memref<128x128xf32, #tpu.memory_space<vmem>>) target(%dma_start3A_130 : memref<10112x128xf32, #tpu.memory_space<vmem_shared>>) offsets(%dma_start3A_127 : memref<128xi32, #tpu.memory_space<vmem>>) semaphore(%run_scoped3A : memref<!tpu.dma_semaphore, #tpu.memory_space<semaphore_mem>>) {add = true}
        %dma_wait3A = arith.constant 0 : i32
        %dma_wait3A_131 = tpu.memref_slice %arg8[%while3A_125, %dma_wait3A] : memref<28x128xi32, #tpu.memory_space<vmem>> -> memref<1x128xi32, #tpu.memory_space<vmem>>
        %dma_wait3A_132 = tpu.memref_squeeze %dma_wait3A_131 : memref<1x128xi32, #tpu.memory_space<vmem>> -> memref<128xi32, #tpu.memory_space<vmem>>
        %dma_wait3A_133 = arith.constant 0 : i32
        %dma_wait3A_134 = arith.constant 0 : i32
        %dma_wait3A_135 = tpu.memref_slice %arg11[%dma_wait3A_133, %dma_wait3A_134] : memref<10112x128xf32, #tpu.memory_space<vmem_shared>> -> memref<10112x128xf32, #tpu.memory_space<vmem_shared>>
        tpu.wait_indirect_dma semaphore(%run_scoped3A : memref<!tpu.dma_semaphore, #tpu.memory_space<semaphore_mem>>) src(%arg10 : memref<128x128xf32, #tpu.memory_space<vmem>>) dst(%dma_wait3A_135 : memref<10112x128xf32, #tpu.memory_space<vmem_shared>>)
        tpu.yield
      }) : () -> ()
    }
    %barrier3A_59 = arith.constant 0 : index
    tpu.barrier barrier_id(%barrier3A_59)
    %mul3A_60 = arith.constant 2 : i32
    %mul3A_61 = arith.muli %mul3A_60, %arg0 : i32
    %add3A_62 = arith.constant 1 : i32
    %add3A_63 = arith.addi %mul3A_61, %add3A_62 : i32
    %mul3A_64 = arith.constant 2560 : i32
    %mul3A_65 = arith.muli %add3A_63, %mul3A_64 : i32
    %mul3A_66 = arith.constant 160 : i32
    %mul3A_67 = arith.muli %arg1, %mul3A_66 : i32
    %add3A_68 = arith.addi %mul3A_65, %mul3A_67 : i32
    %mul3A_69 = arith.constant 160 : i32
    %mul3A_70 = arith.muli %arg1, %mul3A_69 : i32
    "tpu.region"() ({
      %run_scoped3A = tpu.sem_alloc : memref<!tpu.dma_semaphore, #tpu.memory_space<semaphore_mem>>
      %dma_start3A = arith.constant 0 : i32
      %dma_start3A_125 = tpu.memref_slice %arg12[%mul3A_70, %dma_start3A] : memref<2560x128xf32, #tpu.memory_space<vmem_shared>> -> memref<160x128xf32, #tpu.memory_space<vmem_shared>>
      %dma_start3A_126 = arith.constant 0 : i32
      %dma_start3A_127 = tpu.memref_slice %arg2[%add3A_68, %dma_start3A_126] : memref<10240x128xf32, #tpu.memory_space<hbm>> -> memref<160x128xf32, #tpu.memory_space<hbm>>
      tpu.enqueue_dma source(%dma_start3A_127 : memref<160x128xf32, #tpu.memory_space<hbm>>) target(%dma_start3A_125 : memref<160x128xf32, #tpu.memory_space<vmem_shared>>) target_semaphore(%run_scoped3A : memref<!tpu.dma_semaphore, #tpu.memory_space<semaphore_mem>>)
      %dma_wait3A = arith.constant 0 : i32
      %dma_wait3A_128 = tpu.memref_slice %arg12[%mul3A_70, %dma_wait3A] : memref<2560x128xf32, #tpu.memory_space<vmem_shared>> -> memref<160x128xf32, #tpu.memory_space<vmem_shared>>
      %dma_wait3A_129 = arith.constant 0 : i32
      %dma_wait3A_130 = tpu.memref_slice %arg2[%add3A_68, %dma_wait3A_129] : memref<10240x128xf32, #tpu.memory_space<hbm>> -> memref<160x128xf32, #tpu.memory_space<hbm>>
      tpu.wait_dma2 semaphore(%run_scoped3A : memref<!tpu.dma_semaphore, #tpu.memory_space<semaphore_mem>>) src(%dma_wait3A_130 : memref<160x128xf32, #tpu.memory_space<hbm>>) dst(%dma_wait3A_128 : memref<160x128xf32, #tpu.memory_space<vmem_shared>>)
      tpu.yield
    }) : () -> ()
    %barrier3A_71 = arith.constant 0 : index
    tpu.barrier barrier_id(%barrier3A_71)
    %mul3A_72 = arith.constant 2 : i32
    %mul3A_73 = arith.muli %mul3A_72, %arg1 : i32
    %add3A_74 = arith.constant 0 : i32
    %add3A_75 = arith.addi %mul3A_73, %add3A_74 : i32
    "tpu.region"() ({
      %run_scoped3A = tpu.sem_alloc : memref<!tpu.dma_semaphore, #tpu.memory_space<semaphore_mem>>
      %dma_start3A = arith.constant 0 : i32
      %dma_start3A_125 = arith.constant 0 : i32
      %dma_start3A_126 = tpu.memref_slice %arg5[%add3A_75, %dma_start3A, %dma_start3A_125] : memref<32x4x16xi32, #tpu.memory_space<hbm>> -> memref<1x4x16xi32, #tpu.memory_space<hbm>>
      %dma_start3A_127 = tpu.memref_squeeze %dma_start3A_126 : memref<1x4x16xi32, #tpu.memory_space<hbm>> -> memref<4x16xi32, #tpu.memory_space<hbm>>
      %dma_start3A_128 = arith.constant 0 : i32
      %dma_start3A_129 = tpu.memref_slice %dma_start3A_127[%add3A_63, %dma_start3A_128] : memref<4x16xi32, #tpu.memory_space<hbm>> -> memref<1x16xi32, #tpu.memory_space<hbm>>
      %dma_start3A_130 = tpu.memref_squeeze %dma_start3A_129 : memref<1x16xi32, #tpu.memory_space<hbm>> -> memref<16xi32, #tpu.memory_space<hbm>>
      %dma_start3A_131 = arith.constant 0 : i32
      %dma_start3A_132 = arith.constant 0 : i32
      %dma_start3A_133 = tpu.memref_slice %arg5[%add3A_75, %dma_start3A_131, %dma_start3A_132] : memref<32x4x16xi32, #tpu.memory_space<hbm>> -> memref<1x4x16xi32, #tpu.memory_space<hbm>>
      %dma_start3A_134 = tpu.memref_squeeze %dma_start3A_133 : memref<1x4x16xi32, #tpu.memory_space<hbm>> -> memref<4x16xi32, #tpu.memory_space<hbm>>
      %dma_start3A_135 = arith.constant 0 : i32
      %dma_start3A_136 = tpu.memref_slice %dma_start3A_134[%add3A_63, %dma_start3A_135] : memref<4x16xi32, #tpu.memory_space<hbm>> -> memref<1x16xi32, #tpu.memory_space<hbm>>
      %dma_start3A_137 = tpu.memref_squeeze %dma_start3A_136 : memref<1x16xi32, #tpu.memory_space<hbm>> -> memref<16xi32, #tpu.memory_space<hbm>>
      tpu.enqueue_dma source(%dma_start3A_137 : memref<16xi32, #tpu.memory_space<hbm>>) target(%arg9 : memref<16xi32, #tpu.memory_space<vmem>>) target_semaphore(%run_scoped3A : memref<!tpu.dma_semaphore, #tpu.memory_space<semaphore_mem>>)
      %dma_wait3A = arith.constant 0 : i32
      %dma_wait3A_138 = arith.constant 0 : i32
      %dma_wait3A_139 = tpu.memref_slice %arg5[%add3A_75, %dma_wait3A, %dma_wait3A_138] : memref<32x4x16xi32, #tpu.memory_space<hbm>> -> memref<1x4x16xi32, #tpu.memory_space<hbm>>
      %dma_wait3A_140 = tpu.memref_squeeze %dma_wait3A_139 : memref<1x4x16xi32, #tpu.memory_space<hbm>> -> memref<4x16xi32, #tpu.memory_space<hbm>>
      %dma_wait3A_141 = arith.constant 0 : i32
      %dma_wait3A_142 = tpu.memref_slice %dma_wait3A_140[%add3A_63, %dma_wait3A_141] : memref<4x16xi32, #tpu.memory_space<hbm>> -> memref<1x16xi32, #tpu.memory_space<hbm>>
      %dma_wait3A_143 = tpu.memref_squeeze %dma_wait3A_142 : memref<1x16xi32, #tpu.memory_space<hbm>> -> memref<16xi32, #tpu.memory_space<hbm>>
      %dma_wait3A_144 = arith.constant 0 : i32
      %dma_wait3A_145 = arith.constant 0 : i32
      %dma_wait3A_146 = tpu.memref_slice %arg5[%add3A_75, %dma_wait3A_144, %dma_wait3A_145] : memref<32x4x16xi32, #tpu.memory_space<hbm>> -> memref<1x4x16xi32, #tpu.memory_space<hbm>>
      %dma_wait3A_147 = tpu.memref_squeeze %dma_wait3A_146 : memref<1x4x16xi32, #tpu.memory_space<hbm>> -> memref<4x16xi32, #tpu.memory_space<hbm>>
      %dma_wait3A_148 = arith.constant 0 : i32
      %dma_wait3A_149 = tpu.memref_slice %dma_wait3A_147[%add3A_63, %dma_wait3A_148] : memref<4x16xi32, #tpu.memory_space<hbm>> -> memref<1x16xi32, #tpu.memory_space<hbm>>
      %dma_wait3A_150 = tpu.memref_squeeze %dma_wait3A_149 : memref<1x16xi32, #tpu.memory_space<hbm>> -> memref<16xi32, #tpu.memory_space<hbm>>
      tpu.wait_dma2 semaphore(%run_scoped3A : memref<!tpu.dma_semaphore, #tpu.memory_space<semaphore_mem>>) src(%dma_wait3A_150 : memref<16xi32, #tpu.memory_space<hbm>>) dst(%arg9 : memref<16xi32, #tpu.memory_space<vmem>>)
      tpu.yield
    }) : () -> ()
    %get3A_76 = arith.constant 0 : index
    %get3A_77 = tpu.vector_load %arg9[%get3A_76] {strides = array<i32>} : memref<16xi32, #tpu.memory_space<vmem>>, vector<16xi32>,
    %reduce_max3A_78 = arith.constant true
    %reduce_max3A_79 = vector.broadcast %reduce_max3A_78 : i1 to vector<16xi1>
    %reduce_max3A_80 = arith.constant -2147483648 : i32
    %reduce_max3A_81 = vector.broadcast %reduce_max3A_80 : i32 to vector<16xi32>
    %reduce_max3A_82 = arith.xori %get3A_77, %reduce_max3A_81 : vector<16xi32>
    %reduce_max3A_83 = tpu.scan <max>, %reduce_max3A_82 masked %reduce_max3A_79 : vector<16xi32>, vector<16xi1> -> vector<16xi32>
    %reduce_max3A_84 = arith.xori %reduce_max3A_83, %reduce_max3A_81 : vector<16xi32>
    %reduce_max3A_85 = vector.extract %reduce_max3A_84[15] : i32 from vector<16xi32>
    %shift_right_logical3A_86 = arith.constant 7 : i32
    %shift_right_logical3A_87 = arith.shrui %reduce_max3A_85, %shift_right_logical3A_86 : i32
    "tpu.region"() ({
      %run_scoped3A = tpu.sem_alloc : memref<!tpu.dma_semaphore, #tpu.memory_space<semaphore_mem>>
      %dma_start3A = arith.constant 0 : i32
      %dma_start3A_125 = arith.constant 0 : i32
      %dma_start3A_126 = arith.constant 0 : i32
      %dma_start3A_127 = tpu.memref_slice %arg3[%add3A_75, %dma_start3A, %dma_start3A_125, %dma_start3A_126] : memref<32x4x28x128xi32, #tpu.memory_space<hbm>> -> memref<1x4x28x128xi32, #tpu.memory_space<hbm>>
      %dma_start3A_128 = tpu.memref_squeeze %dma_start3A_127 : memref<1x4x28x128xi32, #tpu.memory_space<hbm>> -> memref<4x28x128xi32, #tpu.memory_space<hbm>>
      %dma_start3A_129 = arith.constant 0 : i32
      %dma_start3A_130 = arith.constant 0 : i32
      %dma_start3A_131 = tpu.memref_slice %dma_start3A_128[%add3A_63, %dma_start3A_129, %dma_start3A_130] : memref<4x28x128xi32, #tpu.memory_space<hbm>> -> memref<1x28x128xi32, #tpu.memory_space<hbm>>
      %dma_start3A_132 = tpu.memref_squeeze %dma_start3A_131 : memref<1x28x128xi32, #tpu.memory_space<hbm>> -> memref<28x128xi32, #tpu.memory_space<hbm>>
      %dma_start3A_133 = arith.constant 0 : i32
      %dma_start3A_134 = arith.constant 0 : i32
      %dma_start3A_135 = arith.constant 0 : i32
      %dma_start3A_136 = tpu.memref_slice %arg3[%add3A_75, %dma_start3A_133, %dma_start3A_134, %dma_start3A_135] : memref<32x4x28x128xi32, #tpu.memory_space<hbm>> -> memref<1x4x28x128xi32, #tpu.memory_space<hbm>>
      %dma_start3A_137 = tpu.memref_squeeze %dma_start3A_136 : memref<1x4x28x128xi32, #tpu.memory_space<hbm>> -> memref<4x28x128xi32, #tpu.memory_space<hbm>>
      %dma_start3A_138 = arith.constant 0 : i32
      %dma_start3A_139 = arith.constant 0 : i32
      %dma_start3A_140 = tpu.memref_slice %dma_start3A_137[%add3A_63, %dma_start3A_138, %dma_start3A_139] : memref<4x28x128xi32, #tpu.memory_space<hbm>> -> memref<1x28x128xi32, #tpu.memory_space<hbm>>
      %dma_start3A_141 = tpu.memref_squeeze %dma_start3A_140 : memref<1x28x128xi32, #tpu.memory_space<hbm>> -> memref<28x128xi32, #tpu.memory_space<hbm>>
      tpu.enqueue_dma source(%dma_start3A_141 : memref<28x128xi32, #tpu.memory_space<hbm>>) target(%arg7 : memref<28x128xi32, #tpu.memory_space<vmem>>) target_semaphore(%run_scoped3A : memref<!tpu.dma_semaphore, #tpu.memory_space<semaphore_mem>>)
      %dma_wait3A = arith.constant 0 : i32
      %dma_wait3A_142 = arith.constant 0 : i32
      %dma_wait3A_143 = arith.constant 0 : i32
      %dma_wait3A_144 = tpu.memref_slice %arg3[%add3A_75, %dma_wait3A, %dma_wait3A_142, %dma_wait3A_143] : memref<32x4x28x128xi32, #tpu.memory_space<hbm>> -> memref<1x4x28x128xi32, #tpu.memory_space<hbm>>
      %dma_wait3A_145 = tpu.memref_squeeze %dma_wait3A_144 : memref<1x4x28x128xi32, #tpu.memory_space<hbm>> -> memref<4x28x128xi32, #tpu.memory_space<hbm>>
      %dma_wait3A_146 = arith.constant 0 : i32
      %dma_wait3A_147 = arith.constant 0 : i32
      %dma_wait3A_148 = tpu.memref_slice %dma_wait3A_145[%add3A_63, %dma_wait3A_146, %dma_wait3A_147] : memref<4x28x128xi32, #tpu.memory_space<hbm>> -> memref<1x28x128xi32, #tpu.memory_space<hbm>>
      %dma_wait3A_149 = tpu.memref_squeeze %dma_wait3A_148 : memref<1x28x128xi32, #tpu.memory_space<hbm>> -> memref<28x128xi32, #tpu.memory_space<hbm>>
      %dma_wait3A_150 = arith.constant 0 : i32
      %dma_wait3A_151 = arith.constant 0 : i32
      %dma_wait3A_152 = arith.constant 0 : i32
      %dma_wait3A_153 = tpu.memref_slice %arg3[%add3A_75, %dma_wait3A_150, %dma_wait3A_151, %dma_wait3A_152] : memref<32x4x28x128xi32, #tpu.memory_space<hbm>> -> memref<1x4x28x128xi32, #tpu.memory_space<hbm>>
      %dma_wait3A_154 = tpu.memref_squeeze %dma_wait3A_153 : memref<1x4x28x128xi32, #tpu.memory_space<hbm>> -> memref<4x28x128xi32, #tpu.memory_space<hbm>>
      %dma_wait3A_155 = arith.constant 0 : i32
      %dma_wait3A_156 = arith.constant 0 : i32
      %dma_wait3A_157 = tpu.memref_slice %dma_wait3A_154[%add3A_63, %dma_wait3A_155, %dma_wait3A_156] : memref<4x28x128xi32, #tpu.memory_space<hbm>> -> memref<1x28x128xi32, #tpu.memory_space<hbm>>
      %dma_wait3A_158 = tpu.memref_squeeze %dma_wait3A_157 : memref<1x28x128xi32, #tpu.memory_space<hbm>> -> memref<28x128xi32, #tpu.memory_space<hbm>>
      tpu.wait_dma2 semaphore(%run_scoped3A : memref<!tpu.dma_semaphore, #tpu.memory_space<semaphore_mem>>) src(%dma_wait3A_158 : memref<28x128xi32, #tpu.memory_space<hbm>>) dst(%arg7 : memref<28x128xi32, #tpu.memory_space<vmem>>)
      tpu.yield
    }) : () -> ()
    "tpu.region"() ({
      %run_scoped3A = tpu.sem_alloc : memref<!tpu.dma_semaphore, #tpu.memory_space<semaphore_mem>>
      %dma_start3A = arith.constant 0 : i32
      %dma_start3A_125 = arith.constant 0 : i32
      %dma_start3A_126 = arith.constant 0 : i32
      %dma_start3A_127 = tpu.memref_slice %arg4[%add3A_75, %dma_start3A, %dma_start3A_125, %dma_start3A_126] : memref<32x4x28x128xi32, #tpu.memory_space<hbm>> -> memref<1x4x28x128xi32, #tpu.memory_space<hbm>>
      %dma_start3A_128 = tpu.memref_squeeze %dma_start3A_127 : memref<1x4x28x128xi32, #tpu.memory_space<hbm>> -> memref<4x28x128xi32, #tpu.memory_space<hbm>>
      %dma_start3A_129 = arith.constant 0 : i32
      %dma_start3A_130 = arith.constant 0 : i32
      %dma_start3A_131 = tpu.memref_slice %dma_start3A_128[%add3A_63, %dma_start3A_129, %dma_start3A_130] : memref<4x28x128xi32, #tpu.memory_space<hbm>> -> memref<1x28x128xi32, #tpu.memory_space<hbm>>
      %dma_start3A_132 = tpu.memref_squeeze %dma_start3A_131 : memref<1x28x128xi32, #tpu.memory_space<hbm>> -> memref<28x128xi32, #tpu.memory_space<hbm>>
      %dma_start3A_133 = arith.constant 0 : i32
      %dma_start3A_134 = arith.constant 0 : i32
      %dma_start3A_135 = arith.constant 0 : i32
      %dma_start3A_136 = tpu.memref_slice %arg4[%add3A_75, %dma_start3A_133, %dma_start3A_134, %dma_start3A_135] : memref<32x4x28x128xi32, #tpu.memory_space<hbm>> -> memref<1x4x28x128xi32, #tpu.memory_space<hbm>>
      %dma_start3A_137 = tpu.memref_squeeze %dma_start3A_136 : memref<1x4x28x128xi32, #tpu.memory_space<hbm>> -> memref<4x28x128xi32, #tpu.memory_space<hbm>>
      %dma_start3A_138 = arith.constant 0 : i32
      %dma_start3A_139 = arith.constant 0 : i32
      %dma_start3A_140 = tpu.memref_slice %dma_start3A_137[%add3A_63, %dma_start3A_138, %dma_start3A_139] : memref<4x28x128xi32, #tpu.memory_space<hbm>> -> memref<1x28x128xi32, #tpu.memory_space<hbm>>
      %dma_start3A_141 = tpu.memref_squeeze %dma_start3A_140 : memref<1x28x128xi32, #tpu.memory_space<hbm>> -> memref<28x128xi32, #tpu.memory_space<hbm>>
      tpu.enqueue_dma source(%dma_start3A_141 : memref<28x128xi32, #tpu.memory_space<hbm>>) target(%arg8 : memref<28x128xi32, #tpu.memory_space<vmem>>) target_semaphore(%run_scoped3A : memref<!tpu.dma_semaphore, #tpu.memory_space<semaphore_mem>>)
      %dma_wait3A = arith.constant 0 : i32
      %dma_wait3A_142 = arith.constant 0 : i32
      %dma_wait3A_143 = arith.constant 0 : i32
      %dma_wait3A_144 = tpu.memref_slice %arg4[%add3A_75, %dma_wait3A, %dma_wait3A_142, %dma_wait3A_143] : memref<32x4x28x128xi32, #tpu.memory_space<hbm>> -> memref<1x4x28x128xi32, #tpu.memory_space<hbm>>
      %dma_wait3A_145 = tpu.memref_squeeze %dma_wait3A_144 : memref<1x4x28x128xi32, #tpu.memory_space<hbm>> -> memref<4x28x128xi32, #tpu.memory_space<hbm>>
      %dma_wait3A_146 = arith.constant 0 : i32
      %dma_wait3A_147 = arith.constant 0 : i32
      %dma_wait3A_148 = tpu.memref_slice %dma_wait3A_145[%add3A_63, %dma_wait3A_146, %dma_wait3A_147] : memref<4x28x128xi32, #tpu.memory_space<hbm>> -> memref<1x28x128xi32, #tpu.memory_space<hbm>>
      %dma_wait3A_149 = tpu.memref_squeeze %dma_wait3A_148 : memref<1x28x128xi32, #tpu.memory_space<hbm>> -> memref<28x128xi32, #tpu.memory_space<hbm>>
      %dma_wait3A_150 = arith.constant 0 : i32
      %dma_wait3A_151 = arith.constant 0 : i32
      %dma_wait3A_152 = arith.constant 0 : i32
      %dma_wait3A_153 = tpu.memref_slice %arg4[%add3A_75, %dma_wait3A_150, %dma_wait3A_151, %dma_wait3A_152] : memref<32x4x28x128xi32, #tpu.memory_space<hbm>> -> memref<1x4x28x128xi32, #tpu.memory_space<hbm>>
      %dma_wait3A_154 = tpu.memref_squeeze %dma_wait3A_153 : memref<1x4x28x128xi32, #tpu.memory_space<hbm>> -> memref<4x28x128xi32, #tpu.memory_space<hbm>>
      %dma_wait3A_155 = arith.constant 0 : i32
      %dma_wait3A_156 = arith.constant 0 : i32
      %dma_wait3A_157 = tpu.memref_slice %dma_wait3A_154[%add3A_63, %dma_wait3A_155, %dma_wait3A_156] : memref<4x28x128xi32, #tpu.memory_space<hbm>> -> memref<1x28x128xi32, #tpu.memory_space<hbm>>
      %dma_wait3A_158 = tpu.memref_squeeze %dma_wait3A_157 : memref<1x28x128xi32, #tpu.memory_space<hbm>> -> memref<28x128xi32, #tpu.memory_space<hbm>>
      tpu.wait_dma2 semaphore(%run_scoped3A : memref<!tpu.dma_semaphore, #tpu.memory_space<semaphore_mem>>) src(%dma_wait3A_158 : memref<28x128xi32, #tpu.memory_space<hbm>>) dst(%arg8 : memref<28x128xi32, #tpu.memory_space<vmem>>)
      tpu.yield
    }) : () -> ()
    %while3A_88 = arith.constant 0 : i32
    %while3A_89 = arith.constant 0 : i32
    %while3A_90 = arith.subi %shift_right_logical3A_87, %while3A_89 : i32
    %while3A_91 = arith.addi %while3A_89, %while3A_90 : i32
    %while3A_92 = arith.constant 1 : i32
    %while3A_93 = arith.divsi %while3A_90, %while3A_92 : i32
    %while3A_94 = arith.muli %while3A_93, %while3A_92 : i32
    %while3A_95 = arith.addi %while3A_89, %while3A_94 : i32
    %while3A_96 = arith.constant 1 : i32
    scf.for %while3A_125 = %while3A_89 to %while3A_95 step %while3A_96  : i32 {
      "tpu.region"() ({
        %run_scoped3A = tpu.sem_alloc : memref<!tpu.dma_semaphore, #tpu.memory_space<semaphore_mem>>
        %dma_start3A = arith.constant 0 : i32
        %dma_start3A_126 = tpu.memref_slice %arg7[%while3A_125, %dma_start3A] : memref<28x128xi32, #tpu.memory_space<vmem>> -> memref<1x128xi32, #tpu.memory_space<vmem>>
        %dma_start3A_127 = tpu.memref_squeeze %dma_start3A_126 : memref<1x128xi32, #tpu.memory_space<vmem>> -> memref<128xi32, #tpu.memory_space<vmem>>
        %dma_start3A_128 = arith.constant 0 : i32
        %dma_start3A_129 = arith.constant 0 : i32
        %dma_start3A_130 = tpu.memref_slice %arg12[%dma_start3A_128, %dma_start3A_129] : memref<2560x128xf32, #tpu.memory_space<vmem_shared>> -> memref<2560x128xf32, #tpu.memory_space<vmem_shared>>
        tpu.enqueue_indirect_dma source(%dma_start3A_130 : memref<2560x128xf32, #tpu.memory_space<vmem_shared>>) target(%arg10 : memref<128x128xf32, #tpu.memory_space<vmem>>) offsets(%dma_start3A_127 : memref<128xi32, #tpu.memory_space<vmem>>) semaphore(%run_scoped3A : memref<!tpu.dma_semaphore, #tpu.memory_space<semaphore_mem>>)
        %dma_wait3A = arith.constant 0 : i32
        %dma_wait3A_131 = tpu.memref_slice %arg7[%while3A_125, %dma_wait3A] : memref<28x128xi32, #tpu.memory_space<vmem>> -> memref<1x128xi32, #tpu.memory_space<vmem>>
        %dma_wait3A_132 = tpu.memref_squeeze %dma_wait3A_131 : memref<1x128xi32, #tpu.memory_space<vmem>> -> memref<128xi32, #tpu.memory_space<vmem>>
        %dma_wait3A_133 = arith.constant 0 : i32
        %dma_wait3A_134 = arith.constant 0 : i32
        %dma_wait3A_135 = tpu.memref_slice %arg12[%dma_wait3A_133, %dma_wait3A_134] : memref<2560x128xf32, #tpu.memory_space<vmem_shared>> -> memref<2560x128xf32, #tpu.memory_space<vmem_shared>>
        tpu.wait_indirect_dma semaphore(%run_scoped3A : memref<!tpu.dma_semaphore, #tpu.memory_space<semaphore_mem>>) src(%dma_wait3A_135 : memref<2560x128xf32, #tpu.memory_space<vmem_shared>>) dst(%arg10 : memref<128x128xf32, #tpu.memory_space<vmem>>)
        tpu.yield
      }) : () -> ()
      "tpu.region"() ({
        %run_scoped3A = tpu.sem_alloc : memref<!tpu.dma_semaphore, #tpu.memory_space<semaphore_mem>>
        %dma_start3A = arith.constant 0 : i32
        %dma_start3A_126 = tpu.memref_slice %arg8[%while3A_125, %dma_start3A] : memref<28x128xi32, #tpu.memory_space<vmem>> -> memref<1x128xi32, #tpu.memory_space<vmem>>
        %dma_start3A_127 = tpu.memref_squeeze %dma_start3A_126 : memref<1x128xi32, #tpu.memory_space<vmem>> -> memref<128xi32, #tpu.memory_space<vmem>>
        %dma_start3A_128 = arith.constant 0 : i32
        %dma_start3A_129 = arith.constant 0 : i32
        %dma_start3A_130 = tpu.memref_slice %arg11[%dma_start3A_128, %dma_start3A_129] : memref<10112x128xf32, #tpu.memory_space<vmem_shared>> -> memref<10112x128xf32, #tpu.memory_space<vmem_shared>>
        tpu.enqueue_indirect_dma source(%arg10 : memref<128x128xf32, #tpu.memory_space<vmem>>) target(%dma_start3A_130 : memref<10112x128xf32, #tpu.memory_space<vmem_shared>>) offsets(%dma_start3A_127 : memref<128xi32, #tpu.memory_space<vmem>>) semaphore(%run_scoped3A : memref<!tpu.dma_semaphore, #tpu.memory_space<semaphore_mem>>) {add = true}
        %dma_wait3A = arith.constant 0 : i32
        %dma_wait3A_131 = tpu.memref_slice %arg8[%while3A_125, %dma_wait3A] : memref<28x128xi32, #tpu.memory_space<vmem>> -> memref<1x128xi32, #tpu.memory_space<vmem>>
        %dma_wait3A_132 = tpu.memref_squeeze %dma_wait3A_131 : memref<1x128xi32, #tpu.memory_space<vmem>> -> memref<128xi32, #tpu.memory_space<vmem>>
        %dma_wait3A_133 = arith.constant 0 : i32
        %dma_wait3A_134 = arith.constant 0 : i32
        %dma_wait3A_135 = tpu.memref_slice %arg11[%dma_wait3A_133, %dma_wait3A_134] : memref<10112x128xf32, #tpu.memory_space<vmem_shared>> -> memref<10112x128xf32, #tpu.memory_space<vmem_shared>>
        tpu.wait_indirect_dma semaphore(%run_scoped3A : memref<!tpu.dma_semaphore, #tpu.memory_space<semaphore_mem>>) src(%arg10 : memref<128x128xf32, #tpu.memory_space<vmem>>) dst(%dma_wait3A_135 : memref<10112x128xf32, #tpu.memory_space<vmem_shared>>)
        tpu.yield
      }) : () -> ()
    }
    %while3A_97 = arith.constant 1 : i32
    scf.for %while3A_125 = %while3A_95 to %while3A_91 step %while3A_97  : i32 {
      "tpu.region"() ({
        %run_scoped3A = tpu.sem_alloc : memref<!tpu.dma_semaphore, #tpu.memory_space<semaphore_mem>>
        %dma_start3A = arith.constant 0 : i32
        %dma_start3A_126 = tpu.memref_slice %arg7[%while3A_125, %dma_start3A] : memref<28x128xi32, #tpu.memory_space<vmem>> -> memref<1x128xi32, #tpu.memory_space<vmem>>
        %dma_start3A_127 = tpu.memref_squeeze %dma_start3A_126 : memref<1x128xi32, #tpu.memory_space<vmem>> -> memref<128xi32, #tpu.memory_space<vmem>>
        %dma_start3A_128 = arith.constant 0 : i32
        %dma_start3A_129 = arith.constant 0 : i32
        %dma_start3A_130 = tpu.memref_slice %arg12[%dma_start3A_128, %dma_start3A_129] : memref<2560x128xf32, #tpu.memory_space<vmem_shared>> -> memref<2560x128xf32, #tpu.memory_space<vmem_shared>>
        tpu.enqueue_indirect_dma source(%dma_start3A_130 : memref<2560x128xf32, #tpu.memory_space<vmem_shared>>) target(%arg10 : memref<128x128xf32, #tpu.memory_space<vmem>>) offsets(%dma_start3A_127 : memref<128xi32, #tpu.memory_space<vmem>>) semaphore(%run_scoped3A : memref<!tpu.dma_semaphore, #tpu.memory_space<semaphore_mem>>)
        %dma_wait3A = arith.constant 0 : i32
        %dma_wait3A_131 = tpu.memref_slice %arg7[%while3A_125, %dma_wait3A] : memref<28x128xi32, #tpu.memory_space<vmem>> -> memref<1x128xi32, #tpu.memory_space<vmem>>
        %dma_wait3A_132 = tpu.memref_squeeze %dma_wait3A_131 : memref<1x128xi32, #tpu.memory_space<vmem>> -> memref<128xi32, #tpu.memory_space<vmem>>
        %dma_wait3A_133 = arith.constant 0 : i32
        %dma_wait3A_134 = arith.constant 0 : i32
        %dma_wait3A_135 = tpu.memref_slice %arg12[%dma_wait3A_133, %dma_wait3A_134] : memref<2560x128xf32, #tpu.memory_space<vmem_shared>> -> memref<2560x128xf32, #tpu.memory_space<vmem_shared>>
        tpu.wait_indirect_dma semaphore(%run_scoped3A : memref<!tpu.dma_semaphore, #tpu.memory_space<semaphore_mem>>) src(%dma_wait3A_135 : memref<2560x128xf32, #tpu.memory_space<vmem_shared>>) dst(%arg10 : memref<128x128xf32, #tpu.memory_space<vmem>>)
        tpu.yield
      }) : () -> ()
      "tpu.region"() ({
        %run_scoped3A = tpu.sem_alloc : memref<!tpu.dma_semaphore, #tpu.memory_space<semaphore_mem>>
        %dma_start3A = arith.constant 0 : i32
        %dma_start3A_126 = tpu.memref_slice %arg8[%while3A_125, %dma_start3A] : memref<28x128xi32, #tpu.memory_space<vmem>> -> memref<1x128xi32, #tpu.memory_space<vmem>>
        %dma_start3A_127 = tpu.memref_squeeze %dma_start3A_126 : memref<1x128xi32, #tpu.memory_space<vmem>> -> memref<128xi32, #tpu.memory_space<vmem>>
        %dma_start3A_128 = arith.constant 0 : i32
        %dma_start3A_129 = arith.constant 0 : i32
        %dma_start3A_130 = tpu.memref_slice %arg11[%dma_start3A_128, %dma_start3A_129] : memref<10112x128xf32, #tpu.memory_space<vmem_shared>> -> memref<10112x128xf32, #tpu.memory_space<vmem_shared>>
        tpu.enqueue_indirect_dma source(%arg10 : memref<128x128xf32, #tpu.memory_space<vmem>>) target(%dma_start3A_130 : memref<10112x128xf32, #tpu.memory_space<vmem_shared>>) offsets(%dma_start3A_127 : memref<128xi32, #tpu.memory_space<vmem>>) semaphore(%run_scoped3A : memref<!tpu.dma_semaphore, #tpu.memory_space<semaphore_mem>>) {add = true}
        %dma_wait3A = arith.constant 0 : i32
        %dma_wait3A_131 = tpu.memref_slice %arg8[%while3A_125, %dma_wait3A] : memref<28x128xi32, #tpu.memory_space<vmem>> -> memref<1x128xi32, #tpu.memory_space<vmem>>
        %dma_wait3A_132 = tpu.memref_squeeze %dma_wait3A_131 : memref<1x128xi32, #tpu.memory_space<vmem>> -> memref<128xi32, #tpu.memory_space<vmem>>
        %dma_wait3A_133 = arith.constant 0 : i32
        %dma_wait3A_134 = arith.constant 0 : i32
        %dma_wait3A_135 = tpu.memref_slice %arg11[%dma_wait3A_133, %dma_wait3A_134] : memref<10112x128xf32, #tpu.memory_space<vmem_shared>> -> memref<10112x128xf32, #tpu.memory_space<vmem_shared>>
        tpu.wait_indirect_dma semaphore(%run_scoped3A : memref<!tpu.dma_semaphore, #tpu.memory_space<semaphore_mem>>) src(%arg10 : memref<128x128xf32, #tpu.memory_space<vmem>>) dst(%dma_wait3A_135 : memref<10112x128xf32, #tpu.memory_space<vmem_shared>>)
        tpu.yield
      }) : () -> ()
    }
    %mul3A_98 = arith.constant 2 : i32
    %mul3A_99 = arith.muli %mul3A_98, %arg1 : i32
    %add3A_100 = arith.constant 1 : i32
    %add3A_101 = arith.addi %mul3A_99, %add3A_100 : i32
    "tpu.region"() ({
      %run_scoped3A = tpu.sem_alloc : memref<!tpu.dma_semaphore, #tpu.memory_space<semaphore_mem>>
      %dma_start3A = arith.constant 0 : i32
      %dma_start3A_125 = arith.constant 0 : i32
      %dma_start3A_126 = tpu.memref_slice %arg5[%add3A_101, %dma_start3A, %dma_start3A_125] : memref<32x4x16xi32, #tpu.memory_space<hbm>> -> memref<1x4x16xi32, #tpu.memory_space<hbm>>
      %dma_start3A_127 = tpu.memref_squeeze %dma_start3A_126 : memref<1x4x16xi32, #tpu.memory_space<hbm>> -> memref<4x16xi32, #tpu.memory_space<hbm>>
      %dma_start3A_128 = arith.constant 0 : i32
      %dma_start3A_129 = tpu.memref_slice %dma_start3A_127[%add3A_63, %dma_start3A_128] : memref<4x16xi32, #tpu.memory_space<hbm>> -> memref<1x16xi32, #tpu.memory_space<hbm>>
      %dma_start3A_130 = tpu.memref_squeeze %dma_start3A_129 : memref<1x16xi32, #tpu.memory_space<hbm>> -> memref<16xi32, #tpu.memory_space<hbm>>
      %dma_start3A_131 = arith.constant 0 : i32
      %dma_start3A_132 = arith.constant 0 : i32
      %dma_start3A_133 = tpu.memref_slice %arg5[%add3A_101, %dma_start3A_131, %dma_start3A_132] : memref<32x4x16xi32, #tpu.memory_space<hbm>> -> memref<1x4x16xi32, #tpu.memory_space<hbm>>
      %dma_start3A_134 = tpu.memref_squeeze %dma_start3A_133 : memref<1x4x16xi32, #tpu.memory_space<hbm>> -> memref<4x16xi32, #tpu.memory_space<hbm>>
      %dma_start3A_135 = arith.constant 0 : i32
      %dma_start3A_136 = tpu.memref_slice %dma_start3A_134[%add3A_63, %dma_start3A_135] : memref<4x16xi32, #tpu.memory_space<hbm>> -> memref<1x16xi32, #tpu.memory_space<hbm>>
      %dma_start3A_137 = tpu.memref_squeeze %dma_start3A_136 : memref<1x16xi32, #tpu.memory_space<hbm>> -> memref<16xi32, #tpu.memory_space<hbm>>
      tpu.enqueue_dma source(%dma_start3A_137 : memref<16xi32, #tpu.memory_space<hbm>>) target(%arg9 : memref<16xi32, #tpu.memory_space<vmem>>) target_semaphore(%run_scoped3A : memref<!tpu.dma_semaphore, #tpu.memory_space<semaphore_mem>>)
      %dma_wait3A = arith.constant 0 : i32
      %dma_wait3A_138 = arith.constant 0 : i32
      %dma_wait3A_139 = tpu.memref_slice %arg5[%add3A_101, %dma_wait3A, %dma_wait3A_138] : memref<32x4x16xi32, #tpu.memory_space<hbm>> -> memref<1x4x16xi32, #tpu.memory_space<hbm>>
      %dma_wait3A_140 = tpu.memref_squeeze %dma_wait3A_139 : memref<1x4x16xi32, #tpu.memory_space<hbm>> -> memref<4x16xi32, #tpu.memory_space<hbm>>
      %dma_wait3A_141 = arith.constant 0 : i32
      %dma_wait3A_142 = tpu.memref_slice %dma_wait3A_140[%add3A_63, %dma_wait3A_141] : memref<4x16xi32, #tpu.memory_space<hbm>> -> memref<1x16xi32, #tpu.memory_space<hbm>>
      %dma_wait3A_143 = tpu.memref_squeeze %dma_wait3A_142 : memref<1x16xi32, #tpu.memory_space<hbm>> -> memref<16xi32, #tpu.memory_space<hbm>>
      %dma_wait3A_144 = arith.constant 0 : i32
      %dma_wait3A_145 = arith.constant 0 : i32
      %dma_wait3A_146 = tpu.memref_slice %arg5[%add3A_101, %dma_wait3A_144, %dma_wait3A_145] : memref<32x4x16xi32, #tpu.memory_space<hbm>> -> memref<1x4x16xi32, #tpu.memory_space<hbm>>
      %dma_wait3A_147 = tpu.memref_squeeze %dma_wait3A_146 : memref<1x4x16xi32, #tpu.memory_space<hbm>> -> memref<4x16xi32, #tpu.memory_space<hbm>>
      %dma_wait3A_148 = arith.constant 0 : i32
      %dma_wait3A_149 = tpu.memref_slice %dma_wait3A_147[%add3A_63, %dma_wait3A_148] : memref<4x16xi32, #tpu.memory_space<hbm>> -> memref<1x16xi32, #tpu.memory_space<hbm>>
      %dma_wait3A_150 = tpu.memref_squeeze %dma_wait3A_149 : memref<1x16xi32, #tpu.memory_space<hbm>> -> memref<16xi32, #tpu.memory_space<hbm>>
      tpu.wait_dma2 semaphore(%run_scoped3A : memref<!tpu.dma_semaphore, #tpu.memory_space<semaphore_mem>>) src(%dma_wait3A_150 : memref<16xi32, #tpu.memory_space<hbm>>) dst(%arg9 : memref<16xi32, #tpu.memory_space<vmem>>)
      tpu.yield
    }) : () -> ()
    %get3A_102 = arith.constant 0 : index
    %get3A_103 = tpu.vector_load %arg9[%get3A_102] {strides = array<i32>} : memref<16xi32, #tpu.memory_space<vmem>>, vector<16xi32>,
    %reduce_max3A_104 = arith.constant true
    %reduce_max3A_105 = vector.broadcast %reduce_max3A_104 : i1 to vector<16xi1>
    %reduce_max3A_106 = arith.constant -2147483648 : i32
    %reduce_max3A_107 = vector.broadcast %reduce_max3A_106 : i32 to vector<16xi32>
    %reduce_max3A_108 = arith.xori %get3A_103, %reduce_max3A_107 : vector<16xi32>
    %reduce_max3A_109 = tpu.scan <max>, %reduce_max3A_108 masked %reduce_max3A_105 : vector<16xi32>, vector<16xi1> -> vector<16xi32>
    %reduce_max3A_110 = arith.xori %reduce_max3A_109, %reduce_max3A_107 : vector<16xi32>
    %reduce_max3A_111 = vector.extract %reduce_max3A_110[15] : i32 from vector<16xi32>
    %shift_right_logical3A_112 = arith.constant 7 : i32
    %shift_right_logical3A_113 = arith.shrui %reduce_max3A_111, %shift_right_logical3A_112 : i32
    "tpu.region"() ({
      %run_scoped3A = tpu.sem_alloc : memref<!tpu.dma_semaphore, #tpu.memory_space<semaphore_mem>>
      %dma_start3A = arith.constant 0 : i32
      %dma_start3A_125 = arith.constant 0 : i32
      %dma_start3A_126 = arith.constant 0 : i32
      %dma_start3A_127 = tpu.memref_slice %arg3[%add3A_101, %dma_start3A, %dma_start3A_125, %dma_start3A_126] : memref<32x4x28x128xi32, #tpu.memory_space<hbm>> -> memref<1x4x28x128xi32, #tpu.memory_space<hbm>>
      %dma_start3A_128 = tpu.memref_squeeze %dma_start3A_127 : memref<1x4x28x128xi32, #tpu.memory_space<hbm>> -> memref<4x28x128xi32, #tpu.memory_space<hbm>>
      %dma_start3A_129 = arith.constant 0 : i32
      %dma_start3A_130 = arith.constant 0 : i32
      %dma_start3A_131 = tpu.memref_slice %dma_start3A_128[%add3A_63, %dma_start3A_129, %dma_start3A_130] : memref<4x28x128xi32, #tpu.memory_space<hbm>> -> memref<1x28x128xi32, #tpu.memory_space<hbm>>
      %dma_start3A_132 = tpu.memref_squeeze %dma_start3A_131 : memref<1x28x128xi32, #tpu.memory_space<hbm>> -> memref<28x128xi32, #tpu.memory_space<hbm>>
      %dma_start3A_133 = arith.constant 0 : i32
      %dma_start3A_134 = arith.constant 0 : i32
      %dma_start3A_135 = arith.constant 0 : i32
      %dma_start3A_136 = tpu.memref_slice %arg3[%add3A_101, %dma_start3A_133, %dma_start3A_134, %dma_start3A_135] : memref<32x4x28x128xi32, #tpu.memory_space<hbm>> -> memref<1x4x28x128xi32, #tpu.memory_space<hbm>>
      %dma_start3A_137 = tpu.memref_squeeze %dma_start3A_136 : memref<1x4x28x128xi32, #tpu.memory_space<hbm>> -> memref<4x28x128xi32, #tpu.memory_space<hbm>>
      %dma_start3A_138 = arith.constant 0 : i32
      %dma_start3A_139 = arith.constant 0 : i32
      %dma_start3A_140 = tpu.memref_slice %dma_start3A_137[%add3A_63, %dma_start3A_138, %dma_start3A_139] : memref<4x28x128xi32, #tpu.memory_space<hbm>> -> memref<1x28x128xi32, #tpu.memory_space<hbm>>
      %dma_start3A_141 = tpu.memref_squeeze %dma_start3A_140 : memref<1x28x128xi32, #tpu.memory_space<hbm>> -> memref<28x128xi32, #tpu.memory_space<hbm>>
      tpu.enqueue_dma source(%dma_start3A_141 : memref<28x128xi32, #tpu.memory_space<hbm>>) target(%arg7 : memref<28x128xi32, #tpu.memory_space<vmem>>) target_semaphore(%run_scoped3A : memref<!tpu.dma_semaphore, #tpu.memory_space<semaphore_mem>>)
      %dma_wait3A = arith.constant 0 : i32
      %dma_wait3A_142 = arith.constant 0 : i32
      %dma_wait3A_143 = arith.constant 0 : i32
      %dma_wait3A_144 = tpu.memref_slice %arg3[%add3A_101, %dma_wait3A, %dma_wait3A_142, %dma_wait3A_143] : memref<32x4x28x128xi32, #tpu.memory_space<hbm>> -> memref<1x4x28x128xi32, #tpu.memory_space<hbm>>
      %dma_wait3A_145 = tpu.memref_squeeze %dma_wait3A_144 : memref<1x4x28x128xi32, #tpu.memory_space<hbm>> -> memref<4x28x128xi32, #tpu.memory_space<hbm>>
      %dma_wait3A_146 = arith.constant 0 : i32
      %dma_wait3A_147 = arith.constant 0 : i32
      %dma_wait3A_148 = tpu.memref_slice %dma_wait3A_145[%add3A_63, %dma_wait3A_146, %dma_wait3A_147] : memref<4x28x128xi32, #tpu.memory_space<hbm>> -> memref<1x28x128xi32, #tpu.memory_space<hbm>>
      %dma_wait3A_149 = tpu.memref_squeeze %dma_wait3A_148 : memref<1x28x128xi32, #tpu.memory_space<hbm>> -> memref<28x128xi32, #tpu.memory_space<hbm>>
      %dma_wait3A_150 = arith.constant 0 : i32
      %dma_wait3A_151 = arith.constant 0 : i32
      %dma_wait3A_152 = arith.constant 0 : i32
      %dma_wait3A_153 = tpu.memref_slice %arg3[%add3A_101, %dma_wait3A_150, %dma_wait3A_151, %dma_wait3A_152] : memref<32x4x28x128xi32, #tpu.memory_space<hbm>> -> memref<1x4x28x128xi32, #tpu.memory_space<hbm>>
      %dma_wait3A_154 = tpu.memref_squeeze %dma_wait3A_153 : memref<1x4x28x128xi32, #tpu.memory_space<hbm>> -> memref<4x28x128xi32, #tpu.memory_space<hbm>>
      %dma_wait3A_155 = arith.constant 0 : i32
      %dma_wait3A_156 = arith.constant 0 : i32
      %dma_wait3A_157 = tpu.memref_slice %dma_wait3A_154[%add3A_63, %dma_wait3A_155, %dma_wait3A_156] : memref<4x28x128xi32, #tpu.memory_space<hbm>> -> memref<1x28x128xi32, #tpu.memory_space<hbm>>
      %dma_wait3A_158 = tpu.memref_squeeze %dma_wait3A_157 : memref<1x28x128xi32, #tpu.memory_space<hbm>> -> memref<28x128xi32, #tpu.memory_space<hbm>>
      tpu.wait_dma2 semaphore(%run_scoped3A : memref<!tpu.dma_semaphore, #tpu.memory_space<semaphore_mem>>) src(%dma_wait3A_158 : memref<28x128xi32, #tpu.memory_space<hbm>>) dst(%arg7 : memref<28x128xi32, #tpu.memory_space<vmem>>)
      tpu.yield
    }) : () -> ()
    "tpu.region"() ({
      %run_scoped3A = tpu.sem_alloc : memref<!tpu.dma_semaphore, #tpu.memory_space<semaphore_mem>>
      %dma_start3A = arith.constant 0 : i32
      %dma_start3A_125 = arith.constant 0 : i32
      %dma_start3A_126 = arith.constant 0 : i32
      %dma_start3A_127 = tpu.memref_slice %arg4[%add3A_101, %dma_start3A, %dma_start3A_125, %dma_start3A_126] : memref<32x4x28x128xi32, #tpu.memory_space<hbm>> -> memref<1x4x28x128xi32, #tpu.memory_space<hbm>>
      %dma_start3A_128 = tpu.memref_squeeze %dma_start3A_127 : memref<1x4x28x128xi32, #tpu.memory_space<hbm>> -> memref<4x28x128xi32, #tpu.memory_space<hbm>>
      %dma_start3A_129 = arith.constant 0 : i32
      %dma_start3A_130 = arith.constant 0 : i32
      %dma_start3A_131 = tpu.memref_slice %dma_start3A_128[%add3A_63, %dma_start3A_129, %dma_start3A_130] : memref<4x28x128xi32, #tpu.memory_space<hbm>> -> memref<1x28x128xi32, #tpu.memory_space<hbm>>
      %dma_start3A_132 = tpu.memref_squeeze %dma_start3A_131 : memref<1x28x128xi32, #tpu.memory_space<hbm>> -> memref<28x128xi32, #tpu.memory_space<hbm>>
      %dma_start3A_133 = arith.constant 0 : i32
      %dma_start3A_134 = arith.constant 0 : i32
      %dma_start3A_135 = arith.constant 0 : i32
      %dma_start3A_136 = tpu.memref_slice %arg4[%add3A_101, %dma_start3A_133, %dma_start3A_134, %dma_start3A_135] : memref<32x4x28x128xi32, #tpu.memory_space<hbm>> -> memref<1x4x28x128xi32, #tpu.memory_space<hbm>>
      %dma_start3A_137 = tpu.memref_squeeze %dma_start3A_136 : memref<1x4x28x128xi32, #tpu.memory_space<hbm>> -> memref<4x28x128xi32, #tpu.memory_space<hbm>>
      %dma_start3A_138 = arith.constant 0 : i32
      %dma_start3A_139 = arith.constant 0 : i32
      %dma_start3A_140 = tpu.memref_slice %dma_start3A_137[%add3A_63, %dma_start3A_138, %dma_start3A_139] : memref<4x28x128xi32, #tpu.memory_space<hbm>> -> memref<1x28x128xi32, #tpu.memory_space<hbm>>
      %dma_start3A_141 = tpu.memref_squeeze %dma_start3A_140 : memref<1x28x128xi32, #tpu.memory_space<hbm>> -> memref<28x128xi32, #tpu.memory_space<hbm>>
      tpu.enqueue_dma source(%dma_start3A_141 : memref<28x128xi32, #tpu.memory_space<hbm>>) target(%arg8 : memref<28x128xi32, #tpu.memory_space<vmem>>) target_semaphore(%run_scoped3A : memref<!tpu.dma_semaphore, #tpu.memory_space<semaphore_mem>>)
      %dma_wait3A = arith.constant 0 : i32
      %dma_wait3A_142 = arith.constant 0 : i32
      %dma_wait3A_143 = arith.constant 0 : i32
      %dma_wait3A_144 = tpu.memref_slice %arg4[%add3A_101, %dma_wait3A, %dma_wait3A_142, %dma_wait3A_143] : memref<32x4x28x128xi32, #tpu.memory_space<hbm>> -> memref<1x4x28x128xi32, #tpu.memory_space<hbm>>
      %dma_wait3A_145 = tpu.memref_squeeze %dma_wait3A_144 : memref<1x4x28x128xi32, #tpu.memory_space<hbm>> -> memref<4x28x128xi32, #tpu.memory_space<hbm>>
      %dma_wait3A_146 = arith.constant 0 : i32
      %dma_wait3A_147 = arith.constant 0 : i32
      %dma_wait3A_148 = tpu.memref_slice %dma_wait3A_145[%add3A_63, %dma_wait3A_146, %dma_wait3A_147] : memref<4x28x128xi32, #tpu.memory_space<hbm>> -> memref<1x28x128xi32, #tpu.memory_space<hbm>>
      %dma_wait3A_149 = tpu.memref_squeeze %dma_wait3A_148 : memref<1x28x128xi32, #tpu.memory_space<hbm>> -> memref<28x128xi32, #tpu.memory_space<hbm>>
      %dma_wait3A_150 = arith.constant 0 : i32
      %dma_wait3A_151 = arith.constant 0 : i32
      %dma_wait3A_152 = arith.constant 0 : i32
      %dma_wait3A_153 = tpu.memref_slice %arg4[%add3A_101, %dma_wait3A_150, %dma_wait3A_151, %dma_wait3A_152] : memref<32x4x28x128xi32, #tpu.memory_space<hbm>> -> memref<1x4x28x128xi32, #tpu.memory_space<hbm>>
      %dma_wait3A_154 = tpu.memref_squeeze %dma_wait3A_153 : memref<1x4x28x128xi32, #tpu.memory_space<hbm>> -> memref<4x28x128xi32, #tpu.memory_space<hbm>>
      %dma_wait3A_155 = arith.constant 0 : i32
      %dma_wait3A_156 = arith.constant 0 : i32
      %dma_wait3A_157 = tpu.memref_slice %dma_wait3A_154[%add3A_63, %dma_wait3A_155, %dma_wait3A_156] : memref<4x28x128xi32, #tpu.memory_space<hbm>> -> memref<1x28x128xi32, #tpu.memory_space<hbm>>
      %dma_wait3A_158 = tpu.memref_squeeze %dma_wait3A_157 : memref<1x28x128xi32, #tpu.memory_space<hbm>> -> memref<28x128xi32, #tpu.memory_space<hbm>>
      tpu.wait_dma2 semaphore(%run_scoped3A : memref<!tpu.dma_semaphore, #tpu.memory_space<semaphore_mem>>) src(%dma_wait3A_158 : memref<28x128xi32, #tpu.memory_space<hbm>>) dst(%arg8 : memref<28x128xi32, #tpu.memory_space<vmem>>)
      tpu.yield
    }) : () -> ()
    %while3A_114 = arith.constant 0 : i32
    %while3A_115 = arith.constant 0 : i32
    %while3A_116 = arith.subi %shift_right_logical3A_113, %while3A_115 : i32
    %while3A_117 = arith.addi %while3A_115, %while3A_116 : i32
    %while3A_118 = arith.constant 1 : i32
    %while3A_119 = arith.divsi %while3A_116, %while3A_118 : i32
    %while3A_120 = arith.muli %while3A_119, %while3A_118 : i32
    %while3A_121 = arith.addi %while3A_115, %while3A_120 : i32
    %while3A_122 = arith.constant 1 : i32
    scf.for %while3A_125 = %while3A_115 to %while3A_121 step %while3A_122  : i32 {
      "tpu.region"() ({
        %run_scoped3A = tpu.sem_alloc : memref<!tpu.dma_semaphore, #tpu.memory_space<semaphore_mem>>
        %dma_start3A = arith.constant 0 : i32
        %dma_start3A_126 = tpu.memref_slice %arg7[%while3A_125, %dma_start3A] : memref<28x128xi32, #tpu.memory_space<vmem>> -> memref<1x128xi32, #tpu.memory_space<vmem>>
        %dma_start3A_127 = tpu.memref_squeeze %dma_start3A_126 : memref<1x128xi32, #tpu.memory_space<vmem>> -> memref<128xi32, #tpu.memory_space<vmem>>
        %dma_start3A_128 = arith.constant 0 : i32
        %dma_start3A_129 = arith.constant 0 : i32
        %dma_start3A_130 = tpu.memref_slice %arg12[%dma_start3A_128, %dma_start3A_129] : memref<2560x128xf32, #tpu.memory_space<vmem_shared>> -> memref<2560x128xf32, #tpu.memory_space<vmem_shared>>
        tpu.enqueue_indirect_dma source(%dma_start3A_130 : memref<2560x128xf32, #tpu.memory_space<vmem_shared>>) target(%arg10 : memref<128x128xf32, #tpu.memory_space<vmem>>) offsets(%dma_start3A_127 : memref<128xi32, #tpu.memory_space<vmem>>) semaphore(%run_scoped3A : memref<!tpu.dma_semaphore, #tpu.memory_space<semaphore_mem>>)
        %dma_wait3A = arith.constant 0 : i32
        %dma_wait3A_131 = tpu.memref_slice %arg7[%while3A_125, %dma_wait3A] : memref<28x128xi32, #tpu.memory_space<vmem>> -> memref<1x128xi32, #tpu.memory_space<vmem>>
        %dma_wait3A_132 = tpu.memref_squeeze %dma_wait3A_131 : memref<1x128xi32, #tpu.memory_space<vmem>> -> memref<128xi32, #tpu.memory_space<vmem>>
        %dma_wait3A_133 = arith.constant 0 : i32
        %dma_wait3A_134 = arith.constant 0 : i32
        %dma_wait3A_135 = tpu.memref_slice %arg12[%dma_wait3A_133, %dma_wait3A_134] : memref<2560x128xf32, #tpu.memory_space<vmem_shared>> -> memref<2560x128xf32, #tpu.memory_space<vmem_shared>>
        tpu.wait_indirect_dma semaphore(%run_scoped3A : memref<!tpu.dma_semaphore, #tpu.memory_space<semaphore_mem>>) src(%dma_wait3A_135 : memref<2560x128xf32, #tpu.memory_space<vmem_shared>>) dst(%arg10 : memref<128x128xf32, #tpu.memory_space<vmem>>)
        tpu.yield
      }) : () -> ()
      "tpu.region"() ({
        %run_scoped3A = tpu.sem_alloc : memref<!tpu.dma_semaphore, #tpu.memory_space<semaphore_mem>>
        %dma_start3A = arith.constant 0 : i32
        %dma_start3A_126 = tpu.memref_slice %arg8[%while3A_125, %dma_start3A] : memref<28x128xi32, #tpu.memory_space<vmem>> -> memref<1x128xi32, #tpu.memory_space<vmem>>
        %dma_start3A_127 = tpu.memref_squeeze %dma_start3A_126 : memref<1x128xi32, #tpu.memory_space<vmem>> -> memref<128xi32, #tpu.memory_space<vmem>>
        %dma_start3A_128 = arith.constant 0 : i32
        %dma_start3A_129 = arith.constant 0 : i32
        %dma_start3A_130 = tpu.memref_slice %arg11[%dma_start3A_128, %dma_start3A_129] : memref<10112x128xf32, #tpu.memory_space<vmem_shared>> -> memref<10112x128xf32, #tpu.memory_space<vmem_shared>>
        tpu.enqueue_indirect_dma source(%arg10 : memref<128x128xf32, #tpu.memory_space<vmem>>) target(%dma_start3A_130 : memref<10112x128xf32, #tpu.memory_space<vmem_shared>>) offsets(%dma_start3A_127 : memref<128xi32, #tpu.memory_space<vmem>>) semaphore(%run_scoped3A : memref<!tpu.dma_semaphore, #tpu.memory_space<semaphore_mem>>) {add = true}
        %dma_wait3A = arith.constant 0 : i32
        %dma_wait3A_131 = tpu.memref_slice %arg8[%while3A_125, %dma_wait3A] : memref<28x128xi32, #tpu.memory_space<vmem>> -> memref<1x128xi32, #tpu.memory_space<vmem>>
        %dma_wait3A_132 = tpu.memref_squeeze %dma_wait3A_131 : memref<1x128xi32, #tpu.memory_space<vmem>> -> memref<128xi32, #tpu.memory_space<vmem>>
        %dma_wait3A_133 = arith.constant 0 : i32
        %dma_wait3A_134 = arith.constant 0 : i32
        %dma_wait3A_135 = tpu.memref_slice %arg11[%dma_wait3A_133, %dma_wait3A_134] : memref<10112x128xf32, #tpu.memory_space<vmem_shared>> -> memref<10112x128xf32, #tpu.memory_space<vmem_shared>>
        tpu.wait_indirect_dma semaphore(%run_scoped3A : memref<!tpu.dma_semaphore, #tpu.memory_space<semaphore_mem>>) src(%arg10 : memref<128x128xf32, #tpu.memory_space<vmem>>) dst(%dma_wait3A_135 : memref<10112x128xf32, #tpu.memory_space<vmem_shared>>)
        tpu.yield
      }) : () -> ()
    }
    %while3A_123 = arith.constant 1 : i32
    scf.for %while3A_125 = %while3A_121 to %while3A_117 step %while3A_123  : i32 {
      "tpu.region"() ({
        %run_scoped3A = tpu.sem_alloc : memref<!tpu.dma_semaphore, #tpu.memory_space<semaphore_mem>>
        %dma_start3A = arith.constant 0 : i32
        %dma_start3A_126 = tpu.memref_slice %arg7[%while3A_125, %dma_start3A] : memref<28x128xi32, #tpu.memory_space<vmem>> -> memref<1x128xi32, #tpu.memory_space<vmem>>
        %dma_start3A_127 = tpu.memref_squeeze %dma_start3A_126 : memref<1x128xi32, #tpu.memory_space<vmem>> -> memref<128xi32, #tpu.memory_space<vmem>>
        %dma_start3A_128 = arith.constant 0 : i32
        %dma_start3A_129 = arith.constant 0 : i32
        %dma_start3A_130 = tpu.memref_slice %arg12[%dma_start3A_128, %dma_start3A_129] : memref<2560x128xf32, #tpu.memory_space<vmem_shared>> -> memref<2560x128xf32, #tpu.memory_space<vmem_shared>>
        tpu.enqueue_indirect_dma source(%dma_start3A_130 : memref<2560x128xf32, #tpu.memory_space<vmem_shared>>) target(%arg10 : memref<128x128xf32, #tpu.memory_space<vmem>>) offsets(%dma_start3A_127 : memref<128xi32, #tpu.memory_space<vmem>>) semaphore(%run_scoped3A : memref<!tpu.dma_semaphore, #tpu.memory_space<semaphore_mem>>)
        %dma_wait3A = arith.constant 0 : i32
        %dma_wait3A_131 = tpu.memref_slice %arg7[%while3A_125, %dma_wait3A] : memref<28x128xi32, #tpu.memory_space<vmem>> -> memref<1x128xi32, #tpu.memory_space<vmem>>
        %dma_wait3A_132 = tpu.memref_squeeze %dma_wait3A_131 : memref<1x128xi32, #tpu.memory_space<vmem>> -> memref<128xi32, #tpu.memory_space<vmem>>
        %dma_wait3A_133 = arith.constant 0 : i32
        %dma_wait3A_134 = arith.constant 0 : i32
        %dma_wait3A_135 = tpu.memref_slice %arg12[%dma_wait3A_133, %dma_wait3A_134] : memref<2560x128xf32, #tpu.memory_space<vmem_shared>> -> memref<2560x128xf32, #tpu.memory_space<vmem_shared>>
        tpu.wait_indirect_dma semaphore(%run_scoped3A : memref<!tpu.dma_semaphore, #tpu.memory_space<semaphore_mem>>) src(%dma_wait3A_135 : memref<2560x128xf32, #tpu.memory_space<vmem_shared>>) dst(%arg10 : memref<128x128xf32, #tpu.memory_space<vmem>>)
        tpu.yield
      }) : () -> ()
      "tpu.region"() ({
        %run_scoped3A = tpu.sem_alloc : memref<!tpu.dma_semaphore, #tpu.memory_space<semaphore_mem>>
        %dma_start3A = arith.constant 0 : i32
        %dma_start3A_126 = tpu.memref_slice %arg8[%while3A_125, %dma_start3A] : memref<28x128xi32, #tpu.memory_space<vmem>> -> memref<1x128xi32, #tpu.memory_space<vmem>>
        %dma_start3A_127 = tpu.memref_squeeze %dma_start3A_126 : memref<1x128xi32, #tpu.memory_space<vmem>> -> memref<128xi32, #tpu.memory_space<vmem>>
        %dma_start3A_128 = arith.constant 0 : i32
        %dma_start3A_129 = arith.constant 0 : i32
        %dma_start3A_130 = tpu.memref_slice %arg11[%dma_start3A_128, %dma_start3A_129] : memref<10112x128xf32, #tpu.memory_space<vmem_shared>> -> memref<10112x128xf32, #tpu.memory_space<vmem_shared>>
        tpu.enqueue_indirect_dma source(%arg10 : memref<128x128xf32, #tpu.memory_space<vmem>>) target(%dma_start3A_130 : memref<10112x128xf32, #tpu.memory_space<vmem_shared>>) offsets(%dma_start3A_127 : memref<128xi32, #tpu.memory_space<vmem>>) semaphore(%run_scoped3A : memref<!tpu.dma_semaphore, #tpu.memory_space<semaphore_mem>>) {add = true}
        %dma_wait3A = arith.constant 0 : i32
        %dma_wait3A_131 = tpu.memref_slice %arg8[%while3A_125, %dma_wait3A] : memref<28x128xi32, #tpu.memory_space<vmem>> -> memref<1x128xi32, #tpu.memory_space<vmem>>
        %dma_wait3A_132 = tpu.memref_squeeze %dma_wait3A_131 : memref<1x128xi32, #tpu.memory_space<vmem>> -> memref<128xi32, #tpu.memory_space<vmem>>
        %dma_wait3A_133 = arith.constant 0 : i32
        %dma_wait3A_134 = arith.constant 0 : i32
        %dma_wait3A_135 = tpu.memref_slice %arg11[%dma_wait3A_133, %dma_wait3A_134] : memref<10112x128xf32, #tpu.memory_space<vmem_shared>> -> memref<10112x128xf32, #tpu.memory_space<vmem_shared>>
        tpu.wait_indirect_dma semaphore(%run_scoped3A : memref<!tpu.dma_semaphore, #tpu.memory_space<semaphore_mem>>) src(%arg10 : memref<128x128xf32, #tpu.memory_space<vmem>>) dst(%dma_wait3A_135 : memref<10112x128xf32, #tpu.memory_space<vmem_shared>>)
        tpu.yield
      }) : () -> ()
    }
    %barrier3A_124 = arith.constant 0 : index
    tpu.barrier barrier_id(%barrier3A_124)
    "tpu.region"() ({
      %run_scoped3A = tpu.sem_alloc : memref<!tpu.dma_semaphore, #tpu.memory_space<semaphore_mem>>
      %dma_start3A = arith.constant 0 : i32
      %dma_start3A_125 = arith.constant 0 : i32
      %dma_start3A_126 = tpu.memref_slice %arg6[%arg0, %dma_start3A, %dma_start3A_125] : memref<2x10112x128xf32, #tpu.memory_space<hbm>> -> memref<1x10112x128xf32, #tpu.memory_space<hbm>>
      %dma_start3A_127 = tpu.memref_squeeze %dma_start3A_126 : memref<1x10112x128xf32, #tpu.memory_space<hbm>> -> memref<10112x128xf32, #tpu.memory_space<hbm>>
      %dma_start3A_128 = arith.constant 0 : i32
      %dma_start3A_129 = tpu.memref_slice %dma_start3A_127[%mul3A_0, %dma_start3A_128] : memref<10112x128xf32, #tpu.memory_space<hbm>> -> memref<632x128xf32, #tpu.memory_space<hbm>>
      %dma_start3A_130 = arith.constant 0 : i32
      %dma_start3A_131 = tpu.memref_slice %arg11[%mul3A_0, %dma_start3A_130] : memref<10112x128xf32, #tpu.memory_space<vmem_shared>> -> memref<632x128xf32, #tpu.memory_space<vmem_shared>>
      tpu.enqueue_dma source(%dma_start3A_131 : memref<632x128xf32, #tpu.memory_space<vmem_shared>>) target(%dma_start3A_129 : memref<632x128xf32, #tpu.memory_space<hbm>>) target_semaphore(%run_scoped3A : memref<!tpu.dma_semaphore, #tpu.memory_space<semaphore_mem>>)
      %dma_wait3A = arith.constant 0 : i32
      %dma_wait3A_132 = arith.constant 0 : i32
      %dma_wait3A_133 = tpu.memref_slice %arg6[%arg0, %dma_wait3A, %dma_wait3A_132] : memref<2x10112x128xf32, #tpu.memory_space<hbm>> -> memref<1x10112x128xf32, #tpu.memory_space<hbm>>
      %dma_wait3A_134 = tpu.memref_squeeze %dma_wait3A_133 : memref<1x10112x128xf32, #tpu.memory_space<hbm>> -> memref<10112x128xf32, #tpu.memory_space<hbm>>
      %dma_wait3A_135 = arith.constant 0 : i32
      %dma_wait3A_136 = tpu.memref_slice %dma_wait3A_134[%mul3A_0, %dma_wait3A_135] : memref<10112x128xf32, #tpu.memory_space<hbm>> -> memref<632x128xf32, #tpu.memory_space<hbm>>
      %dma_wait3A_137 = arith.constant 0 : i32
      %dma_wait3A_138 = tpu.memref_slice %arg11[%mul3A_0, %dma_wait3A_137] : memref<10112x128xf32, #tpu.memory_space<vmem_shared>> -> memref<632x128xf32, #tpu.memory_space<vmem_shared>>
      tpu.wait_dma2 semaphore(%run_scoped3A : memref<!tpu.dma_semaphore, #tpu.memory_space<semaphore_mem>>) src(%dma_wait3A_138 : memref<632x128xf32, #tpu.memory_space<vmem_shared>>) dst(%dma_wait3A_136 : memref<632x128xf32, #tpu.memory_space<hbm>>)
      tpu.yield
    }) : () -> ()
    return
  }
}

module attributes {stable_mosaic.version = 14 : i64} {
  func.func @_scale_body(%arg0: memref<10240x128xf32, #tpu.memory_space<vmem>>, %arg1: memref<128x128xf32, #tpu.memory_space<vmem>>, %arg2: memref<2x10240x1xf32, #tpu.memory_space<vmem>>, %arg3: memref<10240x128xf32, #tpu.memory_space<vmem>>, %arg4: memref<10240x1xf32, #tpu.memory_space<vmem>>) attributes {dimension_semantics = [], scalar_prefetch = 0 : i64, scratch_operands = 0 : i64, tpu.core_type = #tpu.core_type<tc>} {
    %get3A = arith.constant 0 : index
    %get3A_0 = arith.constant 0 : index
    %get3A_1 = arith.constant 0 : index
    %get3A_2 = vector.load %arg2[%get3A, %get3A_0, %get3A_1] : memref<2x10240x1xf32, #tpu.memory_space<vmem>>, vector<1x10240x1xf32>
    %get3A_3 = vector.shape_cast %get3A_2 : vector<1x10240x1xf32> to vector<10240x1xf32>
    %get3A_4 = arith.constant 1 : index
    %get3A_5 = arith.constant 0 : index
    %get3A_6 = arith.constant 0 : index
    %get3A_7 = vector.load %arg2[%get3A_4, %get3A_5, %get3A_6] : memref<2x10240x1xf32, #tpu.memory_space<vmem>>, vector<1x10240x1xf32>
    %get3A_8 = vector.shape_cast %get3A_7 : vector<1x10240x1xf32> to vector<10240x1xf32>
    %add3A = arith.addf %get3A_3, %get3A_8 : vector<10240x1xf32>
    %add3A_9 = arith.constant 1.000000e+00 : f32
    %add3A_10 = vector.broadcast %add3A_9 : f32 to vector<10240x1xf32>
    %add3A_11 = arith.addf %add3A, %add3A_10 : vector<10240x1xf32>
    %rsqrt3A = math.rsqrt %add3A_11 : vector<10240x1xf32>
    %get3A_12 = arith.constant 0 : index
    %get3A_13 = arith.constant 0 : index
    %get3A_14 = vector.load %arg0[%get3A_12, %get3A_13] : memref<10240x128xf32, #tpu.memory_space<vmem>>, vector<10240x128xf32>
    %get3A_15 = arith.constant 0 : index
    %get3A_16 = arith.constant 0 : index
    %get3A_17 = vector.load %arg1[%get3A_15, %get3A_16] : memref<128x128xf32, #tpu.memory_space<vmem>>, vector<128x128xf32>
    %dot_general3A = arith.constant dense<0.000000e+00> : vector<10240x128xf32>
    %dot_general3A_18 = tpu.matmul %get3A_14, %get3A_17, %dot_general3A {dimension_numbers = #tpu.dot_dimension_numbers<[1], [0], [0], [1], [0, 0, 1, 1], [], []>, transpose_lhs_hint = false} : vector<10240x128xf32>, vector<128x128xf32>, vector<10240x128xf32> -> vector<10240x128xf32>
    %mul3A = vector.broadcast %rsqrt3A : vector<10240x1xf32> to vector<10240x128xf32>
    %mul3A_19 = arith.mulf %dot_general3A_18, %mul3A : vector<10240x128xf32>
    %swap3A = arith.constant 0 : index
    %swap3A_20 = arith.constant 0 : index
    %swap3A_21 = vector.load %arg3[%swap3A, %swap3A_20] : memref<10240x128xf32, #tpu.memory_space<vmem>>, vector<10240x128xf32>
    tpu.vector_store %arg3[%swap3A, %swap3A_20], %mul3A_19 {strides = array<i32>} : memref<10240x128xf32, #tpu.memory_space<vmem>>, vector<10240x128xf32>,
    %swap3A_22 = arith.constant 0 : index
    %swap3A_23 = arith.constant 0 : index
    %swap3A_24 = vector.load %arg4[%swap3A_22, %swap3A_23] : memref<10240x1xf32, #tpu.memory_space<vmem>>, vector<10240x1xf32>
    tpu.vector_store %arg4[%swap3A_22, %swap3A_23], %rsqrt3A {strides = array<i32>} : memref<10240x1xf32, #tpu.memory_space<vmem>>, vector<10240x1xf32>,
    return
  }
}

module attributes {stable_mosaic.version = 14 : i64} {
  func.func @_final_body(%arg0: memref<2x10112x128xf32, #tpu.memory_space<vmem>>, %arg1: memref<10240x128xf32, #tpu.memory_space<vmem>>, %arg2: memref<10240x128xf32, #tpu.memory_space<vmem>>, %arg3: memref<10240x1xf32, #tpu.memory_space<vmem>>, %arg4: memref<1x128xf32, #tpu.memory_space<vmem>>, %arg5: memref<128x32xf32, #tpu.memory_space<vmem>>, %arg6: memref<1x32xf32, #tpu.memory_space<vmem>>, %arg7: memref<32x32xf32, #tpu.memory_space<vmem>>, %arg8: memref<1x32xf32, #tpu.memory_space<vmem>>, %arg9: memref<32x1xf32, #tpu.memory_space<vmem>>, %arg10: memref<1x1xf32, #tpu.memory_space<vmem>>, %arg11: memref<10000x1xf32, #tpu.memory_space<vmem>>) attributes {dimension_semantics = [], scalar_prefetch = 0 : i64, scratch_operands = 0 : i64, tpu.core_type = #tpu.core_type<tc>} {
    %get3A = arith.constant 0 : index
    %get3A_0 = arith.constant 0 : index
    %get3A_1 = arith.constant 0 : index
    %get3A_2 = vector.load %arg0[%get3A, %get3A_0, %get3A_1] : memref<2x10112x128xf32, #tpu.memory_space<vmem>>, vector<1x10000x128xf32>
    %get3A_3 = vector.shape_cast %get3A_2 : vector<1x10000x128xf32> to vector<10000x128xf32>
    %get3A_4 = arith.constant 1 : index
    %get3A_5 = arith.constant 0 : index
    %get3A_6 = arith.constant 0 : index
    %get3A_7 = vector.load %arg0[%get3A_4, %get3A_5, %get3A_6] : memref<2x10112x128xf32, #tpu.memory_space<vmem>>, vector<1x10000x128xf32>
    %get3A_8 = vector.shape_cast %get3A_7 : vector<1x10000x128xf32> to vector<10000x128xf32>
    %add3A = arith.addf %get3A_3, %get3A_8 : vector<10000x128xf32>
    %get3A_9 = arith.constant 0 : index
    %get3A_10 = arith.constant 0 : index
    %get3A_11 = vector.load %arg1[%get3A_9, %get3A_10] : memref<10240x128xf32, #tpu.memory_space<vmem>>, vector<10000x128xf32>
    %sub3A = arith.subf %add3A, %get3A_11 : vector<10000x128xf32>
    %get3A_12 = arith.constant 0 : index
    %get3A_13 = arith.constant 0 : index
    %get3A_14 = vector.load %arg3[%get3A_12, %get3A_13] : memref<10240x1xf32, #tpu.memory_space<vmem>>, vector<10000x1xf32>
    %mul3A = vector.broadcast %get3A_14 : vector<10000x1xf32> to vector<10000x128xf32>
    %mul3A_15 = arith.mulf %sub3A, %mul3A : vector<10000x128xf32>
    %get3A_16 = arith.constant 0 : index
    %get3A_17 = arith.constant 0 : index
    %get3A_18 = vector.load %arg4[%get3A_16, %get3A_17] : memref<1x128xf32, #tpu.memory_space<vmem>>, vector<1x128xf32>
    %add3A_19 = vector.broadcast %get3A_18 : vector<1x128xf32> to vector<10000x128xf32>
    %add3A_20 = arith.addf %mul3A_15, %add3A_19 : vector<10000x128xf32>
    %max3A = arith.constant 0.000000e+00 : f32
    %max3A_21 = vector.broadcast %max3A : f32 to vector<10000x128xf32>
    %max3A_22 = arith.maximumf %add3A_20, %max3A_21 : vector<10000x128xf32>
    %get3A_23 = arith.constant 0 : index
    %get3A_24 = arith.constant 0 : index
    %get3A_25 = vector.load %arg2[%get3A_23, %get3A_24] : memref<10240x128xf32, #tpu.memory_space<vmem>>, vector<10000x128xf32>
    %add3A_26 = arith.addf %max3A_22, %get3A_25 : vector<10000x128xf32>
    %get3A_27 = arith.constant 0 : index
    %get3A_28 = arith.constant 0 : index
    %get3A_29 = vector.load %arg5[%get3A_27, %get3A_28] : memref<128x32xf32, #tpu.memory_space<vmem>>, vector<128x32xf32>
    %dot_general3A = arith.constant dense<0.000000e+00> : vector<10000x32xf32>
    %dot_general3A_30 = tpu.matmul %add3A_26, %get3A_29, %dot_general3A {dimension_numbers = #tpu.dot_dimension_numbers<[1], [0], [0], [1], [0, 0, 1, 1], [], []>, transpose_lhs_hint = false} : vector<10000x128xf32>, vector<128x32xf32>, vector<10000x32xf32> -> vector<10000x32xf32>
    %get3A_31 = arith.constant 0 : index
    %get3A_32 = arith.constant 0 : index
    %get3A_33 = vector.load %arg6[%get3A_31, %get3A_32] : memref<1x32xf32, #tpu.memory_space<vmem>>, vector<1x32xf32>
    %add3A_34 = vector.broadcast %get3A_33 : vector<1x32xf32> to vector<10000x32xf32>
    %add3A_35 = arith.addf %dot_general3A_30, %add3A_34 : vector<10000x32xf32>
    %gt3A = arith.constant 0.000000e+00 : f32
    %gt3A_36 = vector.broadcast %gt3A : f32 to vector<10000x32xf32>
    %gt3A_37 = arith.cmpf ogt, %add3A_35, %gt3A_36 : vector<10000x32xf32>
    %mul3A_38 = arith.constant 0.00999999977 : f32
    %mul3A_39 = vector.broadcast %mul3A_38 : f32 to vector<10000x32xf32>
    %mul3A_40 = arith.mulf %mul3A_39, %add3A_35 : vector<10000x32xf32>
    %select_n3A = arith.select %gt3A_37, %add3A_35, %mul3A_40 : vector<10000x32xi1>, vector<10000x32xf32>
    %get3A_41 = arith.constant 0 : index
    %get3A_42 = arith.constant 0 : index
    %get3A_43 = vector.load %arg7[%get3A_41, %get3A_42] : memref<32x32xf32, #tpu.memory_space<vmem>>, vector<32x32xf32>
    %dot_general3A_44 = arith.constant dense<0.000000e+00> : vector<10000x32xf32>
    %dot_general3A_45 = tpu.matmul %select_n3A, %get3A_43, %dot_general3A_44 {dimension_numbers = #tpu.dot_dimension_numbers<[1], [0], [0], [1], [0, 0, 1, 1], [], []>, transpose_lhs_hint = false} : vector<10000x32xf32>, vector<32x32xf32>, vector<10000x32xf32> -> vector<10000x32xf32>
    %get3A_46 = arith.constant 0 : index
    %get3A_47 = arith.constant 0 : index
    %get3A_48 = vector.load %arg8[%get3A_46, %get3A_47] : memref<1x32xf32, #tpu.memory_space<vmem>>, vector<1x32xf32>
    %add3A_49 = vector.broadcast %get3A_48 : vector<1x32xf32> to vector<10000x32xf32>
    %add3A_50 = arith.addf %dot_general3A_45, %add3A_49 : vector<10000x32xf32>
    %gt3A_51 = arith.constant 0.000000e+00 : f32
    %gt3A_52 = vector.broadcast %gt3A_51 : f32 to vector<10000x32xf32>
    %gt3A_53 = arith.cmpf ogt, %add3A_50, %gt3A_52 : vector<10000x32xf32>
    %mul3A_54 = arith.constant 0.00999999977 : f32
    %mul3A_55 = vector.broadcast %mul3A_54 : f32 to vector<10000x32xf32>
    %mul3A_56 = arith.mulf %mul3A_55, %add3A_50 : vector<10000x32xf32>
    %select_n3A_57 = arith.select %gt3A_53, %add3A_50, %mul3A_56 : vector<10000x32xi1>, vector<10000x32xf32>
    %get3A_58 = arith.constant 0 : index
    %get3A_59 = arith.constant 0 : index
    %get3A_60 = vector.load %arg9[%get3A_58, %get3A_59] : memref<32x1xf32, #tpu.memory_space<vmem>>, vector<32x1xf32>
    %dot_general3A_61 = arith.constant dense<0.000000e+00> : vector<10000x1xf32>
    %dot_general3A_62 = tpu.matmul %select_n3A_57, %get3A_60, %dot_general3A_61 {dimension_numbers = #tpu.dot_dimension_numbers<[1], [0], [0], [1], [0, 0, 1, 1], [], []>, transpose_lhs_hint = false} : vector<10000x32xf32>, vector<32x1xf32>, vector<10000x1xf32> -> vector<10000x1xf32>
    %get3A_63 = arith.constant 0 : index
    %get3A_64 = arith.constant 0 : index
    %get3A_65 = vector.load %arg10[%get3A_63, %get3A_64] : memref<1x1xf32, #tpu.memory_space<vmem>>, vector<1x1xf32>
    %add3A_66 = vector.broadcast %get3A_65 : vector<1x1xf32> to vector<10000x1xf32>
    %add3A_67 = arith.addf %dot_general3A_62, %add3A_66 : vector<10000x1xf32>
    %max3A_68 = arith.constant 0.000000e+00 : f32
    %max3A_69 = vector.broadcast %max3A_68 : f32 to vector<10000x1xf32>
    %max3A_70 = arith.maximumf %add3A_67, %max3A_69 : vector<10000x1xf32>
    %abs3A = math.absf %add3A_67 : vector<10000x1xf32>
    %neg3A = arith.constant 0.000000e+00 : f32
    %neg3A_71 = vector.broadcast %neg3A : f32 to vector<10000x1xf32>
    %neg3A_72 = arith.subf %neg3A_71, %abs3A : vector<10000x1xf32>
    %exp3A = math.exp %neg3A_72 : vector<10000x1xf32>
    %log1p3A = math.log1p %exp3A : vector<10000x1xf32>
    %add3A_73 = arith.addf %max3A_70, %log1p3A : vector<10000x1xf32>
    %reduce_sum3A = vector.shape_cast %add3A_73 : vector<10000x1xf32> to vector<1x10000x1xf32>
    %reduce_sum3A_74 = arith.constant dense<0.000000e+00> : vector<1xf32>
    %reduce_sum3A_75 = vector.multi_reduction <add>, %reduce_sum3A, %reduce_sum3A_74 [1, 2] : vector<1x10000x1xf32> to vector<1xf32>
    %reduce_sum3A_76 = vector.shape_cast %reduce_sum3A_75 : vector<1xf32> to vector<1x1x1xf32>
    %reduce_sum3A_77 = vector.extract %reduce_sum3A_76[0, 0, 0] : f32 from vector<1x1x1xf32>
    %add3A_78 = arith.constant 9.99999968E-21 : f32
    %add3A_79 = arith.addf %reduce_sum3A_77, %add3A_78 : f32
    %div3A = vector.broadcast %add3A_79 : f32 to vector<10000x1xf32>
    %div3A_80 = arith.divf %add3A_73, %div3A : vector<10000x1xf32>
    %swap3A = arith.constant 0 : index
    %swap3A_81 = arith.constant 0 : index
    %swap3A_82 = vector.load %arg11[%swap3A, %swap3A_81] : memref<10000x1xf32, #tpu.memory_space<vmem>>, vector<10000x1xf32>
    tpu.vector_store %arg11[%swap3A, %swap3A_81], %div3A_80 {strides = array<i32>} : memref<10000x1xf32, #tpu.memory_space<vmem>>, vector<10000x1xf32>,
    return
  }
}

</mosaic_0001>

<sc_bundles>
// kernel: kernel.6.cloned.1.call-start
scs
__scs_entry_jumppad:
0x0: {  	(pc) =	sbr.rel $0x88, $3  }
0x1: {  	(tag) =	ssettag $0x0;
	lr =	simm.s32 $0x1  }
0x2: {  	[smem:$0x3F97] =	sst lr;
	_ =	strace $0xD0000000  }
0x3: {  	_ = 	snop  }
0x4: {  	_ = 	snop  }
0x5: {  	_ = 	snop  }
0x6: {  	_ = 	snop  }
0x7: {  	_ = 	snop  }
__scs_overlays_trampoline_lowered:
0x8: {  	[smem:$0x3FA6] =	sst s0  }
0x9: {  	[smem:$0x3FA7] =	sst s1  }
0xa: {  	[smem:$0x3FA8] =	sst s2  }
0xb: {  	[smem:$0x3FA9] =	sst s3  }
0xc: {  	[smem:$0x3FAA] =	sst s4  }
0xd: {  	[smem:$0x3FAB] =	sst s5  }
0xe: {  	[smem:$0x3FAC] =	sst s6  }
0xf: {  	[smem:$0x3FAD] =	sst s7  }
0x10: {  	[smem:$0x3FAE] =	sst s8  }
0x11: {  	[smem:$0x3FAF] =	sst s9;
	s0 =	simm.s32 @!p0 $0x0  }
0x12: {  	s1 =	sld [smem:$0x3F95];
	s0 =	simm.s32 @p0 $0x1  }
0x13: {  	[smem:$0x3FB0] =	sst s0;
	s0 =	simm.s32 @!p1 $0x0  }
0x14: {  	s2 =	sld [smem:$0x3F94];
	s0 =	simm.s32 @p1 $0x1  }
0x15: {  	[smem:$0x3FB1] =	sst s0;
	s0 =	simm.s32 @!p2 $0x0  }
0x16: {  	s3 =	sld [smem:$0x3FDB];
	s0 =	simm.s32 @p2 $0x1  }
0x17: {  	s4 =	simm.s32 $0x1BF5;
	[smem:$0x3FB3] =	sst s0  }
0x18: {  	s0 =	sld [smem:$0x3F96];
	_ =	swait.ge [sflag:s4], $0x0  }
0x19: {  	s7 =	sld [smem:$0x3F97]  }
0x1a: {  	s8 =	sadd.s32 $0xFFFFE003, lr  }
0x1b: {  	s9 =	sadd.s32 $0xFFFFFEF7, lr;
	s5 =	simm.s32 $0xFFFFFFFF;
	p2 =	slt.u32 s8, $0xFFFFF086  }
0x1c: {  	p1 =	slt.u32 s9, $0xF7A;
	s5 =	simm.s32 @!p2 $0x0  }
0x1d: {  	s5 =	simm.s32 @p1 $0x1;
	p0 =	seq.s32 s7, s2  }
0x1e: {  	s7 =	smul.u32 @!p0 $0xF7A, s2;
	p2 =	seq.s32 @!p0 s5, $0x0  }
0x1f: {  	s9 =	smul.u32 $0xF7A, s1;
	s8 =	simm.s32 @!p0 $0x1BF5;
	p2 =	por !p2, p0  }
0x20: {  	[sflag:s8] =	ssyncset.s32 @!p0 $0xFFFFF086;
	s6 =	sadd.s32 @!p0 s3, s7;
	s7 =	simm.s32 @!p0 $0x108  }
0x21: {  	s3 =	sadd.s32 s3, s9;
	s6 =	sadd.s32 @!p0 $0x88, s6;
	s7 =	simm.s32 @p2 $0x1082  }
0x22: {  	[simem:s7], [sflag:s8] =	dma.local @!p0 [hbm:s6], $0xF7A  }
0x23: {  	s9 =	sor.u32 $0xD0000000, s2;
	s6 =	simm.s32 $0x108;
	_ =	swait.ge @!p0 [sflag:s8], $0x0  }
0x24: {  	s3 =	sadd.s32 $0x88, s3;
	s6 =	simm.s32 @!p1 $0x1082;
	[sflag:s4] =	ssyncset.s32 $0xFFFFF086  }
0x25: {  	[simem:s6], [sflag:s4] =	dma.local [hbm:s3], $0xF7A  }
0x26: {  	[smem:$0x3F97] =	sst s1;
	(tag) =	ssettag s2;
	_ =	strace s9  }
0x27: {  	s1 =	sld [smem:$0x3FA7]  }
0x28: {  	s2 =	sld [smem:$0x3FA8]  }
0x29: {  	s4 =	sld [smem:$0x3FAA]  }
0x2a: {  	p0 =	seq.s32 s5, $0x0;
	s5 =	sld [smem:$0x3FAB]  }
0x2b: {  	s6 =	sld [smem:$0x3FAC]  }
0x2c: {  	s7 =	sld [smem:$0x3FAD]  }
0x2d: {  	s3 =	simm.s32 $0x108;
	s8 =	sld [smem:$0x3FAE]  }
0x2e: {  	s3 =	simm.s32 @!p0 $0x1082;
	s9 =	sld [smem:$0x3FAF]  }
0x2f: {  	lr =	sadd.s32 s0, s3;
	s0 =	sld [smem:$0x3FA6]  }
0x30: {  	s3 =	sld [smem:$0x3FA9]  }
0x31: {  	[smem:$0x3FB2] =	sst s10  }
0x32: {  	s10 =	sld [smem:$0x3FB0];
	_ =	sdelay $0x3  }
0x33: {  	p0 =	seq.s32 s10, $0x1;
	s10 =	sld [smem:$0x3FB2];
	_ =	sdelay $0x3  }
0x34: {  	[smem:$0x3FB2] =	sst s10  }
0x35: {  	s10 =	sld [smem:$0x3FB1];
	_ =	sdelay $0x3  }
0x36: {  	p1 =	seq.s32 s10, $0x1;
	s10 =	sld [smem:$0x3FB2];
	_ =	sdelay $0x3  }
0x37: {  	[smem:$0x3FB2] =	sst s10  }
0x38: {  	s10 =	sld [smem:$0x3FB3]  }
0x39: {  	_ = 	snop;
	(pc) =	sbr.ind lr, $3  }
0x3a: {  	_ = 	snop  }
0x3b: {  	_ = 	snop  }
0x3c: {  	p2 =	seq.s32 s10, $0x1;
	s10 =	sld [smem:$0x3FB2]  }
0x3d: {  	_ =	shalt  }
0x3e: {  	_ =	shalt  }
0x3f: {  	_ =	shalt  }
0x40: {  	_ =	shalt  }
0x41: {  	_ =	shalt  }
0x42: {  	_ =	shalt  }
0x43: {  	_ =	shalt  }
0x44: {  	_ =	shalt  }
0x45: {  	_ =	shalt  }
0x46: {  	_ =	shalt  }
0x47: {  	_ =	shalt  }
0x48: {  	_ =	shalt  }
0x49: {  	_ =	shalt  }
0x4a: {  	_ =	shalt  }
0x4b: {  	_ =	shalt  }
0x4c: {  	_ =	shalt  }
0x4d: {  	_ =	shalt  }
0x4e: {  	_ =	shalt  }
0x4f: {  	_ =	shalt  }
0x50: {  	_ =	shalt  }
0x51: {  	_ =	shalt  }
0x52: {  	_ =	shalt  }
0x53: {  	_ =	shalt  }
0x54: {  	_ =	shalt  }
0x55: {  	_ =	shalt  }
0x56: {  	_ =	shalt  }
0x57: {  	_ =	shalt  }
0x58: {  	_ =	shalt  }
0x59: {  	_ =	shalt  }
0x5a: {  	_ =	shalt  }
0x5b: {  	_ =	shalt  }
0x5c: {  	_ =	shalt  }
0x5d: {  	_ =	shalt  }
0x5e: {  	_ =	shalt  }
0x5f: {  	_ =	shalt  }
0x60: {  	_ =	shalt  }
0x61: {  	_ =	shalt  }
0x62: {  	_ =	shalt  }
0x63: {  	_ =	shalt  }
0x64: {  	_ =	shalt  }
0x65: {  	_ =	shalt  }
0x66: {  	_ =	shalt  }
0x67: {  	_ =	shalt  }
0x68: {  	_ =	shalt  }
0x69: {  	_ =	shalt  }
0x6a: {  	_ =	shalt  }
0x6b: {  	_ =	shalt  }
0x6c: {  	_ =	shalt  }
0x6d: {  	_ =	shalt  }
0x6e: {  	_ =	shalt  }
0x6f: {  	_ =	shalt  }
0x70: {  	_ =	shalt  }
0x71: {  	_ =	shalt  }
0x72: {  	_ =	shalt  }
0x73: {  	_ =	shalt  }
0x74: {  	_ =	shalt  }
0x75: {  	_ =	shalt  }
0x76: {  	_ =	shalt  }
0x77: {  	_ =	shalt  }
0x78: {  	_ =	shalt  }
0x79: {  	_ =	shalt  }
0x7a: {  	_ =	shalt  }
0x7b: {  	_ =	shalt  }
0x7c: {  	_ =	shalt  }
0x7d: {  	_ =	shalt  }
0x7e: {  	_ =	shalt  }
0x7f: {  	_ =	shalt  }
0x80: {  	_ =	shalt  }
0x81: {  	_ =	shalt  }
0x82: {  	_ =	shalt  }
0x83: {  	_ =	shalt  }
0x84: {  	_ =	shalt  }
0x85: {  	_ =	shalt  }
0x86: {  	_ =	shalt  }
0x87: {  	_ =	shalt  }
.Lfunc_end0:
.L_simem_size_0:
called_computation_lowered:
.L_overlay_start_0:
0x88: {  	s2 =	sld [smem:$0x3FD9]  }
0x89: {  	s3 =	sld [smem:$0x3FFE];
	_ =	sdelay $0x1  }
0x8a: {  	s1 =	srdreg.scid  }
0x8b: {  	s0 =	sand.u32 $0x1, s1  }
0x8c: {  	s16 =	sshll.u32 s0, $0xA;
	s2 =	sadd.s32 s3, s2  }
0x8d: {  	s2 =	sadd.s32 s2, s16  }
0x8e: {  	[smem:$0x3FBE] =	sst s2  }
0x8f: {  	_ = 	snop  }
0x90: {  	(tm) =	ssettm $0x1  }
0x91: {  	s17 =	sld [smem:$0x3FFB];
	_ =	sdelay $0x3  }
0x92: {  	_ =	strace s17  }
0x93: {  	s2 =	sld [smem:$0x3FFC];
	_ =	sdelay $0x3  }
0x94: {  	_ =	strace s2  }
0x95: {  	s2 =	sld [smem:$0x3FFD];
	_ =	sdelay $0x3  }
0x96: {  	_ =	strace s2  }
0x97: {  	_ =	strace $0x8FFFFFFF  }
0x98: {  	s18 =	sld [smem:$0x3FDB];
	_ =	sdelay $0x1  }
0x99: {  	s19 =	simm.s32 $_scs_section_size  }
0x9a: {  	s4 =	simm.s32 $_size__tile_overlayer_lowered;
	s5 =	simm.s32 $_tile_overlayer_lowered  }
0x9b: {  	s22 =	simm.s32 $0x1BFF;
	s21 =	sshll.u32 s5, $0x1;
	s2 =	sadd.s32 s19, s18  }
0x9c: {  	s6 =	simm.s32 $0x0;
	s20 =	sshll.u32 s4, $0x1;
	s4 =	sadd.s32 s21, s2  }
0x9d: {  	[timem:s6], [sflag:s22] =	dma.local [hbm:s4], s20  }
0x9e: {  	_ =	swait.ge [sflag:s22], s20  }
0x9f: {  	s3 =	ssub.s32 $0x0, s20;
	[sflag:s22] =	ssyncset.done $0x0  }
0xa0: {  	[sflag:s22] =	ssyncadd.s32 s3;
	_ =	sdelay $0x1  }
0xa1: {  	s23 =	simm.s32 $0x1B8B  }
0xa2: {  	_ =	swait.ge [sflag:s23], $0x1  }
0xa3: {  	[sflag:s23] =	ssyncset.done $0x0  }
0xa4: {  	s25 =	simm.s32 $0x1B8E;
	s24 =	sld [smem:$0x3FFE];
	[sflag:s23] =	ssyncadd.s32 $0xFFFFFFFF  }
0xa5: {  	s26 =	simm.s32 $execute0_lowered;
	[smem:$0x3FD2] =	sst s25  }
0xa6: {  	s4 =	sshll.u32 s26, $0x1;
	_ =	strace $0x80000046;
	[dreg:$0x1] =	wrdreg $0xFFFFFFFF  }
0xa7: {  	s28 =	simm.s32 $_size_execute0_lowered;
	s2 =	sadd.s32 s2, s4;
	[dreg:$0x0] =	wrdreg $0x0  }
0xa8: {  	s4 =	sshll.u32 s28, $0x1;
	[dreg:$0x2] =	wrdreg s2  }
0xa9: {  	[dreg:$0x3] =	wrdreg s4  }
0xaa: {  	[dreg:$0x4] =	wrdreg $0xC0  }
0xab: {  	_ =	task [dreg:s6], $0x5FFFF  }
0xac: {  	[dreg:$0x1] =	wrdreg $0xFFFFFFFF  }
0xad: {  	[dreg:$0x0] =	wrdreg $0x60  }
0xae: {  	[dreg:$0x2] =	wrdreg s24  }
0xaf: {  	[dreg:$0x3] =	wrdreg $0x10A000  }
0xb0: {  	[dreg:$0x4] =	wrdreg $0x9  }
0xb1: {  	_ =	task.clear_ibuf [dreg:s6], $0x5FFFF;
	_ =	strace $0x90000046  }
0xb2: {  	s29 =	simm.s32 $0x9;
	_ =	strace $0x80000048  }
0xb3: {  	_ =	swait.ge [sflag:s29], $0x1  }
0xb4: {  	[sflag:s29] =	ssyncadd.s32 $0xFFFFFFFF  }
0xb5: {  	_ =	strace $0x90000048  }
0xb6: {  	_ =	sfence  }
0xb7: {  	s30 =	sld [smem:$0x0];
	_ =	sdelay $0x2  }
0xb8: {  	s31 =	sshll.u32 s1, $0xD;
	s1 =	sshrl.u32 s1, $0x2  }
0xb9: {  	s3 =	sand.u32 $0x4000, s31;
	s1 =	sadd.s32 s1, s30  }
0xba: {  	s0 =	sor.u32 s3, s0;
	s1 =	sshll.u32 s1, $0x11  }
0xbb: {  	s0 =	sor.u32 s1, s0  }
0xbc: {  	s0 =	sadd.s32 $0x8F2B, s0  }
0xbd: {  	[sflag:s0] =	ssyncadd.remote.s32 $0x1  }
0xbe: {  	_ =	sfence.sel $0xFFFF  }
0xbf: {  	[dreg:$0x0] =	wrdreg $0xFFFFFFFF;
	(pc) =	sbr.abs _section_cstart, $3  }
0xc0: {  	[dreg:$0x1] =	wrdreg $0xFFFFFFFF  }
0xc1: {  	_ =	task.clear_ibuf [dreg:s6], $0x2FFFF;
	_ =	strace $0x9FFFFFFF  }
0xc2: {  	(tm) =	ssettm $0x7FFFFFFF  }
0xc3: {  	_ =	shalt  }
tec
execute0_lowered:
.L_overlay_start_1:
0x0: {  	(tag) =	ssettag $0x1  }
0x1: {  	s0 =	rddreg [dreg:$0x0];
	s1 =	srdreg.scid  }
0x2: {  	s13 =	stileid.u32;
	s10 =	rddreg [dreg:$0x1]  }
0x3: {  	s2 =	simm.s32 $0x0;
	s14 =	simm.s32 $0x1;
	s16 =	simm.s32 $0x80  }
0x4: {  	s17 =	simm.s32 $0x400;
	s18 =	simm.s32 $0x9800;
	s19 =	simm.s32 $0xD000  }
0x5: {  	s20 =	simm.s32 $0x10800;
	s21 =	simm.s32 $0x9000;
	s22 =	simm.s32 $0x9400  }
0x6: {  	s23 =	simm.s32 $0x100;
	s24 =	simm.s32 $0x0;
	s1 =	sand.u32 $0x1, s1  }
0x7: {  	s3 =	sshll.u32 s13, $0x1;
	[smem:$0x7FF] =	sst s2;
	s5 =	sshrl.u32 s13, $0x2  }
0x8: {  	s9 =	sshll.u32 s13, $0xE;
	s30 =	sshll.u32 s13, $0x7;
	s12 =	sshll.u32 s13, $0x8  }
0x9: {  	s31 =	sshll.u32 s13, $0xD;
	s13 =	simm.s32 $0x5000;
	s4 =	sor.u32 s1, s3  }
0xa: {  	_ =	strace $0x80000047;
	s5 =	smul.u32 $0x1C000, s5;
	s8 =	sshll.u32 s1, $0x4  }
0xb: {  	s1 =	ssub.s32 $0x2, s1;
	s29 =	sand.u32 $0x20000, s9;
	s9 =	sand.u32 $0x380, s30  }
0xc: {  	s3 =	smul.u32 $0x500, s4;
	s6 =	sshll.u32 s4, $0x7;
	s11 =	sadd.s32 s8, s0  }
0xd: {  	s4 =	sshll.u32 s4, $0x6;
	s28 =	sshrl.u32 s1, $0x1;
	s6 =	sand.u32 $0x380, s6  }
0xe: {  	s1 =	ssub.s32 s1, s28;
	s11 =	sadd.s32 s12, s11;
	s5 =	sor.u32 s5, s6  }
0xf: {  	s7 =	sadd.s32 s3, s0;
	s3 =	sadd.s32 $0x16200, s0;
	s5 =	sshrl.u32 s5, $0x3  }
0x10: {  	s11 =	sadd.s32 $0x16A00, s11;
	s12 =	smax.u32 s1, $0x1;
	s26 =	sadd.s32 s5, s0  }
0x11: {  	s0 =	sadd.s32 s4, s0;
	s4 =	sadd.s32 $0xC200, s7;
	s5 =	sadd.s32 $0x2200, s7  }
0x12: {  	s6 =	sadd.s32 $0x17A00, s26;
	s8 =	sadd.s32 $0x33A00, s0;
	s0 =	sadd.s32 s29, s10  }
0x13: {  	v0 =	vimm.f32 $1.000000000e+00;
	v1 =	vimm.s32 $0x0;
	v2 =	vimm.s32 $0x2778;
	s7 =	sadd.s32 $0x25A00, s26;
	s10 =	sadd.s32 s31, s10;
	s9 =	sadd.s32 s9, s0  }
.LBB2_1:
0x14: {  	[tilespmem:s13], [sflag:$0x1] =	stream.linear.gather [hbm4b:s3+s2], $0x4000, $0x38;
	[tilespmem:$0x14A00] =	vst v63  }
0x15: {  	_ =	swait.ge [sflag:s14], $0x4000  }
0x16: {  	[sflag:s14] =	ssyncset.done $0x0  }
0x17: {  	[sflag:s14] =	ssyncadd.s32 $0xFFFFC000  }
0x18: {  	[tilespmem:s2], [sflag:$0x1] =	stream.linear.gather [hbm4b:s4+s2], $0x2780, $0x38;
	[tilespmem:$0x14A00] =	vst v63  }
0x19: {  	_ =	swait.ge [sflag:s14], $0x2780  }
0x1a: {  	[sflag:s14] =	ssyncset.done $0x0  }
0x1b: {  	s0 =	simm.s32 $0x2800;
	[sflag:s14] =	ssyncadd.s32 $0xFFFFD880  }
0x1c: {  	[tilespmem:s0], [sflag:$0x1] =	stream.linear.gather [hbm4b:s5+s2], $0x2780, $0x38;
	[tilespmem:$0x14A00] =	vst v63  }
0x1d: {  	_ =	swait.ge [sflag:s14], $0x2780  }
0x1e: {  	[sflag:s14] =	ssyncset.done $0x0  }
0x1f: {  	s25 =	simm.s32 $0x0;
	[sflag:s14] =	ssyncadd.s32 $0xFFFFD880  }
0x20: {  	v3 =	vld [tilespmem:s25+$0x0];
	_ =	sdelay $0x2  }
0x21: {  	v4 =	vld [tilespmem:s25+$0x2800];
	_ =	sdelay $0x1  }
0x22: {  	vm0 =	vgt.s32 v3, $0x9FF;
	vm1 =	vgt.s32 v3, $0x13FF  }
0x23: {  	vm2 =	vgt.s32 v3, $0x1DFF;
	v5 =	vsel vm0, $0x1, v1;
	v6 =	vsel vm1, $0x1, v1  }
0x24: {  	v5 =	vadd.s32 v6, v5;
	v6 =	vsel vm2, $0x1, v1  }
0x25: {  	v5 =	vadd.s32 v6, v5  }
0x26: {  	v6 =	vmul.u32 $0xFFFFF600, v5  }
0x27: {  	vm0 =	veq.s32 v5, $0x0  }
0x28: {  	[tilespmem:v4+s13+$0x0] =	vst.idx.add.f32.msk $0xffff, v0;
	v3 =	vadd.s32 v3, v6;
	v6 =	vmpcnt.ones.xlane vm0  }
0x29: {  	vm1 =	veq.s32 v5, $0x1;
	[tilespmem:s2+$0x9800] =	vst.msk vm0, v3  }
0x2a: {  	v7 =	vmpcnt.ones.xlane vm1;
	[tilespmem:s2+$0xD000] =	vst.msk vm0, v4;
	(v2sf) =	vpush v6, $0x0  }
0x2b: {  	vm0 =	veq.s32 v5, $0x2;
	[tilespmem:s2+$0xA600] =	vst.msk vm1, v3  }
0x2c: {  	v6 =	vmpcnt.ones.xlane vm0;
	(v2sf) =	vpush v7, $0x0;
	[tilespmem:s2+$0xDE00] =	vst.msk vm1, v4  }
0x2d: {  	vm1 =	veq.s32 v5, $0x3;
	[tilespmem:s2+$0xB400] =	vst.msk vm0, v3  }
0x2e: {  	v5 =	vmpcnt.ones.xlane vm1;
	(v2sf) =	vpush v6, $0x0;
	[tilespmem:s2+$0xEC00] =	vst.msk vm0, v4  }
0x2f: {  	[tilespmem:s2+$0xC200] =	vst.msk vm1, v3  }
0x30: {  	(v2sf) =	vpush v5, $0x0;
	[tilespmem:s2+$0xFA00] =	vst.msk vm1, v4  }
0x31: {  	v3 =	vld [tilespmem:s25+$0x10];
	_ =	sdelay $0x2  }
0x32: {  	v4 =	vld [tilespmem:s25+$0x2810];
	_ =	sdelay $0x1  }
0x33: {  	vm0 =	vgt.s32 v3, $0x9FF;
	vm1 =	vgt.s32 v3, $0x13FF  }
0x34: {  	vm2 =	vgt.s32 v3, $0x1DFF;
	v5 =	vsel vm0, $0x1, v1;
	v6 =	vsel vm1, $0x1, v1  }
0x35: {  	v5 =	vadd.s32 v6, v5;
	v6 =	vsel vm2, $0x1, v1  }
0x36: {  	v5 =	vadd.s32 v6, v5;
	s1 =	spop (v2sf)  }
0x37: {  	s0 =	sadd.s32 $0x0, s1;
	v6 =	vmul.u32 $0xFFFFF600, v5  }
0x38: {  	vm0 =	veq.s32 v5, $0x0;
	s1 =	spop (v2sf);
	p0 =	slt.s32 s0, $0xD70  }
0x39: {  	[tilespmem:v4+s13+$0x0] =	vst.idx.add.f32.msk $0xffff, v0;
	s1 =	sadd.s32 $0x0, s1;
	s0 =	simm.s32 @!p0 $0xD70;
	v3 =	vadd.s32 v3, v6;
	v6 =	vmpcnt.ones.xlane vm0  }
0x3a: {  	vm1 =	veq.s32 v5, $0x1;
	p0 =	slt.s32 s1, $0xD70;
	s26 =	spop (v2sf);
	[tilespmem:s0+$0x9800] =	vst.msk vm0, v3  }
0x3b: {  	v7 =	vmpcnt.ones.xlane vm1;
	s1 =	simm.s32 @!p0 $0xD70;
	s26 =	sadd.s32 $0x0, s26;
	[tilespmem:s0+$0xD000] =	vst.msk vm0, v4;
	(v2sf) =	vpush v6, $0x0  }
0x3c: {  	p0 =	slt.s32 s26, $0xD70;
	vm0 =	veq.s32 v5, $0x2;
	s28 =	spop (v2sf);
	[tilespmem:s1+$0xA600] =	vst.msk vm1, v3  }
0x3d: {  	s26 =	simm.s32 @!p0 $0xD70;
	s28 =	sadd.s32 $0x0, s28;
	v6 =	vmpcnt.ones.xlane vm0;
	(v2sf) =	vpush v7, $0x0;
	[tilespmem:s1+$0xDE00] =	vst.msk vm1, v4  }
0x3e: {  	p0 =	slt.s32 s28, $0xD70;
	vm1 =	veq.s32 v5, $0x3;
	[tilespmem:s26+$0xB400] =	vst.msk vm0, v3  }
0x3f: {  	s28 =	simm.s32 @!p0 $0xD70;
	v5 =	vmpcnt.ones.xlane vm1;
	(v2sf) =	vpush v6, $0x0;
	[tilespmem:s26+$0xEC00] =	vst.msk vm0, v4  }
0x40: {  	[tilespmem:s28+$0xC200] =	vst.msk vm1, v3  }
0x41: {  	(v2sf) =	vpush v5, $0x0;
	[tilespmem:s28+$0xFA00] =	vst.msk vm1, v4  }
0x42: {  	v3 =	vld [tilespmem:s25+$0x20];
	_ =	sdelay $0x2  }
0x43: {  	v4 =	vld [tilespmem:s25+$0x2820];
	_ =	sdelay $0x1  }
0x44: {  	vm0 =	vgt.s32 v3, $0x9FF;
	vm1 =	vgt.s32 v3, $0x13FF  }
0x45: {  	vm2 =	vgt.s32 v3, $0x1DFF;
	v5 =	vsel vm0, $0x1, v1;
	v6 =	vsel vm1, $0x1, v1  }
0x46: {  	v5 =	vadd.s32 v6, v5;
	v6 =	vsel vm2, $0x1, v1  }
0x47: {  	v5 =	vadd.s32 v6, v5;
	s29 =	spop (v2sf)  }
0x48: {  	s0 =	sadd.s32 s0, s29;
	v6 =	vmul.u32 $0xFFFFF600, v5  }
0x49: {  	vm0 =	veq.s32 v5, $0x0;
	s29 =	spop (v2sf);
	p0 =	slt.s32 s0, $0xD70  }
0x4a: {  	[tilespmem:v4+s13+$0x0] =	vst.idx.add.f32.msk $0xffff, v0;
	s1 =	sadd.s32 s1, s29;
	s0 =	simm.s32 @!p0 $0xD70;
	v3 =	vadd.s32 v3, v6;
	v6 =	vmpcnt.ones.xlane vm0  }
0x4b: {  	vm1 =	veq.s32 v5, $0x1;
	p0 =	slt.s32 s1, $0xD70;
	s29 =	spop (v2sf);
	[tilespmem:s0+$0x9800] =	vst.msk vm0, v3  }
0x4c: {  	v7 =	vmpcnt.ones.xlane vm1;
	s1 =	simm.s32 @!p0 $0xD70;
	s26 =	sadd.s32 s26, s29;
	[tilespmem:s0+$0xD000] =	vst.msk vm0, v4;
	(v2sf) =	vpush v6, $0x0  }
0x4d: {  	p0 =	slt.s32 s26, $0xD70;
	vm0 =	veq.s32 v5, $0x2;
	s29 =	spop (v2sf);
	[tilespmem:s1+$0xA600] =	vst.msk vm1, v3  }
0x4e: {  	s26 =	simm.s32 @!p0 $0xD70;
	s28 =	sadd.s32 s28, s29;
	v6 =	vmpcnt.ones.xlane vm0;
	(v2sf) =	vpush v7, $0x0;
	[tilespmem:s1+$0xDE00] =	vst.msk vm1, v4  }
0x4f: {  	p0 =	slt.s32 s28, $0xD70;
	vm1 =	veq.s32 v5, $0x3;
	[tilespmem:s26+$0xB400] =	vst.msk vm0, v3  }
0x50: {  	s28 =	simm.s32 @!p0 $0xD70;
	v5 =	vmpcnt.ones.xlane vm1;
	(v2sf) =	vpush v6, $0x0;
	[tilespmem:s26+$0xEC00] =	vst.msk vm0, v4  }
0x51: {  	[tilespmem:s28+$0xC200] =	vst.msk vm1, v3  }
0x52: {  	(v2sf) =	vpush v5, $0x0;
	[tilespmem:s28+$0xFA00] =	vst.msk vm1, v4  }
0x53: {  	v3 =	vld [tilespmem:s25+$0x30];
	_ =	sdelay $0x2  }
0x54: {  	v4 =	vld [tilespmem:s25+$0x2830];
	_ =	sdelay $0x1  }
0x55: {  	vm0 =	vgt.s32 v3, $0x9FF;
	vm1 =	vgt.s32 v3, $0x13FF  }
0x56: {  	vm2 =	vgt.s32 v3, $0x1DFF;
	v5 =	vsel vm0, $0x1, v1;
	v6 =	vsel vm1, $0x1, v1  }
0x57: {  	v5 =	vadd.s32 v6, v5;
	v6 =	vsel vm2, $0x1, v1  }
0x58: {  	v5 =	vadd.s32 v6, v5;
	s29 =	spop (v2sf)  }
0x59: {  	s0 =	sadd.s32 s0, s29;
	v6 =	vmul.u32 $0xFFFFF600, v5  }
0x5a: {  	vm0 =	veq.s32 v5, $0x0;
	s29 =	spop (v2sf);
	p0 =	slt.s32 s0, $0xD70  }
0x5b: {  	[tilespmem:v4+s13+$0x0] =	vst.idx.add.f32.msk $0xffff, v0;
	s1 =	sadd.s32 s1, s29;
	s0 =	simm.s32 @!p0 $0xD70;
	v3 =	vadd.s32 v3, v6;
	v6 =	vmpcnt.ones.xlane vm0  }
0x5c: {  	vm1 =	veq.s32 v5, $0x1;
	p0 =	slt.s32 s1, $0xD70;
	s29 =	spop (v2sf);
	[tilespmem:s0+$0x9800] =	vst.msk vm0, v3  }
0x5d: {  	v7 =	vmpcnt.ones.xlane vm1;
	s1 =	simm.s32 @!p0 $0xD70;
	s26 =	sadd.s32 s26, s29;
	[tilespmem:s0+$0xD000] =	vst.msk vm0, v4;
	(v2sf) =	vpush v6, $0x0  }
0x5e: {  	p0 =	slt.s32 s26, $0xD70;
	vm0 =	veq.s32 v5, $0x2;
	s29 =	spop (v2sf);
	[tilespmem:s1+$0xA600] =	vst.msk vm1, v3  }
0x5f: {  	s26 =	simm.s32 @!p0 $0xD70;
	s28 =	sadd.s32 s28, s29;
	v6 =	vmpcnt.ones.xlane vm0;
	(v2sf) =	vpush v7, $0x0;
	[tilespmem:s1+$0xDE00] =	vst.msk vm1, v4  }
0x60: {  	p0 =	slt.s32 s28, $0xD70;
	vm1 =	veq.s32 v5, $0x3;
	[tilespmem:s26+$0xB400] =	vst.msk vm0, v3  }
0x61: {  	s28 =	simm.s32 @!p0 $0xD70;
	v5 =	vmpcnt.ones.xlane vm1;
	(v2sf) =	vpush v6, $0x0;
	[tilespmem:s26+$0xEC00] =	vst.msk vm0, v4  }
0x62: {  	[tilespmem:s28+$0xC200] =	vst.msk vm1, v3  }
0x63: {  	(v2sf) =	vpush v5, $0x0;
	[tilespmem:s28+$0xFA00] =	vst.msk vm1, v4  }
0x64: {  	v3 =	vld [tilespmem:s25+$0x40];
	_ =	sdelay $0x2  }
0x65: {  	v4 =	vld [tilespmem:s25+$0x2840];
	_ =	sdelay $0x1  }
0x66: {  	vm0 =	vgt.s32 v3, $0x9FF;
	vm1 =	vgt.s32 v3, $0x13FF  }
0x67: {  	vm2 =	vgt.s32 v3, $0x1DFF;
	v5 =	vsel vm0, $0x1, v1;
	v6 =	vsel vm1, $0x1, v1  }
0x68: {  	v5 =	vadd.s32 v6, v5;
	v6 =	vsel vm2, $0x1, v1  }
0x69: {  	v5 =	vadd.s32 v6, v5;
	s29 =	spop (v2sf)  }
0x6a: {  	s0 =	sadd.s32 s0, s29;
	v6 =	vmul.u32 $0xFFFFF600, v5  }
0x6b: {  	vm0 =	veq.s32 v5, $0x0;
	s29 =	spop (v2sf);
	p0 =	slt.s32 s0, $0xD70  }
0x6c: {  	[tilespmem:v4+s13+$0x0] =	vst.idx.add.f32.msk $0xffff, v0;
	s1 =	sadd.s32 s1, s29;
	s0 =	simm.s32 @!p0 $0xD70;
	v3 =	vadd.s32 v3, v6;
	v6 =	vmpcnt.ones.xlane vm0  }
0x6d: {  	vm1 =	veq.s32 v5, $0x1;
	p0 =	slt.s32 s1, $0xD70;
	s29 =	spop (v2sf);
	[tilespmem:s0+$0x9800] =	vst.msk vm0, v3  }
0x6e: {  	v7 =	vmpcnt.ones.xlane vm1;
	s1 =	simm.s32 @!p0 $0xD70;
	s26 =	sadd.s32 s26, s29;
	[tilespmem:s0+$0xD000] =	vst.msk vm0, v4;
	(v2sf) =	vpush v6, $0x0  }
0x6f: {  	p0 =	slt.s32 s26, $0xD70;
	vm0 =	veq.s32 v5, $0x2;
	s29 =	spop (v2sf);
	[tilespmem:s1+$0xA600] =	vst.msk vm1, v3  }
0x70: {  	s26 =	simm.s32 @!p0 $0xD70;
	s28 =	sadd.s32 s28, s29;
	v6 =	vmpcnt.ones.xlane vm0;
	(v2sf) =	vpush v7, $0x0;
	[tilespmem:s1+$0xDE00] =	vst.msk vm1, v4  }
0x71: {  	p0 =	slt.s32 s28, $0xD70;
	vm1 =	veq.s32 v5, $0x3;
	[tilespmem:s26+$0xB400] =	vst.msk vm0, v3  }
0x72: {  	s28 =	simm.s32 @!p0 $0xD70;
	v5 =	vmpcnt.ones.xlane vm1;
	(v2sf) =	vpush v6, $0x0;
	[tilespmem:s26+$0xEC00] =	vst.msk vm0, v4  }
0x73: {  	[tilespmem:s28+$0xC200] =	vst.msk vm1, v3  }
0x74: {  	(v2sf) =	vpush v5, $0x0;
	[tilespmem:s28+$0xFA00] =	vst.msk vm1, v4  }
0x75: {  	v3 =	vld [tilespmem:s25+$0x50];
	_ =	sdelay $0x2  }
0x76: {  	v4 =	vld [tilespmem:s25+$0x2850];
	_ =	sdelay $0x1  }
0x77: {  	vm0 =	vgt.s32 v3, $0x9FF;
	vm1 =	vgt.s32 v3, $0x13FF  }
0x78: {  	vm2 =	vgt.s32 v3, $0x1DFF;
	v5 =	vsel vm0, $0x1, v1;
	v6 =	vsel vm1, $0x1, v1  }
0x79: {  	v5 =	vadd.s32 v6, v5;
	v6 =	vsel vm2, $0x1, v1  }
0x7a: {  	v5 =	vadd.s32 v6, v5;
	s29 =	spop (v2sf)  }
0x7b: {  	s0 =	sadd.s32 s0, s29;
	v6 =	vmul.u32 $0xFFFFF600, v5  }
0x7c: {  	vm0 =	veq.s32 v5, $0x0;
	s29 =	spop (v2sf);
	p0 =	slt.s32 s0, $0xD70  }
0x7d: {  	[tilespmem:v4+s13+$0x0] =	vst.idx.add.f32.msk $0xffff, v0;
	s1 =	sadd.s32 s1, s29;
	s0 =	simm.s32 @!p0 $0xD70;
	v3 =	vadd.s32 v3, v6;
	v6 =	vmpcnt.ones.xlane vm0  }
0x7e: {  	vm1 =	veq.s32 v5, $0x1;
	p0 =	slt.s32 s1, $0xD70;
	s29 =	spop (v2sf);
	[tilespmem:s0+$0x9800] =	vst.msk vm0, v3  }
0x7f: {  	v7 =	vmpcnt.ones.xlane vm1;
	s1 =	simm.s32 @!p0 $0xD70;
	s26 =	sadd.s32 s26, s29;
	[tilespmem:s0+$0xD000] =	vst.msk vm0, v4;
	(v2sf) =	vpush v6, $0x0  }
0x80: {  	p0 =	slt.s32 s26, $0xD70;
	vm0 =	veq.s32 v5, $0x2;
	s29 =	spop (v2sf);
	[tilespmem:s1+$0xA600] =	vst.msk vm1, v3  }
0x81: {  	s26 =	simm.s32 @!p0 $0xD70;
	s28 =	sadd.s32 s28, s29;
	v6 =	vmpcnt.ones.xlane vm0;
	(v2sf) =	vpush v7, $0x0;
	[tilespmem:s1+$0xDE00] =	vst.msk vm1, v4  }
0x82: {  	p0 =	slt.s32 s28, $0xD70;
	vm1 =	veq.s32 v5, $0x3;
	[tilespmem:s26+$0xB400] =	vst.msk vm0, v3  }
0x83: {  	s28 =	simm.s32 @!p0 $0xD70;
	v5 =	vmpcnt.ones.xlane vm1;
	(v2sf) =	vpush v6, $0x0;
	[tilespmem:s26+$0xEC00] =	vst.msk vm0, v4  }
0x84: {  	[tilespmem:s28+$0xC200] =	vst.msk vm1, v3  }
0x85: {  	(v2sf) =	vpush v5, $0x0;
	[tilespmem:s28+$0xFA00] =	vst.msk vm1, v4  }
0x86: {  	v3 =	vld [tilespmem:s25+$0x60];
	_ =	sdelay $0x2  }
0x87: {  	v4 =	vld [tilespmem:s25+$0x2860];
	_ =	sdelay $0x1  }
0x88: {  	vm0 =	vgt.s32 v3, $0x9FF;
	vm1 =	vgt.s32 v3, $0x13FF  }
0x89: {  	vm2 =	vgt.s32 v3, $0x1DFF;
	v5 =	vsel vm0, $0x1, v1;
	v6 =	vsel vm1, $0x1, v1  }
0x8a: {  	v5 =	vadd.s32 v6, v5;
	v6 =	vsel vm2, $0x1, v1  }
0x8b: {  	v5 =	vadd.s32 v6, v5;
	s29 =	spop (v2sf)  }
0x8c: {  	s0 =	sadd.s32 s0, s29;
	v6 =	vmul.u32 $0xFFFFF600, v5  }
0x8d: {  	s29 =	spop (v2sf);
	p0 =	slt.s32 s0, $0xD70  }
0x8e: {  	[tilespmem:v4+s13+$0x0] =	vst.idx.add.f32.msk $0xffff, v0;
	vm0 =	veq.s32 v5, $0x0;
	s1 =	sadd.s32 s1, s29;
	s0 =	simm.s32 @!p0 $0xD70;
	v3 =	vadd.s32 v3, v6  }
0x8f: {  	p0 =	slt.s32 s1, $0xD70;
	s29 =	spop (v2sf);
	[tilespmem:s0+$0x9800] =	vst.msk vm0, v3  }
0x90: {  	vm1 =	veq.s32 v5, $0x1;
	s1 =	simm.s32 @!p0 $0xD70;
	s26 =	sadd.s32 s26, s29;
	[tilespmem:s0+$0xD000] =	vst.msk vm0, v4  }
0x91: {  	p0 =	slt.s32 s26, $0xD70;
	s29 =	spop (v2sf);
	[tilespmem:s1+$0xA600] =	vst.msk vm1, v3  }
0x92: {  	v6 =	vmpcnt.ones.xlane vm0;
	vm0 =	veq.s32 v5, $0x2;
	s26 =	simm.s32 @!p0 $0xD70;
	s28 =	sadd.s32 s28, s29;
	[tilespmem:s1+$0xDE00] =	vst.msk vm1, v4  }
0x93: {  	p0 =	slt.s32 s28, $0xD70;
	[tilespmem:s26+$0xB400] =	vst.msk vm0, v3  }
0x94: {  	v7 =	vmpcnt.ones.xlane vm1;
	(v2sf) =	vpush v6, $0x0;
	vm1 =	veq.s32 v5, $0x3;
	s28 =	simm.s32 @!p0 $0xD70;
	[tilespmem:s26+$0xEC00] =	vst.msk vm0, v4  }
0x95: {  	[tilespmem:s28+$0xC200] =	vst.msk vm1, v3  }
0x96: {  	[tilespmem:s28+$0xFA00] =	vst.msk vm1, v4  }
0x97: {  	v3 =	vld [tilespmem:s25+$0x70];
	_ =	sdelay $0x1  }
0x98: {  	v6 =	vmpcnt.ones.xlane vm0;
	(v2sf) =	vpush v7, $0x0  }
0x99: {  	v5 =	vmpcnt.ones.xlane vm1  }
0x9a: {  	(v2sf) =	vpush v6, $0x0  }
0x9b: {  	(v2sf) =	vpush v5, $0x0;
	vm0 =	vgt.s32 v3, $0x9FF;
	vm1 =	vgt.s32 v3, $0x13FF  }
0x9c: {  	vm2 =	vgt.s32 v3, $0x1DFF;
	v5 =	vsel vm0, $0x1, v1;
	v6 =	vsel vm1, $0x1, v1  }
0x9d: {  	v5 =	vadd.s32 v6, v5;
	v6 =	vsel vm2, $0x1, v1  }
0x9e: {  	v5 =	vadd.s32 v6, v5  }
0x9f: {  	vm0 =	veq.s32 v5, $0x0  }
0xa0: {  	v4 =	vld [tilespmem:s25+$0x2870];
	v7 =	vmpcnt.ones.xlane vm0;
	_ =	sdelay $0x1  }
0xa1: {  	s15 =	spop (v2sf);
	(v2sf) =	vpush v7, $0x0;
	_ =	sdelay $0x3  }
0xa2: {  	s0 =	sadd.s32 s0, s15;
	v6 =	vmul.u32 $0xFFFFF600, v5  }
0xa3: {  	s15 =	spop (v2sf);
	p0 =	slt.s32 s0, $0xD70  }
0xa4: {  	[tilespmem:v4+s13+$0x0] =	vst.idx.add.f32.msk $0xffff, v0;
	s29 =	sadd.s32 s1, s15;
	s0 =	simm.s32 @!p0 $0xD70;
	v3 =	vadd.s32 v3, v6  }
0xa5: {  	p0 =	slt.s32 s29, $0xD70;
	s25 =	spop (v2sf);
	[tilespmem:s0+$0x9800] =	vst.msk vm0, v3  }
0xa6: {  	vm1 =	veq.s32 v5, $0x1;
	s29 =	simm.s32 @!p0 $0xD70;
	s31 =	sadd.s32 s26, s25;
	[tilespmem:s0+$0xD000] =	vst.msk vm0, v4  }
0xa7: {  	p0 =	slt.s32 s31, $0xD70;
	s26 =	spop (v2sf);
	[tilespmem:s29+$0xA600] =	vst.msk vm1, v3  }
0xa8: {  	vm2 =	veq.s32 v5, $0x3;
	v6 =	vmpcnt.ones.xlane vm1;
	vm0 =	veq.s32 v5, $0x2;
	s31 =	simm.s32 @!p0 $0xD70;
	s1 =	sadd.s32 s28, s26;
	[tilespmem:s29+$0xDE00] =	vst.msk vm1, v4  }
0xa9: {  	v8 =	vmpcnt.ones.xlane vm2;
	p0 =	slt.s32 s1, $0xD70;
	[tilespmem:s31+$0xB400] =	vst.msk vm0, v3  }
0xaa: {  	(v2sf) =	vpush v6, $0x0;
	s1 =	simm.s32 @!p0 $0xD70;
	[tilespmem:s31+$0xEC00] =	vst.msk vm0, v4  }
0xab: {  	(v2sf) =	vpush v8, $0x0;
	v6 =	vmpcnt.ones.xlane vm0;
	[tilespmem:s1+$0xC200] =	vst.msk vm2, v3  }
0xac: {  	s25 =	simm.s32 $0x80;
	[tilespmem:s1+$0xFA00] =	vst.msk vm2, v4  }
0xad: {  	v5 =	vld [tilespmem:s25+$0x0];
	s15 =	spop (v2sf);
	(v2sf) =	vpush v6, $0x0;
	_ =	sdelay $0x4  }
0xae: {  	vm1 =	vgt.s32 v5, $0x9FF;
	vm2 =	vgt.s32 v5, $0x13FF  }
0xaf: {  	vm3 =	vgt.s32 v5, $0x1DFF;
	v3 =	vsel vm1, $0x1, v1;
	v4 =	vsel vm2, $0x1, v1  }
0xb0: {  	v3 =	vadd.s32 v4, v3;
	v4 =	vsel vm3, $0x1, v1  }
0xb1: {  	v4 =	vadd.s32 v4, v3;
	v3 =	vld [tilespmem:s25+$0x2800];
	_ =	sdelay $0x3  }
0xb2: {  	s26 =	simm.s32 $0x400;
	s30 =	sadd.s32 s0, s15;
	s28 =	spop (v2sf)  }
0xb3: {  	v6 =	vmul.u32 $0xFFFFF600, v4;
	vm0 =	veq.s32 v4, $0x0;
	p1 =	slt.s32 s30, $0xD70;
	s29 =	sadd.s32 s29, s28;
	s0 =	spop (v2sf)  }
.LBB2_2:
0xb4: {  	p0 =	slt.s32 s29, $0xD70  }
0xb5: {  	s1 =	sadd.s32 s1, s0;
	s0 =	spop (v2sf);
	s28 =	smov.u32 s26  }
0xb6: {  	s30 =	simm.s32 @!p1 $0xD70;
	[tilespmem:v3+s13+$0x0] =	vst.idx.add.f32.msk $0xffff, v0;
	v5 =	vadd.s32 v5, v6;
	v6 =	vmpcnt.ones.xlane vm0;
	s31 =	sadd.s32 s31, s0;
	p1 =	slt.s32 s1, $0xD70  }
0xb7: {  	vm1 =	veq.s32 v4, $0x1;
	s29 =	simm.s32 @!p0 $0xD70;
	[tilespmem:s30+$0x9800] =	vst.msk vm0, v5;
	p2 =	slt.s32 s31, $0xD70;
	s1 =	simm.s32 @!p1 $0xD70  }
0xb8: {  	p0 =	sne.s32 s26, $0x9C00;
	s26 =	sadd.s32 $0x200, s26;
	v7 =	vmpcnt.ones.xlane vm1;
	[tilespmem:s30+$0xD000] =	vst.msk vm0, v3;
	(v2sf) =	vpush v6, $0x0;
	s31 =	simm.s32 @!p2 $0xD70  }
0xb9: {  	vm0 =	veq.s32 v4, $0x2;
	[tilespmem:s29+$0xA600] =	vst.msk vm1, v5  }
0xba: {  	v6 =	vmpcnt.ones.xlane vm0;
	[tilespmem:s29+$0xDE00] =	vst.msk vm1, v3;
	(v2sf) =	vpush v7, $0x0  }
0xbb: {  	vm1 =	veq.s32 v4, $0x3;
	[tilespmem:s31+$0xB400] =	vst.msk vm0, v5  }
0xbc: {  	v4 =	vmpcnt.ones.xlane vm1;
	[tilespmem:s31+$0xEC00] =	vst.msk vm0, v3;
	(v2sf) =	vpush v6, $0x0  }
0xbd: {  	[tilespmem:s1+$0xC200] =	vst.msk vm1, v5  }
0xbe: {  	[tilespmem:s1+$0xFA00] =	vst.msk vm1, v3;
	(v2sf) =	vpush v4, $0x0  }
0xbf: {  	v3 =	vld [tilespmem:s25+$0x10];
	_ =	sdelay $0x2  }
0xc0: {  	v4 =	vld [tilespmem:s25+$0x2810];
	_ =	sdelay $0x1  }
0xc1: {  	vm0 =	vgt.s32 v3, $0x9FF;
	vm1 =	vgt.s32 v3, $0x13FF;
	vm2 =	vgt.s32 v3, $0x1DFF  }
0xc2: {  	v5 =	vsel vm0, $0x1, v1;
	v6 =	vsel vm1, $0x1, v1  }
0xc3: {  	v5 =	vadd.s32 v6, v5;
	v6 =	vsel vm2, $0x1, v1  }
0xc4: {  	v5 =	vadd.s32 v6, v5;
	s0 =	spop (v2sf)  }
0xc5: {  	s30 =	sadd.s32 s30, s0;
	v6 =	vmul.u32 $0xFFFFF600, v5  }
0xc6: {  	vm0 =	veq.s32 v5, $0x0;
	p1 =	slt.s32 s30, $0xD70;
	s0 =	spop (v2sf)  }
0xc7: {  	s30 =	simm.s32 @!p1 $0xD70;
	s29 =	sadd.s32 s29, s0;
	[tilespmem:v4+s13+$0x0] =	vst.idx.add.f32.msk $0xffff, v0;
	v3 =	vadd.s32 v3, v6;
	v6 =	vmpcnt.ones.xlane vm0  }
0xc8: {  	vm1 =	veq.s32 v5, $0x1;
	p1 =	slt.s32 s29, $0xD70;
	[tilespmem:s30+$0x9800] =	vst.msk vm0, v3;
	s0 =	spop (v2sf)  }
0xc9: {  	v7 =	vmpcnt.ones.xlane vm1;
	s29 =	simm.s32 @!p1 $0xD70;
	s31 =	sadd.s32 s31, s0;
	[tilespmem:s30+$0xD000] =	vst.msk vm0, v4;
	(v2sf) =	vpush v6, $0x0  }
0xca: {  	vm0 =	veq.s32 v5, $0x2;
	p1 =	slt.s32 s31, $0xD70;
	[tilespmem:s29+$0xA600] =	vst.msk vm1, v3;
	s0 =	spop (v2sf)  }
0xcb: {  	v6 =	vmpcnt.ones.xlane vm0;
	s31 =	simm.s32 @!p1 $0xD70;
	s1 =	sadd.s32 s1, s0;
	[tilespmem:s29+$0xDE00] =	vst.msk vm1, v4;
	(v2sf) =	vpush v7, $0x0  }
0xcc: {  	vm1 =	veq.s32 v5, $0x3;
	p1 =	slt.s32 s1, $0xD70;
	[tilespmem:s31+$0xB400] =	vst.msk vm0, v3  }
0xcd: {  	v5 =	vmpcnt.ones.xlane vm1;
	s1 =	simm.s32 @!p1 $0xD70;
	[tilespmem:s31+$0xEC00] =	vst.msk vm0, v4;
	(v2sf) =	vpush v6, $0x0  }
0xce: {  	[tilespmem:s1+$0xC200] =	vst.msk vm1, v3  }
0xcf: {  	[tilespmem:s1+$0xFA00] =	vst.msk vm1, v4;
	(v2sf) =	vpush v5, $0x0  }
0xd0: {  	v3 =	vld [tilespmem:s25+$0x20];
	_ =	sdelay $0x2  }
0xd1: {  	v4 =	vld [tilespmem:s25+$0x2820];
	_ =	sdelay $0x1  }
0xd2: {  	vm0 =	vgt.s32 v3, $0x9FF;
	vm1 =	vgt.s32 v3, $0x13FF;
	vm2 =	vgt.s32 v3, $0x1DFF  }
0xd3: {  	v5 =	vsel vm0, $0x1, v1;
	v6 =	vsel vm1, $0x1, v1  }
0xd4: {  	v5 =	vadd.s32 v6, v5;
	v6 =	vsel vm2, $0x1, v1  }
0xd5: {  	v5 =	vadd.s32 v6, v5;
	s0 =	spop (v2sf)  }
0xd6: {  	s30 =	sadd.s32 s30, s0;
	v6 =	vmul.u32 $0xFFFFF600, v5  }
0xd7: {  	vm0 =	veq.s32 v5, $0x0;
	p1 =	slt.s32 s30, $0xD70;
	s0 =	spop (v2sf)  }
0xd8: {  	s30 =	simm.s32 @!p1 $0xD70;
	s29 =	sadd.s32 s29, s0;
	[tilespmem:v4+s13+$0x0] =	vst.idx.add.f32.msk $0xffff, v0;
	v3 =	vadd.s32 v3, v6;
	v6 =	vmpcnt.ones.xlane vm0  }
0xd9: {  	vm1 =	veq.s32 v5, $0x1;
	p1 =	slt.s32 s29, $0xD70;
	[tilespmem:s30+$0x9800] =	vst.msk vm0, v3;
	s0 =	spop (v2sf)  }
0xda: {  	v7 =	vmpcnt.ones.xlane vm1;
	s29 =	simm.s32 @!p1 $0xD70;
	s31 =	sadd.s32 s31, s0;
	[tilespmem:s30+$0xD000] =	vst.msk vm0, v4;
	(v2sf) =	vpush v6, $0x0  }
0xdb: {  	vm0 =	veq.s32 v5, $0x2;
	p1 =	slt.s32 s31, $0xD70;
	[tilespmem:s29+$0xA600] =	vst.msk vm1, v3;
	s0 =	spop (v2sf)  }
0xdc: {  	v6 =	vmpcnt.ones.xlane vm0;
	s31 =	simm.s32 @!p1 $0xD70;
	s0 =	sadd.s32 s1, s0;
	[tilespmem:s29+$0xDE00] =	vst.msk vm1, v4;
	(v2sf) =	vpush v7, $0x0  }
0xdd: {  	vm1 =	veq.s32 v5, $0x3;
	p1 =	slt.s32 s0, $0xD70;
	[tilespmem:s31+$0xB400] =	vst.msk vm0, v3  }
0xde: {  	v5 =	vmpcnt.ones.xlane vm1;
	s0 =	simm.s32 @!p1 $0xD70;
	[tilespmem:s31+$0xEC00] =	vst.msk vm0, v4;
	(v2sf) =	vpush v6, $0x0  }
0xdf: {  	[tilespmem:s0+$0xC200] =	vst.msk vm1, v3  }
0xe0: {  	[tilespmem:s0+$0xFA00] =	vst.msk vm1, v4;
	(v2sf) =	vpush v5, $0x0  }
0xe1: {  	v3 =	vld [tilespmem:s25+$0x30];
	_ =	sdelay $0x2  }
0xe2: {  	v4 =	vld [tilespmem:s25+$0x2830];
	_ =	sdelay $0x1  }
0xe3: {  	vm0 =	vgt.s32 v3, $0x9FF;
	vm1 =	vgt.s32 v3, $0x13FF;
	vm2 =	vgt.s32 v3, $0x1DFF  }
0xe4: {  	v5 =	vsel vm0, $0x1, v1;
	v6 =	vsel vm1, $0x1, v1  }
0xe5: {  	v5 =	vadd.s32 v6, v5;
	v6 =	vsel vm2, $0x1, v1  }
0xe6: {  	v5 =	vadd.s32 v6, v5;
	s1 =	spop (v2sf)  }
0xe7: {  	s30 =	sadd.s32 s30, s1;
	v6 =	vmul.u32 $0xFFFFF600, v5  }
0xe8: {  	vm0 =	veq.s32 v5, $0x0;
	p1 =	slt.s32 s30, $0xD70;
	s1 =	spop (v2sf)  }
0xe9: {  	s30 =	simm.s32 @!p1 $0xD70;
	s1 =	sadd.s32 s29, s1;
	[tilespmem:v4+s13+$0x0] =	vst.idx.add.f32.msk $0xffff, v0;
	v3 =	vadd.s32 v3, v6;
	v6 =	vmpcnt.ones.xlane vm0  }
0xea: {  	vm1 =	veq.s32 v5, $0x1;
	p1 =	slt.s32 s1, $0xD70;
	[tilespmem:s30+$0x9800] =	vst.msk vm0, v3;
	s29 =	spop (v2sf)  }
0xeb: {  	v7 =	vmpcnt.ones.xlane vm1;
	s1 =	simm.s32 @!p1 $0xD70;
	s29 =	sadd.s32 s31, s29;
	[tilespmem:s30+$0xD000] =	vst.msk vm0, v4;
	(v2sf) =	vpush v6, $0x0  }
0xec: {  	vm0 =	veq.s32 v5, $0x2;
	p1 =	slt.s32 s29, $0xD70;
	[tilespmem:s1+$0xA600] =	vst.msk vm1, v3;
	s31 =	spop (v2sf)  }
0xed: {  	v6 =	vmpcnt.ones.xlane vm0;
	s29 =	simm.s32 @!p1 $0xD70;
	s0 =	sadd.s32 s0, s31;
	[tilespmem:s1+$0xDE00] =	vst.msk vm1, v4;
	(v2sf) =	vpush v7, $0x0  }
0xee: {  	vm1 =	veq.s32 v5, $0x3;
	p1 =	slt.s32 s0, $0xD70;
	[tilespmem:s29+$0xB400] =	vst.msk vm0, v3  }
0xef: {  	v5 =	vmpcnt.ones.xlane vm1;
	s0 =	simm.s32 @!p1 $0xD70;
	[tilespmem:s29+$0xEC00] =	vst.msk vm0, v4;
	(v2sf) =	vpush v6, $0x0  }
0xf0: {  	[tilespmem:s0+$0xC200] =	vst.msk vm1, v3  }
0xf1: {  	[tilespmem:s0+$0xFA00] =	vst.msk vm1, v4;
	(v2sf) =	vpush v5, $0x0  }
0xf2: {  	v3 =	vld [tilespmem:s25+$0x40]  }
0xf3: {  	v4 =	vld [tilespmem:s25+$0x2840];
	_ =	sdelay $0x3  }
0xf4: {  	vm0 =	vgt.s32 v3, $0x9FF;
	vm1 =	vgt.s32 v3, $0x13FF;
	vm2 =	vgt.s32 v3, $0x1DFF  }
0xf5: {  	v5 =	vsel vm0, $0x1, v1;
	v6 =	vsel vm1, $0x1, v1  }
0xf6: {  	v5 =	vadd.s32 v6, v5;
	v6 =	vsel vm2, $0x1, v1  }
0xf7: {  	v5 =	vadd.s32 v6, v5;
	s31 =	spop (v2sf)  }
0xf8: {  	s30 =	sadd.s32 s30, s31;
	[tilespmem:v4+s13+$0x0] =	vst.idx.add.f32.msk $0xffff, v0;
	v6 =	vmul.u32 $0xFFFFF600, v5  }
0xf9: {  	vm0 =	veq.s32 v5, $0x0;
	p1 =	slt.s32 s30, $0xD70;
	s31 =	spop (v2sf)  }
0xfa: {  	s30 =	simm.s32 @!p1 $0xD70;
	s1 =	sadd.s32 s1, s31;
	v3 =	vadd.s32 v3, v6;
	v6 =	vmpcnt.ones.xlane vm0  }
0xfb: {  	vm1 =	veq.s32 v5, $0x1;
	p1 =	slt.s32 s1, $0xD70;
	[tilespmem:s30+$0x9800] =	vst.msk vm0, v3;
	s31 =	spop (v2sf)  }
0xfc: {  	v7 =	vmpcnt.ones.xlane vm1;
	s1 =	simm.s32 @!p1 $0xD70;
	s29 =	sadd.s32 s29, s31;
	[tilespmem:s30+$0xD000] =	vst.msk vm0, v4;
	(v2sf) =	vpush v6, $0x0  }
0xfd: {  	vm0 =	veq.s32 v5, $0x2;
	p1 =	slt.s32 s29, $0xD70;
	[tilespmem:s1+$0xA600] =	vst.msk vm1, v3;
	s31 =	spop (v2sf)  }
0xfe: {  	v6 =	vmpcnt.ones.xlane vm0;
	s29 =	simm.s32 @!p1 $0xD70;
	s0 =	sadd.s32 s0, s31;
	[tilespmem:s1+$0xDE00] =	vst.msk vm1, v4;
	(v2sf) =	vpush v7, $0x0  }
0xff: {  	vm1 =	veq.s32 v5, $0x3;
	p1 =	slt.s32 s0, $0xD70;
	[tilespmem:s29+$0xB400] =	vst.msk vm0, v3  }
0x100: {  	v5 =	vmpcnt.ones.xlane vm1;
	s0 =	simm.s32 @!p1 $0xD70;
	[tilespmem:s29+$0xEC00] =	vst.msk vm0, v4;
	(v2sf) =	vpush v6, $0x0  }
0x101: {  	[tilespmem:s0+$0xC200] =	vst.msk vm1, v3  }
0x102: {  	[tilespmem:s0+$0xFA00] =	vst.msk vm1, v4;
	(v2sf) =	vpush v5, $0x0  }
0x103: {  	v3 =	vld [tilespmem:s25+$0x50]  }
0x104: {  	v4 =	vld [tilespmem:s25+$0x2850];
	_ =	sdelay $0x3  }
0x105: {  	vm0 =	vgt.s32 v3, $0x9FF;
	vm1 =	vgt.s32 v3, $0x13FF;
	vm2 =	vgt.s32 v3, $0x1DFF  }
0x106: {  	v5 =	vsel vm0, $0x1, v1;
	v6 =	vsel vm1, $0x1, v1  }
0x107: {  	v5 =	vadd.s32 v6, v5;
	v6 =	vsel vm2, $0x1, v1  }
0x108: {  	v5 =	vadd.s32 v6, v5;
	s31 =	spop (v2sf)  }
0x109: {  	s30 =	sadd.s32 s30, s31;
	[tilespmem:v4+s13+$0x0] =	vst.idx.add.f32.msk $0xffff, v0;
	v6 =	vmul.u32 $0xFFFFF600, v5  }
0x10a: {  	vm0 =	veq.s32 v5, $0x0;
	p1 =	slt.s32 s30, $0xD70;
	s31 =	spop (v2sf)  }
0x10b: {  	s30 =	simm.s32 @!p1 $0xD70;
	s1 =	sadd.s32 s1, s31;
	v3 =	vadd.s32 v3, v6;
	v6 =	vmpcnt.ones.xlane vm0  }
0x10c: {  	vm1 =	veq.s32 v5, $0x1;
	p1 =	slt.s32 s1, $0xD70;
	[tilespmem:s30+$0x9800] =	vst.msk vm0, v3;
	s31 =	spop (v2sf)  }
0x10d: {  	v7 =	vmpcnt.ones.xlane vm1;
	s1 =	simm.s32 @!p1 $0xD70;
	s29 =	sadd.s32 s29, s31;
	[tilespmem:s30+$0xD000] =	vst.msk vm0, v4;
	(v2sf) =	vpush v6, $0x0  }
0x10e: {  	vm0 =	veq.s32 v5, $0x2;
	p1 =	slt.s32 s29, $0xD70;
	[tilespmem:s1+$0xA600] =	vst.msk vm1, v3;
	s31 =	spop (v2sf)  }
0x10f: {  	v6 =	vmpcnt.ones.xlane vm0;
	s29 =	simm.s32 @!p1 $0xD70;
	s0 =	sadd.s32 s0, s31;
	[tilespmem:s1+$0xDE00] =	vst.msk vm1, v4;
	(v2sf) =	vpush v7, $0x0  }
0x110: {  	vm1 =	veq.s32 v5, $0x3;
	p1 =	slt.s32 s0, $0xD70;
	[tilespmem:s29+$0xB400] =	vst.msk vm0, v3  }
0x111: {  	v5 =	vmpcnt.ones.xlane vm1;
	s0 =	simm.s32 @!p1 $0xD70;
	[tilespmem:s29+$0xEC00] =	vst.msk vm0, v4;
	(v2sf) =	vpush v6, $0x0  }
0x112: {  	[tilespmem:s0+$0xC200] =	vst.msk vm1, v3  }
0x113: {  	[tilespmem:s0+$0xFA00] =	vst.msk vm1, v4;
	(v2sf) =	vpush v5, $0x0  }
0x114: {  	v3 =	vld [tilespmem:s25+$0x60]  }
0x115: {  	v4 =	vld [tilespmem:s25+$0x2860];
	_ =	sdelay $0x3  }
0x116: {  	vm0 =	vgt.s32 v3, $0x9FF;
	vm1 =	vgt.s32 v3, $0x13FF;
	vm2 =	vgt.s32 v3, $0x1DFF  }
0x117: {  	v5 =	vsel vm0, $0x1, v1;
	v6 =	vsel vm1, $0x1, v1  }
0x118: {  	v5 =	vadd.s32 v6, v5;
	v6 =	vsel vm2, $0x1, v1  }
0x119: {  	v5 =	vadd.s32 v6, v5;
	s31 =	spop (v2sf)  }
0x11a: {  	s31 =	sadd.s32 s30, s31;
	[tilespmem:v4+s13+$0x0] =	vst.idx.add.f32.msk $0xffff, v0;
	v6 =	vmul.u32 $0xFFFFF600, v5  }
0x11b: {  	vm0 =	veq.s32 v5, $0x0;
	p1 =	slt.s32 s31, $0xD70;
	s30 =	spop (v2sf)  }
0x11c: {  	s31 =	simm.s32 @!p1 $0xD70;
	s30 =	sadd.s32 s1, s30;
	v3 =	vadd.s32 v3, v6;
	v6 =	vmpcnt.ones.xlane vm0  }
0x11d: {  	vm1 =	veq.s32 v5, $0x1;
	p1 =	slt.s32 s30, $0xD70;
	[tilespmem:s31+$0x9800] =	vst.msk vm0, v3;
	s1 =	spop (v2sf)  }
0x11e: {  	v7 =	vmpcnt.ones.xlane vm1;
	s30 =	simm.s32 @!p1 $0xD70;
	s1 =	sadd.s32 s29, s1;
	[tilespmem:s31+$0xD000] =	vst.msk vm0, v4;
	(v2sf) =	vpush v6, $0x0  }
0x11f: {  	vm0 =	veq.s32 v5, $0x2;
	p1 =	slt.s32 s1, $0xD70;
	[tilespmem:s30+$0xA600] =	vst.msk vm1, v3;
	s29 =	spop (v2sf)  }
0x120: {  	v6 =	vmpcnt.ones.xlane vm0;
	s1 =	simm.s32 @!p1 $0xD70;
	s29 =	sadd.s32 s0, s29;
	[tilespmem:s30+$0xDE00] =	vst.msk vm1, v4;
	(v2sf) =	vpush v7, $0x0  }
0x121: {  	vm1 =	veq.s32 v5, $0x3;
	p1 =	slt.s32 s29, $0xD70;
	[tilespmem:s1+$0xB400] =	vst.msk vm0, v3  }
0x122: {  	v5 =	vmpcnt.ones.xlane vm1;
	s29 =	simm.s32 @!p1 $0xD70;
	[tilespmem:s1+$0xEC00] =	vst.msk vm0, v4;
	(v2sf) =	vpush v6, $0x0  }
0x123: {  	[tilespmem:s29+$0xC200] =	vst.msk vm1, v3  }
0x124: {  	[tilespmem:s29+$0xFA00] =	vst.msk vm1, v4;
	(v2sf) =	vpush v5, $0x0  }
0x125: {  	v3 =	vld [tilespmem:s25+$0x70]  }
0x126: {  	v4 =	vld [tilespmem:s25+$0x2870];
	_ =	sdelay $0x3  }
0x127: {  	vm0 =	vgt.s32 v3, $0x9FF;
	vm1 =	vgt.s32 v3, $0x13FF;
	vm2 =	vgt.s32 v3, $0x1DFF  }
0x128: {  	v5 =	vsel vm0, $0x1, v1;
	v6 =	vsel vm1, $0x1, v1  }
0x129: {  	v5 =	vadd.s32 v6, v5;
	v6 =	vsel vm2, $0x1, v1  }
0x12a: {  	v5 =	vadd.s32 v6, v5;
	s0 =	spop (v2sf)  }
0x12b: {  	s0 =	sadd.s32 s31, s0;
	[tilespmem:v4+s13+$0x0] =	vst.idx.add.f32.msk $0xffff, v0;
	v6 =	vmul.u32 $0xFFFFF600, v5;
	vm2 =	veq.s32 v5, $0x0;
	vm0 =	veq.s32 v5, $0x3  }
0x12c: {  	vm3 =	veq.s32 v5, $0x1;
	vm1 =	veq.s32 v5, $0x2;
	p1 =	slt.s32 s0, $0xD70;
	v7 =	vmpcnt.ones.xlane vm2;
	s25 =	spop (v2sf)  }
0x12d: {  	v5 =	vmpcnt.ones.xlane vm3;
	s0 =	simm.s32 @!p1 $0xD70;
	s15 =	sadd.s32 s30, s25;
	v3 =	vadd.s32 v3, v6;
	v6 =	vmpcnt.ones.xlane vm1  }
0x12e: {  	v8 =	vmpcnt.ones.xlane vm0;
	p1 =	slt.s32 s15, $0xD70;
	[tilespmem:s0+$0x9800] =	vst.msk vm2, v3;
	s25 =	spop (v2sf);
	(v2sf) =	vpush v7, $0x0  }
0x12f: {  	s15 =	simm.s32 @!p1 $0xD70;
	s31 =	sadd.s32 s1, s25;
	[tilespmem:s0+$0xD000] =	vst.msk vm2, v4;
	(v2sf) =	vpush v5, $0x0  }
0x130: {  	p1 =	slt.s32 s31, $0xD70;
	[tilespmem:s15+$0xA600] =	vst.msk vm3, v3;
	s1 =	spop (v2sf);
	(v2sf) =	vpush v8, $0x0  }
0x131: {  	s31 =	simm.s32 @!p1 $0xD70;
	s1 =	sadd.s32 s29, s1;
	[tilespmem:s15+$0xDE00] =	vst.msk vm3, v4;
	(v2sf) =	vpush v6, $0x0  }
0x132: {  	p1 =	slt.s32 s1, $0xD70;
	[tilespmem:s31+$0xB400] =	vst.msk vm1, v3  }
0x133: {  	s1 =	simm.s32 @!p1 $0xD70;
	[tilespmem:s31+$0xEC00] =	vst.msk vm1, v4  }
0x134: {  	[tilespmem:s1+$0xC200] =	vst.msk vm0, v3  }
0x135: {  	s25 =	sshra.s32 s28, $0x2;
	[tilespmem:s1+$0xFA00] =	vst.msk vm0, v4  }
0x136: {  	v5 =	vld [tilespmem:s25+$0x0];
	_ =	sdelay $0x2  }
0x137: {  	v3 =	vld [tilespmem:s25+$0x2800];
	_ =	sdelay $0x1  }
.Ltmp0:
0x138: {  	vm0 =	vgt.s32 v5, $0x9FF;
	vm1 =	vgt.s32 v5, $0x13FF;
	vm2 =	vgt.s32 v5, $0x1DFF;
	(pc) =	sbr.rel @p0 .LBB2_2-.Ltmp0, $4  }
0x139: {  	v4 =	vsel vm0, $0x1, v1;
	v6 =	vsel vm1, $0x1, v1  }
0x13a: {  	v4 =	vadd.s32 v6, v4;
	v6 =	vsel vm2, $0x1, v1;
	s28 =	spop (v2sf)  }
0x13b: {  	v4 =	vadd.s32 v6, v4;
	s30 =	sadd.s32 s0, s28;
	s0 =	spop (v2sf)  }
0x13c: {  	v6 =	vmul.u32 $0xFFFFF600, v4;
	vm0 =	veq.s32 v4, $0x0;
	p1 =	slt.s32 s30, $0xD70;
	s29 =	sadd.s32 s15, s0;
	s0 =	spop (v2sf)  }
0x13d: {  	_ =	sdelay $0x3  }
0x13e: {  	[tilespmem:v3+s13+$0x0] =	vst.idx.add.f32.msk $0xffff, v0;
	v16 =	vmpcnt.ones.xlane vm0;
	s30 =	simm.s32 @!p1 $0xD70;
	v5 =	vadd.s32 v5, v6  }
0x13f: {  	p0 =	slt.s32 s29, $0xD70;
	s15 =	spop (v2sf);
	vm1 =	veq.s32 v4, $0x1;
	[tilespmem:s30+$0x9800] =	vst.msk vm0, v5  }
0x140: {  	s15 =	sadd.s32 s31, s15;
	s29 =	simm.s32 @!p0 $0xD70;
	v7 =	vmpcnt.ones.xlane vm1;
	(v2sf) =	vpush v16, $0x0;
	[tilespmem:s30+$0xD000] =	vst.msk vm0, v3  }
0x141: {  	vm15 =	veq.s32 v4, $0x2;
	p0 =	slt.s32 s15, $0xD70;
	[tilespmem:s29+$0xA600] =	vst.msk vm1, v5  }
0x142: {  	s0 =	sadd.s32 s1, s0;
	v17 =	vmpcnt.ones.xlane vm15;
	s15 =	simm.s32 @!p0 $0xD70;
	(v2sf) =	vpush v7, $0x0;
	[tilespmem:s29+$0xDE00] =	vst.msk vm1, v3  }
0x143: {  	vm4 =	veq.s32 v4, $0x3;
	p0 =	slt.s32 s0, $0xD70;
	[tilespmem:s15+$0xB400] =	vst.msk vm15, v5  }
0x144: {  	v4 =	vmpcnt.ones.xlane vm4;
	s0 =	simm.s32 @!p0 $0xD70;
	(v2sf) =	vpush v17, $0x0;
	[tilespmem:s15+$0xEC00] =	vst.msk vm15, v3  }
0x145: {  	[tilespmem:s0+$0xC200] =	vst.msk vm4, v5  }
0x146: {  	(v2sf) =	vpush v4, $0x0;
	[tilespmem:s0+$0xFA00] =	vst.msk vm4, v3  }
0x147: {  	v3 =	vld [tilespmem:s25+$0x10];
	_ =	sdelay $0x2  }
0x148: {  	v18 =	vld [tilespmem:s25+$0x2810];
	_ =	sdelay $0x1  }
0x149: {  	vm5 =	vgt.s32 v3, $0x9FF;
	vm6 =	vgt.s32 v3, $0x13FF  }
0x14a: {  	vm2 =	vgt.s32 v3, $0x1DFF;
	v19 =	vsel vm5, $0x1, v1;
	v20 =	vsel vm6, $0x1, v1  }
0x14b: {  	v21 =	vsel vm2, $0x1, v1;
	v5 =	vadd.s32 v20, v19  }
0x14c: {  	s28 =	spop (v2sf);
	v5 =	vadd.s32 v21, v5  }
0x14d: {  	s1 =	sadd.s32 s30, s28;
	v6 =	vmul.u32 $0xFFFFF600, v5  }
0x14e: {  	s26 =	spop (v2sf);
	p0 =	slt.s32 s1, $0xD70;
	vm7 =	veq.s32 v5, $0x0  }
0x14f: {  	[tilespmem:v18+s13+$0x0] =	vst.idx.add.f32.msk $0xffff, v0;
	s26 =	sadd.s32 s29, s26;
	s1 =	simm.s32 @!p0 $0xD70;
	v22 =	vmpcnt.ones.xlane vm7;
	v3 =	vadd.s32 v3, v6  }
0x150: {  	vm8 =	veq.s32 v5, $0x1;
	s28 =	spop (v2sf);
	p0 =	slt.s32 s26, $0xD70;
	[tilespmem:s1+$0x9800] =	vst.msk vm7, v3  }
0x151: {  	s15 =	sadd.s32 s15, s28;
	v23 =	vmpcnt.ones.xlane vm8;
	s26 =	simm.s32 @!p0 $0xD70;
	(v2sf) =	vpush v22, $0x0;
	[tilespmem:s1+$0xD000] =	vst.msk vm7, v18  }
0x152: {  	vm9 =	veq.s32 v5, $0x2;
	s30 =	spop (v2sf);
	p0 =	slt.s32 s15, $0xD70;
	[tilespmem:s26+$0xA600] =	vst.msk vm8, v3  }
0x153: {  	v24 =	vmpcnt.ones.xlane vm9;
	s0 =	sadd.s32 s0, s30;
	s15 =	simm.s32 @!p0 $0xD70;
	(v2sf) =	vpush v23, $0x0;
	[tilespmem:s26+$0xDE00] =	vst.msk vm8, v18  }
0x154: {  	vm10 =	veq.s32 v5, $0x3;
	p0 =	slt.s32 s0, $0xD70;
	[tilespmem:s15+$0xB400] =	vst.msk vm9, v3  }
0x155: {  	v5 =	vmpcnt.ones.xlane vm10;
	s0 =	simm.s32 @!p0 $0xD70;
	(v2sf) =	vpush v24, $0x0;
	[tilespmem:s15+$0xEC00] =	vst.msk vm9, v18  }
0x156: {  	[tilespmem:s0+$0xC200] =	vst.msk vm10, v3  }
0x157: {  	(v2sf) =	vpush v5, $0x0;
	[tilespmem:s0+$0xFA00] =	vst.msk vm10, v18  }
0x158: {  	v3 =	vld [tilespmem:s25+$0x20];
	_ =	sdelay $0x2  }
0x159: {  	v4 =	vld [tilespmem:s25+$0x2820];
	_ =	sdelay $0x1  }
0x15a: {  	vm11 =	vgt.s32 v3, $0x9FF;
	vm12 =	vgt.s32 v3, $0x13FF  }
0x15b: {  	vm13 =	vgt.s32 v3, $0x1DFF;
	v25 =	vsel vm11, $0x1, v1;
	v26 =	vsel vm12, $0x1, v1  }
0x15c: {  	v27 =	vsel vm13, $0x1, v1;
	v5 =	vadd.s32 v26, v25  }
0x15d: {  	s31 =	spop (v2sf);
	v5 =	vadd.s32 v27, v5  }
0x15e: {  	s1 =	sadd.s32 s1, s31;
	v6 =	vmul.u32 $0xFFFFF600, v5  }
0x15f: {  	s29 =	spop (v2sf);
	p0 =	slt.s32 s1, $0xD70;
	vm14 =	veq.s32 v5, $0x0  }
0x160: {  	[tilespmem:v4+s13+$0x0] =	vst.idx.add.f32.msk $0xffff, v0;
	s26 =	sadd.s32 s26, s29;
	s1 =	simm.s32 @!p0 $0xD70;
	v28 =	vmpcnt.ones.xlane vm14;
	v3 =	vadd.s32 v3, v6  }
0x161: {  	vm15 =	veq.s32 v5, $0x1;
	s30 =	spop (v2sf);
	p0 =	slt.s32 s26, $0xD70;
	[tilespmem:s1+$0x9800] =	vst.msk vm14, v3  }
0x162: {  	s15 =	sadd.s32 s15, s30;
	v29 =	vmpcnt.ones.xlane vm15;
	s26 =	simm.s32 @!p0 $0xD70;
	(v2sf) =	vpush v28, $0x0;
	[tilespmem:s1+$0xD000] =	vst.msk vm14, v4  }
0x163: {  	vm4 =	veq.s32 v5, $0x2;
	s31 =	spop (v2sf);
	p0 =	slt.s32 s15, $0xD70;
	[tilespmem:s26+$0xA600] =	vst.msk vm15, v3  }
0x164: {  	v30 =	vmpcnt.ones.xlane vm4;
	s0 =	sadd.s32 s0, s31;
	s15 =	simm.s32 @!p0 $0xD70;
	(v2sf) =	vpush v29, $0x0;
	[tilespmem:s26+$0xDE00] =	vst.msk vm15, v4  }
0x165: {  	vm5 =	veq.s32 v5, $0x3;
	p0 =	slt.s32 s0, $0xD70;
	[tilespmem:s15+$0xB400] =	vst.msk vm4, v3  }
0x166: {  	v5 =	vmpcnt.ones.xlane vm5;
	s0 =	simm.s32 @!p0 $0xD70;
	(v2sf) =	vpush v30, $0x0;
	[tilespmem:s15+$0xEC00] =	vst.msk vm4, v4  }
0x167: {  	[tilespmem:s0+$0xC200] =	vst.msk vm5, v3  }
0x168: {  	(v2sf) =	vpush v5, $0x0;
	[tilespmem:s0+$0xFA00] =	vst.msk vm5, v4  }
0x169: {  	v3 =	vld [tilespmem:s25+$0x30];
	_ =	sdelay $0x2  }
0x16a: {  	v4 =	vld [tilespmem:s25+$0x2830];
	_ =	sdelay $0x1  }
0x16b: {  	vm6 =	vgt.s32 v3, $0x9FF;
	vm7 =	vgt.s32 v3, $0x13FF  }
0x16c: {  	vm8 =	vgt.s32 v3, $0x1DFF;
	v31 =	vsel vm6, $0x1, v1;
	v32 =	vsel vm7, $0x1, v1  }
0x16d: {  	v33 =	vsel vm8, $0x1, v1;
	v5 =	vadd.s32 v32, v31  }
0x16e: {  	s29 =	spop (v2sf);
	v5 =	vadd.s32 v33, v5  }
0x16f: {  	s1 =	sadd.s32 s1, s29;
	v6 =	vmul.u32 $0xFFFFF600, v5  }
0x170: {  	s30 =	spop (v2sf);
	p0 =	slt.s32 s1, $0xD70;
	vm9 =	veq.s32 v5, $0x0  }
0x171: {  	[tilespmem:v4+s13+$0x0] =	vst.idx.add.f32.msk $0xffff, v0;
	s26 =	sadd.s32 s26, s30;
	s1 =	simm.s32 @!p0 $0xD70;
	v34 =	vmpcnt.ones.xlane vm9;
	v3 =	vadd.s32 v3, v6  }
0x172: {  	vm10 =	veq.s32 v5, $0x1;
	s31 =	spop (v2sf);
	p0 =	slt.s32 s26, $0xD70;
	[tilespmem:s1+$0x9800] =	vst.msk vm9, v3  }
0x173: {  	s15 =	sadd.s32 s15, s31;
	v35 =	vmpcnt.ones.xlane vm10;
	s26 =	simm.s32 @!p0 $0xD70;
	(v2sf) =	vpush v34, $0x0;
	[tilespmem:s1+$0xD000] =	vst.msk vm9, v4  }
0x174: {  	vm11 =	veq.s32 v5, $0x2;
	s29 =	spop (v2sf);
	p0 =	slt.s32 s15, $0xD70;
	[tilespmem:s26+$0xA600] =	vst.msk vm10, v3  }
0x175: {  	v36 =	vmpcnt.ones.xlane vm11;
	s0 =	sadd.s32 s0, s29;
	s15 =	simm.s32 @!p0 $0xD70;
	(v2sf) =	vpush v35, $0x0;
	[tilespmem:s26+$0xDE00] =	vst.msk vm10, v4  }
0x176: {  	vm12 =	veq.s32 v5, $0x3;
	p0 =	slt.s32 s0, $0xD70;
	[tilespmem:s15+$0xB400] =	vst.msk vm11, v3  }
0x177: {  	v5 =	vmpcnt.ones.xlane vm12;
	s0 =	simm.s32 @!p0 $0xD70;
	(v2sf) =	vpush v36, $0x0;
	[tilespmem:s15+$0xEC00] =	vst.msk vm11, v4  }
0x178: {  	[tilespmem:s0+$0xC200] =	vst.msk vm12, v3  }
0x179: {  	(v2sf) =	vpush v5, $0x0;
	[tilespmem:s0+$0xFA00] =	vst.msk vm12, v4  }
0x17a: {  	v3 =	vld [tilespmem:s25+$0x40];
	_ =	sdelay $0x2  }
0x17b: {  	v4 =	vld [tilespmem:s25+$0x2840];
	_ =	sdelay $0x1  }
0x17c: {  	vm13 =	vgt.s32 v3, $0x9FF;
	vm14 =	vgt.s32 v3, $0x13FF  }
0x17d: {  	vm15 =	vgt.s32 v3, $0x1DFF;
	v37 =	vsel vm13, $0x1, v1;
	v38 =	vsel vm14, $0x1, v1  }
0x17e: {  	v39 =	vsel vm15, $0x1, v1;
	v5 =	vadd.s32 v38, v37  }
0x17f: {  	s30 =	spop (v2sf);
	v5 =	vadd.s32 v39, v5  }
0x180: {  	s1 =	sadd.s32 s1, s30;
	v6 =	vmul.u32 $0xFFFFF600, v5  }
0x181: {  	s31 =	spop (v2sf);
	p0 =	slt.s32 s1, $0xD70;
	vm4 =	veq.s32 v5, $0x0  }
0x182: {  	[tilespmem:v4+s13+$0x0] =	vst.idx.add.f32.msk $0xffff, v0;
	s26 =	sadd.s32 s26, s31;
	s1 =	simm.s32 @!p0 $0xD70;
	v40 =	vmpcnt.ones.xlane vm4;
	v3 =	vadd.s32 v3, v6  }
0x183: {  	vm5 =	veq.s32 v5, $0x1;
	s29 =	spop (v2sf);
	p0 =	slt.s32 s26, $0xD70;
	[tilespmem:s1+$0x9800] =	vst.msk vm4, v3  }
0x184: {  	s15 =	sadd.s32 s15, s29;
	v41 =	vmpcnt.ones.xlane vm5;
	s26 =	simm.s32 @!p0 $0xD70;
	(v2sf) =	vpush v40, $0x0;
	[tilespmem:s1+$0xD000] =	vst.msk vm4, v4  }
0x185: {  	vm6 =	veq.s32 v5, $0x2;
	s30 =	spop (v2sf);
	p0 =	slt.s32 s15, $0xD70;
	[tilespmem:s26+$0xA600] =	vst.msk vm5, v3  }
0x186: {  	v42 =	vmpcnt.ones.xlane vm6;
	s0 =	sadd.s32 s0, s30;
	s15 =	simm.s32 @!p0 $0xD70;
	(v2sf) =	vpush v41, $0x0;
	[tilespmem:s26+$0xDE00] =	vst.msk vm5, v4  }
0x187: {  	vm7 =	veq.s32 v5, $0x3;
	p0 =	slt.s32 s0, $0xD70;
	[tilespmem:s15+$0xB400] =	vst.msk vm6, v3  }
0x188: {  	v5 =	vmpcnt.ones.xlane vm7;
	s0 =	simm.s32 @!p0 $0xD70;
	(v2sf) =	vpush v42, $0x0;
	[tilespmem:s15+$0xEC00] =	vst.msk vm6, v4  }
0x189: {  	[tilespmem:s0+$0xC200] =	vst.msk vm7, v3  }
0x18a: {  	(v2sf) =	vpush v5, $0x0;
	[tilespmem:s0+$0xFA00] =	vst.msk vm7, v4  }
0x18b: {  	v3 =	vld [tilespmem:s25+$0x50];
	_ =	sdelay $0x2  }
0x18c: {  	v4 =	vld [tilespmem:s25+$0x2850];
	_ =	sdelay $0x1  }
0x18d: {  	vm8 =	vgt.s32 v3, $0x9FF;
	vm9 =	vgt.s32 v3, $0x13FF  }
0x18e: {  	vm10 =	vgt.s32 v3, $0x1DFF;
	v43 =	vsel vm8, $0x1, v1;
	v44 =	vsel vm9, $0x1, v1  }
0x18f: {  	v45 =	vsel vm10, $0x1, v1;
	v5 =	vadd.s32 v44, v43  }
0x190: {  	s31 =	spop (v2sf);
	v5 =	vadd.s32 v45, v5  }
0x191: {  	s1 =	sadd.s32 s1, s31;
	v6 =	vmul.u32 $0xFFFFF600, v5  }
0x192: {  	s29 =	spop (v2sf);
	p0 =	slt.s32 s1, $0xD70;
	vm11 =	veq.s32 v5, $0x0  }
0x193: {  	[tilespmem:v4+s13+$0x0] =	vst.idx.add.f32.msk $0xffff, v0;
	s26 =	sadd.s32 s26, s29;
	s1 =	simm.s32 @!p0 $0xD70;
	v46 =	vmpcnt.ones.xlane vm11;
	v3 =	vadd.s32 v3, v6  }
0x194: {  	vm12 =	veq.s32 v5, $0x1;
	s30 =	spop (v2sf);
	p0 =	slt.s32 s26, $0xD70;
	[tilespmem:s1+$0x9800] =	vst.msk vm11, v3  }
0x195: {  	s15 =	sadd.s32 s15, s30;
	v47 =	vmpcnt.ones.xlane vm12;
	s26 =	simm.s32 @!p0 $0xD70;
	(v2sf) =	vpush v46, $0x0;
	[tilespmem:s1+$0xD000] =	vst.msk vm11, v4  }
0x196: {  	vm13 =	veq.s32 v5, $0x2;
	s31 =	spop (v2sf);
	p0 =	slt.s32 s15, $0xD70;
	[tilespmem:s26+$0xA600] =	vst.msk vm12, v3  }
0x197: {  	v48 =	vmpcnt.ones.xlane vm13;
	s0 =	sadd.s32 s0, s31;
	s15 =	simm.s32 @!p0 $0xD70;
	(v2sf) =	vpush v47, $0x0;
	[tilespmem:s26+$0xDE00] =	vst.msk vm12, v4  }
0x198: {  	vm14 =	veq.s32 v5, $0x3;
	p0 =	slt.s32 s0, $0xD70;
	[tilespmem:s15+$0xB400] =	vst.msk vm13, v3  }
0x199: {  	v5 =	vmpcnt.ones.xlane vm14;
	s0 =	simm.s32 @!p0 $0xD70;
	(v2sf) =	vpush v48, $0x0;
	[tilespmem:s15+$0xEC00] =	vst.msk vm13, v4  }
0x19a: {  	[tilespmem:s0+$0xC200] =	vst.msk vm14, v3  }
0x19b: {  	(v2sf) =	vpush v5, $0x0;
	[tilespmem:s0+$0xFA00] =	vst.msk vm14, v4  }
0x19c: {  	v3 =	vld [tilespmem:s25+$0x60];
	_ =	sdelay $0x2  }
0x19d: {  	v4 =	vld [tilespmem:s25+$0x2860];
	_ =	sdelay $0x1  }
0x19e: {  	vm15 =	vgt.s32 v3, $0x9FF;
	vm4 =	vgt.s32 v3, $0x13FF  }
0x19f: {  	vm5 =	vgt.s32 v3, $0x1DFF;
	v49 =	vsel vm15, $0x1, v1;
	v50 =	vsel vm4, $0x1, v1  }
0x1a0: {  	v51 =	vsel vm5, $0x1, v1;
	v5 =	vadd.s32 v50, v49  }
0x1a1: {  	s29 =	spop (v2sf);
	v5 =	vadd.s32 v51, v5  }
0x1a2: {  	s1 =	sadd.s32 s1, s29;
	v6 =	vmul.u32 $0xFFFFF600, v5  }
0x1a3: {  	s30 =	spop (v2sf);
	p0 =	slt.s32 s1, $0xD70  }
0x1a4: {  	[tilespmem:v4+s13+$0x0] =	vst.idx.add.f32.msk $0xffff, v0;
	vm6 =	veq.s32 v5, $0x0;
	s26 =	sadd.s32 s26, s30;
	s1 =	simm.s32 @!p0 $0xD70;
	v3 =	vadd.s32 v3, v6  }
0x1a5: {  	s31 =	spop (v2sf);
	p0 =	slt.s32 s26, $0xD70;
	[tilespmem:s1+$0x9800] =	vst.msk vm6, v3  }
0x1a6: {  	vm7 =	veq.s32 v5, $0x1;
	s15 =	sadd.s32 s15, s31;
	s26 =	simm.s32 @!p0 $0xD70;
	[tilespmem:s1+$0xD000] =	vst.msk vm6, v4  }
0x1a7: {  	s29 =	spop (v2sf);
	p0 =	slt.s32 s15, $0xD70;
	[tilespmem:s26+$0xA600] =	vst.msk vm7, v3  }
0x1a8: {  	vm8 =	veq.s32 v5, $0x2;
	s28 =	sadd.s32 s0, s29;
	s15 =	simm.s32 @!p0 $0xD70;
	[tilespmem:s26+$0xDE00] =	vst.msk vm7, v4  }
0x1a9: {  	p0 =	slt.s32 s28, $0xD70;
	[tilespmem:s15+$0xB400] =	vst.msk vm8, v3  }
0x1aa: {  	vm3 =	veq.s32 v5, $0x3;
	s28 =	simm.s32 @!p0 $0xD70;
	[tilespmem:s15+$0xEC00] =	vst.msk vm8, v4  }
0x1ab: {  	[tilespmem:s28+$0xC200] =	vst.msk vm3, v3  }
0x1ac: {  	[tilespmem:s28+$0xFA00] =	vst.msk vm3, v4  }
0x1ad: {  	v3 =	vld [tilespmem:s25+$0x70];
	_ =	sdelay $0x1  }
0x1ae: {  	v52 =	vmpcnt.ones.xlane vm6  }
0x1af: {  	v53 =	vmpcnt.ones.xlane vm7  }
0x1b0: {  	v54 =	vmpcnt.ones.xlane vm8;
	(v2sf) =	vpush v52, $0x0  }
0x1b1: {  	(v2sf) =	vpush v53, $0x0;
	vm9 =	vgt.s32 v3, $0x9FF;
	vm10 =	vgt.s32 v3, $0x13FF  }
0x1b2: {  	vm11 =	vgt.s32 v3, $0x1DFF;
	v55 =	vsel vm9, $0x1, v1;
	v56 =	vsel vm10, $0x1, v1  }
0x1b3: {  	v57 =	vsel vm11, $0x1, v1;
	v5 =	vadd.s32 v56, v55  }
0x1b4: {  	v58 =	vmpcnt.ones.xlane vm3;
	(v2sf) =	vpush v54, $0x0;
	v59 =	vadd.s32 v57, v5  }
0x1b5: {  	vm12 =	veq.s32 v59, $0x0  }
0x1b6: {  	(v2sf) =	vpush v58, $0x0;
	v60 =	vmpcnt.ones.xlane vm12;
	_ =	sdelay $0x1  }
0x1b7: {  	(v2sf) =	vpush v60, $0x0;
	_ =	sdelay $0x1  }
0x1b8: {  	v61 =	vld [tilespmem:s25+$0x2870];
	_ =	sdelay $0x4  }
0x1b9: {  	s30 =	spop (v2sf)  }
0x1ba: {  	s25 =	sadd.s32 s1, s30;
	v6 =	vmul.u32 $0xFFFFF600, v59  }
0x1bb: {  	s31 =	spop (v2sf);
	p0 =	slt.s32 s25, $0xD70  }
0x1bc: {  	[tilespmem:v61+s13+$0x0] =	vst.idx.add.f32.msk $0xffff, v0;
	s26 =	sadd.s32 s26, s31;
	s25 =	simm.s32 @!p0 $0xD70;
	v3 =	vadd.s32 v3, v6  }
0x1bd: {  	s1 =	spop (v2sf);
	p0 =	slt.s32 s26, $0xD70;
	[tilespmem:s25+$0x9800] =	vst.msk vm12, v3  }
0x1be: {  	vm13 =	veq.s32 v59, $0x1;
	s0 =	sadd.s32 s15, s1;
	s26 =	simm.s32 @!p0 $0xD70;
	[tilespmem:s25+$0xD000] =	vst.msk vm12, v61  }
0x1bf: {  	s15 =	spop (v2sf);
	p0 =	slt.s32 s0, $0xD70;
	[tilespmem:s26+$0xA600] =	vst.msk vm13, v3  }
0x1c0: {  	vm14 =	veq.s32 v59, $0x2;
	s1 =	sadd.s32 s28, s15;
	s0 =	simm.s32 @!p0 $0xD70;
	[tilespmem:s26+$0xDE00] =	vst.msk vm13, v61  }
0x1c1: {  	v62 =	vmpcnt.ones.xlane vm13;
	p0 =	slt.s32 s1, $0xD70;
	[tilespmem:s0+$0xB400] =	vst.msk vm14, v3;
	s29 =	spop (v2sf)  }
0x1c2: {  	vm15 =	veq.s32 v59, $0x3;
	s1 =	simm.s32 @!p0 $0xD70;
	[tilespmem:s0+$0xEC00] =	vst.msk vm14, v61;
	s15 =	sadd.s32 s25, s29  }
0x1c3: {  	(v2sf) =	vpush v62, $0x0;
	[tilespmem:s1+$0xC200] =	vst.msk vm15, v3;
	p0 =	slt.s32 s15, $0xD70  }
0x1c4: {  	[tilespmem:s1+$0xFA00] =	vst.msk vm15, v61;
	s15 =	simm.s32 @!p0 $0xD70  }
0x1c5: {  	[tilespmem:s15+$0x9800] =	vst v1  }
0x1c6: {  	[tilespmem:s15+$0xD000] =	vst v2  }
0x1c7: {  	[tilespmem:s15+$0x9810] =	vst v1  }
0x1c8: {  	[tilespmem:s15+$0xD010] =	vst v2  }
0x1c9: {  	[tilespmem:s15+$0x9820] =	vst v1  }
0x1ca: {  	[tilespmem:s15+$0xD020] =	vst v2  }
0x1cb: {  	[tilespmem:s15+$0x9830] =	vst v1  }
0x1cc: {  	[tilespmem:s15+$0xD030] =	vst v2  }
0x1cd: {  	[tilespmem:s15+$0x9840] =	vst v1  }
0x1ce: {  	[tilespmem:s15+$0xD040] =	vst v2  }
0x1cf: {  	[tilespmem:s15+$0x9850] =	vst v1  }
0x1d0: {  	[tilespmem:s15+$0xD050] =	vst v2  }
0x1d1: {  	v3 =	vmpcnt.ones.xlane vm15;
	[tilespmem:s15+$0x9860] =	vst v1  }
0x1d2: {  	v63 =	vmpcnt.ones.xlane vm14;
	s30 =	spop (v2sf);
	[tilespmem:s15+$0xD060] =	vst v2;
	s31 =	sadd.s32 $0x7F, s15  }
0x1d3: {  	(v2sf) =	vpush v3, $0x0;
	s25 =	sadd.s32 s26, s30;
	[tilespmem:s15+$0x9870] =	vst v1;
	s29 =	sand.u32 $0xFFFFFF80, s31  }
0x1d4: {  	(v2sf) =	vpush v63, $0x0;
	p0 =	slt.s32 s25, $0xD70;
	[tilespmem:s15+$0xD070] =	vst v2;
	v3 =	vmov s29  }
0x1d5: {  	s25 =	simm.s32 @!p0 $0xD70;
	[tilespmem:$0x10800] =	vst v3  }
0x1d6: {  	[tilespmem:s25+$0xA600] =	vst v1  }
0x1d7: {  	[tilespmem:s25+$0xDE00] =	vst v2  }
0x1d8: {  	[tilespmem:s25+$0xA610] =	vst v1  }
0x1d9: {  	[tilespmem:s25+$0xDE10] =	vst v2  }
0x1da: {  	[tilespmem:s25+$0xA620] =	vst v1  }
0x1db: {  	[tilespmem:s25+$0xDE20] =	vst v2  }
0x1dc: {  	[tilespmem:s25+$0xA630] =	vst v1  }
0x1dd: {  	[tilespmem:s25+$0xDE30] =	vst v2  }
0x1de: {  	[tilespmem:s25+$0xA640] =	vst v1  }
0x1df: {  	[tilespmem:s25+$0xDE40] =	vst v2  }
0x1e0: {  	[tilespmem:s25+$0xA650] =	vst v1  }
0x1e1: {  	[tilespmem:s25+$0xDE50] =	vst v2  }
0x1e2: {  	s15 =	spop (v2sf);
	[tilespmem:s25+$0xA660] =	vst v1  }
0x1e3: {  	s31 =	sadd.s32 $0x7F, s25;
	[tilespmem:s25+$0xDE60] =	vst v2;
	s30 =	spop (v2sf)  }
0x1e4: {  	s28 =	sand.u32 $0xFFFFFF80, s31;
	[tilespmem:s25+$0xA670] =	vst v1;
	s0 =	sadd.s32 s0, s30  }
0x1e5: {  	v3 =	vmov s28;
	[tilespmem:s25+$0xDE70] =	vst v2;
	p0 =	slt.s32 s0, $0xD70  }
0x1e6: {  	[tilespmem:$0x10880] =	vst v3;
	s0 =	simm.s32 @!p0 $0xD70  }
0x1e7: {  	[tilespmem:s0+$0xB400] =	vst v1  }
0x1e8: {  	[tilespmem:s0+$0xEC00] =	vst v2  }
0x1e9: {  	[tilespmem:s0+$0xB410] =	vst v1  }
0x1ea: {  	[tilespmem:s0+$0xEC10] =	vst v2  }
0x1eb: {  	[tilespmem:s0+$0xB420] =	vst v1  }
0x1ec: {  	[tilespmem:s0+$0xEC20] =	vst v2  }
0x1ed: {  	[tilespmem:s0+$0xB430] =	vst v1  }
0x1ee: {  	[tilespmem:s0+$0xEC30] =	vst v2  }
0x1ef: {  	[tilespmem:s0+$0xB440] =	vst v1  }
0x1f0: {  	[tilespmem:s0+$0xEC40] =	vst v2  }
0x1f1: {  	[tilespmem:s0+$0xB450] =	vst v1  }
0x1f2: {  	[tilespmem:s0+$0xEC50] =	vst v2  }
0x1f3: {  	[tilespmem:s0+$0xB460] =	vst v1  }
0x1f4: {  	[tilespmem:s0+$0xEC60] =	vst v2;
	s29 =	sadd.s32 $0x7F, s0  }
0x1f5: {  	s1 =	sadd.s32 s1, s15;
	[tilespmem:s0+$0xB470] =	vst v1;
	s30 =	sand.u32 $0xFFFFFF80, s29  }
0x1f6: {  	p0 =	slt.s32 s1, $0xD70;
	[tilespmem:s0+$0xEC70] =	vst v2;
	v3 =	vmov s30  }
0x1f7: {  	s1 =	simm.s32 @!p0 $0xD70;
	[tilespmem:$0x10900] =	vst v3  }
0x1f8: {  	[tilespmem:s1+$0xC200] =	vst v1  }
0x1f9: {  	[tilespmem:s1+$0xFA00] =	vst v2  }
0x1fa: {  	[tilespmem:s1+$0xC210] =	vst v1  }
0x1fb: {  	[tilespmem:s1+$0xFA10] =	vst v2  }
0x1fc: {  	[tilespmem:s1+$0xC220] =	vst v1  }
0x1fd: {  	[tilespmem:s1+$0xFA20] =	vst v2  }
0x1fe: {  	[tilespmem:s1+$0xC230] =	vst v1  }
0x1ff: {  	[tilespmem:s1+$0xFA30] =	vst v2  }
0x200: {  	[tilespmem:s1+$0xC240] =	vst v1  }
0x201: {  	[tilespmem:s1+$0xFA40] =	vst v2  }
0x202: {  	[tilespmem:s1+$0xC250] =	vst v1  }
0x203: {  	[tilespmem:s1+$0xFA50] =	vst v2  }
0x204: {  	[tilespmem:s1+$0xC260] =	vst v1  }
0x205: {  	s31 =	sadd.s32 $0x7F, s1;
	[tilespmem:s1+$0xFA60] =	vst v2  }
0x206: {  	s0 =	sand.u32 $0xFFFFFF80, s31;
	[tilespmem:s1+$0xC270] =	vst v1  }
0x207: {  	v3 =	vmov s0;
	[tilespmem:s1+$0xFA70] =	vst v2  }
0x208: {  	s0 =	simm.s32 $0x1;
	[tilespmem:$0x10980] =	vst v3  }
0x209: {  	[hbm4b:s6+s16] =	stream.strided.scatter [tilespmem:s18], [sflag:$0x1], $0x3800, s17, s16, $0x38;
	[tilespmem:$0x14A00] =	vst v63  }
0x20a: {  	_ =	swait.ge [sflag:s0], $0x3800  }
0x20b: {  	[sflag:s0] =	ssyncset.done $0x0  }
0x20c: {  	[sflag:s0] =	ssyncadd.s32 $0xFFFFC800  }
0x20d: {  	[hbm4b:s7+s16] =	stream.strided.scatter [tilespmem:s19], [sflag:$0x1], $0x3800, s17, s16, $0x38;
	[tilespmem:$0x14A00] =	vst v63  }
0x20e: {  	_ =	swait.ge [sflag:s0], $0x3800  }
0x20f: {  	[sflag:s0] =	ssyncset.done $0x0  }
0x210: {  	[sflag:s0] =	ssyncadd.s32 $0xFFFFC800  }
0x211: {  	[hbm4b:s8+s2] =	stream.linear.scatter [tilespmem:s20], [sflag:$0x1], $0x200, $0x38;
	[tilespmem:$0x14A00] =	vst v63  }
0x212: {  	_ =	swait.ge [sflag:s0], $0x200  }
0x213: {  	[sflag:s0] =	ssyncset.done $0x0  }
0x214: {  	[sflag:s0] =	ssyncadd.s32 $0xFFFFFE00  }
0x215: {  	[spmem:s9] =	stream.strided.scatter [tilespmem:s13], [sflag:$0x1], $0x4000, s17, s16, $0x38;
	[tilespmem:$0x14A00] =	vst v63  }
0x216: {  	_ =	swait.ge [sflag:s0], $0x4000  }
0x217: {  	[sflag:s0] =	ssyncset.done $0x0  }
0x218: {  	[sflag:s0] =	ssyncadd.s32 $0xFFFFC000  }
0x219: {  	[bflag:$0x0] =	sbarrier.arrive $0xFFFF  }
0x21a: {  	[tilespmem:s21], [sflag:$0x1] =	stream.strided.gather [spmem:s10], $0x400, s17, s16, $0x38;
	[tilespmem:$0x14A00] =	vst v63  }
0x21b: {  	_ =	swait.ge [sflag:s0], $0x400  }
0x21c: {  	[sflag:s0] =	ssyncset.done $0x0  }
0x21d: {  	[sflag:s0] =	ssyncadd.s32 $0xFFFFFC00  }
.LBB2_4:
0x21e: {  	s1 =	sshll.u32 s0, $0xE  }
0x21f: {  	s15 =	sshll.u32 s0, $0x7;
	s1 =	sand.u32 $0x20000, s1  }
0x220: {  	s15 =	sand.u32 $0x380, s15;
	s1 =	sadd.s32 s1, s10  }
0x221: {  	s1 =	sadd.s32 s15, s1  }
0x222: {  	[tilespmem:s22], [sflag:$0x1] =	stream.strided.gather [spmem:s1], $0x400, s17, s16, $0x38;
	[tilespmem:$0x14A00] =	vst v63  }
0x223: {  	_ =	swait.ge [sflag:s14], $0x400  }
0x224: {  	[sflag:s14] =	ssyncset.done $0x0  }
0x225: {  	s1 =	simm.s32 $0x0;
	[sflag:s14] =	ssyncadd.s32 $0xFFFFFC00  }
0x226: {  	s25 =	simm.s32 $0x40;
	v3 =	vld [tilespmem:s1+$0x9400]  }
.LBB2_5:
0x227: {  	p0 =	sne.s32 s25, $0xFC0;
	v4 =	vld [tilespmem:s1+$0x9000];
	_ =	sdelay $0x2  }
.Ltmp1:
0x228: {  	(pc) =	sbr.rel @p0 .LBB2_5-.Ltmp1, $4  }
0x229: {  	_ = 	snop  }
0x22a: {  	v4 =	vadd.f32 v3, v4  }
0x22b: {  	s15 =	sshra.s32 s25, $0x2  }
0x22c: {  	s25 =	sadd.s32 $0x40, s25;
	v3 =	vld [tilespmem:s15+$0x9400];
	[tilespmem:s1+$0x9000] =	vst v4;
	s1 =	smov.u32 s15  }
0x22d: {  	v4 =	vld [tilespmem:s1+$0x9000]  }
0x22e: {  	s0 =	sadd.s32 $0x1, s0  }
0x22f: {  	p0 =	sne.s32 s0, $0x10  }
.Ltmp2:
0x230: {  	_ = 	snop;
	(pc) =	sbr.rel @p0 .LBB2_4-.Ltmp2, $3  }
0x231: {  	_ = 	snop  }
0x232: {  	v3 =	vadd.f32 v3, v4;
	_ =	sdelay $0x1  }
0x233: {  	[tilespmem:s1+$0x9000] =	vst v3  }
0x234: {  	s24 =	sadd.s32 $0x1, s24  }
0x235: {  	p0 =	sne.s32 s24, s12  }
.Ltmp3:
0x236: {  	_ = 	snop;
	(pc) =	sbr.rel @p0 .LBB2_1-.Ltmp3, $4  }
0x237: {  	[hbm4b:s11+s16] =	stream.strided.scatter [tilespmem:s21], [sflag:$0x1], $0x400, s23, s16, $0x38;
	[tilespmem:$0x14A00] =	vst v63  }
0x238: {  	_ =	swait.ge [sflag:s14], $0x400  }
0x239: {  	[sflag:s14] =	ssyncset.done $0x0  }
0x23a: {  	[sflag:s14] =	ssyncadd.s32 $0xFFFFFC00  }
0x23b: {  	_ =	sfence.sel $0x180000  }
0x23c: {  	[bflag:$0x0] =	sbarrier.arrive $0xFFFF  }
0x23d: {  	_ =	strace $0x90000047  }
0x23e: {  	s0 =	stileid.u32;
	[bflag:$0x2] =	sbarrier.arrive $0xFFFF  }
0x23f: {  	p0 =	sne.s32 s0, $0x0;
	s0 =	rddreg [dreg:$0x2]  }
0x240: {  	s0 =	sadd.s32 @!p0 $0x100000, s0  }
0x241: {  	[sflag:s0] =	ssyncadd.tile.s32 @!p0 $0x1;
	_ =	shalt  }
.Lfunc_end2:
_tile_overlayer_lowered:
.L_overlay_start_2:
0x242: {  	(tag) =	ssettag $0x2  }
0x243: {  	s0 =	rddreg [dreg:$0x0];
	s2 =	stileid.u32  }
0x244: {  	s1 =	rddreg [dreg:$0x1];
	p0 =	sne.s32 s2, $0x0  }
0x245: {  	s3 =	rddreg [dreg:$0x2];
	[bflag:$0x3] =	sbarrier.arrive $0xFFFF;
	s2 =	simm.s32 @!p0 $0x1C01  }
0x246: {  	[timem:s3], [sflag:s2] =	dma.local @!p0 [hbm:s0], s1  }
0x247: {  	s0 =	simm.s32 @!p0 $0x1  }
0x248: {  	_ =	swait.ge @!p0 [sflag:s0], s1  }
0x249: {  	s1 =	ssub.s32 @!p0 $0x0, s1;
	[sflag:s0] =	ssyncset.done @!p0 $0x0  }
0x24a: {  	[sflag:s0] =	ssyncadd.s32 @!p0 s1  }
0x24b: {  	[bflag:$0x3] =	sbarrier.arrive $0xFFFF  }
0x24c: {  	_ =	shalt  }

// kernel: kernel.9.cloned.1.call-start
scs
__scs_entry_jumppad:
0x0: {  	(pc) =	sbr.rel $0x88, $3  }
0x1: {  	(tag) =	ssettag $0x0;
	lr =	simm.s32 $0x1  }
0x2: {  	[smem:$0x3F97] =	sst lr;
	_ =	strace $0xD0000000  }
0x3: {  	_ = 	snop  }
0x4: {  	_ = 	snop  }
0x5: {  	_ = 	snop  }
0x6: {  	_ = 	snop  }
0x7: {  	_ = 	snop  }
__scs_overlays_trampoline_lowered:
0x8: {  	[smem:$0x3FA6] =	sst s0  }
0x9: {  	[smem:$0x3FA7] =	sst s1  }
0xa: {  	[smem:$0x3FA8] =	sst s2  }
0xb: {  	[smem:$0x3FA9] =	sst s3  }
0xc: {  	[smem:$0x3FAA] =	sst s4  }
0xd: {  	[smem:$0x3FAB] =	sst s5  }
0xe: {  	[smem:$0x3FAC] =	sst s6  }
0xf: {  	[smem:$0x3FAD] =	sst s7  }
0x10: {  	[smem:$0x3FAE] =	sst s8  }
0x11: {  	[smem:$0x3FAF] =	sst s9;
	s0 =	simm.s32 @!p0 $0x0  }
0x12: {  	s1 =	sld [smem:$0x3F95];
	s0 =	simm.s32 @p0 $0x1  }
0x13: {  	[smem:$0x3FB0] =	sst s0;
	s0 =	simm.s32 @!p1 $0x0  }
0x14: {  	s2 =	sld [smem:$0x3F94];
	s0 =	simm.s32 @p1 $0x1  }
0x15: {  	[smem:$0x3FB1] =	sst s0;
	s0 =	simm.s32 @!p2 $0x0  }
0x16: {  	s3 =	sld [smem:$0x3FDB];
	s0 =	simm.s32 @p2 $0x1  }
0x17: {  	s4 =	simm.s32 $0x1BF5;
	[smem:$0x3FB3] =	sst s0  }
0x18: {  	s0 =	sld [smem:$0x3F96];
	_ =	swait.ge [sflag:s4], $0x0  }
0x19: {  	s7 =	sld [smem:$0x3F97]  }
0x1a: {  	s8 =	sadd.s32 $0xFFFFE003, lr  }
0x1b: {  	s9 =	sadd.s32 $0xFFFFFEF7, lr;
	s5 =	simm.s32 $0xFFFFFFFF;
	p2 =	slt.u32 s8, $0xFFFFF086  }
0x1c: {  	p1 =	slt.u32 s9, $0xF7A;
	s5 =	simm.s32 @!p2 $0x0  }
0x1d: {  	s5 =	simm.s32 @p1 $0x1;
	p0 =	seq.s32 s7, s2  }
0x1e: {  	s7 =	smul.u32 @!p0 $0xF7A, s2;
	p2 =	seq.s32 @!p0 s5, $0x0  }
0x1f: {  	s9 =	smul.u32 $0xF7A, s1;
	s8 =	simm.s32 @!p0 $0x1BF5;
	p2 =	por !p2, p0  }
0x20: {  	[sflag:s8] =	ssyncset.s32 @!p0 $0xFFFFF086;
	s6 =	sadd.s32 @!p0 s3, s7;
	s7 =	simm.s32 @!p0 $0x108  }
0x21: {  	s3 =	sadd.s32 s3, s9;
	s6 =	sadd.s32 @!p0 $0x88, s6;
	s7 =	simm.s32 @p2 $0x1082  }
0x22: {  	[simem:s7], [sflag:s8] =	dma.local @!p0 [hbm:s6], $0xF7A  }
0x23: {  	s9 =	sor.u32 $0xD0000000, s2;
	s6 =	simm.s32 $0x108;
	_ =	swait.ge @!p0 [sflag:s8], $0x0  }
0x24: {  	s3 =	sadd.s32 $0x88, s3;
	s6 =	simm.s32 @!p1 $0x1082;
	[sflag:s4] =	ssyncset.s32 $0xFFFFF086  }
0x25: {  	[simem:s6], [sflag:s4] =	dma.local [hbm:s3], $0xF7A  }
0x26: {  	[smem:$0x3F97] =	sst s1;
	(tag) =	ssettag s2;
	_ =	strace s9  }
0x27: {  	s1 =	sld [smem:$0x3FA7]  }
0x28: {  	s2 =	sld [smem:$0x3FA8]  }
0x29: {  	s4 =	sld [smem:$0x3FAA]  }
0x2a: {  	p0 =	seq.s32 s5, $0x0;
	s5 =	sld [smem:$0x3FAB]  }
0x2b: {  	s6 =	sld [smem:$0x3FAC]  }
0x2c: {  	s7 =	sld [smem:$0x3FAD]  }
0x2d: {  	s3 =	simm.s32 $0x108;
	s8 =	sld [smem:$0x3FAE]  }
0x2e: {  	s3 =	simm.s32 @!p0 $0x1082;
	s9 =	sld [smem:$0x3FAF]  }
0x2f: {  	lr =	sadd.s32 s0, s3;
	s0 =	sld [smem:$0x3FA6]  }
0x30: {  	s3 =	sld [smem:$0x3FA9]  }
0x31: {  	[smem:$0x3FB2] =	sst s10  }
0x32: {  	s10 =	sld [smem:$0x3FB0];
	_ =	sdelay $0x3  }
0x33: {  	p0 =	seq.s32 s10, $0x1;
	s10 =	sld [smem:$0x3FB2];
	_ =	sdelay $0x3  }
0x34: {  	[smem:$0x3FB2] =	sst s10  }
0x35: {  	s10 =	sld [smem:$0x3FB1];
	_ =	sdelay $0x3  }
0x36: {  	p1 =	seq.s32 s10, $0x1;
	s10 =	sld [smem:$0x3FB2];
	_ =	sdelay $0x3  }
0x37: {  	[smem:$0x3FB2] =	sst s10  }
0x38: {  	s10 =	sld [smem:$0x3FB3]  }
0x39: {  	_ = 	snop;
	(pc) =	sbr.ind lr, $3  }
0x3a: {  	_ = 	snop  }
0x3b: {  	_ = 	snop  }
0x3c: {  	p2 =	seq.s32 s10, $0x1;
	s10 =	sld [smem:$0x3FB2]  }
0x3d: {  	_ =	shalt  }
0x3e: {  	_ =	shalt  }
0x3f: {  	_ =	shalt  }
0x40: {  	_ =	shalt  }
0x41: {  	_ =	shalt  }
0x42: {  	_ =	shalt  }
0x43: {  	_ =	shalt  }
0x44: {  	_ =	shalt  }
0x45: {  	_ =	shalt  }
0x46: {  	_ =	shalt  }
0x47: {  	_ =	shalt  }
0x48: {  	_ =	shalt  }
0x49: {  	_ =	shalt  }
0x4a: {  	_ =	shalt  }
0x4b: {  	_ =	shalt  }
0x4c: {  	_ =	shalt  }
0x4d: {  	_ =	shalt  }
0x4e: {  	_ =	shalt  }
0x4f: {  	_ =	shalt  }
0x50: {  	_ =	shalt  }
0x51: {  	_ =	shalt  }
0x52: {  	_ =	shalt  }
0x53: {  	_ =	shalt  }
0x54: {  	_ =	shalt  }
0x55: {  	_ =	shalt  }
0x56: {  	_ =	shalt  }
0x57: {  	_ =	shalt  }
0x58: {  	_ =	shalt  }
0x59: {  	_ =	shalt  }
0x5a: {  	_ =	shalt  }
0x5b: {  	_ =	shalt  }
0x5c: {  	_ =	shalt  }
0x5d: {  	_ =	shalt  }
0x5e: {  	_ =	shalt  }
0x5f: {  	_ =	shalt  }
0x60: {  	_ =	shalt  }
0x61: {  	_ =	shalt  }
0x62: {  	_ =	shalt  }
0x63: {  	_ =	shalt  }
0x64: {  	_ =	shalt  }
0x65: {  	_ =	shalt  }
0x66: {  	_ =	shalt  }
0x67: {  	_ =	shalt  }
0x68: {  	_ =	shalt  }
0x69: {  	_ =	shalt  }
0x6a: {  	_ =	shalt  }
0x6b: {  	_ =	shalt  }
0x6c: {  	_ =	shalt  }
0x6d: {  	_ =	shalt  }
0x6e: {  	_ =	shalt  }
0x6f: {  	_ =	shalt  }
0x70: {  	_ =	shalt  }
0x71: {  	_ =	shalt  }
0x72: {  	_ =	shalt  }
0x73: {  	_ =	shalt  }
0x74: {  	_ =	shalt  }
0x75: {  	_ =	shalt  }
0x76: {  	_ =	shalt  }
0x77: {  	_ =	shalt  }
0x78: {  	_ =	shalt  }
0x79: {  	_ =	shalt  }
0x7a: {  	_ =	shalt  }
0x7b: {  	_ =	shalt  }
0x7c: {  	_ =	shalt  }
0x7d: {  	_ =	shalt  }
0x7e: {  	_ =	shalt  }
0x7f: {  	_ =	shalt  }
0x80: {  	_ =	shalt  }
0x81: {  	_ =	shalt  }
0x82: {  	_ =	shalt  }
0x83: {  	_ =	shalt  }
0x84: {  	_ =	shalt  }
0x85: {  	_ =	shalt  }
0x86: {  	_ =	shalt  }
0x87: {  	_ =	shalt  }
.Lfunc_end0:
.L_simem_size_0:
called_computation.1_lowered:
.L_overlay_start_0:
0x88: {  	s2 =	sld [smem:$0x3FD9]  }
0x89: {  	s3 =	sld [smem:$0x3FFE];
	_ =	sdelay $0x1  }
0x8a: {  	s1 =	srdreg.scid  }
0x8b: {  	s0 =	sand.u32 $0x1, s1  }
0x8c: {  	s16 =	sshll.u32 s0, $0xA;
	s2 =	sadd.s32 s3, s2  }
0x8d: {  	s2 =	sadd.s32 s2, s16  }
0x8e: {  	[smem:$0x3FBE] =	sst s2  }
0x8f: {  	_ = 	snop  }
0x90: {  	(tm) =	ssettm $0x1  }
0x91: {  	s17 =	sld [smem:$0x3FFB];
	_ =	sdelay $0x3  }
0x92: {  	_ =	strace s17  }
0x93: {  	s2 =	sld [smem:$0x3FFC];
	_ =	sdelay $0x3  }
0x94: {  	_ =	strace s2  }
0x95: {  	s2 =	sld [smem:$0x3FFD];
	_ =	sdelay $0x3  }
0x96: {  	_ =	strace s2  }
0x97: {  	_ =	strace $0x8FFFFFFF  }
0x98: {  	s18 =	sld [smem:$0x3FDB];
	_ =	sdelay $0x1  }
0x99: {  	s19 =	simm.s32 $_scs_section_size  }
0x9a: {  	s4 =	simm.s32 $_size__tile_overlayer_lowered;
	s5 =	simm.s32 $_tile_overlayer_lowered  }
0x9b: {  	s22 =	simm.s32 $0x1BFF;
	s21 =	sshll.u32 s5, $0x1;
	s2 =	sadd.s32 s19, s18  }
0x9c: {  	s6 =	simm.s32 $0x0;
	s20 =	sshll.u32 s4, $0x1;
	s4 =	sadd.s32 s21, s2  }
0x9d: {  	[timem:s6], [sflag:s22] =	dma.local [hbm:s4], s20  }
0x9e: {  	_ =	swait.ge [sflag:s22], s20  }
0x9f: {  	s3 =	ssub.s32 $0x0, s20;
	[sflag:s22] =	ssyncset.done $0x0  }
0xa0: {  	[sflag:s22] =	ssyncadd.s32 s3;
	_ =	sdelay $0x1  }
0xa1: {  	s23 =	simm.s32 $0x1B8B  }
0xa2: {  	_ =	swait.ge [sflag:s23], $0x1  }
0xa3: {  	[sflag:s23] =	ssyncset.done $0x0  }
0xa4: {  	s25 =	simm.s32 $0x1B8E;
	s24 =	sld [smem:$0x3FFE];
	[sflag:s23] =	ssyncadd.s32 $0xFFFFFFFF  }
0xa5: {  	s26 =	simm.s32 $execute0_lowered;
	[smem:$0x3FD2] =	sst s25  }
0xa6: {  	s4 =	sshll.u32 s26, $0x1;
	_ =	strace $0x80000049;
	[dreg:$0x1] =	wrdreg $0xFFFFFFFF  }
0xa7: {  	s28 =	simm.s32 $_size_execute0_lowered;
	s2 =	sadd.s32 s2, s4;
	[dreg:$0x0] =	wrdreg $0x0  }
0xa8: {  	s4 =	sshll.u32 s28, $0x1;
	[dreg:$0x2] =	wrdreg s2  }
0xa9: {  	[dreg:$0x3] =	wrdreg s4  }
0xaa: {  	[dreg:$0x4] =	wrdreg $0xC0  }
0xab: {  	_ =	task [dreg:s6], $0x5FFFF  }
0xac: {  	[dreg:$0x1] =	wrdreg $0xFFFFFFFF  }
0xad: {  	[dreg:$0x0] =	wrdreg $0x60  }
0xae: {  	[dreg:$0x2] =	wrdreg s24  }
0xaf: {  	[dreg:$0x3] =	wrdreg $0x60800  }
0xb0: {  	[dreg:$0x4] =	wrdreg $0x19C800  }
0xb1: {  	[dreg:$0x5] =	wrdreg $0x9  }
0xb2: {  	_ =	task.clear_ibuf [dreg:s6], $0x6FFFF;
	_ =	strace $0x90000049  }
0xb3: {  	s29 =	simm.s32 $0x9;
	_ =	strace $0x8000004B  }
0xb4: {  	_ =	swait.ge [sflag:s29], $0x1  }
0xb5: {  	[sflag:s29] =	ssyncadd.s32 $0xFFFFFFFF  }
0xb6: {  	_ =	strace $0x9000004B  }
0xb7: {  	_ =	sfence  }
0xb8: {  	s30 =	sld [smem:$0x0];
	_ =	sdelay $0x2  }
0xb9: {  	s31 =	sshll.u32 s1, $0xD;
	s1 =	sshrl.u32 s1, $0x2  }
0xba: {  	s3 =	sand.u32 $0x4000, s31;
	s1 =	sadd.s32 s1, s30  }
0xbb: {  	s0 =	sor.u32 s3, s0;
	s1 =	sshll.u32 s1, $0x11  }
0xbc: {  	s0 =	sor.u32 s1, s0  }
0xbd: {  	s0 =	sadd.s32 $0x8F2B, s0  }
0xbe: {  	[sflag:s0] =	ssyncadd.remote.s32 $0x1  }
0xbf: {  	_ =	sfence.sel $0xFFFF  }
0xc0: {  	[dreg:$0x0] =	wrdreg $0xFFFFFFFF;
	(pc) =	sbr.abs _section_cstart, $3  }
0xc1: {  	[dreg:$0x1] =	wrdreg $0xFFFFFFFF  }
0xc2: {  	_ =	task.clear_ibuf [dreg:s6], $0x2FFFF;
	_ =	strace $0x9FFFFFFF  }
0xc3: {  	(tm) =	ssettm $0x7FFFFFFF  }
tec
execute0_lowered:
.L_overlay_start_1:
0x0: {  	(tag) =	ssettag $0x1  }
0x1: {  	s0 =	rddreg [dreg:$0x0]  }
0x2: {  	s1 =	rddreg [dreg:$0x1]  }
0x3: {  	s2 =	rddreg [dreg:$0x2];
	s3 =	simm.s32 $0x0  }
0x4: {  	s4 =	srdreg.scid;
	s22 =	stileid.u32;
	s28 =	simm.s32 $0x0  }
0x5: {  	[smem:$0x7FF] =	sst s3;
	s4 =	sand.u32 $0x1, s4;
	s6 =	smul.u32 $0x4F000, s22  }
0x6: {  	s18 =	sadd.s32 $0x34200, s0;
	s16 =	sadd.s32 $0x2200, s0;
	s23 =	smul.u32 $0x2780, s22  }
0x7: {  	s17 =	sadd.s32 $0x12200, s0;
	s15 =	sadd.s32 $0x33A00, s0;
	s19 =	smul.u32 $0xA0, s22  }
0x8: {  	s9 =	smul.u32 $0x14000, s22;
	s26 =	sshll.u32 s22, $0x6;
	s29 =	sshll.u32 s22, $0x7  }
0x9: {  	s14 =	sshll.u32 s22, $0xC;
	s30 =	sshllo.u32 s22, $0x1;
	s22 =	simm.s32 $0x2000  }
0xa: {  	_ =	strace $0x8000004A;
	s5 =	smul.u32 $0x27800, s4;
	s24 =	ssub.s32 $0x2, s4  }
0xb: {  	s8 =	smul.u32 $0x1400, s4;
	s20 =	sshllo.u32 s4, $0x1;
	s11 =	sshll.u32 s4, $0x5  }
0xc: {  	s12 =	sadd.s32 s16, s14;
	s13 =	sshll.u32 s4, $0xA;
	s14 =	sadd.s32 s17, s14  }
0xd: {  	s31 =	sshll.u32 s30, $0x6;
	s4 =	sshll.u32 s30, $0xB;
	s7 =	sshrl.u32 s24, $0x1  }
0xe: {  	s6 =	sshrl.u32 s6, $0x2;
	s25 =	sadd.s32 s18, s23;
	s9 =	sshrl.u32 s9, $0x2  }
0xf: {  	s21 =	smul.u32 $0xA00, s20;
	s16 =	sadd.s32 s16, s4;
	s17 =	sadd.s32 s17, s4  }
0x10: {  	s0 =	sadd.s32 s5, s0;
	s5 =	ssub.s32 s24, s7;
	s6 =	sadd.s32 s6, s1  }
0x11: {  	[dreg:$0x5] =	wrdreg s25;
	s8 =	sadd.s32 s19, s8;
	s7 =	sor.u32 $0x1C01, s26  }
0x12: {  	s24 =	simm.s32 $0x1;
	s25 =	simm.s32 $0x80;
	s26 =	simm.s32 $0x2080  }
.Ltmp0:
0x13: {  	[dreg:$0x4] =	wrdreg s6;
	s10 =	sshll.u32 s8, $0x4;
	(pc) =	sbr.rel .LBB2_1-.Ltmp0, $4  }
0x14: {  	s8 =	sadd.s32 s9, s2;
	s19 =	sadd.s32 s19, s21;
	s0 =	sadd.s32 $0x5C200, s0  }
0x15: {  	s21 =	smax.u32 s5, $0x1;
	s9 =	sadd.s32 s18, s10;
	s10 =	sadd.s32 s15, s29  }
0x16: {  	s15 =	sadd.s32 s15, s31;
	s19 =	sshll.u32 s19, $0x4;
	s23 =	sadd.s32 s23, s0  }
0x17: {  	s18 =	sadd.s32 s18, s19;
	s19 =	sshll.u32 s20, $0x4;
	s20 =	sshll.u32 s20, $0x9  }
.LBB2_9:
0x18: {  	s28 =	sadd.s32 $0x1, s28  }
0x19: {  	p0 =	sne.s32 s28, s21  }
.Ltmp1:
0x1a: {  	[bflag:$0x0] =	sbarrier.arrive $0xFFFF;
	(pc) =	sbr.rel @!p0 .LBB2_10-.Ltmp1, $4  }
0x1b: {  	[hbm:s23], [sflag:s7] =	dma.local [spmem:s29], $0x2780  }
0x1c: {  	_ =	swait.ge [sflag:s24], $0x2780  }
0x1d: {  	[sflag:s24] =	ssyncset.done $0x0  }
0x1e: {  	[sflag:s24] =	ssyncadd.s32 $0xFFFFD880  }
.LBB2_1:
0x1f: {  	s0 =	rddreg [dreg:$0x4]  }
0x20: {  	s4 =	rddreg [dreg:$0x5];
	s29 =	sshrl.u32 s0, $0x3  }
0x21: {  	[spmem:s29], [sflag:s7] =	dma.local [hbm:s4], $0x2780  }
0x22: {  	_ =	swait.ge [sflag:s24], $0x2780  }
0x23: {  	[sflag:s24] =	ssyncset.done $0x0  }
0x24: {  	s30 =	sshrl.u32 s8, $0x3;
	[sflag:s24] =	ssyncadd.s32 $0xFFFFD880  }
0x25: {  	[spmem:s30], [sflag:s7] =	dma.local [hbm:s9], $0xA00  }
0x26: {  	_ =	swait.ge [sflag:s24], $0xA00  }
0x27: {  	[sflag:s24] =	ssyncset.done $0x0  }
0x28: {  	[sflag:s24] =	ssyncadd.s32 $0xFFFFF600  }
0x29: {  	s5 =	sadd.s32 s11, s10;
	[bflag:$0x0] =	sbarrier.arrive $0xFFFF  }
0x2a: {  	[tilespmem:s22], [sflag:$0x1] =	stream.linear.gather [hbm4b:s5+s3], $0x80, $0x38;
	[tilespmem:$0x1EC80] =	vst v63  }
0x2b: {  	_ =	swait.ge [sflag:s24], $0x80  }
0x2c: {  	[sflag:s24] =	ssyncset.done $0x0  }
0x2d: {  	[sflag:s24] =	ssyncadd.s32 $0xFFFFFF80  }
0x2e: {  	v0 =	vld [tilespmem:$0x2000];
	_ =	sdelay $0x4  }
0x2f: {  	v0 =	vxor.u32 $0x80000000, v0  }
0x30: {  	(xrf0) =	vmax.scan.msk.u32 $0xffff, v0;
	_ =	sdelay $0x5  }
0x31: {  	v0, _, _ =	vpop (xrf0)  }
0x32: {  	(v2sf) =	vpush v0, $0xF;
	_ =	sdelay $0xc  }
0x33: {  	s6 =	sadd.s32 s13, s12  }
0x34: {  	[tilespmem:s3], [sflag:$0x1] =	stream.linear.gather [hbm4b:s6+s3], $0xE00, $0x38;
	[tilespmem:$0x1EC80] =	vst v63  }
0x35: {  	s4 =	spop (v2sf)  }
0x36: {  	_ =	swait.ge [sflag:s24], $0xE00;
	s31 =	sshrl.u32 s4, $0x7  }
0x37: {  	s0 =	simm.s32 $0x1000;
	[sflag:s24] =	ssyncset.done $0x0;
	p0 =	seq.s32 s31, $0x1000000  }
.Ltmp2:
0x38: {  	s5 =	sadd.s32 s13, s14;
	[sflag:s24] =	ssyncadd.s32 $0xFFFFF200;
	(pc) =	sbr.rel @p0 .LBB2_3-.Ltmp2, $4  }
0x39: {  	[tilespmem:s0], [sflag:$0x1] =	stream.linear.gather [hbm4b:s5+s3], $0xE00, $0x38;
	[tilespmem:$0x1EC80] =	vst v63  }
0x3a: {  	_ =	swait.ge [sflag:s24], $0xE00  }
0x3b: {  	[sflag:s24] =	ssyncset.done $0x0  }
0x3c: {  	s4 =	simm.s32 $0x0;
	s5 =	simm.s32 $0x1;
	[sflag:s24] =	ssyncadd.s32 $0xFFFFF200  }
.LBB2_2:
0x3d: {  	[tilespmem:s26], [sflag:$0x1] =	stream.indirect.gather [spmem:s2], $0x80, s4, s25, $0xb8;
	[tilespmem:$0x1EC80] =	vst v63  }
0x3e: {  	s6 =	sxor.u32 s5, s31;
	_ =	swait.ge [sflag:s24], $0x4000  }
0x3f: {  	p0 =	sne.s32 s6, $0x1000000;
	[sflag:s24] =	ssyncset.done $0x0  }
.Ltmp3:
0x40: {  	[sflag:s24] =	ssyncadd.s32 $0xFFFFC000;
	(pc) =	sbr.rel @p0 .LBB2_2-.Ltmp3, $4  }
0x41: {  	[spmem:s1] =	stream.indirect.scatter.add.f32 [tilespmem:s26], [sflag:$0x1], $0x80, s0, s25, $0xb8;
	[tilespmem:$0x1EC80] =	vst v63  }
0x42: {  	_ =	swait.ge [sflag:s24], $0x4000  }
0x43: {  	s5 =	sadd.s32 $0x1, s5;
	[sflag:s24] =	ssyncset.done $0x0  }
0x44: {  	s4 =	sadd.s32 $0x80, s4;
	s0 =	sadd.s32 $0x80, s0;
	[sflag:s24] =	ssyncadd.s32 $0xFFFFC000  }
.LBB2_3:
0x45: {  	s0 =	sadd.s32 s11, s15;
	s31 =	simm.s32 $0x0  }
0x46: {  	[tilespmem:s22], [sflag:$0x1] =	stream.linear.gather [hbm4b:s0+s31], $0x80, $0x38;
	[tilespmem:$0x1EC80] =	vst v63  }
0x47: {  	s0 =	simm.s32 $0x1  }
0x48: {  	_ =	swait.ge [sflag:s0], $0x80  }
0x49: {  	[sflag:s0] =	ssyncset.done $0x0  }
0x4a: {  	[sflag:s0] =	ssyncadd.s32 $0xFFFFFF80  }
0x4b: {  	v0 =	vld [tilespmem:$0x2000];
	_ =	sdelay $0x4  }
0x4c: {  	v0 =	vxor.u32 $0x80000000, v0  }
0x4d: {  	(xrf0) =	vmax.scan.msk.u32 $0xffff, v0;
	_ =	sdelay $0x5  }
0x4e: {  	v0, _, _ =	vpop (xrf0)  }
0x4f: {  	(v2sf) =	vpush v0, $0xF;
	_ =	sdelay $0xc  }
0x50: {  	s4 =	sadd.s32 s13, s16  }
0x51: {  	[tilespmem:s31], [sflag:$0x1] =	stream.linear.gather [hbm4b:s4+s31], $0xE00, $0x38;
	[tilespmem:$0x1EC80] =	vst v63  }
0x52: {  	s5 =	spop (v2sf)  }
0x53: {  	_ =	swait.ge [sflag:s0], $0xE00;
	s5 =	sshrl.u32 s5, $0x7  }
0x54: {  	s6 =	sadd.s32 s13, s17;
	[sflag:s0] =	ssyncset.done $0x0;
	p0 =	seq.s32 s5, $0x1000000  }
.Ltmp4:
0x55: {  	s4 =	simm.s32 $0x1000;
	[sflag:s0] =	ssyncadd.s32 $0xFFFFF200;
	(pc) =	sbr.rel @p0 .LBB2_5-.Ltmp4, $4  }
0x56: {  	[tilespmem:s4], [sflag:$0x1] =	stream.linear.gather [hbm4b:s6+s31], $0xE00, $0x38;
	[tilespmem:$0x1EC80] =	vst v63  }
0x57: {  	_ =	swait.ge [sflag:s0], $0xE00  }
0x58: {  	[sflag:s0] =	ssyncset.done $0x0  }
0x59: {  	[sflag:s0] =	ssyncadd.s32 $0xFFFFF200  }
.LBB2_4:
0x5a: {  	[tilespmem:s26], [sflag:$0x1] =	stream.indirect.gather [spmem:s2], $0x80, s31, s25, $0xb8;
	[tilespmem:$0x1EC80] =	vst v63  }
0x5b: {  	s6 =	sxor.u32 s0, s5;
	_ =	swait.ge [sflag:s24], $0x4000  }
0x5c: {  	p0 =	sne.s32 s6, $0x1000000;
	[sflag:s24] =	ssyncset.done $0x0  }
.Ltmp5:
0x5d: {  	[sflag:s24] =	ssyncadd.s32 $0xFFFFC000;
	(pc) =	sbr.rel @p0 .LBB2_4-.Ltmp5, $4  }
0x5e: {  	[spmem:s1] =	stream.indirect.scatter.add.f32 [tilespmem:s26], [sflag:$0x1], $0x80, s4, s25, $0xb8;
	[tilespmem:$0x1EC80] =	vst v63  }
0x5f: {  	_ =	swait.ge [sflag:s24], $0x4000  }
0x60: {  	s0 =	sadd.s32 $0x1, s0;
	[sflag:s24] =	ssyncset.done $0x0  }
0x61: {  	s31 =	sadd.s32 $0x80, s31;
	s4 =	sadd.s32 $0x80, s4;
	[sflag:s24] =	ssyncadd.s32 $0xFFFFC000  }
.LBB2_5:
0x62: {  	[bflag:$0x0] =	sbarrier.arrive $0xFFFF  }
0x63: {  	[spmem:s30], [sflag:s7] =	dma.local [hbm:s18], $0xA00  }
0x64: {  	s30 =	simm.s32 $0x1  }
0x65: {  	_ =	swait.ge [sflag:s30], $0xA00  }
0x66: {  	[sflag:s30] =	ssyncset.done $0x0  }
0x67: {  	[sflag:s30] =	ssyncadd.s32 $0xFFFFF600  }
0x68: {  	s0 =	sadd.s32 s19, s10;
	s31 =	simm.s32 $0x0;
	[bflag:$0x0] =	sbarrier.arrive $0xFFFF  }
0x69: {  	[tilespmem:s22], [sflag:$0x1] =	stream.linear.gather [hbm4b:s0+s31], $0x80, $0x38;
	[tilespmem:$0x1EC80] =	vst v63  }
0x6a: {  	_ =	swait.ge [sflag:s30], $0x80  }
0x6b: {  	[sflag:s30] =	ssyncset.done $0x0  }
0x6c: {  	[sflag:s30] =	ssyncadd.s32 $0xFFFFFF80  }
0x6d: {  	v0 =	vld [tilespmem:$0x2000];
	_ =	sdelay $0x4  }
0x6e: {  	v0 =	vxor.u32 $0x80000000, v0  }
0x6f: {  	(xrf0) =	vmax.scan.msk.u32 $0xffff, v0;
	_ =	sdelay $0x5  }
0x70: {  	v0, _, _ =	vpop (xrf0)  }
0x71: {  	(v2sf) =	vpush v0, $0xF;
	_ =	sdelay $0xc  }
0x72: {  	s6 =	sadd.s32 s20, s12  }
0x73: {  	[tilespmem:s31], [sflag:$0x1] =	stream.linear.gather [hbm4b:s6+s31], $0xE00, $0x38;
	[tilespmem:$0x1EC80] =	vst v63  }
0x74: {  	s4 =	spop (v2sf)  }
0x75: {  	_ =	swait.ge [sflag:s30], $0xE00;
	s4 =	sshrl.u32 s4, $0x7  }
0x76: {  	s5 =	sadd.s32 s20, s14;
	[sflag:s30] =	ssyncset.done $0x0;
	p0 =	seq.s32 s4, $0x1000000  }
.Ltmp6:
0x77: {  	s0 =	simm.s32 $0x1000;
	[sflag:s30] =	ssyncadd.s32 $0xFFFFF200;
	(pc) =	sbr.rel @p0 .LBB2_7-.Ltmp6, $4  }
0x78: {  	[tilespmem:s0], [sflag:$0x1] =	stream.linear.gather [hbm4b:s5+s31], $0xE00, $0x38;
	[tilespmem:$0x1EC80] =	vst v63  }
0x79: {  	_ =	swait.ge [sflag:s30], $0xE00  }
0x7a: {  	[sflag:s30] =	ssyncset.done $0x0  }
0x7b: {  	[sflag:s30] =	ssyncadd.s32 $0xFFFFF200  }
.LBB2_6:
0x7c: {  	[tilespmem:s26], [sflag:$0x1] =	stream.indirect.gather [spmem:s2], $0x80, s31, s25, $0xb8;
	[tilespmem:$0x1EC80] =	vst v63  }
0x7d: {  	s5 =	sxor.u32 s30, s4;
	_ =	swait.ge [sflag:s24], $0x4000  }
0x7e: {  	p0 =	sne.s32 s5, $0x1000000;
	[sflag:s24] =	ssyncset.done $0x0  }
.Ltmp7:
0x7f: {  	[sflag:s24] =	ssyncadd.s32 $0xFFFFC000;
	(pc) =	sbr.rel @p0 .LBB2_6-.Ltmp7, $4  }
0x80: {  	[spmem:s1] =	stream.indirect.scatter.add.f32 [tilespmem:s26], [sflag:$0x1], $0x80, s0, s25, $0xb8;
	[tilespmem:$0x1EC80] =	vst v63  }
0x81: {  	_ =	swait.ge [sflag:s24], $0x4000  }
0x82: {  	s30 =	sadd.s32 $0x1, s30;
	[sflag:s24] =	ssyncset.done $0x0  }
0x83: {  	s31 =	sadd.s32 $0x80, s31;
	s0 =	sadd.s32 $0x80, s0;
	[sflag:s24] =	ssyncadd.s32 $0xFFFFC000  }
.LBB2_7:
0x84: {  	s0 =	sadd.s32 s19, s15;
	s30 =	simm.s32 $0x0  }
0x85: {  	[tilespmem:s22], [sflag:$0x1] =	stream.linear.gather [hbm4b:s0+s30], $0x80, $0x38;
	[tilespmem:$0x1EC80] =	vst v63  }
0x86: {  	s0 =	simm.s32 $0x1  }
0x87: {  	_ =	swait.ge [sflag:s0], $0x80  }
0x88: {  	[sflag:s0] =	ssyncset.done $0x0  }
0x89: {  	[sflag:s0] =	ssyncadd.s32 $0xFFFFFF80  }
0x8a: {  	v0 =	vld [tilespmem:$0x2000];
	_ =	sdelay $0x4  }
0x8b: {  	v0 =	vxor.u32 $0x80000000, v0  }
0x8c: {  	(xrf0) =	vmax.scan.msk.u32 $0xffff, v0;
	_ =	sdelay $0x5  }
0x8d: {  	v0, _, _ =	vpop (xrf0)  }
0x8e: {  	(v2sf) =	vpush v0, $0xF;
	_ =	sdelay $0xc  }
0x8f: {  	s4 =	sadd.s32 s20, s16  }
0x90: {  	[tilespmem:s30], [sflag:$0x1] =	stream.linear.gather [hbm4b:s4+s30], $0xE00, $0x38;
	[tilespmem:$0x1EC80] =	vst v63  }
0x91: {  	s5 =	spop (v2sf)  }
0x92: {  	_ =	swait.ge [sflag:s0], $0xE00;
	s5 =	sshrl.u32 s5, $0x7  }
0x93: {  	s6 =	sadd.s32 s20, s17;
	[sflag:s0] =	ssyncset.done $0x0;
	p0 =	seq.s32 s5, $0x1000000  }
.Ltmp8:
0x94: {  	s4 =	simm.s32 $0x1000;
	[sflag:s0] =	ssyncadd.s32 $0xFFFFF200;
	(pc) =	sbr.rel @p0 .LBB2_9-.Ltmp8, $4  }
0x95: {  	[tilespmem:s4], [sflag:$0x1] =	stream.linear.gather [hbm4b:s6+s30], $0xE00, $0x38;
	[tilespmem:$0x1EC80] =	vst v63  }
0x96: {  	_ =	swait.ge [sflag:s0], $0xE00  }
0x97: {  	[sflag:s0] =	ssyncset.done $0x0  }
0x98: {  	[sflag:s0] =	ssyncadd.s32 $0xFFFFF200  }
.LBB2_8:
0x99: {  	[tilespmem:s26], [sflag:$0x1] =	stream.indirect.gather [spmem:s2], $0x80, s30, s25, $0xb8;
	[tilespmem:$0x1EC80] =	vst v63  }
0x9a: {  	s6 =	sxor.u32 s0, s5;
	_ =	swait.ge [sflag:s24], $0x4000  }
0x9b: {  	p0 =	sne.s32 s6, $0x1000000;
	[sflag:s24] =	ssyncset.done $0x0  }
.Ltmp9:
0x9c: {  	[sflag:s24] =	ssyncadd.s32 $0xFFFFC000;
	(pc) =	sbr.rel @p0 .LBB2_8-.Ltmp9, $4  }
0x9d: {  	[spmem:s1] =	stream.indirect.scatter.add.f32 [tilespmem:s26], [sflag:$0x1], $0x80, s4, s25, $0xb8;
	[tilespmem:$0x1EC80] =	vst v63  }
0x9e: {  	_ =	swait.ge [sflag:s24], $0x4000  }
0x9f: {  	s0 =	sadd.s32 $0x1, s0;
	[sflag:s24] =	ssyncset.done $0x0  }
0xa0: {  	s30 =	sadd.s32 $0x80, s30;
	s4 =	sadd.s32 $0x80, s4;
	[sflag:s24] =	ssyncadd.s32 $0xFFFFC000  }
.Ltmp10:
0xa1: {  	_ = 	snop;
	(pc) =	sbr.rel .LBB2_9-.Ltmp10, $1  }
0xa2: {  	_ =	sdelay $0x3  }
.LBB2_10:
0xa3: {  	_ =	sfence.sel $0x180000  }
0xa4: {  	[bflag:$0x0] =	sbarrier.arrive $0xFFFF  }
0xa5: {  	_ =	strace $0x9000004A  }
0xa6: {  	s0 =	stileid.u32;
	[bflag:$0x2] =	sbarrier.arrive $0xFFFF  }
0xa7: {  	p0 =	sne.s32 s0, $0x0;
	s0 =	rddreg [dreg:$0x3]  }
0xa8: {  	s0 =	sadd.s32 @!p0 $0x100000, s0  }
0xa9: {  	[sflag:s0] =	ssyncadd.tile.s32 @!p0 $0x1;
	_ =	shalt  }
.Lfunc_end2:
_tile_overlayer_lowered:
.L_overlay_start_2:
0xaa: {  	(tag) =	ssettag $0x2  }
0xab: {  	s0 =	rddreg [dreg:$0x0];
	s2 =	stileid.u32  }
0xac: {  	s1 =	rddreg [dreg:$0x1];
	p0 =	sne.s32 s2, $0x0  }
0xad: {  	s3 =	rddreg [dreg:$0x2];
	[bflag:$0x3] =	sbarrier.arrive $0xFFFF;
	s2 =	simm.s32 @!p0 $0x1C01  }
0xae: {  	[timem:s3], [sflag:s2] =	dma.local @!p0 [hbm:s0], s1  }
0xaf: {  	s0 =	simm.s32 @!p0 $0x1  }
0xb0: {  	_ =	swait.ge @!p0 [sflag:s0], s1  }
0xb1: {  	s1 =	ssub.s32 @!p0 $0x0, s1;
	[sflag:s0] =	ssyncset.done @!p0 $0x0  }
0xb2: {  	[sflag:s0] =	ssyncadd.s32 @!p0 s1  }
0xb3: {  	[bflag:$0x3] =	sbarrier.arrive $0xFFFF  }
0xb4: {  	_ =	shalt  }

</sc_bundles>
